<compile_context>
chip_gen: v7x
topology: tpu7x:2x2x1
jax: 0.10.2.dev20260603
libtpu: 0.0.44.dev20260713+nightly
codegen_flags: <defaults>
</compile_context>

<pallas_src>
import functools
import math

import jax
import jax.numpy as jnp
import numpy as np
from jax import lax
from jax.experimental import pallas as pl
from jax.experimental.pallas import tpu as pltpu
from jax.experimental.pallas import tpu_sc as plsc

_N = 8192
_K = 32
_PED = 64
_HALF = _PED // 2
_BLK = 128
_BIG_I32 = 2**30


def _knn_kernel(pblk_ref, pt_ref, idx_ref):
    i = pl.program_id(0)
    pblk = pblk_ref[...]
    pt = pt_ref[...]
    g = jax.lax.dot_general(
        pblk, pt, (((1,), (0,)), ((), ())),
        preferred_element_type=jnp.float32)
    sqr = jnp.sum(pblk * pblk, axis=1, keepdims=True)
    sqc = jnp.sum(pt * pt, axis=0, keepdims=True)
    d2 = (sqr + sqc) - 2.0 * g
    ci = jax.lax.broadcasted_iota(jnp.int32, (1, _N), 1)
    rows = i * _BLK + jax.lax.broadcasted_iota(jnp.int32, (_BLK, 1), 0)
    inf = jnp.float32(jnp.inf)
    d2 = jnp.where(ci == rows, inf, d2)
    for t in range(_K):
        m = jnp.min(d2, axis=1, keepdims=True)
        j = jnp.min(jnp.where(d2 == m, ci, _BIG_I32), axis=1, keepdims=True)
        idx_ref[:, t:t + 1] = j
        d2 = jnp.where(ci == j, inf, d2)


def _embed_kernel(nx_ref, ny_ref, nz_ref, p3_ref, r9_ref,
                  e32_ref, f2k_ref, o2k_ref, e3_ref, f192_ref, o192_ref,
                  lx_ref, ly_ref, lz_ref, nd_ref, pe_ref):
    p3 = p3_ref[...]
    r9 = r9_ref[...]
    rx = nx_ref[...] - p3[:, 0:1]
    ry = ny_ref[...] - p3[:, 1:2]
    rz = nz_ref[...] - p3[:, 2:3]
    lx = r9[:, 0:1] * rx + r9[:, 3:4] * ry + r9[:, 6:7] * rz
    ly = r9[:, 1:2] * rx + r9[:, 4:5] * ry + r9[:, 7:8] * rz
    lz = r9[:, 2:3] * rx + r9[:, 5:6] * ry + r9[:, 8:9] * rz
    lx_ref[...] = lx
    ly_ref[...] = ly
    lz_ref[...] = lz
    nd = jnp.sqrt(lx * lx + ly * ly + lz * lz)
    nd_exp = jax.lax.dot_general(
        nd, e32_ref[...], (((1,), (0,)), ((), ())),
        preferred_element_type=jnp.float32)
    nd_ref[...] = jnp.sin(nd_exp * f2k_ref[...] + o2k_ref[...])
    p_exp = jax.lax.dot_general(
        p3, e3_ref[...], (((1,), (0,)), ((), ())),
        preferred_element_type=jnp.float32)
    pe_ref[...] = jnp.sin(p_exp * f192_ref[...] + o192_ref[...])


def _knn_topk(ppad):
    pt = ppad[:, :128].T
    grid = _N // _BLK
    return pl.pallas_call(
        _knn_kernel,
        grid=(grid,),
        in_specs=[
            pl.BlockSpec((_BLK, 128), lambda i: (i, 0)),
            pl.BlockSpec((128, _N), lambda i: (0, 0)),
        ],
        out_specs=pl.BlockSpec((_BLK, _K), lambda i: (i, 0)),
        out_shape=jax.ShapeDtypeStruct((_N, _K), jnp.int32),
        compiler_params=pltpu.CompilerParams(
            dimension_semantics=("parallel",)),
    )(ppad, pt)


def _embed(nx, ny, nz, positions, rot):
    r9 = rot.reshape(_N, 9)
    freqs = jnp.exp(-np.log(10000.0)
                    * jnp.arange(_HALF, dtype=jnp.float32) / _HALF)
    half_pi = np.float32(np.pi / 2)
    kcol = np.arange(_K * _PED)
    e32 = jnp.asarray(np.eye(_K, dtype=np.float32)[:, kcol // _PED])
    f2k = freqs[jnp.asarray(kcol % _HALF)][None, :]
    o2k = jnp.asarray(((kcol % _PED) >= _HALF).astype(np.float32)
                      * half_pi)[None, :]
    icol = np.arange(3 * _PED)
    e3 = jnp.asarray(np.eye(3, dtype=np.float32)[:, icol // _PED])
    f192 = freqs[jnp.asarray(icol % _HALF)][None, :]
    o192 = jnp.asarray(((icol % _PED) >= _HALF).astype(np.float32)
                       * half_pi)[None, :]

    grid = _N // _BLK
    row_spec = lambda w: pl.BlockSpec((_BLK, w), lambda i: (i, 0))
    const_spec = lambda h, w: pl.BlockSpec((h, w), lambda i: (0, 0))
    return pl.pallas_call(
        _embed_kernel,
        grid=(grid,),
        in_specs=[
            row_spec(_K), row_spec(_K), row_spec(_K),
            row_spec(3), row_spec(9),
            const_spec(_K, _K * _PED), const_spec(1, _K * _PED),
            const_spec(1, _K * _PED),
            const_spec(3, 3 * _PED), const_spec(1, 3 * _PED),
            const_spec(1, 3 * _PED),
        ],
        out_specs=[row_spec(_K), row_spec(_K), row_spec(_K),
                   row_spec(_K * _PED), row_spec(3 * _PED)],
        out_shape=[
            jax.ShapeDtypeStruct((_N, _K), jnp.float32),
            jax.ShapeDtypeStruct((_N, _K), jnp.float32),
            jax.ShapeDtypeStruct((_N, _K), jnp.float32),
            jax.ShapeDtypeStruct((_N, _K * _PED), jnp.float32),
            jax.ShapeDtypeStruct((_N, 3 * _PED), jnp.float32),
        ],
        compiler_params=pltpu.CompilerParams(
            dimension_semantics=("parallel",)),
    )(nx, ny, nz, positions, r9, e32, f2k, o2k, e3, f192, o192)


def _sc_gather(ppad128, idx_flat):
    info = plsc.get_sparse_core_info()
    nc, ns = info.num_cores, info.num_subcores
    nw = nc * ns
    epw = (_N * _K) // nw
    chunk = 128
    nch = epw // chunk
    idx3 = idx_flat.reshape(nw, nch, chunk)
    mesh = plsc.VectorSubcoreMesh(core_axis_name="c", subcore_axis_name="s")

    @functools.partial(
        pl.kernel, mesh=mesh,
        out_type=jax.ShapeDtypeStruct((nw, epw, 128), jnp.float32),
        scratch_types=[
            pltpu.VMEM((nch, chunk), jnp.int32),
            pltpu.VMEM((chunk, 128), jnp.float32),
            pltpu.SemaphoreType.DMA,
        ],
    )
    def gk(tab_h, idx_h, out_h, vidx, rows, sem):
        wid = lax.axis_index("s") * nc + lax.axis_index("c")
        pltpu.sync_copy(idx_h.at[wid], vidx)
        for c in range(nch):
            pltpu.async_copy(tab_h.at[vidx.at[c]], rows, sem).wait()
            pltpu.sync_copy(rows, out_h.at[wid, pl.ds(c * chunk, chunk)])

    g = gk(ppad128, idx3).reshape(_N * _K, 128)
    return (g[:, 0].reshape(_N, _K), g[:, 1].reshape(_N, _K),
            g[:, 2].reshape(_N, _K))


def kernel(affines):
    positions = affines[:, :3, 3]
    rot = affines[:, :3, :3]
    ppad = jnp.zeros((_N, 128), jnp.float32).at[:, :3].set(positions)
    idx = _knn_topk(ppad)
    nx, ny, nz = _sc_gather(ppad, idx.reshape(-1))
    lx, ly, lz, nd, pe = _embed(nx, ny, nz, positions, rot)
    neighbour_positions = jnp.stack([lx, ly, lz], axis=-1)
    neighbour_distances = nd.reshape(_N, _K, _PED)
    targets = jnp.repeat(jnp.arange(_N, dtype=jnp.int32), _K)
    full_edge_index = jnp.stack([idx.reshape(-1), targets], axis=0)
    return (pe, positions, neighbour_positions, neighbour_distances,
            idx, full_edge_index)

# --- scband reference (transcript-rebuilt; emitter-appended) ---
"""Pipeline reference for scband-back-bone-distance-embedding-32736240730463 (READ-ONLY COPY).

The authoritative reference and input builder live on the scoring server;
editing this copy changes nothing except your own understanding.
"""

import jax, jax.numpy as jnp
import numpy as np

NUM_N = 32
PED = 64
N = 8192


def sinusoidal_encoding(x, dim):
    # standard sinusoidal positional encoding applied elementwise to continuous values
    half = dim // 2
    freqs = jnp.exp(-np.log(10000.0) * jnp.arange(half, dtype=jnp.float32) / half)
    args = x[..., None] * freqs
    return jnp.concatenate([jnp.sin(args), jnp.cos(args)], axis=-1)


def setup_inputs(seed: int = 0) -> dict:
    key = jax.random.key(seed)
    affines = jax.random.normal(key, (N, 4, 4), dtype=jnp.float32)
    return {"affines": affines}


def reference(affines):
    n = affines.shape[0]
    # get_affine_translation: translation column of the 4x4 rigid transform
    positions = affines[:, :3, 3]
    rot = affines[:, :3, :3]
    # knn_graph(positions, k, loop=False, flow='source_to_target')
    sq = jnp.sum(positions * positions, axis=-1)
    d2 = sq[:, None] + sq[None, :] - 2.0 * (positions @ positions.T)
    d2 = d2.at[jnp.arange(n), jnp.arange(n)].set(jnp.inf)  # loop=False
    _, idx = jax.lax.top_k(-d2, NUM_N)  # [n, k] source (neighbour) indices per target
    full_edge_index = jnp.stack(
        [idx.reshape(-1), jnp.repeat(jnp.arange(n), NUM_N)], axis=0
    )  # row0=sources, row1=targets
    edge_index = idx  # edge_index[0].reshape(n, k)
    # vecs_to_local_affine: express neighbour positions in each node's local frame
    neigh = positions[edge_index]  # gather [n, k, 3]
    rel = neigh - positions[:, None, :]
    neighbour_positions = jnp.einsum('nji,nkj->nki', rot, rel)  # R^T (v - t)
    neighbour_distances = sinusoidal_encoding(
        jnp.linalg.norm(neighbour_positions, axis=-1), PED
    )  # [n, k, ped]
    pos3d_emb = sinusoidal_encoding(positions, PED).reshape(n, -1)  # [n, 3*ped]
    return (pos3d_emb, positions, neighbour_positions, neighbour_distances,
            edge_index, full_edge_index)

if __name__ == "__main__":
    import jax
    _d = setup_inputs()
    print(jax.jit(kernel)(*tuple(_d.values())))

</pallas_src>

<mosaic_0001>
#map = affine_map<(d0, d1) -> (0, 0)>
#map1 = affine_map<(d0, d1) -> (0, 0, 0)>
module attributes {stable_mosaic.version = 14 : i64} {
  func.func @gk(%arg0: i32, %arg1: i32, %arg2: memref<8192x128xf32, #tpu.memory_space<hbm>>, %arg3: memref<32x64x128xi32, #tpu.memory_space<hbm>>, %arg4: memref<32x8192x128xf32, #tpu.memory_space<hbm>>, %arg5: memref<64x128xi32, #tpu.memory_space<vmem>>, %arg6: memref<128x128xf32, #tpu.memory_space<vmem>>, %arg7: memref<!tpu.dma_semaphore, #tpu.memory_space<semaphore_mem>>) attributes {dimension_semantics = [#tpu.dimension_semantics<core_parallel>, #tpu.dimension_semantics<subcore_parallel>], iteration_bounds = array<i64: 2, 16>, scalar_prefetch = 0 : i64, scratch_operands = 3 : i64, tpu.core_type = #tpu.core_type<sc_vector_subcore>, window_params = [{transform_indices = #map}, {transform_indices = #map1}, {transform_indices = #map1}]} {
    %mul3A = arith.constant 2 : i32
    %mul3A_0 = arith.muli %arg1, %mul3A : i32
    %add3A = arith.addi %mul3A_0, %arg0 : i32
    "tpu.region"() ({
      %run_scoped3A = tpu.sem_alloc : memref<!tpu.dma_semaphore, #tpu.memory_space<semaphore_mem>>
      %dma_start3A_895 = arith.constant 0 : i32
      %dma_start3A_896 = arith.constant 0 : i32
      %dma_start3A_897 = tpu.memref_slice %arg3[%add3A, %dma_start3A_895, %dma_start3A_896] : memref<32x64x128xi32, #tpu.memory_space<hbm>> -> memref<1x64x128xi32, #tpu.memory_space<hbm>>
      %dma_start3A_898 = tpu.memref_squeeze %dma_start3A_897 : memref<1x64x128xi32, #tpu.memory_space<hbm>> -> memref<64x128xi32, #tpu.memory_space<hbm>>
      %dma_start3A_899 = arith.constant 0 : i32
      %dma_start3A_900 = arith.constant 0 : i32
      %dma_start3A_901 = tpu.memref_slice %arg3[%add3A, %dma_start3A_899, %dma_start3A_900] : memref<32x64x128xi32, #tpu.memory_space<hbm>> -> memref<1x64x128xi32, #tpu.memory_space<hbm>>
      %dma_start3A_902 = tpu.memref_squeeze %dma_start3A_901 : memref<1x64x128xi32, #tpu.memory_space<hbm>> -> memref<64x128xi32, #tpu.memory_space<hbm>>
      tpu.enqueue_dma source(%dma_start3A_902 : memref<64x128xi32, #tpu.memory_space<hbm>>) target(%arg5 : memref<64x128xi32, #tpu.memory_space<vmem>>) target_semaphore(%run_scoped3A : memref<!tpu.dma_semaphore, #tpu.memory_space<semaphore_mem>>)
      %dma_wait3A_903 = arith.constant 0 : i32
      %dma_wait3A_904 = arith.constant 0 : i32
      %dma_wait3A_905 = tpu.memref_slice %arg3[%add3A, %dma_wait3A_903, %dma_wait3A_904] : memref<32x64x128xi32, #tpu.memory_space<hbm>> -> memref<1x64x128xi32, #tpu.memory_space<hbm>>
      %dma_wait3A_906 = tpu.memref_squeeze %dma_wait3A_905 : memref<1x64x128xi32, #tpu.memory_space<hbm>> -> memref<64x128xi32, #tpu.memory_space<hbm>>
      %dma_wait3A_907 = arith.constant 0 : i32
      %dma_wait3A_908 = arith.constant 0 : i32
      %dma_wait3A_909 = tpu.memref_slice %arg3[%add3A, %dma_wait3A_907, %dma_wait3A_908] : memref<32x64x128xi32, #tpu.memory_space<hbm>> -> memref<1x64x128xi32, #tpu.memory_space<hbm>>
      %dma_wait3A_910 = tpu.memref_squeeze %dma_wait3A_909 : memref<1x64x128xi32, #tpu.memory_space<hbm>> -> memref<64x128xi32, #tpu.memory_space<hbm>>
      tpu.wait_dma2 semaphore(%run_scoped3A : memref<!tpu.dma_semaphore, #tpu.memory_space<semaphore_mem>>) src(%dma_wait3A_910 : memref<64x128xi32, #tpu.memory_space<hbm>>) dst(%arg5 : memref<64x128xi32, #tpu.memory_space<vmem>>)
      tpu.yield
    }) : () -> ()
    %dma_start3A = arith.constant 0 : i32
    %dma_start3A_1 = arith.constant 0 : i32
    %dma_start3A_2 = tpu.memref_slice %arg5[%dma_start3A, %dma_start3A_1] : memref<64x128xi32, #tpu.memory_space<vmem>> -> memref<1x128xi32, #tpu.memory_space<vmem>>
    %dma_start3A_3 = tpu.memref_squeeze %dma_start3A_2 : memref<1x128xi32, #tpu.memory_space<vmem>> -> memref<128xi32, #tpu.memory_space<vmem>>
    %dma_start3A_4 = arith.constant 0 : i32
    %dma_start3A_5 = arith.constant 0 : i32
    %dma_start3A_6 = tpu.memref_slice %arg2[%dma_start3A_4, %dma_start3A_5] : memref<8192x128xf32, #tpu.memory_space<hbm>> -> memref<8192x128xf32, #tpu.memory_space<hbm>>
    tpu.enqueue_indirect_dma source(%dma_start3A_6 : memref<8192x128xf32, #tpu.memory_space<hbm>>) target(%arg6 : memref<128x128xf32, #tpu.memory_space<vmem>>) offsets(%dma_start3A_3 : memref<128xi32, #tpu.memory_space<vmem>>) semaphore(%arg7 : memref<!tpu.dma_semaphore, #tpu.memory_space<semaphore_mem>>)
    %dma_wait3A = arith.constant 0 : i32
    %dma_wait3A_7 = arith.constant 0 : i32
    %dma_wait3A_8 = tpu.memref_slice %arg5[%dma_wait3A, %dma_wait3A_7] : memref<64x128xi32, #tpu.memory_space<vmem>> -> memref<1x128xi32, #tpu.memory_space<vmem>>
    %dma_wait3A_9 = tpu.memref_squeeze %dma_wait3A_8 : memref<1x128xi32, #tpu.memory_space<vmem>> -> memref<128xi32, #tpu.memory_space<vmem>>
    %dma_wait3A_10 = arith.constant 0 : i32
    %dma_wait3A_11 = arith.constant 0 : i32
    %dma_wait3A_12 = tpu.memref_slice %arg2[%dma_wait3A_10, %dma_wait3A_11] : memref<8192x128xf32, #tpu.memory_space<hbm>> -> memref<8192x128xf32, #tpu.memory_space<hbm>>
    tpu.wait_indirect_dma semaphore(%arg7 : memref<!tpu.dma_semaphore, #tpu.memory_space<semaphore_mem>>) src(%dma_wait3A_12 : memref<8192x128xf32, #tpu.memory_space<hbm>>) dst(%arg6 : memref<128x128xf32, #tpu.memory_space<vmem>>)
    "tpu.region"() ({
      %run_scoped3A = tpu.sem_alloc : memref<!tpu.dma_semaphore, #tpu.memory_space<semaphore_mem>>
      %dma_start3A_895 = arith.constant 0 : i32
      %dma_start3A_896 = arith.constant 0 : i32
      %dma_start3A_897 = tpu.memref_slice %arg4[%add3A, %dma_start3A_895, %dma_start3A_896] : memref<32x8192x128xf32, #tpu.memory_space<hbm>> -> memref<1x128x128xf32, #tpu.memory_space<hbm>>
      %dma_start3A_898 = tpu.memref_squeeze %dma_start3A_897 : memref<1x128x128xf32, #tpu.memory_space<hbm>> -> memref<128x128xf32, #tpu.memory_space<hbm>>
      %dma_start3A_899 = arith.constant 0 : i32
      %dma_start3A_900 = arith.constant 0 : i32
      %dma_start3A_901 = tpu.memref_slice %arg4[%add3A, %dma_start3A_899, %dma_start3A_900] : memref<32x8192x128xf32, #tpu.memory_space<hbm>> -> memref<1x128x128xf32, #tpu.memory_space<hbm>>
      %dma_start3A_902 = tpu.memref_squeeze %dma_start3A_901 : memref<1x128x128xf32, #tpu.memory_space<hbm>> -> memref<128x128xf32, #tpu.memory_space<hbm>>
      tpu.enqueue_dma source(%arg6 : memref<128x128xf32, #tpu.memory_space<vmem>>) target(%dma_start3A_902 : memref<128x128xf32, #tpu.memory_space<hbm>>) target_semaphore(%run_scoped3A : memref<!tpu.dma_semaphore, #tpu.memory_space<semaphore_mem>>)
      %dma_wait3A_903 = arith.constant 0 : i32
      %dma_wait3A_904 = arith.constant 0 : i32
      %dma_wait3A_905 = tpu.memref_slice %arg4[%add3A, %dma_wait3A_903, %dma_wait3A_904] : memref<32x8192x128xf32, #tpu.memory_space<hbm>> -> memref<1x128x128xf32, #tpu.memory_space<hbm>>
      %dma_wait3A_906 = tpu.memref_squeeze %dma_wait3A_905 : memref<1x128x128xf32, #tpu.memory_space<hbm>> -> memref<128x128xf32, #tpu.memory_space<hbm>>
      %dma_wait3A_907 = arith.constant 0 : i32
      %dma_wait3A_908 = arith.constant 0 : i32
      %dma_wait3A_909 = tpu.memref_slice %arg4[%add3A, %dma_wait3A_907, %dma_wait3A_908] : memref<32x8192x128xf32, #tpu.memory_space<hbm>> -> memref<1x128x128xf32, #tpu.memory_space<hbm>>
      %dma_wait3A_910 = tpu.memref_squeeze %dma_wait3A_909 : memref<1x128x128xf32, #tpu.memory_space<hbm>> -> memref<128x128xf32, #tpu.memory_space<hbm>>
      tpu.wait_dma2 semaphore(%run_scoped3A : memref<!tpu.dma_semaphore, #tpu.memory_space<semaphore_mem>>) src(%arg6 : memref<128x128xf32, #tpu.memory_space<vmem>>) dst(%dma_wait3A_910 : memref<128x128xf32, #tpu.memory_space<hbm>>)
      tpu.yield
    }) : () -> ()
    %dma_start3A_13 = arith.constant 1 : i32
    %dma_start3A_14 = arith.constant 0 : i32
    %dma_start3A_15 = tpu.memref_slice %arg5[%dma_start3A_13, %dma_start3A_14] : memref<64x128xi32, #tpu.memory_space<vmem>> -> memref<1x128xi32, #tpu.memory_space<vmem>>
    %dma_start3A_16 = tpu.memref_squeeze %dma_start3A_15 : memref<1x128xi32, #tpu.memory_space<vmem>> -> memref<128xi32, #tpu.memory_space<vmem>>
    %dma_start3A_17 = arith.constant 0 : i32
    %dma_start3A_18 = arith.constant 0 : i32
    %dma_start3A_19 = tpu.memref_slice %arg2[%dma_start3A_17, %dma_start3A_18] : memref<8192x128xf32, #tpu.memory_space<hbm>> -> memref<8192x128xf32, #tpu.memory_space<hbm>>
    tpu.enqueue_indirect_dma source(%dma_start3A_19 : memref<8192x128xf32, #tpu.memory_space<hbm>>) target(%arg6 : memref<128x128xf32, #tpu.memory_space<vmem>>) offsets(%dma_start3A_16 : memref<128xi32, #tpu.memory_space<vmem>>) semaphore(%arg7 : memref<!tpu.dma_semaphore, #tpu.memory_space<semaphore_mem>>)
    %dma_wait3A_20 = arith.constant 1 : i32
    %dma_wait3A_21 = arith.constant 0 : i32
    %dma_wait3A_22 = tpu.memref_slice %arg5[%dma_wait3A_20, %dma_wait3A_21] : memref<64x128xi32, #tpu.memory_space<vmem>> -> memref<1x128xi32, #tpu.memory_space<vmem>>
    %dma_wait3A_23 = tpu.memref_squeeze %dma_wait3A_22 : memref<1x128xi32, #tpu.memory_space<vmem>> -> memref<128xi32, #tpu.memory_space<vmem>>
    %dma_wait3A_24 = arith.constant 0 : i32
    %dma_wait3A_25 = arith.constant 0 : i32
    %dma_wait3A_26 = tpu.memref_slice %arg2[%dma_wait3A_24, %dma_wait3A_25] : memref<8192x128xf32, #tpu.memory_space<hbm>> -> memref<8192x128xf32, #tpu.memory_space<hbm>>
    tpu.wait_indirect_dma semaphore(%arg7 : memref<!tpu.dma_semaphore, #tpu.memory_space<semaphore_mem>>) src(%dma_wait3A_26 : memref<8192x128xf32, #tpu.memory_space<hbm>>) dst(%arg6 : memref<128x128xf32, #tpu.memory_space<vmem>>)
    "tpu.region"() ({
      %run_scoped3A = tpu.sem_alloc : memref<!tpu.dma_semaphore, #tpu.memory_space<semaphore_mem>>
      %dma_start3A_895 = arith.constant 128 : i32
      %dma_start3A_896 = arith.constant 0 : i32
      %dma_start3A_897 = tpu.memref_slice %arg4[%add3A, %dma_start3A_895, %dma_start3A_896] : memref<32x8192x128xf32, #tpu.memory_space<hbm>> -> memref<1x128x128xf32, #tpu.memory_space<hbm>>
      %dma_start3A_898 = tpu.memref_squeeze %dma_start3A_897 : memref<1x128x128xf32, #tpu.memory_space<hbm>> -> memref<128x128xf32, #tpu.memory_space<hbm>>
      %dma_start3A_899 = arith.constant 128 : i32
      %dma_start3A_900 = arith.constant 0 : i32
      %dma_start3A_901 = tpu.memref_slice %arg4[%add3A, %dma_start3A_899, %dma_start3A_900] : memref<32x8192x128xf32, #tpu.memory_space<hbm>> -> memref<1x128x128xf32, #tpu.memory_space<hbm>>
      %dma_start3A_902 = tpu.memref_squeeze %dma_start3A_901 : memref<1x128x128xf32, #tpu.memory_space<hbm>> -> memref<128x128xf32, #tpu.memory_space<hbm>>
      tpu.enqueue_dma source(%arg6 : memref<128x128xf32, #tpu.memory_space<vmem>>) target(%dma_start3A_902 : memref<128x128xf32, #tpu.memory_space<hbm>>) target_semaphore(%run_scoped3A : memref<!tpu.dma_semaphore, #tpu.memory_space<semaphore_mem>>)
      %dma_wait3A_903 = arith.constant 128 : i32
      %dma_wait3A_904 = arith.constant 0 : i32
      %dma_wait3A_905 = tpu.memref_slice %arg4[%add3A, %dma_wait3A_903, %dma_wait3A_904] : memref<32x8192x128xf32, #tpu.memory_space<hbm>> -> memref<1x128x128xf32, #tpu.memory_space<hbm>>
      %dma_wait3A_906 = tpu.memref_squeeze %dma_wait3A_905 : memref<1x128x128xf32, #tpu.memory_space<hbm>> -> memref<128x128xf32, #tpu.memory_space<hbm>>
      %dma_wait3A_907 = arith.constant 128 : i32
      %dma_wait3A_908 = arith.constant 0 : i32
      %dma_wait3A_909 = tpu.memref_slice %arg4[%add3A, %dma_wait3A_907, %dma_wait3A_908] : memref<32x8192x128xf32, #tpu.memory_space<hbm>> -> memref<1x128x128xf32, #tpu.memory_space<hbm>>
      %dma_wait3A_910 = tpu.memref_squeeze %dma_wait3A_909 : memref<1x128x128xf32, #tpu.memory_space<hbm>> -> memref<128x128xf32, #tpu.memory_space<hbm>>
      tpu.wait_dma2 semaphore(%run_scoped3A : memref<!tpu.dma_semaphore, #tpu.memory_space<semaphore_mem>>) src(%arg6 : memref<128x128xf32, #tpu.memory_space<vmem>>) dst(%dma_wait3A_910 : memref<128x128xf32, #tpu.memory_space<hbm>>)
      tpu.yield
    }) : () -> ()
    %dma_start3A_27 = arith.constant 2 : i32
    %dma_start3A_28 = arith.constant 0 : i32
    %dma_start3A_29 = tpu.memref_slice %arg5[%dma_start3A_27, %dma_start3A_28] : memref<64x128xi32, #tpu.memory_space<vmem>> -> memref<1x128xi32, #tpu.memory_space<vmem>>
    %dma_start3A_30 = tpu.memref_squeeze %dma_start3A_29 : memref<1x128xi32, #tpu.memory_space<vmem>> -> memref<128xi32, #tpu.memory_space<vmem>>
    %dma_start3A_31 = arith.constant 0 : i32
    %dma_start3A_32 = arith.constant 0 : i32
    %dma_start3A_33 = tpu.memref_slice %arg2[%dma_start3A_31, %dma_start3A_32] : memref<8192x128xf32, #tpu.memory_space<hbm>> -> memref<8192x128xf32, #tpu.memory_space<hbm>>
    tpu.enqueue_indirect_dma source(%dma_start3A_33 : memref<8192x128xf32, #tpu.memory_space<hbm>>) target(%arg6 : memref<128x128xf32, #tpu.memory_space<vmem>>) offsets(%dma_start3A_30 : memref<128xi32, #tpu.memory_space<vmem>>) semaphore(%arg7 : memref<!tpu.dma_semaphore, #tpu.memory_space<semaphore_mem>>)
    %dma_wait3A_34 = arith.constant 2 : i32
    %dma_wait3A_35 = arith.constant 0 : i32
    %dma_wait3A_36 = tpu.memref_slice %arg5[%dma_wait3A_34, %dma_wait3A_35] : memref<64x128xi32, #tpu.memory_space<vmem>> -> memref<1x128xi32, #tpu.memory_space<vmem>>
    %dma_wait3A_37 = tpu.memref_squeeze %dma_wait3A_36 : memref<1x128xi32, #tpu.memory_space<vmem>> -> memref<128xi32, #tpu.memory_space<vmem>>
    %dma_wait3A_38 = arith.constant 0 : i32
    %dma_wait3A_39 = arith.constant 0 : i32
    %dma_wait3A_40 = tpu.memref_slice %arg2[%dma_wait3A_38, %dma_wait3A_39] : memref<8192x128xf32, #tpu.memory_space<hbm>> -> memref<8192x128xf32, #tpu.memory_space<hbm>>
    tpu.wait_indirect_dma semaphore(%arg7 : memref<!tpu.dma_semaphore, #tpu.memory_space<semaphore_mem>>) src(%dma_wait3A_40 : memref<8192x128xf32, #tpu.memory_space<hbm>>) dst(%arg6 : memref<128x128xf32, #tpu.memory_space<vmem>>)
    "tpu.region"() ({
      %run_scoped3A = tpu.sem_alloc : memref<!tpu.dma_semaphore, #tpu.memory_space<semaphore_mem>>
      %dma_start3A_895 = arith.constant 256 : i32
      %dma_start3A_896 = arith.constant 0 : i32
      %dma_start3A_897 = tpu.memref_slice %arg4[%add3A, %dma_start3A_895, %dma_start3A_896] : memref<32x8192x128xf32, #tpu.memory_space<hbm>> -> memref<1x128x128xf32, #tpu.memory_space<hbm>>
      %dma_start3A_898 = tpu.memref_squeeze %dma_start3A_897 : memref<1x128x128xf32, #tpu.memory_space<hbm>> -> memref<128x128xf32, #tpu.memory_space<hbm>>
      %dma_start3A_899 = arith.constant 256 : i32
      %dma_start3A_900 = arith.constant 0 : i32
      %dma_start3A_901 = tpu.memref_slice %arg4[%add3A, %dma_start3A_899, %dma_start3A_900] : memref<32x8192x128xf32, #tpu.memory_space<hbm>> -> memref<1x128x128xf32, #tpu.memory_space<hbm>>
      %dma_start3A_902 = tpu.memref_squeeze %dma_start3A_901 : memref<1x128x128xf32, #tpu.memory_space<hbm>> -> memref<128x128xf32, #tpu.memory_space<hbm>>
      tpu.enqueue_dma source(%arg6 : memref<128x128xf32, #tpu.memory_space<vmem>>) target(%dma_start3A_902 : memref<128x128xf32, #tpu.memory_space<hbm>>) target_semaphore(%run_scoped3A : memref<!tpu.dma_semaphore, #tpu.memory_space<semaphore_mem>>)
      %dma_wait3A_903 = arith.constant 256 : i32
      %dma_wait3A_904 = arith.constant 0 : i32
      %dma_wait3A_905 = tpu.memref_slice %arg4[%add3A, %dma_wait3A_903, %dma_wait3A_904] : memref<32x8192x128xf32, #tpu.memory_space<hbm>> -> memref<1x128x128xf32, #tpu.memory_space<hbm>>
      %dma_wait3A_906 = tpu.memref_squeeze %dma_wait3A_905 : memref<1x128x128xf32, #tpu.memory_space<hbm>> -> memref<128x128xf32, #tpu.memory_space<hbm>>
      %dma_wait3A_907 = arith.constant 256 : i32
      %dma_wait3A_908 = arith.constant 0 : i32
      %dma_wait3A_909 = tpu.memref_slice %arg4[%add3A, %dma_wait3A_907, %dma_wait3A_908] : memref<32x8192x128xf32, #tpu.memory_space<hbm>> -> memref<1x128x128xf32, #tpu.memory_space<hbm>>
      %dma_wait3A_910 = tpu.memref_squeeze %dma_wait3A_909 : memref<1x128x128xf32, #tpu.memory_space<hbm>> -> memref<128x128xf32, #tpu.memory_space<hbm>>
      tpu.wait_dma2 semaphore(%run_scoped3A : memref<!tpu.dma_semaphore, #tpu.memory_space<semaphore_mem>>) src(%arg6 : memref<128x128xf32, #tpu.memory_space<vmem>>) dst(%dma_wait3A_910 : memref<128x128xf32, #tpu.memory_space<hbm>>)
      tpu.yield
    }) : () -> ()
    %dma_start3A_41 = arith.constant 3 : i32
    %dma_start3A_42 = arith.constant 0 : i32
    %dma_start3A_43 = tpu.memref_slice %arg5[%dma_start3A_41, %dma_start3A_42] : memref<64x128xi32, #tpu.memory_space<vmem>> -> memref<1x128xi32, #tpu.memory_space<vmem>>
    %dma_start3A_44 = tpu.memref_squeeze %dma_start3A_43 : memref<1x128xi32, #tpu.memory_space<vmem>> -> memref<128xi32, #tpu.memory_space<vmem>>
    %dma_start3A_45 = arith.constant 0 : i32
    %dma_start3A_46 = arith.constant 0 : i32
    %dma_start3A_47 = tpu.memref_slice %arg2[%dma_start3A_45, %dma_start3A_46] : memref<8192x128xf32, #tpu.memory_space<hbm>> -> memref<8192x128xf32, #tpu.memory_space<hbm>>
    tpu.enqueue_indirect_dma source(%dma_start3A_47 : memref<8192x128xf32, #tpu.memory_space<hbm>>) target(%arg6 : memref<128x128xf32, #tpu.memory_space<vmem>>) offsets(%dma_start3A_44 : memref<128xi32, #tpu.memory_space<vmem>>) semaphore(%arg7 : memref<!tpu.dma_semaphore, #tpu.memory_space<semaphore_mem>>)
    %dma_wait3A_48 = arith.constant 3 : i32
    %dma_wait3A_49 = arith.constant 0 : i32
    %dma_wait3A_50 = tpu.memref_slice %arg5[%dma_wait3A_48, %dma_wait3A_49] : memref<64x128xi32, #tpu.memory_space<vmem>> -> memref<1x128xi32, #tpu.memory_space<vmem>>
    %dma_wait3A_51 = tpu.memref_squeeze %dma_wait3A_50 : memref<1x128xi32, #tpu.memory_space<vmem>> -> memref<128xi32, #tpu.memory_space<vmem>>
    %dma_wait3A_52 = arith.constant 0 : i32
    %dma_wait3A_53 = arith.constant 0 : i32
    %dma_wait3A_54 = tpu.memref_slice %arg2[%dma_wait3A_52, %dma_wait3A_53] : memref<8192x128xf32, #tpu.memory_space<hbm>> -> memref<8192x128xf32, #tpu.memory_space<hbm>>
    tpu.wait_indirect_dma semaphore(%arg7 : memref<!tpu.dma_semaphore, #tpu.memory_space<semaphore_mem>>) src(%dma_wait3A_54 : memref<8192x128xf32, #tpu.memory_space<hbm>>) dst(%arg6 : memref<128x128xf32, #tpu.memory_space<vmem>>)
    "tpu.region"() ({
      %run_scoped3A = tpu.sem_alloc : memref<!tpu.dma_semaphore, #tpu.memory_space<semaphore_mem>>
      %dma_start3A_895 = arith.constant 384 : i32
      %dma_start3A_896 = arith.constant 0 : i32
      %dma_start3A_897 = tpu.memref_slice %arg4[%add3A, %dma_start3A_895, %dma_start3A_896] : memref<32x8192x128xf32, #tpu.memory_space<hbm>> -> memref<1x128x128xf32, #tpu.memory_space<hbm>>
      %dma_start3A_898 = tpu.memref_squeeze %dma_start3A_897 : memref<1x128x128xf32, #tpu.memory_space<hbm>> -> memref<128x128xf32, #tpu.memory_space<hbm>>
      %dma_start3A_899 = arith.constant 384 : i32
      %dma_start3A_900 = arith.constant 0 : i32
      %dma_start3A_901 = tpu.memref_slice %arg4[%add3A, %dma_start3A_899, %dma_start3A_900] : memref<32x8192x128xf32, #tpu.memory_space<hbm>> -> memref<1x128x128xf32, #tpu.memory_space<hbm>>
      %dma_start3A_902 = tpu.memref_squeeze %dma_start3A_901 : memref<1x128x128xf32, #tpu.memory_space<hbm>> -> memref<128x128xf32, #tpu.memory_space<hbm>>
      tpu.enqueue_dma source(%arg6 : memref<128x128xf32, #tpu.memory_space<vmem>>) target(%dma_start3A_902 : memref<128x128xf32, #tpu.memory_space<hbm>>) target_semaphore(%run_scoped3A : memref<!tpu.dma_semaphore, #tpu.memory_space<semaphore_mem>>)
      %dma_wait3A_903 = arith.constant 384 : i32
      %dma_wait3A_904 = arith.constant 0 : i32
      %dma_wait3A_905 = tpu.memref_slice %arg4[%add3A, %dma_wait3A_903, %dma_wait3A_904] : memref<32x8192x128xf32, #tpu.memory_space<hbm>> -> memref<1x128x128xf32, #tpu.memory_space<hbm>>
      %dma_wait3A_906 = tpu.memref_squeeze %dma_wait3A_905 : memref<1x128x128xf32, #tpu.memory_space<hbm>> -> memref<128x128xf32, #tpu.memory_space<hbm>>
      %dma_wait3A_907 = arith.constant 384 : i32
      %dma_wait3A_908 = arith.constant 0 : i32
      %dma_wait3A_909 = tpu.memref_slice %arg4[%add3A, %dma_wait3A_907, %dma_wait3A_908] : memref<32x8192x128xf32, #tpu.memory_space<hbm>> -> memref<1x128x128xf32, #tpu.memory_space<hbm>>
      %dma_wait3A_910 = tpu.memref_squeeze %dma_wait3A_909 : memref<1x128x128xf32, #tpu.memory_space<hbm>> -> memref<128x128xf32, #tpu.memory_space<hbm>>
      tpu.wait_dma2 semaphore(%run_scoped3A : memref<!tpu.dma_semaphore, #tpu.memory_space<semaphore_mem>>) src(%arg6 : memref<128x128xf32, #tpu.memory_space<vmem>>) dst(%dma_wait3A_910 : memref<128x128xf32, #tpu.memory_space<hbm>>)
      tpu.yield
    }) : () -> ()
    %dma_start3A_55 = arith.constant 4 : i32
    %dma_start3A_56 = arith.constant 0 : i32
    %dma_start3A_57 = tpu.memref_slice %arg5[%dma_start3A_55, %dma_start3A_56] : memref<64x128xi32, #tpu.memory_space<vmem>> -> memref<1x128xi32, #tpu.memory_space<vmem>>
    %dma_start3A_58 = tpu.memref_squeeze %dma_start3A_57 : memref<1x128xi32, #tpu.memory_space<vmem>> -> memref<128xi32, #tpu.memory_space<vmem>>
    %dma_start3A_59 = arith.constant 0 : i32
    %dma_start3A_60 = arith.constant 0 : i32
    %dma_start3A_61 = tpu.memref_slice %arg2[%dma_start3A_59, %dma_start3A_60] : memref<8192x128xf32, #tpu.memory_space<hbm>> -> memref<8192x128xf32, #tpu.memory_space<hbm>>
    tpu.enqueue_indirect_dma source(%dma_start3A_61 : memref<8192x128xf32, #tpu.memory_space<hbm>>) target(%arg6 : memref<128x128xf32, #tpu.memory_space<vmem>>) offsets(%dma_start3A_58 : memref<128xi32, #tpu.memory_space<vmem>>) semaphore(%arg7 : memref<!tpu.dma_semaphore, #tpu.memory_space<semaphore_mem>>)
    %dma_wait3A_62 = arith.constant 4 : i32
    %dma_wait3A_63 = arith.constant 0 : i32
    %dma_wait3A_64 = tpu.memref_slice %arg5[%dma_wait3A_62, %dma_wait3A_63] : memref<64x128xi32, #tpu.memory_space<vmem>> -> memref<1x128xi32, #tpu.memory_space<vmem>>
    %dma_wait3A_65 = tpu.memref_squeeze %dma_wait3A_64 : memref<1x128xi32, #tpu.memory_space<vmem>> -> memref<128xi32, #tpu.memory_space<vmem>>
    %dma_wait3A_66 = arith.constant 0 : i32
    %dma_wait3A_67 = arith.constant 0 : i32
    %dma_wait3A_68 = tpu.memref_slice %arg2[%dma_wait3A_66, %dma_wait3A_67] : memref<8192x128xf32, #tpu.memory_space<hbm>> -> memref<8192x128xf32, #tpu.memory_space<hbm>>
    tpu.wait_indirect_dma semaphore(%arg7 : memref<!tpu.dma_semaphore, #tpu.memory_space<semaphore_mem>>) src(%dma_wait3A_68 : memref<8192x128xf32, #tpu.memory_space<hbm>>) dst(%arg6 : memref<128x128xf32, #tpu.memory_space<vmem>>)
    "tpu.region"() ({
      %run_scoped3A = tpu.sem_alloc : memref<!tpu.dma_semaphore, #tpu.memory_space<semaphore_mem>>
      %dma_start3A_895 = arith.constant 512 : i32
      %dma_start3A_896 = arith.constant 0 : i32
      %dma_start3A_897 = tpu.memref_slice %arg4[%add3A, %dma_start3A_895, %dma_start3A_896] : memref<32x8192x128xf32, #tpu.memory_space<hbm>> -> memref<1x128x128xf32, #tpu.memory_space<hbm>>
      %dma_start3A_898 = tpu.memref_squeeze %dma_start3A_897 : memref<1x128x128xf32, #tpu.memory_space<hbm>> -> memref<128x128xf32, #tpu.memory_space<hbm>>
      %dma_start3A_899 = arith.constant 512 : i32
      %dma_start3A_900 = arith.constant 0 : i32
      %dma_start3A_901 = tpu.memref_slice %arg4[%add3A, %dma_start3A_899, %dma_start3A_900] : memref<32x8192x128xf32, #tpu.memory_space<hbm>> -> memref<1x128x128xf32, #tpu.memory_space<hbm>>
      %dma_start3A_902 = tpu.memref_squeeze %dma_start3A_901 : memref<1x128x128xf32, #tpu.memory_space<hbm>> -> memref<128x128xf32, #tpu.memory_space<hbm>>
      tpu.enqueue_dma source(%arg6 : memref<128x128xf32, #tpu.memory_space<vmem>>) target(%dma_start3A_902 : memref<128x128xf32, #tpu.memory_space<hbm>>) target_semaphore(%run_scoped3A : memref<!tpu.dma_semaphore, #tpu.memory_space<semaphore_mem>>)
      %dma_wait3A_903 = arith.constant 512 : i32
      %dma_wait3A_904 = arith.constant 0 : i32
      %dma_wait3A_905 = tpu.memref_slice %arg4[%add3A, %dma_wait3A_903, %dma_wait3A_904] : memref<32x8192x128xf32, #tpu.memory_space<hbm>> -> memref<1x128x128xf32, #tpu.memory_space<hbm>>
      %dma_wait3A_906 = tpu.memref_squeeze %dma_wait3A_905 : memref<1x128x128xf32, #tpu.memory_space<hbm>> -> memref<128x128xf32, #tpu.memory_space<hbm>>
      %dma_wait3A_907 = arith.constant 512 : i32
      %dma_wait3A_908 = arith.constant 0 : i32
      %dma_wait3A_909 = tpu.memref_slice %arg4[%add3A, %dma_wait3A_907, %dma_wait3A_908] : memref<32x8192x128xf32, #tpu.memory_space<hbm>> -> memref<1x128x128xf32, #tpu.memory_space<hbm>>
      %dma_wait3A_910 = tpu.memref_squeeze %dma_wait3A_909 : memref<1x128x128xf32, #tpu.memory_space<hbm>> -> memref<128x128xf32, #tpu.memory_space<hbm>>
      tpu.wait_dma2 semaphore(%run_scoped3A : memref<!tpu.dma_semaphore, #tpu.memory_space<semaphore_mem>>) src(%arg6 : memref<128x128xf32, #tpu.memory_space<vmem>>) dst(%dma_wait3A_910 : memref<128x128xf32, #tpu.memory_space<hbm>>)
      tpu.yield
    }) : () -> ()
    %dma_start3A_69 = arith.constant 5 : i32
    %dma_start3A_70 = arith.constant 0 : i32
    %dma_start3A_71 = tpu.memref_slice %arg5[%dma_start3A_69, %dma_start3A_70] : memref<64x128xi32, #tpu.memory_space<vmem>> -> memref<1x128xi32, #tpu.memory_space<vmem>>
    %dma_start3A_72 = tpu.memref_squeeze %dma_start3A_71 : memref<1x128xi32, #tpu.memory_space<vmem>> -> memref<128xi32, #tpu.memory_space<vmem>>
    %dma_start3A_73 = arith.constant 0 : i32
    %dma_start3A_74 = arith.constant 0 : i32
    %dma_start3A_75 = tpu.memref_slice %arg2[%dma_start3A_73, %dma_start3A_74] : memref<8192x128xf32, #tpu.memory_space<hbm>> -> memref<8192x128xf32, #tpu.memory_space<hbm>>
    tpu.enqueue_indirect_dma source(%dma_start3A_75 : memref<8192x128xf32, #tpu.memory_space<hbm>>) target(%arg6 : memref<128x128xf32, #tpu.memory_space<vmem>>) offsets(%dma_start3A_72 : memref<128xi32, #tpu.memory_space<vmem>>) semaphore(%arg7 : memref<!tpu.dma_semaphore, #tpu.memory_space<semaphore_mem>>)
    %dma_wait3A_76 = arith.constant 5 : i32
    %dma_wait3A_77 = arith.constant 0 : i32
    %dma_wait3A_78 = tpu.memref_slice %arg5[%dma_wait3A_76, %dma_wait3A_77] : memref<64x128xi32, #tpu.memory_space<vmem>> -> memref<1x128xi32, #tpu.memory_space<vmem>>
    %dma_wait3A_79 = tpu.memref_squeeze %dma_wait3A_78 : memref<1x128xi32, #tpu.memory_space<vmem>> -> memref<128xi32, #tpu.memory_space<vmem>>
    %dma_wait3A_80 = arith.constant 0 : i32
    %dma_wait3A_81 = arith.constant 0 : i32
    %dma_wait3A_82 = tpu.memref_slice %arg2[%dma_wait3A_80, %dma_wait3A_81] : memref<8192x128xf32, #tpu.memory_space<hbm>> -> memref<8192x128xf32, #tpu.memory_space<hbm>>
    tpu.wait_indirect_dma semaphore(%arg7 : memref<!tpu.dma_semaphore, #tpu.memory_space<semaphore_mem>>) src(%dma_wait3A_82 : memref<8192x128xf32, #tpu.memory_space<hbm>>) dst(%arg6 : memref<128x128xf32, #tpu.memory_space<vmem>>)
    "tpu.region"() ({
      %run_scoped3A = tpu.sem_alloc : memref<!tpu.dma_semaphore, #tpu.memory_space<semaphore_mem>>
      %dma_start3A_895 = arith.constant 640 : i32
      %dma_start3A_896 = arith.constant 0 : i32
      %dma_start3A_897 = tpu.memref_slice %arg4[%add3A, %dma_start3A_895, %dma_start3A_896] : memref<32x8192x128xf32, #tpu.memory_space<hbm>> -> memref<1x128x128xf32, #tpu.memory_space<hbm>>
      %dma_start3A_898 = tpu.memref_squeeze %dma_start3A_897 : memref<1x128x128xf32, #tpu.memory_space<hbm>> -> memref<128x128xf32, #tpu.memory_space<hbm>>
      %dma_start3A_899 = arith.constant 640 : i32
      %dma_start3A_900 = arith.constant 0 : i32
      %dma_start3A_901 = tpu.memref_slice %arg4[%add3A, %dma_start3A_899, %dma_start3A_900] : memref<32x8192x128xf32, #tpu.memory_space<hbm>> -> memref<1x128x128xf32, #tpu.memory_space<hbm>>
      %dma_start3A_902 = tpu.memref_squeeze %dma_start3A_901 : memref<1x128x128xf32, #tpu.memory_space<hbm>> -> memref<128x128xf32, #tpu.memory_space<hbm>>
      tpu.enqueue_dma source(%arg6 : memref<128x128xf32, #tpu.memory_space<vmem>>) target(%dma_start3A_902 : memref<128x128xf32, #tpu.memory_space<hbm>>) target_semaphore(%run_scoped3A : memref<!tpu.dma_semaphore, #tpu.memory_space<semaphore_mem>>)
      %dma_wait3A_903 = arith.constant 640 : i32
      %dma_wait3A_904 = arith.constant 0 : i32
      %dma_wait3A_905 = tpu.memref_slice %arg4[%add3A, %dma_wait3A_903, %dma_wait3A_904] : memref<32x8192x128xf32, #tpu.memory_space<hbm>> -> memref<1x128x128xf32, #tpu.memory_space<hbm>>
      %dma_wait3A_906 = tpu.memref_squeeze %dma_wait3A_905 : memref<1x128x128xf32, #tpu.memory_space<hbm>> -> memref<128x128xf32, #tpu.memory_space<hbm>>
      %dma_wait3A_907 = arith.constant 640 : i32
      %dma_wait3A_908 = arith.constant 0 : i32
      %dma_wait3A_909 = tpu.memref_slice %arg4[%add3A, %dma_wait3A_907, %dma_wait3A_908] : memref<32x8192x128xf32, #tpu.memory_space<hbm>> -> memref<1x128x128xf32, #tpu.memory_space<hbm>>
      %dma_wait3A_910 = tpu.memref_squeeze %dma_wait3A_909 : memref<1x128x128xf32, #tpu.memory_space<hbm>> -> memref<128x128xf32, #tpu.memory_space<hbm>>
      tpu.wait_dma2 semaphore(%run_scoped3A : memref<!tpu.dma_semaphore, #tpu.memory_space<semaphore_mem>>) src(%arg6 : memref<128x128xf32, #tpu.memory_space<vmem>>) dst(%dma_wait3A_910 : memref<128x128xf32, #tpu.memory_space<hbm>>)
      tpu.yield
    }) : () -> ()
    %dma_start3A_83 = arith.constant 6 : i32
    %dma_start3A_84 = arith.constant 0 : i32
    %dma_start3A_85 = tpu.memref_slice %arg5[%dma_start3A_83, %dma_start3A_84] : memref<64x128xi32, #tpu.memory_space<vmem>> -> memref<1x128xi32, #tpu.memory_space<vmem>>
    %dma_start3A_86 = tpu.memref_squeeze %dma_start3A_85 : memref<1x128xi32, #tpu.memory_space<vmem>> -> memref<128xi32, #tpu.memory_space<vmem>>
    %dma_start3A_87 = arith.constant 0 : i32
    %dma_start3A_88 = arith.constant 0 : i32
    %dma_start3A_89 = tpu.memref_slice %arg2[%dma_start3A_87, %dma_start3A_88] : memref<8192x128xf32, #tpu.memory_space<hbm>> -> memref<8192x128xf32, #tpu.memory_space<hbm>>
    tpu.enqueue_indirect_dma source(%dma_start3A_89 : memref<8192x128xf32, #tpu.memory_space<hbm>>) target(%arg6 : memref<128x128xf32, #tpu.memory_space<vmem>>) offsets(%dma_start3A_86 : memref<128xi32, #tpu.memory_space<vmem>>) semaphore(%arg7 : memref<!tpu.dma_semaphore, #tpu.memory_space<semaphore_mem>>)
    %dma_wait3A_90 = arith.constant 6 : i32
    %dma_wait3A_91 = arith.constant 0 : i32
    %dma_wait3A_92 = tpu.memref_slice %arg5[%dma_wait3A_90, %dma_wait3A_91] : memref<64x128xi32, #tpu.memory_space<vmem>> -> memref<1x128xi32, #tpu.memory_space<vmem>>
    %dma_wait3A_93 = tpu.memref_squeeze %dma_wait3A_92 : memref<1x128xi32, #tpu.memory_space<vmem>> -> memref<128xi32, #tpu.memory_space<vmem>>
    %dma_wait3A_94 = arith.constant 0 : i32
    %dma_wait3A_95 = arith.constant 0 : i32
    %dma_wait3A_96 = tpu.memref_slice %arg2[%dma_wait3A_94, %dma_wait3A_95] : memref<8192x128xf32, #tpu.memory_space<hbm>> -> memref<8192x128xf32, #tpu.memory_space<hbm>>
    tpu.wait_indirect_dma semaphore(%arg7 : memref<!tpu.dma_semaphore, #tpu.memory_space<semaphore_mem>>) src(%dma_wait3A_96 : memref<8192x128xf32, #tpu.memory_space<hbm>>) dst(%arg6 : memref<128x128xf32, #tpu.memory_space<vmem>>)
    "tpu.region"() ({
      %run_scoped3A = tpu.sem_alloc : memref<!tpu.dma_semaphore, #tpu.memory_space<semaphore_mem>>
      %dma_start3A_895 = arith.constant 768 : i32
      %dma_start3A_896 = arith.constant 0 : i32
      %dma_start3A_897 = tpu.memref_slice %arg4[%add3A, %dma_start3A_895, %dma_start3A_896] : memref<32x8192x128xf32, #tpu.memory_space<hbm>> -> memref<1x128x128xf32, #tpu.memory_space<hbm>>
      %dma_start3A_898 = tpu.memref_squeeze %dma_start3A_897 : memref<1x128x128xf32, #tpu.memory_space<hbm>> -> memref<128x128xf32, #tpu.memory_space<hbm>>
      %dma_start3A_899 = arith.constant 768 : i32
      %dma_start3A_900 = arith.constant 0 : i32
      %dma_start3A_901 = tpu.memref_slice %arg4[%add3A, %dma_start3A_899, %dma_start3A_900] : memref<32x8192x128xf32, #tpu.memory_space<hbm>> -> memref<1x128x128xf32, #tpu.memory_space<hbm>>
      %dma_start3A_902 = tpu.memref_squeeze %dma_start3A_901 : memref<1x128x128xf32, #tpu.memory_space<hbm>> -> memref<128x128xf32, #tpu.memory_space<hbm>>
      tpu.enqueue_dma source(%arg6 : memref<128x128xf32, #tpu.memory_space<vmem>>) target(%dma_start3A_902 : memref<128x128xf32, #tpu.memory_space<hbm>>) target_semaphore(%run_scoped3A : memref<!tpu.dma_semaphore, #tpu.memory_space<semaphore_mem>>)
      %dma_wait3A_903 = arith.constant 768 : i32
      %dma_wait3A_904 = arith.constant 0 : i32
      %dma_wait3A_905 = tpu.memref_slice %arg4[%add3A, %dma_wait3A_903, %dma_wait3A_904] : memref<32x8192x128xf32, #tpu.memory_space<hbm>> -> memref<1x128x128xf32, #tpu.memory_space<hbm>>
      %dma_wait3A_906 = tpu.memref_squeeze %dma_wait3A_905 : memref<1x128x128xf32, #tpu.memory_space<hbm>> -> memref<128x128xf32, #tpu.memory_space<hbm>>
      %dma_wait3A_907 = arith.constant 768 : i32
      %dma_wait3A_908 = arith.constant 0 : i32
      %dma_wait3A_909 = tpu.memref_slice %arg4[%add3A, %dma_wait3A_907, %dma_wait3A_908] : memref<32x8192x128xf32, #tpu.memory_space<hbm>> -> memref<1x128x128xf32, #tpu.memory_space<hbm>>
      %dma_wait3A_910 = tpu.memref_squeeze %dma_wait3A_909 : memref<1x128x128xf32, #tpu.memory_space<hbm>> -> memref<128x128xf32, #tpu.memory_space<hbm>>
      tpu.wait_dma2 semaphore(%run_scoped3A : memref<!tpu.dma_semaphore, #tpu.memory_space<semaphore_mem>>) src(%arg6 : memref<128x128xf32, #tpu.memory_space<vmem>>) dst(%dma_wait3A_910 : memref<128x128xf32, #tpu.memory_space<hbm>>)
      tpu.yield
    }) : () -> ()
    %dma_start3A_97 = arith.constant 7 : i32
    %dma_start3A_98 = arith.constant 0 : i32
    %dma_start3A_99 = tpu.memref_slice %arg5[%dma_start3A_97, %dma_start3A_98] : memref<64x128xi32, #tpu.memory_space<vmem>> -> memref<1x128xi32, #tpu.memory_space<vmem>>
    %dma_start3A_100 = tpu.memref_squeeze %dma_start3A_99 : memref<1x128xi32, #tpu.memory_space<vmem>> -> memref<128xi32, #tpu.memory_space<vmem>>
    %dma_start3A_101 = arith.constant 0 : i32
    %dma_start3A_102 = arith.constant 0 : i32
    %dma_start3A_103 = tpu.memref_slice %arg2[%dma_start3A_101, %dma_start3A_102] : memref<8192x128xf32, #tpu.memory_space<hbm>> -> memref<8192x128xf32, #tpu.memory_space<hbm>>
    tpu.enqueue_indirect_dma source(%dma_start3A_103 : memref<8192x128xf32, #tpu.memory_space<hbm>>) target(%arg6 : memref<128x128xf32, #tpu.memory_space<vmem>>) offsets(%dma_start3A_100 : memref<128xi32, #tpu.memory_space<vmem>>) semaphore(%arg7 : memref<!tpu.dma_semaphore, #tpu.memory_space<semaphore_mem>>)
    %dma_wait3A_104 = arith.constant 7 : i32
    %dma_wait3A_105 = arith.constant 0 : i32
    %dma_wait3A_106 = tpu.memref_slice %arg5[%dma_wait3A_104, %dma_wait3A_105] : memref<64x128xi32, #tpu.memory_space<vmem>> -> memref<1x128xi32, #tpu.memory_space<vmem>>
    %dma_wait3A_107 = tpu.memref_squeeze %dma_wait3A_106 : memref<1x128xi32, #tpu.memory_space<vmem>> -> memref<128xi32, #tpu.memory_space<vmem>>
    %dma_wait3A_108 = arith.constant 0 : i32
    %dma_wait3A_109 = arith.constant 0 : i32
    %dma_wait3A_110 = tpu.memref_slice %arg2[%dma_wait3A_108, %dma_wait3A_109] : memref<8192x128xf32, #tpu.memory_space<hbm>> -> memref<8192x128xf32, #tpu.memory_space<hbm>>
    tpu.wait_indirect_dma semaphore(%arg7 : memref<!tpu.dma_semaphore, #tpu.memory_space<semaphore_mem>>) src(%dma_wait3A_110 : memref<8192x128xf32, #tpu.memory_space<hbm>>) dst(%arg6 : memref<128x128xf32, #tpu.memory_space<vmem>>)
    "tpu.region"() ({
      %run_scoped3A = tpu.sem_alloc : memref<!tpu.dma_semaphore, #tpu.memory_space<semaphore_mem>>
      %dma_start3A_895 = arith.constant 896 : i32
      %dma_start3A_896 = arith.constant 0 : i32
      %dma_start3A_897 = tpu.memref_slice %arg4[%add3A, %dma_start3A_895, %dma_start3A_896] : memref<32x8192x128xf32, #tpu.memory_space<hbm>> -> memref<1x128x128xf32, #tpu.memory_space<hbm>>
      %dma_start3A_898 = tpu.memref_squeeze %dma_start3A_897 : memref<1x128x128xf32, #tpu.memory_space<hbm>> -> memref<128x128xf32, #tpu.memory_space<hbm>>
      %dma_start3A_899 = arith.constant 896 : i32
      %dma_start3A_900 = arith.constant 0 : i32
      %dma_start3A_901 = tpu.memref_slice %arg4[%add3A, %dma_start3A_899, %dma_start3A_900] : memref<32x8192x128xf32, #tpu.memory_space<hbm>> -> memref<1x128x128xf32, #tpu.memory_space<hbm>>
      %dma_start3A_902 = tpu.memref_squeeze %dma_start3A_901 : memref<1x128x128xf32, #tpu.memory_space<hbm>> -> memref<128x128xf32, #tpu.memory_space<hbm>>
      tpu.enqueue_dma source(%arg6 : memref<128x128xf32, #tpu.memory_space<vmem>>) target(%dma_start3A_902 : memref<128x128xf32, #tpu.memory_space<hbm>>) target_semaphore(%run_scoped3A : memref<!tpu.dma_semaphore, #tpu.memory_space<semaphore_mem>>)
      %dma_wait3A_903 = arith.constant 896 : i32
      %dma_wait3A_904 = arith.constant 0 : i32
      %dma_wait3A_905 = tpu.memref_slice %arg4[%add3A, %dma_wait3A_903, %dma_wait3A_904] : memref<32x8192x128xf32, #tpu.memory_space<hbm>> -> memref<1x128x128xf32, #tpu.memory_space<hbm>>
      %dma_wait3A_906 = tpu.memref_squeeze %dma_wait3A_905 : memref<1x128x128xf32, #tpu.memory_space<hbm>> -> memref<128x128xf32, #tpu.memory_space<hbm>>
      %dma_wait3A_907 = arith.constant 896 : i32
      %dma_wait3A_908 = arith.constant 0 : i32
      %dma_wait3A_909 = tpu.memref_slice %arg4[%add3A, %dma_wait3A_907, %dma_wait3A_908] : memref<32x8192x128xf32, #tpu.memory_space<hbm>> -> memref<1x128x128xf32, #tpu.memory_space<hbm>>
      %dma_wait3A_910 = tpu.memref_squeeze %dma_wait3A_909 : memref<1x128x128xf32, #tpu.memory_space<hbm>> -> memref<128x128xf32, #tpu.memory_space<hbm>>
      tpu.wait_dma2 semaphore(%run_scoped3A : memref<!tpu.dma_semaphore, #tpu.memory_space<semaphore_mem>>) src(%arg6 : memref<128x128xf32, #tpu.memory_space<vmem>>) dst(%dma_wait3A_910 : memref<128x128xf32, #tpu.memory_space<hbm>>)
      tpu.yield
    }) : () -> ()
    %dma_start3A_111 = arith.constant 8 : i32
    %dma_start3A_112 = arith.constant 0 : i32
    %dma_start3A_113 = tpu.memref_slice %arg5[%dma_start3A_111, %dma_start3A_112] : memref<64x128xi32, #tpu.memory_space<vmem>> -> memref<1x128xi32, #tpu.memory_space<vmem>>
    %dma_start3A_114 = tpu.memref_squeeze %dma_start3A_113 : memref<1x128xi32, #tpu.memory_space<vmem>> -> memref<128xi32, #tpu.memory_space<vmem>>
    %dma_start3A_115 = arith.constant 0 : i32
    %dma_start3A_116 = arith.constant 0 : i32
    %dma_start3A_117 = tpu.memref_slice %arg2[%dma_start3A_115, %dma_start3A_116] : memref<8192x128xf32, #tpu.memory_space<hbm>> -> memref<8192x128xf32, #tpu.memory_space<hbm>>
    tpu.enqueue_indirect_dma source(%dma_start3A_117 : memref<8192x128xf32, #tpu.memory_space<hbm>>) target(%arg6 : memref<128x128xf32, #tpu.memory_space<vmem>>) offsets(%dma_start3A_114 : memref<128xi32, #tpu.memory_space<vmem>>) semaphore(%arg7 : memref<!tpu.dma_semaphore, #tpu.memory_space<semaphore_mem>>)
    %dma_wait3A_118 = arith.constant 8 : i32
    %dma_wait3A_119 = arith.constant 0 : i32
    %dma_wait3A_120 = tpu.memref_slice %arg5[%dma_wait3A_118, %dma_wait3A_119] : memref<64x128xi32, #tpu.memory_space<vmem>> -> memref<1x128xi32, #tpu.memory_space<vmem>>
    %dma_wait3A_121 = tpu.memref_squeeze %dma_wait3A_120 : memref<1x128xi32, #tpu.memory_space<vmem>> -> memref<128xi32, #tpu.memory_space<vmem>>
    %dma_wait3A_122 = arith.constant 0 : i32
    %dma_wait3A_123 = arith.constant 0 : i32
    %dma_wait3A_124 = tpu.memref_slice %arg2[%dma_wait3A_122, %dma_wait3A_123] : memref<8192x128xf32, #tpu.memory_space<hbm>> -> memref<8192x128xf32, #tpu.memory_space<hbm>>
    tpu.wait_indirect_dma semaphore(%arg7 : memref<!tpu.dma_semaphore, #tpu.memory_space<semaphore_mem>>) src(%dma_wait3A_124 : memref<8192x128xf32, #tpu.memory_space<hbm>>) dst(%arg6 : memref<128x128xf32, #tpu.memory_space<vmem>>)
    "tpu.region"() ({
      %run_scoped3A = tpu.sem_alloc : memref<!tpu.dma_semaphore, #tpu.memory_space<semaphore_mem>>
      %dma_start3A_895 = arith.constant 1024 : i32
      %dma_start3A_896 = arith.constant 0 : i32
      %dma_start3A_897 = tpu.memref_slice %arg4[%add3A, %dma_start3A_895, %dma_start3A_896] : memref<32x8192x128xf32, #tpu.memory_space<hbm>> -> memref<1x128x128xf32, #tpu.memory_space<hbm>>
      %dma_start3A_898 = tpu.memref_squeeze %dma_start3A_897 : memref<1x128x128xf32, #tpu.memory_space<hbm>> -> memref<128x128xf32, #tpu.memory_space<hbm>>
      %dma_start3A_899 = arith.constant 1024 : i32
      %dma_start3A_900 = arith.constant 0 : i32
      %dma_start3A_901 = tpu.memref_slice %arg4[%add3A, %dma_start3A_899, %dma_start3A_900] : memref<32x8192x128xf32, #tpu.memory_space<hbm>> -> memref<1x128x128xf32, #tpu.memory_space<hbm>>
      %dma_start3A_902 = tpu.memref_squeeze %dma_start3A_901 : memref<1x128x128xf32, #tpu.memory_space<hbm>> -> memref<128x128xf32, #tpu.memory_space<hbm>>
      tpu.enqueue_dma source(%arg6 : memref<128x128xf32, #tpu.memory_space<vmem>>) target(%dma_start3A_902 : memref<128x128xf32, #tpu.memory_space<hbm>>) target_semaphore(%run_scoped3A : memref<!tpu.dma_semaphore, #tpu.memory_space<semaphore_mem>>)
      %dma_wait3A_903 = arith.constant 1024 : i32
      %dma_wait3A_904 = arith.constant 0 : i32
      %dma_wait3A_905 = tpu.memref_slice %arg4[%add3A, %dma_wait3A_903, %dma_wait3A_904] : memref<32x8192x128xf32, #tpu.memory_space<hbm>> -> memref<1x128x128xf32, #tpu.memory_space<hbm>>
      %dma_wait3A_906 = tpu.memref_squeeze %dma_wait3A_905 : memref<1x128x128xf32, #tpu.memory_space<hbm>> -> memref<128x128xf32, #tpu.memory_space<hbm>>
      %dma_wait3A_907 = arith.constant 1024 : i32
      %dma_wait3A_908 = arith.constant 0 : i32
      %dma_wait3A_909 = tpu.memref_slice %arg4[%add3A, %dma_wait3A_907, %dma_wait3A_908] : memref<32x8192x128xf32, #tpu.memory_space<hbm>> -> memref<1x128x128xf32, #tpu.memory_space<hbm>>
      %dma_wait3A_910 = tpu.memref_squeeze %dma_wait3A_909 : memref<1x128x128xf32, #tpu.memory_space<hbm>> -> memref<128x128xf32, #tpu.memory_space<hbm>>
      tpu.wait_dma2 semaphore(%run_scoped3A : memref<!tpu.dma_semaphore, #tpu.memory_space<semaphore_mem>>) src(%arg6 : memref<128x128xf32, #tpu.memory_space<vmem>>) dst(%dma_wait3A_910 : memref<128x128xf32, #tpu.memory_space<hbm>>)
      tpu.yield
    }) : () -> ()
    %dma_start3A_125 = arith.constant 9 : i32
    %dma_start3A_126 = arith.constant 0 : i32
    %dma_start3A_127 = tpu.memref_slice %arg5[%dma_start3A_125, %dma_start3A_126] : memref<64x128xi32, #tpu.memory_space<vmem>> -> memref<1x128xi32, #tpu.memory_space<vmem>>
    %dma_start3A_128 = tpu.memref_squeeze %dma_start3A_127 : memref<1x128xi32, #tpu.memory_space<vmem>> -> memref<128xi32, #tpu.memory_space<vmem>>
    %dma_start3A_129 = arith.constant 0 : i32
    %dma_start3A_130 = arith.constant 0 : i32
    %dma_start3A_131 = tpu.memref_slice %arg2[%dma_start3A_129, %dma_start3A_130] : memref<8192x128xf32, #tpu.memory_space<hbm>> -> memref<8192x128xf32, #tpu.memory_space<hbm>>
    tpu.enqueue_indirect_dma source(%dma_start3A_131 : memref<8192x128xf32, #tpu.memory_space<hbm>>) target(%arg6 : memref<128x128xf32, #tpu.memory_space<vmem>>) offsets(%dma_start3A_128 : memref<128xi32, #tpu.memory_space<vmem>>) semaphore(%arg7 : memref<!tpu.dma_semaphore, #tpu.memory_space<semaphore_mem>>)
    %dma_wait3A_132 = arith.constant 9 : i32
    %dma_wait3A_133 = arith.constant 0 : i32
    %dma_wait3A_134 = tpu.memref_slice %arg5[%dma_wait3A_132, %dma_wait3A_133] : memref<64x128xi32, #tpu.memory_space<vmem>> -> memref<1x128xi32, #tpu.memory_space<vmem>>
    %dma_wait3A_135 = tpu.memref_squeeze %dma_wait3A_134 : memref<1x128xi32, #tpu.memory_space<vmem>> -> memref<128xi32, #tpu.memory_space<vmem>>
    %dma_wait3A_136 = arith.constant 0 : i32
    %dma_wait3A_137 = arith.constant 0 : i32
    %dma_wait3A_138 = tpu.memref_slice %arg2[%dma_wait3A_136, %dma_wait3A_137] : memref<8192x128xf32, #tpu.memory_space<hbm>> -> memref<8192x128xf32, #tpu.memory_space<hbm>>
    tpu.wait_indirect_dma semaphore(%arg7 : memref<!tpu.dma_semaphore, #tpu.memory_space<semaphore_mem>>) src(%dma_wait3A_138 : memref<8192x128xf32, #tpu.memory_space<hbm>>) dst(%arg6 : memref<128x128xf32, #tpu.memory_space<vmem>>)
    "tpu.region"() ({
      %run_scoped3A = tpu.sem_alloc : memref<!tpu.dma_semaphore, #tpu.memory_space<semaphore_mem>>
      %dma_start3A_895 = arith.constant 1152 : i32
      %dma_start3A_896 = arith.constant 0 : i32
      %dma_start3A_897 = tpu.memref_slice %arg4[%add3A, %dma_start3A_895, %dma_start3A_896] : memref<32x8192x128xf32, #tpu.memory_space<hbm>> -> memref<1x128x128xf32, #tpu.memory_space<hbm>>
      %dma_start3A_898 = tpu.memref_squeeze %dma_start3A_897 : memref<1x128x128xf32, #tpu.memory_space<hbm>> -> memref<128x128xf32, #tpu.memory_space<hbm>>
      %dma_start3A_899 = arith.constant 1152 : i32
      %dma_start3A_900 = arith.constant 0 : i32
      %dma_start3A_901 = tpu.memref_slice %arg4[%add3A, %dma_start3A_899, %dma_start3A_900] : memref<32x8192x128xf32, #tpu.memory_space<hbm>> -> memref<1x128x128xf32, #tpu.memory_space<hbm>>
      %dma_start3A_902 = tpu.memref_squeeze %dma_start3A_901 : memref<1x128x128xf32, #tpu.memory_space<hbm>> -> memref<128x128xf32, #tpu.memory_space<hbm>>
      tpu.enqueue_dma source(%arg6 : memref<128x128xf32, #tpu.memory_space<vmem>>) target(%dma_start3A_902 : memref<128x128xf32, #tpu.memory_space<hbm>>) target_semaphore(%run_scoped3A : memref<!tpu.dma_semaphore, #tpu.memory_space<semaphore_mem>>)
      %dma_wait3A_903 = arith.constant 1152 : i32
      %dma_wait3A_904 = arith.constant 0 : i32
      %dma_wait3A_905 = tpu.memref_slice %arg4[%add3A, %dma_wait3A_903, %dma_wait3A_904] : memref<32x8192x128xf32, #tpu.memory_space<hbm>> -> memref<1x128x128xf32, #tpu.memory_space<hbm>>
      %dma_wait3A_906 = tpu.memref_squeeze %dma_wait3A_905 : memref<1x128x128xf32, #tpu.memory_space<hbm>> -> memref<128x128xf32, #tpu.memory_space<hbm>>
      %dma_wait3A_907 = arith.constant 1152 : i32
      %dma_wait3A_908 = arith.constant 0 : i32
      %dma_wait3A_909 = tpu.memref_slice %arg4[%add3A, %dma_wait3A_907, %dma_wait3A_908] : memref<32x8192x128xf32, #tpu.memory_space<hbm>> -> memref<1x128x128xf32, #tpu.memory_space<hbm>>
      %dma_wait3A_910 = tpu.memref_squeeze %dma_wait3A_909 : memref<1x128x128xf32, #tpu.memory_space<hbm>> -> memref<128x128xf32, #tpu.memory_space<hbm>>
      tpu.wait_dma2 semaphore(%run_scoped3A : memref<!tpu.dma_semaphore, #tpu.memory_space<semaphore_mem>>) src(%arg6 : memref<128x128xf32, #tpu.memory_space<vmem>>) dst(%dma_wait3A_910 : memref<128x128xf32, #tpu.memory_space<hbm>>)
      tpu.yield
    }) : () -> ()
    %dma_start3A_139 = arith.constant 10 : i32
    %dma_start3A_140 = arith.constant 0 : i32
    %dma_start3A_141 = tpu.memref_slice %arg5[%dma_start3A_139, %dma_start3A_140] : memref<64x128xi32, #tpu.memory_space<vmem>> -> memref<1x128xi32, #tpu.memory_space<vmem>>
    %dma_start3A_142 = tpu.memref_squeeze %dma_start3A_141 : memref<1x128xi32, #tpu.memory_space<vmem>> -> memref<128xi32, #tpu.memory_space<vmem>>
    %dma_start3A_143 = arith.constant 0 : i32
    %dma_start3A_144 = arith.constant 0 : i32
    %dma_start3A_145 = tpu.memref_slice %arg2[%dma_start3A_143, %dma_start3A_144] : memref<8192x128xf32, #tpu.memory_space<hbm>> -> memref<8192x128xf32, #tpu.memory_space<hbm>>
    tpu.enqueue_indirect_dma source(%dma_start3A_145 : memref<8192x128xf32, #tpu.memory_space<hbm>>) target(%arg6 : memref<128x128xf32, #tpu.memory_space<vmem>>) offsets(%dma_start3A_142 : memref<128xi32, #tpu.memory_space<vmem>>) semaphore(%arg7 : memref<!tpu.dma_semaphore, #tpu.memory_space<semaphore_mem>>)
    %dma_wait3A_146 = arith.constant 10 : i32
    %dma_wait3A_147 = arith.constant 0 : i32
    %dma_wait3A_148 = tpu.memref_slice %arg5[%dma_wait3A_146, %dma_wait3A_147] : memref<64x128xi32, #tpu.memory_space<vmem>> -> memref<1x128xi32, #tpu.memory_space<vmem>>
    %dma_wait3A_149 = tpu.memref_squeeze %dma_wait3A_148 : memref<1x128xi32, #tpu.memory_space<vmem>> -> memref<128xi32, #tpu.memory_space<vmem>>
    %dma_wait3A_150 = arith.constant 0 : i32
    %dma_wait3A_151 = arith.constant 0 : i32
    %dma_wait3A_152 = tpu.memref_slice %arg2[%dma_wait3A_150, %dma_wait3A_151] : memref<8192x128xf32, #tpu.memory_space<hbm>> -> memref<8192x128xf32, #tpu.memory_space<hbm>>
    tpu.wait_indirect_dma semaphore(%arg7 : memref<!tpu.dma_semaphore, #tpu.memory_space<semaphore_mem>>) src(%dma_wait3A_152 : memref<8192x128xf32, #tpu.memory_space<hbm>>) dst(%arg6 : memref<128x128xf32, #tpu.memory_space<vmem>>)
    "tpu.region"() ({
      %run_scoped3A = tpu.sem_alloc : memref<!tpu.dma_semaphore, #tpu.memory_space<semaphore_mem>>
      %dma_start3A_895 = arith.constant 1280 : i32
      %dma_start3A_896 = arith.constant 0 : i32
      %dma_start3A_897 = tpu.memref_slice %arg4[%add3A, %dma_start3A_895, %dma_start3A_896] : memref<32x8192x128xf32, #tpu.memory_space<hbm>> -> memref<1x128x128xf32, #tpu.memory_space<hbm>>
      %dma_start3A_898 = tpu.memref_squeeze %dma_start3A_897 : memref<1x128x128xf32, #tpu.memory_space<hbm>> -> memref<128x128xf32, #tpu.memory_space<hbm>>
      %dma_start3A_899 = arith.constant 1280 : i32
      %dma_start3A_900 = arith.constant 0 : i32
      %dma_start3A_901 = tpu.memref_slice %arg4[%add3A, %dma_start3A_899, %dma_start3A_900] : memref<32x8192x128xf32, #tpu.memory_space<hbm>> -> memref<1x128x128xf32, #tpu.memory_space<hbm>>
      %dma_start3A_902 = tpu.memref_squeeze %dma_start3A_901 : memref<1x128x128xf32, #tpu.memory_space<hbm>> -> memref<128x128xf32, #tpu.memory_space<hbm>>
      tpu.enqueue_dma source(%arg6 : memref<128x128xf32, #tpu.memory_space<vmem>>) target(%dma_start3A_902 : memref<128x128xf32, #tpu.memory_space<hbm>>) target_semaphore(%run_scoped3A : memref<!tpu.dma_semaphore, #tpu.memory_space<semaphore_mem>>)
      %dma_wait3A_903 = arith.constant 1280 : i32
      %dma_wait3A_904 = arith.constant 0 : i32
      %dma_wait3A_905 = tpu.memref_slice %arg4[%add3A, %dma_wait3A_903, %dma_wait3A_904] : memref<32x8192x128xf32, #tpu.memory_space<hbm>> -> memref<1x128x128xf32, #tpu.memory_space<hbm>>
      %dma_wait3A_906 = tpu.memref_squeeze %dma_wait3A_905 : memref<1x128x128xf32, #tpu.memory_space<hbm>> -> memref<128x128xf32, #tpu.memory_space<hbm>>
      %dma_wait3A_907 = arith.constant 1280 : i32
      %dma_wait3A_908 = arith.constant 0 : i32
      %dma_wait3A_909 = tpu.memref_slice %arg4[%add3A, %dma_wait3A_907, %dma_wait3A_908] : memref<32x8192x128xf32, #tpu.memory_space<hbm>> -> memref<1x128x128xf32, #tpu.memory_space<hbm>>
      %dma_wait3A_910 = tpu.memref_squeeze %dma_wait3A_909 : memref<1x128x128xf32, #tpu.memory_space<hbm>> -> memref<128x128xf32, #tpu.memory_space<hbm>>
      tpu.wait_dma2 semaphore(%run_scoped3A : memref<!tpu.dma_semaphore, #tpu.memory_space<semaphore_mem>>) src(%arg6 : memref<128x128xf32, #tpu.memory_space<vmem>>) dst(%dma_wait3A_910 : memref<128x128xf32, #tpu.memory_space<hbm>>)
      tpu.yield
    }) : () -> ()
    %dma_start3A_153 = arith.constant 11 : i32
    %dma_start3A_154 = arith.constant 0 : i32
    %dma_start3A_155 = tpu.memref_slice %arg5[%dma_start3A_153, %dma_start3A_154] : memref<64x128xi32, #tpu.memory_space<vmem>> -> memref<1x128xi32, #tpu.memory_space<vmem>>
    %dma_start3A_156 = tpu.memref_squeeze %dma_start3A_155 : memref<1x128xi32, #tpu.memory_space<vmem>> -> memref<128xi32, #tpu.memory_space<vmem>>
    %dma_start3A_157 = arith.constant 0 : i32
    %dma_start3A_158 = arith.constant 0 : i32
    %dma_start3A_159 = tpu.memref_slice %arg2[%dma_start3A_157, %dma_start3A_158] : memref<8192x128xf32, #tpu.memory_space<hbm>> -> memref<8192x128xf32, #tpu.memory_space<hbm>>
    tpu.enqueue_indirect_dma source(%dma_start3A_159 : memref<8192x128xf32, #tpu.memory_space<hbm>>) target(%arg6 : memref<128x128xf32, #tpu.memory_space<vmem>>) offsets(%dma_start3A_156 : memref<128xi32, #tpu.memory_space<vmem>>) semaphore(%arg7 : memref<!tpu.dma_semaphore, #tpu.memory_space<semaphore_mem>>)
    %dma_wait3A_160 = arith.constant 11 : i32
    %dma_wait3A_161 = arith.constant 0 : i32
    %dma_wait3A_162 = tpu.memref_slice %arg5[%dma_wait3A_160, %dma_wait3A_161] : memref<64x128xi32, #tpu.memory_space<vmem>> -> memref<1x128xi32, #tpu.memory_space<vmem>>
    %dma_wait3A_163 = tpu.memref_squeeze %dma_wait3A_162 : memref<1x128xi32, #tpu.memory_space<vmem>> -> memref<128xi32, #tpu.memory_space<vmem>>
    %dma_wait3A_164 = arith.constant 0 : i32
    %dma_wait3A_165 = arith.constant 0 : i32
    %dma_wait3A_166 = tpu.memref_slice %arg2[%dma_wait3A_164, %dma_wait3A_165] : memref<8192x128xf32, #tpu.memory_space<hbm>> -> memref<8192x128xf32, #tpu.memory_space<hbm>>
    tpu.wait_indirect_dma semaphore(%arg7 : memref<!tpu.dma_semaphore, #tpu.memory_space<semaphore_mem>>) src(%dma_wait3A_166 : memref<8192x128xf32, #tpu.memory_space<hbm>>) dst(%arg6 : memref<128x128xf32, #tpu.memory_space<vmem>>)
    "tpu.region"() ({
      %run_scoped3A = tpu.sem_alloc : memref<!tpu.dma_semaphore, #tpu.memory_space<semaphore_mem>>
      %dma_start3A_895 = arith.constant 1408 : i32
      %dma_start3A_896 = arith.constant 0 : i32
      %dma_start3A_897 = tpu.memref_slice %arg4[%add3A, %dma_start3A_895, %dma_start3A_896] : memref<32x8192x128xf32, #tpu.memory_space<hbm>> -> memref<1x128x128xf32, #tpu.memory_space<hbm>>
      %dma_start3A_898 = tpu.memref_squeeze %dma_start3A_897 : memref<1x128x128xf32, #tpu.memory_space<hbm>> -> memref<128x128xf32, #tpu.memory_space<hbm>>
      %dma_start3A_899 = arith.constant 1408 : i32
      %dma_start3A_900 = arith.constant 0 : i32
      %dma_start3A_901 = tpu.memref_slice %arg4[%add3A, %dma_start3A_899, %dma_start3A_900] : memref<32x8192x128xf32, #tpu.memory_space<hbm>> -> memref<1x128x128xf32, #tpu.memory_space<hbm>>
      %dma_start3A_902 = tpu.memref_squeeze %dma_start3A_901 : memref<1x128x128xf32, #tpu.memory_space<hbm>> -> memref<128x128xf32, #tpu.memory_space<hbm>>
      tpu.enqueue_dma source(%arg6 : memref<128x128xf32, #tpu.memory_space<vmem>>) target(%dma_start3A_902 : memref<128x128xf32, #tpu.memory_space<hbm>>) target_semaphore(%run_scoped3A : memref<!tpu.dma_semaphore, #tpu.memory_space<semaphore_mem>>)
      %dma_wait3A_903 = arith.constant 1408 : i32
      %dma_wait3A_904 = arith.constant 0 : i32
      %dma_wait3A_905 = tpu.memref_slice %arg4[%add3A, %dma_wait3A_903, %dma_wait3A_904] : memref<32x8192x128xf32, #tpu.memory_space<hbm>> -> memref<1x128x128xf32, #tpu.memory_space<hbm>>
      %dma_wait3A_906 = tpu.memref_squeeze %dma_wait3A_905 : memref<1x128x128xf32, #tpu.memory_space<hbm>> -> memref<128x128xf32, #tpu.memory_space<hbm>>
      %dma_wait3A_907 = arith.constant 1408 : i32
      %dma_wait3A_908 = arith.constant 0 : i32
      %dma_wait3A_909 = tpu.memref_slice %arg4[%add3A, %dma_wait3A_907, %dma_wait3A_908] : memref<32x8192x128xf32, #tpu.memory_space<hbm>> -> memref<1x128x128xf32, #tpu.memory_space<hbm>>
      %dma_wait3A_910 = tpu.memref_squeeze %dma_wait3A_909 : memref<1x128x128xf32, #tpu.memory_space<hbm>> -> memref<128x128xf32, #tpu.memory_space<hbm>>
      tpu.wait_dma2 semaphore(%run_scoped3A : memref<!tpu.dma_semaphore, #tpu.memory_space<semaphore_mem>>) src(%arg6 : memref<128x128xf32, #tpu.memory_space<vmem>>) dst(%dma_wait3A_910 : memref<128x128xf32, #tpu.memory_space<hbm>>)
      tpu.yield
    }) : () -> ()
    %dma_start3A_167 = arith.constant 12 : i32
    %dma_start3A_168 = arith.constant 0 : i32
    %dma_start3A_169 = tpu.memref_slice %arg5[%dma_start3A_167, %dma_start3A_168] : memref<64x128xi32, #tpu.memory_space<vmem>> -> memref<1x128xi32, #tpu.memory_space<vmem>>
    %dma_start3A_170 = tpu.memref_squeeze %dma_start3A_169 : memref<1x128xi32, #tpu.memory_space<vmem>> -> memref<128xi32, #tpu.memory_space<vmem>>
    %dma_start3A_171 = arith.constant 0 : i32
    %dma_start3A_172 = arith.constant 0 : i32
    %dma_start3A_173 = tpu.memref_slice %arg2[%dma_start3A_171, %dma_start3A_172] : memref<8192x128xf32, #tpu.memory_space<hbm>> -> memref<8192x128xf32, #tpu.memory_space<hbm>>
    tpu.enqueue_indirect_dma source(%dma_start3A_173 : memref<8192x128xf32, #tpu.memory_space<hbm>>) target(%arg6 : memref<128x128xf32, #tpu.memory_space<vmem>>) offsets(%dma_start3A_170 : memref<128xi32, #tpu.memory_space<vmem>>) semaphore(%arg7 : memref<!tpu.dma_semaphore, #tpu.memory_space<semaphore_mem>>)
    %dma_wait3A_174 = arith.constant 12 : i32
    %dma_wait3A_175 = arith.constant 0 : i32
    %dma_wait3A_176 = tpu.memref_slice %arg5[%dma_wait3A_174, %dma_wait3A_175] : memref<64x128xi32, #tpu.memory_space<vmem>> -> memref<1x128xi32, #tpu.memory_space<vmem>>
    %dma_wait3A_177 = tpu.memref_squeeze %dma_wait3A_176 : memref<1x128xi32, #tpu.memory_space<vmem>> -> memref<128xi32, #tpu.memory_space<vmem>>
    %dma_wait3A_178 = arith.constant 0 : i32
    %dma_wait3A_179 = arith.constant 0 : i32
    %dma_wait3A_180 = tpu.memref_slice %arg2[%dma_wait3A_178, %dma_wait3A_179] : memref<8192x128xf32, #tpu.memory_space<hbm>> -> memref<8192x128xf32, #tpu.memory_space<hbm>>
    tpu.wait_indirect_dma semaphore(%arg7 : memref<!tpu.dma_semaphore, #tpu.memory_space<semaphore_mem>>) src(%dma_wait3A_180 : memref<8192x128xf32, #tpu.memory_space<hbm>>) dst(%arg6 : memref<128x128xf32, #tpu.memory_space<vmem>>)
    "tpu.region"() ({
      %run_scoped3A = tpu.sem_alloc : memref<!tpu.dma_semaphore, #tpu.memory_space<semaphore_mem>>
      %dma_start3A_895 = arith.constant 1536 : i32
      %dma_start3A_896 = arith.constant 0 : i32
      %dma_start3A_897 = tpu.memref_slice %arg4[%add3A, %dma_start3A_895, %dma_start3A_896] : memref<32x8192x128xf32, #tpu.memory_space<hbm>> -> memref<1x128x128xf32, #tpu.memory_space<hbm>>
      %dma_start3A_898 = tpu.memref_squeeze %dma_start3A_897 : memref<1x128x128xf32, #tpu.memory_space<hbm>> -> memref<128x128xf32, #tpu.memory_space<hbm>>
      %dma_start3A_899 = arith.constant 1536 : i32
      %dma_start3A_900 = arith.constant 0 : i32
      %dma_start3A_901 = tpu.memref_slice %arg4[%add3A, %dma_start3A_899, %dma_start3A_900] : memref<32x8192x128xf32, #tpu.memory_space<hbm>> -> memref<1x128x128xf32, #tpu.memory_space<hbm>>
      %dma_start3A_902 = tpu.memref_squeeze %dma_start3A_901 : memref<1x128x128xf32, #tpu.memory_space<hbm>> -> memref<128x128xf32, #tpu.memory_space<hbm>>
      tpu.enqueue_dma source(%arg6 : memref<128x128xf32, #tpu.memory_space<vmem>>) target(%dma_start3A_902 : memref<128x128xf32, #tpu.memory_space<hbm>>) target_semaphore(%run_scoped3A : memref<!tpu.dma_semaphore, #tpu.memory_space<semaphore_mem>>)
      %dma_wait3A_903 = arith.constant 1536 : i32
      %dma_wait3A_904 = arith.constant 0 : i32
      %dma_wait3A_905 = tpu.memref_slice %arg4[%add3A, %dma_wait3A_903, %dma_wait3A_904] : memref<32x8192x128xf32, #tpu.memory_space<hbm>> -> memref<1x128x128xf32, #tpu.memory_space<hbm>>
      %dma_wait3A_906 = tpu.memref_squeeze %dma_wait3A_905 : memref<1x128x128xf32, #tpu.memory_space<hbm>> -> memref<128x128xf32, #tpu.memory_space<hbm>>
      %dma_wait3A_907 = arith.constant 1536 : i32
      %dma_wait3A_908 = arith.constant 0 : i32
      %dma_wait3A_909 = tpu.memref_slice %arg4[%add3A, %dma_wait3A_907, %dma_wait3A_908] : memref<32x8192x128xf32, #tpu.memory_space<hbm>> -> memref<1x128x128xf32, #tpu.memory_space<hbm>>
      %dma_wait3A_910 = tpu.memref_squeeze %dma_wait3A_909 : memref<1x128x128xf32, #tpu.memory_space<hbm>> -> memref<128x128xf32, #tpu.memory_space<hbm>>
      tpu.wait_dma2 semaphore(%run_scoped3A : memref<!tpu.dma_semaphore, #tpu.memory_space<semaphore_mem>>) src(%arg6 : memref<128x128xf32, #tpu.memory_space<vmem>>) dst(%dma_wait3A_910 : memref<128x128xf32, #tpu.memory_space<hbm>>)
      tpu.yield
    }) : () -> ()
    %dma_start3A_181 = arith.constant 13 : i32
    %dma_start3A_182 = arith.constant 0 : i32
    %dma_start3A_183 = tpu.memref_slice %arg5[%dma_start3A_181, %dma_start3A_182] : memref<64x128xi32, #tpu.memory_space<vmem>> -> memref<1x128xi32, #tpu.memory_space<vmem>>
    %dma_start3A_184 = tpu.memref_squeeze %dma_start3A_183 : memref<1x128xi32, #tpu.memory_space<vmem>> -> memref<128xi32, #tpu.memory_space<vmem>>
    %dma_start3A_185 = arith.constant 0 : i32
    %dma_start3A_186 = arith.constant 0 : i32
    %dma_start3A_187 = tpu.memref_slice %arg2[%dma_start3A_185, %dma_start3A_186] : memref<8192x128xf32, #tpu.memory_space<hbm>> -> memref<8192x128xf32, #tpu.memory_space<hbm>>
    tpu.enqueue_indirect_dma source(%dma_start3A_187 : memref<8192x128xf32, #tpu.memory_space<hbm>>) target(%arg6 : memref<128x128xf32, #tpu.memory_space<vmem>>) offsets(%dma_start3A_184 : memref<128xi32, #tpu.memory_space<vmem>>) semaphore(%arg7 : memref<!tpu.dma_semaphore, #tpu.memory_space<semaphore_mem>>)
    %dma_wait3A_188 = arith.constant 13 : i32
    %dma_wait3A_189 = arith.constant 0 : i32
    %dma_wait3A_190 = tpu.memref_slice %arg5[%dma_wait3A_188, %dma_wait3A_189] : memref<64x128xi32, #tpu.memory_space<vmem>> -> memref<1x128xi32, #tpu.memory_space<vmem>>
    %dma_wait3A_191 = tpu.memref_squeeze %dma_wait3A_190 : memref<1x128xi32, #tpu.memory_space<vmem>> -> memref<128xi32, #tpu.memory_space<vmem>>
    %dma_wait3A_192 = arith.constant 0 : i32
    %dma_wait3A_193 = arith.constant 0 : i32
    %dma_wait3A_194 = tpu.memref_slice %arg2[%dma_wait3A_192, %dma_wait3A_193] : memref<8192x128xf32, #tpu.memory_space<hbm>> -> memref<8192x128xf32, #tpu.memory_space<hbm>>
    tpu.wait_indirect_dma semaphore(%arg7 : memref<!tpu.dma_semaphore, #tpu.memory_space<semaphore_mem>>) src(%dma_wait3A_194 : memref<8192x128xf32, #tpu.memory_space<hbm>>) dst(%arg6 : memref<128x128xf32, #tpu.memory_space<vmem>>)
    "tpu.region"() ({
      %run_scoped3A = tpu.sem_alloc : memref<!tpu.dma_semaphore, #tpu.memory_space<semaphore_mem>>
      %dma_start3A_895 = arith.constant 1664 : i32
      %dma_start3A_896 = arith.constant 0 : i32
      %dma_start3A_897 = tpu.memref_slice %arg4[%add3A, %dma_start3A_895, %dma_start3A_896] : memref<32x8192x128xf32, #tpu.memory_space<hbm>> -> memref<1x128x128xf32, #tpu.memory_space<hbm>>
      %dma_start3A_898 = tpu.memref_squeeze %dma_start3A_897 : memref<1x128x128xf32, #tpu.memory_space<hbm>> -> memref<128x128xf32, #tpu.memory_space<hbm>>
      %dma_start3A_899 = arith.constant 1664 : i32
      %dma_start3A_900 = arith.constant 0 : i32
      %dma_start3A_901 = tpu.memref_slice %arg4[%add3A, %dma_start3A_899, %dma_start3A_900] : memref<32x8192x128xf32, #tpu.memory_space<hbm>> -> memref<1x128x128xf32, #tpu.memory_space<hbm>>
      %dma_start3A_902 = tpu.memref_squeeze %dma_start3A_901 : memref<1x128x128xf32, #tpu.memory_space<hbm>> -> memref<128x128xf32, #tpu.memory_space<hbm>>
      tpu.enqueue_dma source(%arg6 : memref<128x128xf32, #tpu.memory_space<vmem>>) target(%dma_start3A_902 : memref<128x128xf32, #tpu.memory_space<hbm>>) target_semaphore(%run_scoped3A : memref<!tpu.dma_semaphore, #tpu.memory_space<semaphore_mem>>)
      %dma_wait3A_903 = arith.constant 1664 : i32
      %dma_wait3A_904 = arith.constant 0 : i32
      %dma_wait3A_905 = tpu.memref_slice %arg4[%add3A, %dma_wait3A_903, %dma_wait3A_904] : memref<32x8192x128xf32, #tpu.memory_space<hbm>> -> memref<1x128x128xf32, #tpu.memory_space<hbm>>
      %dma_wait3A_906 = tpu.memref_squeeze %dma_wait3A_905 : memref<1x128x128xf32, #tpu.memory_space<hbm>> -> memref<128x128xf32, #tpu.memory_space<hbm>>
      %dma_wait3A_907 = arith.constant 1664 : i32
      %dma_wait3A_908 = arith.constant 0 : i32
      %dma_wait3A_909 = tpu.memref_slice %arg4[%add3A, %dma_wait3A_907, %dma_wait3A_908] : memref<32x8192x128xf32, #tpu.memory_space<hbm>> -> memref<1x128x128xf32, #tpu.memory_space<hbm>>
      %dma_wait3A_910 = tpu.memref_squeeze %dma_wait3A_909 : memref<1x128x128xf32, #tpu.memory_space<hbm>> -> memref<128x128xf32, #tpu.memory_space<hbm>>
      tpu.wait_dma2 semaphore(%run_scoped3A : memref<!tpu.dma_semaphore, #tpu.memory_space<semaphore_mem>>) src(%arg6 : memref<128x128xf32, #tpu.memory_space<vmem>>) dst(%dma_wait3A_910 : memref<128x128xf32, #tpu.memory_space<hbm>>)
      tpu.yield
    }) : () -> ()
    %dma_start3A_195 = arith.constant 14 : i32
    %dma_start3A_196 = arith.constant 0 : i32
    %dma_start3A_197 = tpu.memref_slice %arg5[%dma_start3A_195, %dma_start3A_196] : memref<64x128xi32, #tpu.memory_space<vmem>> -> memref<1x128xi32, #tpu.memory_space<vmem>>
    %dma_start3A_198 = tpu.memref_squeeze %dma_start3A_197 : memref<1x128xi32, #tpu.memory_space<vmem>> -> memref<128xi32, #tpu.memory_space<vmem>>
    %dma_start3A_199 = arith.constant 0 : i32
    %dma_start3A_200 = arith.constant 0 : i32
    %dma_start3A_201 = tpu.memref_slice %arg2[%dma_start3A_199, %dma_start3A_200] : memref<8192x128xf32, #tpu.memory_space<hbm>> -> memref<8192x128xf32, #tpu.memory_space<hbm>>
    tpu.enqueue_indirect_dma source(%dma_start3A_201 : memref<8192x128xf32, #tpu.memory_space<hbm>>) target(%arg6 : memref<128x128xf32, #tpu.memory_space<vmem>>) offsets(%dma_start3A_198 : memref<128xi32, #tpu.memory_space<vmem>>) semaphore(%arg7 : memref<!tpu.dma_semaphore, #tpu.memory_space<semaphore_mem>>)
    %dma_wait3A_202 = arith.constant 14 : i32
    %dma_wait3A_203 = arith.constant 0 : i32
    %dma_wait3A_204 = tpu.memref_slice %arg5[%dma_wait3A_202, %dma_wait3A_203] : memref<64x128xi32, #tpu.memory_space<vmem>> -> memref<1x128xi32, #tpu.memory_space<vmem>>
    %dma_wait3A_205 = tpu.memref_squeeze %dma_wait3A_204 : memref<1x128xi32, #tpu.memory_space<vmem>> -> memref<128xi32, #tpu.memory_space<vmem>>
    %dma_wait3A_206 = arith.constant 0 : i32
    %dma_wait3A_207 = arith.constant 0 : i32
    %dma_wait3A_208 = tpu.memref_slice %arg2[%dma_wait3A_206, %dma_wait3A_207] : memref<8192x128xf32, #tpu.memory_space<hbm>> -> memref<8192x128xf32, #tpu.memory_space<hbm>>
    tpu.wait_indirect_dma semaphore(%arg7 : memref<!tpu.dma_semaphore, #tpu.memory_space<semaphore_mem>>) src(%dma_wait3A_208 : memref<8192x128xf32, #tpu.memory_space<hbm>>) dst(%arg6 : memref<128x128xf32, #tpu.memory_space<vmem>>)
    "tpu.region"() ({
      %run_scoped3A = tpu.sem_alloc : memref<!tpu.dma_semaphore, #tpu.memory_space<semaphore_mem>>
      %dma_start3A_895 = arith.constant 1792 : i32
      %dma_start3A_896 = arith.constant 0 : i32
      %dma_start3A_897 = tpu.memref_slice %arg4[%add3A, %dma_start3A_895, %dma_start3A_896] : memref<32x8192x128xf32, #tpu.memory_space<hbm>> -> memref<1x128x128xf32, #tpu.memory_space<hbm>>
      %dma_start3A_898 = tpu.memref_squeeze %dma_start3A_897 : memref<1x128x128xf32, #tpu.memory_space<hbm>> -> memref<128x128xf32, #tpu.memory_space<hbm>>
      %dma_start3A_899 = arith.constant 1792 : i32
      %dma_start3A_900 = arith.constant 0 : i32
      %dma_start3A_901 = tpu.memref_slice %arg4[%add3A, %dma_start3A_899, %dma_start3A_900] : memref<32x8192x128xf32, #tpu.memory_space<hbm>> -> memref<1x128x128xf32, #tpu.memory_space<hbm>>
      %dma_start3A_902 = tpu.memref_squeeze %dma_start3A_901 : memref<1x128x128xf32, #tpu.memory_space<hbm>> -> memref<128x128xf32, #tpu.memory_space<hbm>>
      tpu.enqueue_dma source(%arg6 : memref<128x128xf32, #tpu.memory_space<vmem>>) target(%dma_start3A_902 : memref<128x128xf32, #tpu.memory_space<hbm>>) target_semaphore(%run_scoped3A : memref<!tpu.dma_semaphore, #tpu.memory_space<semaphore_mem>>)
      %dma_wait3A_903 = arith.constant 1792 : i32
      %dma_wait3A_904 = arith.constant 0 : i32
      %dma_wait3A_905 = tpu.memref_slice %arg4[%add3A, %dma_wait3A_903, %dma_wait3A_904] : memref<32x8192x128xf32, #tpu.memory_space<hbm>> -> memref<1x128x128xf32, #tpu.memory_space<hbm>>
      %dma_wait3A_906 = tpu.memref_squeeze %dma_wait3A_905 : memref<1x128x128xf32, #tpu.memory_space<hbm>> -> memref<128x128xf32, #tpu.memory_space<hbm>>
      %dma_wait3A_907 = arith.constant 1792 : i32
      %dma_wait3A_908 = arith.constant 0 : i32
      %dma_wait3A_909 = tpu.memref_slice %arg4[%add3A, %dma_wait3A_907, %dma_wait3A_908] : memref<32x8192x128xf32, #tpu.memory_space<hbm>> -> memref<1x128x128xf32, #tpu.memory_space<hbm>>
      %dma_wait3A_910 = tpu.memref_squeeze %dma_wait3A_909 : memref<1x128x128xf32, #tpu.memory_space<hbm>> -> memref<128x128xf32, #tpu.memory_space<hbm>>
      tpu.wait_dma2 semaphore(%run_scoped3A : memref<!tpu.dma_semaphore, #tpu.memory_space<semaphore_mem>>) src(%arg6 : memref<128x128xf32, #tpu.memory_space<vmem>>) dst(%dma_wait3A_910 : memref<128x128xf32, #tpu.memory_space<hbm>>)
      tpu.yield
    }) : () -> ()
    %dma_start3A_209 = arith.constant 15 : i32
    %dma_start3A_210 = arith.constant 0 : i32
    %dma_start3A_211 = tpu.memref_slice %arg5[%dma_start3A_209, %dma_start3A_210] : memref<64x128xi32, #tpu.memory_space<vmem>> -> memref<1x128xi32, #tpu.memory_space<vmem>>
    %dma_start3A_212 = tpu.memref_squeeze %dma_start3A_211 : memref<1x128xi32, #tpu.memory_space<vmem>> -> memref<128xi32, #tpu.memory_space<vmem>>
    %dma_start3A_213 = arith.constant 0 : i32
    %dma_start3A_214 = arith.constant 0 : i32
    %dma_start3A_215 = tpu.memref_slice %arg2[%dma_start3A_213, %dma_start3A_214] : memref<8192x128xf32, #tpu.memory_space<hbm>> -> memref<8192x128xf32, #tpu.memory_space<hbm>>
    tpu.enqueue_indirect_dma source(%dma_start3A_215 : memref<8192x128xf32, #tpu.memory_space<hbm>>) target(%arg6 : memref<128x128xf32, #tpu.memory_space<vmem>>) offsets(%dma_start3A_212 : memref<128xi32, #tpu.memory_space<vmem>>) semaphore(%arg7 : memref<!tpu.dma_semaphore, #tpu.memory_space<semaphore_mem>>)
    %dma_wait3A_216 = arith.constant 15 : i32
    %dma_wait3A_217 = arith.constant 0 : i32
    %dma_wait3A_218 = tpu.memref_slice %arg5[%dma_wait3A_216, %dma_wait3A_217] : memref<64x128xi32, #tpu.memory_space<vmem>> -> memref<1x128xi32, #tpu.memory_space<vmem>>
    %dma_wait3A_219 = tpu.memref_squeeze %dma_wait3A_218 : memref<1x128xi32, #tpu.memory_space<vmem>> -> memref<128xi32, #tpu.memory_space<vmem>>
    %dma_wait3A_220 = arith.constant 0 : i32
    %dma_wait3A_221 = arith.constant 0 : i32
    %dma_wait3A_222 = tpu.memref_slice %arg2[%dma_wait3A_220, %dma_wait3A_221] : memref<8192x128xf32, #tpu.memory_space<hbm>> -> memref<8192x128xf32, #tpu.memory_space<hbm>>
    tpu.wait_indirect_dma semaphore(%arg7 : memref<!tpu.dma_semaphore, #tpu.memory_space<semaphore_mem>>) src(%dma_wait3A_222 : memref<8192x128xf32, #tpu.memory_space<hbm>>) dst(%arg6 : memref<128x128xf32, #tpu.memory_space<vmem>>)
    "tpu.region"() ({
      %run_scoped3A = tpu.sem_alloc : memref<!tpu.dma_semaphore, #tpu.memory_space<semaphore_mem>>
      %dma_start3A_895 = arith.constant 1920 : i32
      %dma_start3A_896 = arith.constant 0 : i32
      %dma_start3A_897 = tpu.memref_slice %arg4[%add3A, %dma_start3A_895, %dma_start3A_896] : memref<32x8192x128xf32, #tpu.memory_space<hbm>> -> memref<1x128x128xf32, #tpu.memory_space<hbm>>
      %dma_start3A_898 = tpu.memref_squeeze %dma_start3A_897 : memref<1x128x128xf32, #tpu.memory_space<hbm>> -> memref<128x128xf32, #tpu.memory_space<hbm>>
      %dma_start3A_899 = arith.constant 1920 : i32
      %dma_start3A_900 = arith.constant 0 : i32
      %dma_start3A_901 = tpu.memref_slice %arg4[%add3A, %dma_start3A_899, %dma_start3A_900] : memref<32x8192x128xf32, #tpu.memory_space<hbm>> -> memref<1x128x128xf32, #tpu.memory_space<hbm>>
      %dma_start3A_902 = tpu.memref_squeeze %dma_start3A_901 : memref<1x128x128xf32, #tpu.memory_space<hbm>> -> memref<128x128xf32, #tpu.memory_space<hbm>>
      tpu.enqueue_dma source(%arg6 : memref<128x128xf32, #tpu.memory_space<vmem>>) target(%dma_start3A_902 : memref<128x128xf32, #tpu.memory_space<hbm>>) target_semaphore(%run_scoped3A : memref<!tpu.dma_semaphore, #tpu.memory_space<semaphore_mem>>)
      %dma_wait3A_903 = arith.constant 1920 : i32
      %dma_wait3A_904 = arith.constant 0 : i32
      %dma_wait3A_905 = tpu.memref_slice %arg4[%add3A, %dma_wait3A_903, %dma_wait3A_904] : memref<32x8192x128xf32, #tpu.memory_space<hbm>> -> memref<1x128x128xf32, #tpu.memory_space<hbm>>
      %dma_wait3A_906 = tpu.memref_squeeze %dma_wait3A_905 : memref<1x128x128xf32, #tpu.memory_space<hbm>> -> memref<128x128xf32, #tpu.memory_space<hbm>>
      %dma_wait3A_907 = arith.constant 1920 : i32
      %dma_wait3A_908 = arith.constant 0 : i32
      %dma_wait3A_909 = tpu.memref_slice %arg4[%add3A, %dma_wait3A_907, %dma_wait3A_908] : memref<32x8192x128xf32, #tpu.memory_space<hbm>> -> memref<1x128x128xf32, #tpu.memory_space<hbm>>
      %dma_wait3A_910 = tpu.memref_squeeze %dma_wait3A_909 : memref<1x128x128xf32, #tpu.memory_space<hbm>> -> memref<128x128xf32, #tpu.memory_space<hbm>>
      tpu.wait_dma2 semaphore(%run_scoped3A : memref<!tpu.dma_semaphore, #tpu.memory_space<semaphore_mem>>) src(%arg6 : memref<128x128xf32, #tpu.memory_space<vmem>>) dst(%dma_wait3A_910 : memref<128x128xf32, #tpu.memory_space<hbm>>)
      tpu.yield
    }) : () -> ()
    %dma_start3A_223 = arith.constant 16 : i32
    %dma_start3A_224 = arith.constant 0 : i32
    %dma_start3A_225 = tpu.memref_slice %arg5[%dma_start3A_223, %dma_start3A_224] : memref<64x128xi32, #tpu.memory_space<vmem>> -> memref<1x128xi32, #tpu.memory_space<vmem>>
    %dma_start3A_226 = tpu.memref_squeeze %dma_start3A_225 : memref<1x128xi32, #tpu.memory_space<vmem>> -> memref<128xi32, #tpu.memory_space<vmem>>
    %dma_start3A_227 = arith.constant 0 : i32
    %dma_start3A_228 = arith.constant 0 : i32
    %dma_start3A_229 = tpu.memref_slice %arg2[%dma_start3A_227, %dma_start3A_228] : memref<8192x128xf32, #tpu.memory_space<hbm>> -> memref<8192x128xf32, #tpu.memory_space<hbm>>
    tpu.enqueue_indirect_dma source(%dma_start3A_229 : memref<8192x128xf32, #tpu.memory_space<hbm>>) target(%arg6 : memref<128x128xf32, #tpu.memory_space<vmem>>) offsets(%dma_start3A_226 : memref<128xi32, #tpu.memory_space<vmem>>) semaphore(%arg7 : memref<!tpu.dma_semaphore, #tpu.memory_space<semaphore_mem>>)
    %dma_wait3A_230 = arith.constant 16 : i32
    %dma_wait3A_231 = arith.constant 0 : i32
    %dma_wait3A_232 = tpu.memref_slice %arg5[%dma_wait3A_230, %dma_wait3A_231] : memref<64x128xi32, #tpu.memory_space<vmem>> -> memref<1x128xi32, #tpu.memory_space<vmem>>
    %dma_wait3A_233 = tpu.memref_squeeze %dma_wait3A_232 : memref<1x128xi32, #tpu.memory_space<vmem>> -> memref<128xi32, #tpu.memory_space<vmem>>
    %dma_wait3A_234 = arith.constant 0 : i32
    %dma_wait3A_235 = arith.constant 0 : i32
    %dma_wait3A_236 = tpu.memref_slice %arg2[%dma_wait3A_234, %dma_wait3A_235] : memref<8192x128xf32, #tpu.memory_space<hbm>> -> memref<8192x128xf32, #tpu.memory_space<hbm>>
    tpu.wait_indirect_dma semaphore(%arg7 : memref<!tpu.dma_semaphore, #tpu.memory_space<semaphore_mem>>) src(%dma_wait3A_236 : memref<8192x128xf32, #tpu.memory_space<hbm>>) dst(%arg6 : memref<128x128xf32, #tpu.memory_space<vmem>>)
    "tpu.region"() ({
      %run_scoped3A = tpu.sem_alloc : memref<!tpu.dma_semaphore, #tpu.memory_space<semaphore_mem>>
      %dma_start3A_895 = arith.constant 2048 : i32
      %dma_start3A_896 = arith.constant 0 : i32
      %dma_start3A_897 = tpu.memref_slice %arg4[%add3A, %dma_start3A_895, %dma_start3A_896] : memref<32x8192x128xf32, #tpu.memory_space<hbm>> -> memref<1x128x128xf32, #tpu.memory_space<hbm>>
      %dma_start3A_898 = tpu.memref_squeeze %dma_start3A_897 : memref<1x128x128xf32, #tpu.memory_space<hbm>> -> memref<128x128xf32, #tpu.memory_space<hbm>>
      %dma_start3A_899 = arith.constant 2048 : i32
      %dma_start3A_900 = arith.constant 0 : i32
      %dma_start3A_901 = tpu.memref_slice %arg4[%add3A, %dma_start3A_899, %dma_start3A_900] : memref<32x8192x128xf32, #tpu.memory_space<hbm>> -> memref<1x128x128xf32, #tpu.memory_space<hbm>>
      %dma_start3A_902 = tpu.memref_squeeze %dma_start3A_901 : memref<1x128x128xf32, #tpu.memory_space<hbm>> -> memref<128x128xf32, #tpu.memory_space<hbm>>
      tpu.enqueue_dma source(%arg6 : memref<128x128xf32, #tpu.memory_space<vmem>>) target(%dma_start3A_902 : memref<128x128xf32, #tpu.memory_space<hbm>>) target_semaphore(%run_scoped3A : memref<!tpu.dma_semaphore, #tpu.memory_space<semaphore_mem>>)
      %dma_wait3A_903 = arith.constant 2048 : i32
      %dma_wait3A_904 = arith.constant 0 : i32
      %dma_wait3A_905 = tpu.memref_slice %arg4[%add3A, %dma_wait3A_903, %dma_wait3A_904] : memref<32x8192x128xf32, #tpu.memory_space<hbm>> -> memref<1x128x128xf32, #tpu.memory_space<hbm>>
      %dma_wait3A_906 = tpu.memref_squeeze %dma_wait3A_905 : memref<1x128x128xf32, #tpu.memory_space<hbm>> -> memref<128x128xf32, #tpu.memory_space<hbm>>
      %dma_wait3A_907 = arith.constant 2048 : i32
      %dma_wait3A_908 = arith.constant 0 : i32
      %dma_wait3A_909 = tpu.memref_slice %arg4[%add3A, %dma_wait3A_907, %dma_wait3A_908] : memref<32x8192x128xf32, #tpu.memory_space<hbm>> -> memref<1x128x128xf32, #tpu.memory_space<hbm>>
      %dma_wait3A_910 = tpu.memref_squeeze %dma_wait3A_909 : memref<1x128x128xf32, #tpu.memory_space<hbm>> -> memref<128x128xf32, #tpu.memory_space<hbm>>
      tpu.wait_dma2 semaphore(%run_scoped3A : memref<!tpu.dma_semaphore, #tpu.memory_space<semaphore_mem>>) src(%arg6 : memref<128x128xf32, #tpu.memory_space<vmem>>) dst(%dma_wait3A_910 : memref<128x128xf32, #tpu.memory_space<hbm>>)
      tpu.yield
    }) : () -> ()
    %dma_start3A_237 = arith.constant 17 : i32
    %dma_start3A_238 = arith.constant 0 : i32
    %dma_start3A_239 = tpu.memref_slice %arg5[%dma_start3A_237, %dma_start3A_238] : memref<64x128xi32, #tpu.memory_space<vmem>> -> memref<1x128xi32, #tpu.memory_space<vmem>>
    %dma_start3A_240 = tpu.memref_squeeze %dma_start3A_239 : memref<1x128xi32, #tpu.memory_space<vmem>> -> memref<128xi32, #tpu.memory_space<vmem>>
    %dma_start3A_241 = arith.constant 0 : i32
    %dma_start3A_242 = arith.constant 0 : i32
    %dma_start3A_243 = tpu.memref_slice %arg2[%dma_start3A_241, %dma_start3A_242] : memref<8192x128xf32, #tpu.memory_space<hbm>> -> memref<8192x128xf32, #tpu.memory_space<hbm>>
    tpu.enqueue_indirect_dma source(%dma_start3A_243 : memref<8192x128xf32, #tpu.memory_space<hbm>>) target(%arg6 : memref<128x128xf32, #tpu.memory_space<vmem>>) offsets(%dma_start3A_240 : memref<128xi32, #tpu.memory_space<vmem>>) semaphore(%arg7 : memref<!tpu.dma_semaphore, #tpu.memory_space<semaphore_mem>>)
    %dma_wait3A_244 = arith.constant 17 : i32
    %dma_wait3A_245 = arith.constant 0 : i32
    %dma_wait3A_246 = tpu.memref_slice %arg5[%dma_wait3A_244, %dma_wait3A_245] : memref<64x128xi32, #tpu.memory_space<vmem>> -> memref<1x128xi32, #tpu.memory_space<vmem>>
    %dma_wait3A_247 = tpu.memref_squeeze %dma_wait3A_246 : memref<1x128xi32, #tpu.memory_space<vmem>> -> memref<128xi32, #tpu.memory_space<vmem>>
    %dma_wait3A_248 = arith.constant 0 : i32
    %dma_wait3A_249 = arith.constant 0 : i32
    %dma_wait3A_250 = tpu.memref_slice %arg2[%dma_wait3A_248, %dma_wait3A_249] : memref<8192x128xf32, #tpu.memory_space<hbm>> -> memref<8192x128xf32, #tpu.memory_space<hbm>>
    tpu.wait_indirect_dma semaphore(%arg7 : memref<!tpu.dma_semaphore, #tpu.memory_space<semaphore_mem>>) src(%dma_wait3A_250 : memref<8192x128xf32, #tpu.memory_space<hbm>>) dst(%arg6 : memref<128x128xf32, #tpu.memory_space<vmem>>)
    "tpu.region"() ({
      %run_scoped3A = tpu.sem_alloc : memref<!tpu.dma_semaphore, #tpu.memory_space<semaphore_mem>>
      %dma_start3A_895 = arith.constant 2176 : i32
      %dma_start3A_896 = arith.constant 0 : i32
      %dma_start3A_897 = tpu.memref_slice %arg4[%add3A, %dma_start3A_895, %dma_start3A_896] : memref<32x8192x128xf32, #tpu.memory_space<hbm>> -> memref<1x128x128xf32, #tpu.memory_space<hbm>>
      %dma_start3A_898 = tpu.memref_squeeze %dma_start3A_897 : memref<1x128x128xf32, #tpu.memory_space<hbm>> -> memref<128x128xf32, #tpu.memory_space<hbm>>
      %dma_start3A_899 = arith.constant 2176 : i32
      %dma_start3A_900 = arith.constant 0 : i32
      %dma_start3A_901 = tpu.memref_slice %arg4[%add3A, %dma_start3A_899, %dma_start3A_900] : memref<32x8192x128xf32, #tpu.memory_space<hbm>> -> memref<1x128x128xf32, #tpu.memory_space<hbm>>
      %dma_start3A_902 = tpu.memref_squeeze %dma_start3A_901 : memref<1x128x128xf32, #tpu.memory_space<hbm>> -> memref<128x128xf32, #tpu.memory_space<hbm>>
      tpu.enqueue_dma source(%arg6 : memref<128x128xf32, #tpu.memory_space<vmem>>) target(%dma_start3A_902 : memref<128x128xf32, #tpu.memory_space<hbm>>) target_semaphore(%run_scoped3A : memref<!tpu.dma_semaphore, #tpu.memory_space<semaphore_mem>>)
      %dma_wait3A_903 = arith.constant 2176 : i32
      %dma_wait3A_904 = arith.constant 0 : i32
      %dma_wait3A_905 = tpu.memref_slice %arg4[%add3A, %dma_wait3A_903, %dma_wait3A_904] : memref<32x8192x128xf32, #tpu.memory_space<hbm>> -> memref<1x128x128xf32, #tpu.memory_space<hbm>>
      %dma_wait3A_906 = tpu.memref_squeeze %dma_wait3A_905 : memref<1x128x128xf32, #tpu.memory_space<hbm>> -> memref<128x128xf32, #tpu.memory_space<hbm>>
      %dma_wait3A_907 = arith.constant 2176 : i32
      %dma_wait3A_908 = arith.constant 0 : i32
      %dma_wait3A_909 = tpu.memref_slice %arg4[%add3A, %dma_wait3A_907, %dma_wait3A_908] : memref<32x8192x128xf32, #tpu.memory_space<hbm>> -> memref<1x128x128xf32, #tpu.memory_space<hbm>>
      %dma_wait3A_910 = tpu.memref_squeeze %dma_wait3A_909 : memref<1x128x128xf32, #tpu.memory_space<hbm>> -> memref<128x128xf32, #tpu.memory_space<hbm>>
      tpu.wait_dma2 semaphore(%run_scoped3A : memref<!tpu.dma_semaphore, #tpu.memory_space<semaphore_mem>>) src(%arg6 : memref<128x128xf32, #tpu.memory_space<vmem>>) dst(%dma_wait3A_910 : memref<128x128xf32, #tpu.memory_space<hbm>>)
      tpu.yield
    }) : () -> ()
    %dma_start3A_251 = arith.constant 18 : i32
    %dma_start3A_252 = arith.constant 0 : i32
    %dma_start3A_253 = tpu.memref_slice %arg5[%dma_start3A_251, %dma_start3A_252] : memref<64x128xi32, #tpu.memory_space<vmem>> -> memref<1x128xi32, #tpu.memory_space<vmem>>
    %dma_start3A_254 = tpu.memref_squeeze %dma_start3A_253 : memref<1x128xi32, #tpu.memory_space<vmem>> -> memref<128xi32, #tpu.memory_space<vmem>>
    %dma_start3A_255 = arith.constant 0 : i32
    %dma_start3A_256 = arith.constant 0 : i32
    %dma_start3A_257 = tpu.memref_slice %arg2[%dma_start3A_255, %dma_start3A_256] : memref<8192x128xf32, #tpu.memory_space<hbm>> -> memref<8192x128xf32, #tpu.memory_space<hbm>>
    tpu.enqueue_indirect_dma source(%dma_start3A_257 : memref<8192x128xf32, #tpu.memory_space<hbm>>) target(%arg6 : memref<128x128xf32, #tpu.memory_space<vmem>>) offsets(%dma_start3A_254 : memref<128xi32, #tpu.memory_space<vmem>>) semaphore(%arg7 : memref<!tpu.dma_semaphore, #tpu.memory_space<semaphore_mem>>)
    %dma_wait3A_258 = arith.constant 18 : i32
    %dma_wait3A_259 = arith.constant 0 : i32
    %dma_wait3A_260 = tpu.memref_slice %arg5[%dma_wait3A_258, %dma_wait3A_259] : memref<64x128xi32, #tpu.memory_space<vmem>> -> memref<1x128xi32, #tpu.memory_space<vmem>>
    %dma_wait3A_261 = tpu.memref_squeeze %dma_wait3A_260 : memref<1x128xi32, #tpu.memory_space<vmem>> -> memref<128xi32, #tpu.memory_space<vmem>>
    %dma_wait3A_262 = arith.constant 0 : i32
    %dma_wait3A_263 = arith.constant 0 : i32
    %dma_wait3A_264 = tpu.memref_slice %arg2[%dma_wait3A_262, %dma_wait3A_263] : memref<8192x128xf32, #tpu.memory_space<hbm>> -> memref<8192x128xf32, #tpu.memory_space<hbm>>
    tpu.wait_indirect_dma semaphore(%arg7 : memref<!tpu.dma_semaphore, #tpu.memory_space<semaphore_mem>>) src(%dma_wait3A_264 : memref<8192x128xf32, #tpu.memory_space<hbm>>) dst(%arg6 : memref<128x128xf32, #tpu.memory_space<vmem>>)
    "tpu.region"() ({
      %run_scoped3A = tpu.sem_alloc : memref<!tpu.dma_semaphore, #tpu.memory_space<semaphore_mem>>
      %dma_start3A_895 = arith.constant 2304 : i32
      %dma_start3A_896 = arith.constant 0 : i32
      %dma_start3A_897 = tpu.memref_slice %arg4[%add3A, %dma_start3A_895, %dma_start3A_896] : memref<32x8192x128xf32, #tpu.memory_space<hbm>> -> memref<1x128x128xf32, #tpu.memory_space<hbm>>
      %dma_start3A_898 = tpu.memref_squeeze %dma_start3A_897 : memref<1x128x128xf32, #tpu.memory_space<hbm>> -> memref<128x128xf32, #tpu.memory_space<hbm>>
      %dma_start3A_899 = arith.constant 2304 : i32
      %dma_start3A_900 = arith.constant 0 : i32
      %dma_start3A_901 = tpu.memref_slice %arg4[%add3A, %dma_start3A_899, %dma_start3A_900] : memref<32x8192x128xf32, #tpu.memory_space<hbm>> -> memref<1x128x128xf32, #tpu.memory_space<hbm>>
      %dma_start3A_902 = tpu.memref_squeeze %dma_start3A_901 : memref<1x128x128xf32, #tpu.memory_space<hbm>> -> memref<128x128xf32, #tpu.memory_space<hbm>>
      tpu.enqueue_dma source(%arg6 : memref<128x128xf32, #tpu.memory_space<vmem>>) target(%dma_start3A_902 : memref<128x128xf32, #tpu.memory_space<hbm>>) target_semaphore(%run_scoped3A : memref<!tpu.dma_semaphore, #tpu.memory_space<semaphore_mem>>)
      %dma_wait3A_903 = arith.constant 2304 : i32
      %dma_wait3A_904 = arith.constant 0 : i32
      %dma_wait3A_905 = tpu.memref_slice %arg4[%add3A, %dma_wait3A_903, %dma_wait3A_904] : memref<32x8192x128xf32, #tpu.memory_space<hbm>> -> memref<1x128x128xf32, #tpu.memory_space<hbm>>
      %dma_wait3A_906 = tpu.memref_squeeze %dma_wait3A_905 : memref<1x128x128xf32, #tpu.memory_space<hbm>> -> memref<128x128xf32, #tpu.memory_space<hbm>>
      %dma_wait3A_907 = arith.constant 2304 : i32
      %dma_wait3A_908 = arith.constant 0 : i32
      %dma_wait3A_909 = tpu.memref_slice %arg4[%add3A, %dma_wait3A_907, %dma_wait3A_908] : memref<32x8192x128xf32, #tpu.memory_space<hbm>> -> memref<1x128x128xf32, #tpu.memory_space<hbm>>
      %dma_wait3A_910 = tpu.memref_squeeze %dma_wait3A_909 : memref<1x128x128xf32, #tpu.memory_space<hbm>> -> memref<128x128xf32, #tpu.memory_space<hbm>>
      tpu.wait_dma2 semaphore(%run_scoped3A : memref<!tpu.dma_semaphore, #tpu.memory_space<semaphore_mem>>) src(%arg6 : memref<128x128xf32, #tpu.memory_space<vmem>>) dst(%dma_wait3A_910 : memref<128x128xf32, #tpu.memory_space<hbm>>)
      tpu.yield
    }) : () -> ()
    %dma_start3A_265 = arith.constant 19 : i32
    %dma_start3A_266 = arith.constant 0 : i32
    %dma_start3A_267 = tpu.memref_slice %arg5[%dma_start3A_265, %dma_start3A_266] : memref<64x128xi32, #tpu.memory_space<vmem>> -> memref<1x128xi32, #tpu.memory_space<vmem>>
    %dma_start3A_268 = tpu.memref_squeeze %dma_start3A_267 : memref<1x128xi32, #tpu.memory_space<vmem>> -> memref<128xi32, #tpu.memory_space<vmem>>
    %dma_start3A_269 = arith.constant 0 : i32
    %dma_start3A_270 = arith.constant 0 : i32
    %dma_start3A_271 = tpu.memref_slice %arg2[%dma_start3A_269, %dma_start3A_270] : memref<8192x128xf32, #tpu.memory_space<hbm>> -> memref<8192x128xf32, #tpu.memory_space<hbm>>
    tpu.enqueue_indirect_dma source(%dma_start3A_271 : memref<8192x128xf32, #tpu.memory_space<hbm>>) target(%arg6 : memref<128x128xf32, #tpu.memory_space<vmem>>) offsets(%dma_start3A_268 : memref<128xi32, #tpu.memory_space<vmem>>) semaphore(%arg7 : memref<!tpu.dma_semaphore, #tpu.memory_space<semaphore_mem>>)
    %dma_wait3A_272 = arith.constant 19 : i32
    %dma_wait3A_273 = arith.constant 0 : i32
    %dma_wait3A_274 = tpu.memref_slice %arg5[%dma_wait3A_272, %dma_wait3A_273] : memref<64x128xi32, #tpu.memory_space<vmem>> -> memref<1x128xi32, #tpu.memory_space<vmem>>
    %dma_wait3A_275 = tpu.memref_squeeze %dma_wait3A_274 : memref<1x128xi32, #tpu.memory_space<vmem>> -> memref<128xi32, #tpu.memory_space<vmem>>
    %dma_wait3A_276 = arith.constant 0 : i32
    %dma_wait3A_277 = arith.constant 0 : i32
    %dma_wait3A_278 = tpu.memref_slice %arg2[%dma_wait3A_276, %dma_wait3A_277] : memref<8192x128xf32, #tpu.memory_space<hbm>> -> memref<8192x128xf32, #tpu.memory_space<hbm>>
    tpu.wait_indirect_dma semaphore(%arg7 : memref<!tpu.dma_semaphore, #tpu.memory_space<semaphore_mem>>) src(%dma_wait3A_278 : memref<8192x128xf32, #tpu.memory_space<hbm>>) dst(%arg6 : memref<128x128xf32, #tpu.memory_space<vmem>>)
    "tpu.region"() ({
      %run_scoped3A = tpu.sem_alloc : memref<!tpu.dma_semaphore, #tpu.memory_space<semaphore_mem>>
      %dma_start3A_895 = arith.constant 2432 : i32
      %dma_start3A_896 = arith.constant 0 : i32
      %dma_start3A_897 = tpu.memref_slice %arg4[%add3A, %dma_start3A_895, %dma_start3A_896] : memref<32x8192x128xf32, #tpu.memory_space<hbm>> -> memref<1x128x128xf32, #tpu.memory_space<hbm>>
      %dma_start3A_898 = tpu.memref_squeeze %dma_start3A_897 : memref<1x128x128xf32, #tpu.memory_space<hbm>> -> memref<128x128xf32, #tpu.memory_space<hbm>>
      %dma_start3A_899 = arith.constant 2432 : i32
      %dma_start3A_900 = arith.constant 0 : i32
      %dma_start3A_901 = tpu.memref_slice %arg4[%add3A, %dma_start3A_899, %dma_start3A_900] : memref<32x8192x128xf32, #tpu.memory_space<hbm>> -> memref<1x128x128xf32, #tpu.memory_space<hbm>>
      %dma_start3A_902 = tpu.memref_squeeze %dma_start3A_901 : memref<1x128x128xf32, #tpu.memory_space<hbm>> -> memref<128x128xf32, #tpu.memory_space<hbm>>
      tpu.enqueue_dma source(%arg6 : memref<128x128xf32, #tpu.memory_space<vmem>>) target(%dma_start3A_902 : memref<128x128xf32, #tpu.memory_space<hbm>>) target_semaphore(%run_scoped3A : memref<!tpu.dma_semaphore, #tpu.memory_space<semaphore_mem>>)
      %dma_wait3A_903 = arith.constant 2432 : i32
      %dma_wait3A_904 = arith.constant 0 : i32
      %dma_wait3A_905 = tpu.memref_slice %arg4[%add3A, %dma_wait3A_903, %dma_wait3A_904] : memref<32x8192x128xf32, #tpu.memory_space<hbm>> -> memref<1x128x128xf32, #tpu.memory_space<hbm>>
      %dma_wait3A_906 = tpu.memref_squeeze %dma_wait3A_905 : memref<1x128x128xf32, #tpu.memory_space<hbm>> -> memref<128x128xf32, #tpu.memory_space<hbm>>
      %dma_wait3A_907 = arith.constant 2432 : i32
      %dma_wait3A_908 = arith.constant 0 : i32
      %dma_wait3A_909 = tpu.memref_slice %arg4[%add3A, %dma_wait3A_907, %dma_wait3A_908] : memref<32x8192x128xf32, #tpu.memory_space<hbm>> -> memref<1x128x128xf32, #tpu.memory_space<hbm>>
      %dma_wait3A_910 = tpu.memref_squeeze %dma_wait3A_909 : memref<1x128x128xf32, #tpu.memory_space<hbm>> -> memref<128x128xf32, #tpu.memory_space<hbm>>
      tpu.wait_dma2 semaphore(%run_scoped3A : memref<!tpu.dma_semaphore, #tpu.memory_space<semaphore_mem>>) src(%arg6 : memref<128x128xf32, #tpu.memory_space<vmem>>) dst(%dma_wait3A_910 : memref<128x128xf32, #tpu.memory_space<hbm>>)
      tpu.yield
    }) : () -> ()
    %dma_start3A_279 = arith.constant 20 : i32
    %dma_start3A_280 = arith.constant 0 : i32
    %dma_start3A_281 = tpu.memref_slice %arg5[%dma_start3A_279, %dma_start3A_280] : memref<64x128xi32, #tpu.memory_space<vmem>> -> memref<1x128xi32, #tpu.memory_space<vmem>>
    %dma_start3A_282 = tpu.memref_squeeze %dma_start3A_281 : memref<1x128xi32, #tpu.memory_space<vmem>> -> memref<128xi32, #tpu.memory_space<vmem>>
    %dma_start3A_283 = arith.constant 0 : i32
    %dma_start3A_284 = arith.constant 0 : i32
    %dma_start3A_285 = tpu.memref_slice %arg2[%dma_start3A_283, %dma_start3A_284] : memref<8192x128xf32, #tpu.memory_space<hbm>> -> memref<8192x128xf32, #tpu.memory_space<hbm>>
    tpu.enqueue_indirect_dma source(%dma_start3A_285 : memref<8192x128xf32, #tpu.memory_space<hbm>>) target(%arg6 : memref<128x128xf32, #tpu.memory_space<vmem>>) offsets(%dma_start3A_282 : memref<128xi32, #tpu.memory_space<vmem>>) semaphore(%arg7 : memref<!tpu.dma_semaphore, #tpu.memory_space<semaphore_mem>>)
    %dma_wait3A_286 = arith.constant 20 : i32
    %dma_wait3A_287 = arith.constant 0 : i32
    %dma_wait3A_288 = tpu.memref_slice %arg5[%dma_wait3A_286, %dma_wait3A_287] : memref<64x128xi32, #tpu.memory_space<vmem>> -> memref<1x128xi32, #tpu.memory_space<vmem>>
    %dma_wait3A_289 = tpu.memref_squeeze %dma_wait3A_288 : memref<1x128xi32, #tpu.memory_space<vmem>> -> memref<128xi32, #tpu.memory_space<vmem>>
    %dma_wait3A_290 = arith.constant 0 : i32
    %dma_wait3A_291 = arith.constant 0 : i32
    %dma_wait3A_292 = tpu.memref_slice %arg2[%dma_wait3A_290, %dma_wait3A_291] : memref<8192x128xf32, #tpu.memory_space<hbm>> -> memref<8192x128xf32, #tpu.memory_space<hbm>>
    tpu.wait_indirect_dma semaphore(%arg7 : memref<!tpu.dma_semaphore, #tpu.memory_space<semaphore_mem>>) src(%dma_wait3A_292 : memref<8192x128xf32, #tpu.memory_space<hbm>>) dst(%arg6 : memref<128x128xf32, #tpu.memory_space<vmem>>)
    "tpu.region"() ({
      %run_scoped3A = tpu.sem_alloc : memref<!tpu.dma_semaphore, #tpu.memory_space<semaphore_mem>>
      %dma_start3A_895 = arith.constant 2560 : i32
      %dma_start3A_896 = arith.constant 0 : i32
      %dma_start3A_897 = tpu.memref_slice %arg4[%add3A, %dma_start3A_895, %dma_start3A_896] : memref<32x8192x128xf32, #tpu.memory_space<hbm>> -> memref<1x128x128xf32, #tpu.memory_space<hbm>>
      %dma_start3A_898 = tpu.memref_squeeze %dma_start3A_897 : memref<1x128x128xf32, #tpu.memory_space<hbm>> -> memref<128x128xf32, #tpu.memory_space<hbm>>
      %dma_start3A_899 = arith.constant 2560 : i32
      %dma_start3A_900 = arith.constant 0 : i32
      %dma_start3A_901 = tpu.memref_slice %arg4[%add3A, %dma_start3A_899, %dma_start3A_900] : memref<32x8192x128xf32, #tpu.memory_space<hbm>> -> memref<1x128x128xf32, #tpu.memory_space<hbm>>
      %dma_start3A_902 = tpu.memref_squeeze %dma_start3A_901 : memref<1x128x128xf32, #tpu.memory_space<hbm>> -> memref<128x128xf32, #tpu.memory_space<hbm>>
      tpu.enqueue_dma source(%arg6 : memref<128x128xf32, #tpu.memory_space<vmem>>) target(%dma_start3A_902 : memref<128x128xf32, #tpu.memory_space<hbm>>) target_semaphore(%run_scoped3A : memref<!tpu.dma_semaphore, #tpu.memory_space<semaphore_mem>>)
      %dma_wait3A_903 = arith.constant 2560 : i32
      %dma_wait3A_904 = arith.constant 0 : i32
      %dma_wait3A_905 = tpu.memref_slice %arg4[%add3A, %dma_wait3A_903, %dma_wait3A_904] : memref<32x8192x128xf32, #tpu.memory_space<hbm>> -> memref<1x128x128xf32, #tpu.memory_space<hbm>>
      %dma_wait3A_906 = tpu.memref_squeeze %dma_wait3A_905 : memref<1x128x128xf32, #tpu.memory_space<hbm>> -> memref<128x128xf32, #tpu.memory_space<hbm>>
      %dma_wait3A_907 = arith.constant 2560 : i32
      %dma_wait3A_908 = arith.constant 0 : i32
      %dma_wait3A_909 = tpu.memref_slice %arg4[%add3A, %dma_wait3A_907, %dma_wait3A_908] : memref<32x8192x128xf32, #tpu.memory_space<hbm>> -> memref<1x128x128xf32, #tpu.memory_space<hbm>>
      %dma_wait3A_910 = tpu.memref_squeeze %dma_wait3A_909 : memref<1x128x128xf32, #tpu.memory_space<hbm>> -> memref<128x128xf32, #tpu.memory_space<hbm>>
      tpu.wait_dma2 semaphore(%run_scoped3A : memref<!tpu.dma_semaphore, #tpu.memory_space<semaphore_mem>>) src(%arg6 : memref<128x128xf32, #tpu.memory_space<vmem>>) dst(%dma_wait3A_910 : memref<128x128xf32, #tpu.memory_space<hbm>>)
      tpu.yield
    }) : () -> ()
    %dma_start3A_293 = arith.constant 21 : i32
    %dma_start3A_294 = arith.constant 0 : i32
    %dma_start3A_295 = tpu.memref_slice %arg5[%dma_start3A_293, %dma_start3A_294] : memref<64x128xi32, #tpu.memory_space<vmem>> -> memref<1x128xi32, #tpu.memory_space<vmem>>
    %dma_start3A_296 = tpu.memref_squeeze %dma_start3A_295 : memref<1x128xi32, #tpu.memory_space<vmem>> -> memref<128xi32, #tpu.memory_space<vmem>>
    %dma_start3A_297 = arith.constant 0 : i32
    %dma_start3A_298 = arith.constant 0 : i32
    %dma_start3A_299 = tpu.memref_slice %arg2[%dma_start3A_297, %dma_start3A_298] : memref<8192x128xf32, #tpu.memory_space<hbm>> -> memref<8192x128xf32, #tpu.memory_space<hbm>>
    tpu.enqueue_indirect_dma source(%dma_start3A_299 : memref<8192x128xf32, #tpu.memory_space<hbm>>) target(%arg6 : memref<128x128xf32, #tpu.memory_space<vmem>>) offsets(%dma_start3A_296 : memref<128xi32, #tpu.memory_space<vmem>>) semaphore(%arg7 : memref<!tpu.dma_semaphore, #tpu.memory_space<semaphore_mem>>)
    %dma_wait3A_300 = arith.constant 21 : i32
    %dma_wait3A_301 = arith.constant 0 : i32
    %dma_wait3A_302 = tpu.memref_slice %arg5[%dma_wait3A_300, %dma_wait3A_301] : memref<64x128xi32, #tpu.memory_space<vmem>> -> memref<1x128xi32, #tpu.memory_space<vmem>>
    %dma_wait3A_303 = tpu.memref_squeeze %dma_wait3A_302 : memref<1x128xi32, #tpu.memory_space<vmem>> -> memref<128xi32, #tpu.memory_space<vmem>>
    %dma_wait3A_304 = arith.constant 0 : i32
    %dma_wait3A_305 = arith.constant 0 : i32
    %dma_wait3A_306 = tpu.memref_slice %arg2[%dma_wait3A_304, %dma_wait3A_305] : memref<8192x128xf32, #tpu.memory_space<hbm>> -> memref<8192x128xf32, #tpu.memory_space<hbm>>
    tpu.wait_indirect_dma semaphore(%arg7 : memref<!tpu.dma_semaphore, #tpu.memory_space<semaphore_mem>>) src(%dma_wait3A_306 : memref<8192x128xf32, #tpu.memory_space<hbm>>) dst(%arg6 : memref<128x128xf32, #tpu.memory_space<vmem>>)
    "tpu.region"() ({
      %run_scoped3A = tpu.sem_alloc : memref<!tpu.dma_semaphore, #tpu.memory_space<semaphore_mem>>
      %dma_start3A_895 = arith.constant 2688 : i32
      %dma_start3A_896 = arith.constant 0 : i32
      %dma_start3A_897 = tpu.memref_slice %arg4[%add3A, %dma_start3A_895, %dma_start3A_896] : memref<32x8192x128xf32, #tpu.memory_space<hbm>> -> memref<1x128x128xf32, #tpu.memory_space<hbm>>
      %dma_start3A_898 = tpu.memref_squeeze %dma_start3A_897 : memref<1x128x128xf32, #tpu.memory_space<hbm>> -> memref<128x128xf32, #tpu.memory_space<hbm>>
      %dma_start3A_899 = arith.constant 2688 : i32
      %dma_start3A_900 = arith.constant 0 : i32
      %dma_start3A_901 = tpu.memref_slice %arg4[%add3A, %dma_start3A_899, %dma_start3A_900] : memref<32x8192x128xf32, #tpu.memory_space<hbm>> -> memref<1x128x128xf32, #tpu.memory_space<hbm>>
      %dma_start3A_902 = tpu.memref_squeeze %dma_start3A_901 : memref<1x128x128xf32, #tpu.memory_space<hbm>> -> memref<128x128xf32, #tpu.memory_space<hbm>>
      tpu.enqueue_dma source(%arg6 : memref<128x128xf32, #tpu.memory_space<vmem>>) target(%dma_start3A_902 : memref<128x128xf32, #tpu.memory_space<hbm>>) target_semaphore(%run_scoped3A : memref<!tpu.dma_semaphore, #tpu.memory_space<semaphore_mem>>)
      %dma_wait3A_903 = arith.constant 2688 : i32
      %dma_wait3A_904 = arith.constant 0 : i32
      %dma_wait3A_905 = tpu.memref_slice %arg4[%add3A, %dma_wait3A_903, %dma_wait3A_904] : memref<32x8192x128xf32, #tpu.memory_space<hbm>> -> memref<1x128x128xf32, #tpu.memory_space<hbm>>
      %dma_wait3A_906 = tpu.memref_squeeze %dma_wait3A_905 : memref<1x128x128xf32, #tpu.memory_space<hbm>> -> memref<128x128xf32, #tpu.memory_space<hbm>>
      %dma_wait3A_907 = arith.constant 2688 : i32
      %dma_wait3A_908 = arith.constant 0 : i32
      %dma_wait3A_909 = tpu.memref_slice %arg4[%add3A, %dma_wait3A_907, %dma_wait3A_908] : memref<32x8192x128xf32, #tpu.memory_space<hbm>> -> memref<1x128x128xf32, #tpu.memory_space<hbm>>
      %dma_wait3A_910 = tpu.memref_squeeze %dma_wait3A_909 : memref<1x128x128xf32, #tpu.memory_space<hbm>> -> memref<128x128xf32, #tpu.memory_space<hbm>>
      tpu.wait_dma2 semaphore(%run_scoped3A : memref<!tpu.dma_semaphore, #tpu.memory_space<semaphore_mem>>) src(%arg6 : memref<128x128xf32, #tpu.memory_space<vmem>>) dst(%dma_wait3A_910 : memref<128x128xf32, #tpu.memory_space<hbm>>)
      tpu.yield
    }) : () -> ()
    %dma_start3A_307 = arith.constant 22 : i32
    %dma_start3A_308 = arith.constant 0 : i32
    %dma_start3A_309 = tpu.memref_slice %arg5[%dma_start3A_307, %dma_start3A_308] : memref<64x128xi32, #tpu.memory_space<vmem>> -> memref<1x128xi32, #tpu.memory_space<vmem>>
    %dma_start3A_310 = tpu.memref_squeeze %dma_start3A_309 : memref<1x128xi32, #tpu.memory_space<vmem>> -> memref<128xi32, #tpu.memory_space<vmem>>
    %dma_start3A_311 = arith.constant 0 : i32
    %dma_start3A_312 = arith.constant 0 : i32
    %dma_start3A_313 = tpu.memref_slice %arg2[%dma_start3A_311, %dma_start3A_312] : memref<8192x128xf32, #tpu.memory_space<hbm>> -> memref<8192x128xf32, #tpu.memory_space<hbm>>
    tpu.enqueue_indirect_dma source(%dma_start3A_313 : memref<8192x128xf32, #tpu.memory_space<hbm>>) target(%arg6 : memref<128x128xf32, #tpu.memory_space<vmem>>) offsets(%dma_start3A_310 : memref<128xi32, #tpu.memory_space<vmem>>) semaphore(%arg7 : memref<!tpu.dma_semaphore, #tpu.memory_space<semaphore_mem>>)
    %dma_wait3A_314 = arith.constant 22 : i32
    %dma_wait3A_315 = arith.constant 0 : i32
    %dma_wait3A_316 = tpu.memref_slice %arg5[%dma_wait3A_314, %dma_wait3A_315] : memref<64x128xi32, #tpu.memory_space<vmem>> -> memref<1x128xi32, #tpu.memory_space<vmem>>
    %dma_wait3A_317 = tpu.memref_squeeze %dma_wait3A_316 : memref<1x128xi32, #tpu.memory_space<vmem>> -> memref<128xi32, #tpu.memory_space<vmem>>
    %dma_wait3A_318 = arith.constant 0 : i32
    %dma_wait3A_319 = arith.constant 0 : i32
    %dma_wait3A_320 = tpu.memref_slice %arg2[%dma_wait3A_318, %dma_wait3A_319] : memref<8192x128xf32, #tpu.memory_space<hbm>> -> memref<8192x128xf32, #tpu.memory_space<hbm>>
    tpu.wait_indirect_dma semaphore(%arg7 : memref<!tpu.dma_semaphore, #tpu.memory_space<semaphore_mem>>) src(%dma_wait3A_320 : memref<8192x128xf32, #tpu.memory_space<hbm>>) dst(%arg6 : memref<128x128xf32, #tpu.memory_space<vmem>>)
    "tpu.region"() ({
      %run_scoped3A = tpu.sem_alloc : memref<!tpu.dma_semaphore, #tpu.memory_space<semaphore_mem>>
      %dma_start3A_895 = arith.constant 2816 : i32
      %dma_start3A_896 = arith.constant 0 : i32
      %dma_start3A_897 = tpu.memref_slice %arg4[%add3A, %dma_start3A_895, %dma_start3A_896] : memref<32x8192x128xf32, #tpu.memory_space<hbm>> -> memref<1x128x128xf32, #tpu.memory_space<hbm>>
      %dma_start3A_898 = tpu.memref_squeeze %dma_start3A_897 : memref<1x128x128xf32, #tpu.memory_space<hbm>> -> memref<128x128xf32, #tpu.memory_space<hbm>>
      %dma_start3A_899 = arith.constant 2816 : i32
      %dma_start3A_900 = arith.constant 0 : i32
      %dma_start3A_901 = tpu.memref_slice %arg4[%add3A, %dma_start3A_899, %dma_start3A_900] : memref<32x8192x128xf32, #tpu.memory_space<hbm>> -> memref<1x128x128xf32, #tpu.memory_space<hbm>>
      %dma_start3A_902 = tpu.memref_squeeze %dma_start3A_901 : memref<1x128x128xf32, #tpu.memory_space<hbm>> -> memref<128x128xf32, #tpu.memory_space<hbm>>
      tpu.enqueue_dma source(%arg6 : memref<128x128xf32, #tpu.memory_space<vmem>>) target(%dma_start3A_902 : memref<128x128xf32, #tpu.memory_space<hbm>>) target_semaphore(%run_scoped3A : memref<!tpu.dma_semaphore, #tpu.memory_space<semaphore_mem>>)
      %dma_wait3A_903 = arith.constant 2816 : i32
      %dma_wait3A_904 = arith.constant 0 : i32
      %dma_wait3A_905 = tpu.memref_slice %arg4[%add3A, %dma_wait3A_903, %dma_wait3A_904] : memref<32x8192x128xf32, #tpu.memory_space<hbm>> -> memref<1x128x128xf32, #tpu.memory_space<hbm>>
      %dma_wait3A_906 = tpu.memref_squeeze %dma_wait3A_905 : memref<1x128x128xf32, #tpu.memory_space<hbm>> -> memref<128x128xf32, #tpu.memory_space<hbm>>
      %dma_wait3A_907 = arith.constant 2816 : i32
      %dma_wait3A_908 = arith.constant 0 : i32
      %dma_wait3A_909 = tpu.memref_slice %arg4[%add3A, %dma_wait3A_907, %dma_wait3A_908] : memref<32x8192x128xf32, #tpu.memory_space<hbm>> -> memref<1x128x128xf32, #tpu.memory_space<hbm>>
      %dma_wait3A_910 = tpu.memref_squeeze %dma_wait3A_909 : memref<1x128x128xf32, #tpu.memory_space<hbm>> -> memref<128x128xf32, #tpu.memory_space<hbm>>
      tpu.wait_dma2 semaphore(%run_scoped3A : memref<!tpu.dma_semaphore, #tpu.memory_space<semaphore_mem>>) src(%arg6 : memref<128x128xf32, #tpu.memory_space<vmem>>) dst(%dma_wait3A_910 : memref<128x128xf32, #tpu.memory_space<hbm>>)
      tpu.yield
    }) : () -> ()
    %dma_start3A_321 = arith.constant 23 : i32
    %dma_start3A_322 = arith.constant 0 : i32
    %dma_start3A_323 = tpu.memref_slice %arg5[%dma_start3A_321, %dma_start3A_322] : memref<64x128xi32, #tpu.memory_space<vmem>> -> memref<1x128xi32, #tpu.memory_space<vmem>>
    %dma_start3A_324 = tpu.memref_squeeze %dma_start3A_323 : memref<1x128xi32, #tpu.memory_space<vmem>> -> memref<128xi32, #tpu.memory_space<vmem>>
    %dma_start3A_325 = arith.constant 0 : i32
    %dma_start3A_326 = arith.constant 0 : i32
    %dma_start3A_327 = tpu.memref_slice %arg2[%dma_start3A_325, %dma_start3A_326] : memref<8192x128xf32, #tpu.memory_space<hbm>> -> memref<8192x128xf32, #tpu.memory_space<hbm>>
    tpu.enqueue_indirect_dma source(%dma_start3A_327 : memref<8192x128xf32, #tpu.memory_space<hbm>>) target(%arg6 : memref<128x128xf32, #tpu.memory_space<vmem>>) offsets(%dma_start3A_324 : memref<128xi32, #tpu.memory_space<vmem>>) semaphore(%arg7 : memref<!tpu.dma_semaphore, #tpu.memory_space<semaphore_mem>>)
    %dma_wait3A_328 = arith.constant 23 : i32
    %dma_wait3A_329 = arith.constant 0 : i32
    %dma_wait3A_330 = tpu.memref_slice %arg5[%dma_wait3A_328, %dma_wait3A_329] : memref<64x128xi32, #tpu.memory_space<vmem>> -> memref<1x128xi32, #tpu.memory_space<vmem>>
    %dma_wait3A_331 = tpu.memref_squeeze %dma_wait3A_330 : memref<1x128xi32, #tpu.memory_space<vmem>> -> memref<128xi32, #tpu.memory_space<vmem>>
    %dma_wait3A_332 = arith.constant 0 : i32
    %dma_wait3A_333 = arith.constant 0 : i32
    %dma_wait3A_334 = tpu.memref_slice %arg2[%dma_wait3A_332, %dma_wait3A_333] : memref<8192x128xf32, #tpu.memory_space<hbm>> -> memref<8192x128xf32, #tpu.memory_space<hbm>>
    tpu.wait_indirect_dma semaphore(%arg7 : memref<!tpu.dma_semaphore, #tpu.memory_space<semaphore_mem>>) src(%dma_wait3A_334 : memref<8192x128xf32, #tpu.memory_space<hbm>>) dst(%arg6 : memref<128x128xf32, #tpu.memory_space<vmem>>)
    "tpu.region"() ({
      %run_scoped3A = tpu.sem_alloc : memref<!tpu.dma_semaphore, #tpu.memory_space<semaphore_mem>>
      %dma_start3A_895 = arith.constant 2944 : i32
      %dma_start3A_896 = arith.constant 0 : i32
      %dma_start3A_897 = tpu.memref_slice %arg4[%add3A, %dma_start3A_895, %dma_start3A_896] : memref<32x8192x128xf32, #tpu.memory_space<hbm>> -> memref<1x128x128xf32, #tpu.memory_space<hbm>>
      %dma_start3A_898 = tpu.memref_squeeze %dma_start3A_897 : memref<1x128x128xf32, #tpu.memory_space<hbm>> -> memref<128x128xf32, #tpu.memory_space<hbm>>
      %dma_start3A_899 = arith.constant 2944 : i32
      %dma_start3A_900 = arith.constant 0 : i32
      %dma_start3A_901 = tpu.memref_slice %arg4[%add3A, %dma_start3A_899, %dma_start3A_900] : memref<32x8192x128xf32, #tpu.memory_space<hbm>> -> memref<1x128x128xf32, #tpu.memory_space<hbm>>
      %dma_start3A_902 = tpu.memref_squeeze %dma_start3A_901 : memref<1x128x128xf32, #tpu.memory_space<hbm>> -> memref<128x128xf32, #tpu.memory_space<hbm>>
      tpu.enqueue_dma source(%arg6 : memref<128x128xf32, #tpu.memory_space<vmem>>) target(%dma_start3A_902 : memref<128x128xf32, #tpu.memory_space<hbm>>) target_semaphore(%run_scoped3A : memref<!tpu.dma_semaphore, #tpu.memory_space<semaphore_mem>>)
      %dma_wait3A_903 = arith.constant 2944 : i32
      %dma_wait3A_904 = arith.constant 0 : i32
      %dma_wait3A_905 = tpu.memref_slice %arg4[%add3A, %dma_wait3A_903, %dma_wait3A_904] : memref<32x8192x128xf32, #tpu.memory_space<hbm>> -> memref<1x128x128xf32, #tpu.memory_space<hbm>>
      %dma_wait3A_906 = tpu.memref_squeeze %dma_wait3A_905 : memref<1x128x128xf32, #tpu.memory_space<hbm>> -> memref<128x128xf32, #tpu.memory_space<hbm>>
      %dma_wait3A_907 = arith.constant 2944 : i32
      %dma_wait3A_908 = arith.constant 0 : i32
      %dma_wait3A_909 = tpu.memref_slice %arg4[%add3A, %dma_wait3A_907, %dma_wait3A_908] : memref<32x8192x128xf32, #tpu.memory_space<hbm>> -> memref<1x128x128xf32, #tpu.memory_space<hbm>>
      %dma_wait3A_910 = tpu.memref_squeeze %dma_wait3A_909 : memref<1x128x128xf32, #tpu.memory_space<hbm>> -> memref<128x128xf32, #tpu.memory_space<hbm>>
      tpu.wait_dma2 semaphore(%run_scoped3A : memref<!tpu.dma_semaphore, #tpu.memory_space<semaphore_mem>>) src(%arg6 : memref<128x128xf32, #tpu.memory_space<vmem>>) dst(%dma_wait3A_910 : memref<128x128xf32, #tpu.memory_space<hbm>>)
      tpu.yield
    }) : () -> ()
    %dma_start3A_335 = arith.constant 24 : i32
    %dma_start3A_336 = arith.constant 0 : i32
    %dma_start3A_337 = tpu.memref_slice %arg5[%dma_start3A_335, %dma_start3A_336] : memref<64x128xi32, #tpu.memory_space<vmem>> -> memref<1x128xi32, #tpu.memory_space<vmem>>
    %dma_start3A_338 = tpu.memref_squeeze %dma_start3A_337 : memref<1x128xi32, #tpu.memory_space<vmem>> -> memref<128xi32, #tpu.memory_space<vmem>>
    %dma_start3A_339 = arith.constant 0 : i32
    %dma_start3A_340 = arith.constant 0 : i32
    %dma_start3A_341 = tpu.memref_slice %arg2[%dma_start3A_339, %dma_start3A_340] : memref<8192x128xf32, #tpu.memory_space<hbm>> -> memref<8192x128xf32, #tpu.memory_space<hbm>>
    tpu.enqueue_indirect_dma source(%dma_start3A_341 : memref<8192x128xf32, #tpu.memory_space<hbm>>) target(%arg6 : memref<128x128xf32, #tpu.memory_space<vmem>>) offsets(%dma_start3A_338 : memref<128xi32, #tpu.memory_space<vmem>>) semaphore(%arg7 : memref<!tpu.dma_semaphore, #tpu.memory_space<semaphore_mem>>)
    %dma_wait3A_342 = arith.constant 24 : i32
    %dma_wait3A_343 = arith.constant 0 : i32
    %dma_wait3A_344 = tpu.memref_slice %arg5[%dma_wait3A_342, %dma_wait3A_343] : memref<64x128xi32, #tpu.memory_space<vmem>> -> memref<1x128xi32, #tpu.memory_space<vmem>>
    %dma_wait3A_345 = tpu.memref_squeeze %dma_wait3A_344 : memref<1x128xi32, #tpu.memory_space<vmem>> -> memref<128xi32, #tpu.memory_space<vmem>>
    %dma_wait3A_346 = arith.constant 0 : i32
    %dma_wait3A_347 = arith.constant 0 : i32
    %dma_wait3A_348 = tpu.memref_slice %arg2[%dma_wait3A_346, %dma_wait3A_347] : memref<8192x128xf32, #tpu.memory_space<hbm>> -> memref<8192x128xf32, #tpu.memory_space<hbm>>
    tpu.wait_indirect_dma semaphore(%arg7 : memref<!tpu.dma_semaphore, #tpu.memory_space<semaphore_mem>>) src(%dma_wait3A_348 : memref<8192x128xf32, #tpu.memory_space<hbm>>) dst(%arg6 : memref<128x128xf32, #tpu.memory_space<vmem>>)
    "tpu.region"() ({
      %run_scoped3A = tpu.sem_alloc : memref<!tpu.dma_semaphore, #tpu.memory_space<semaphore_mem>>
      %dma_start3A_895 = arith.constant 3072 : i32
      %dma_start3A_896 = arith.constant 0 : i32
      %dma_start3A_897 = tpu.memref_slice %arg4[%add3A, %dma_start3A_895, %dma_start3A_896] : memref<32x8192x128xf32, #tpu.memory_space<hbm>> -> memref<1x128x128xf32, #tpu.memory_space<hbm>>
      %dma_start3A_898 = tpu.memref_squeeze %dma_start3A_897 : memref<1x128x128xf32, #tpu.memory_space<hbm>> -> memref<128x128xf32, #tpu.memory_space<hbm>>
      %dma_start3A_899 = arith.constant 3072 : i32
      %dma_start3A_900 = arith.constant 0 : i32
      %dma_start3A_901 = tpu.memref_slice %arg4[%add3A, %dma_start3A_899, %dma_start3A_900] : memref<32x8192x128xf32, #tpu.memory_space<hbm>> -> memref<1x128x128xf32, #tpu.memory_space<hbm>>
      %dma_start3A_902 = tpu.memref_squeeze %dma_start3A_901 : memref<1x128x128xf32, #tpu.memory_space<hbm>> -> memref<128x128xf32, #tpu.memory_space<hbm>>
      tpu.enqueue_dma source(%arg6 : memref<128x128xf32, #tpu.memory_space<vmem>>) target(%dma_start3A_902 : memref<128x128xf32, #tpu.memory_space<hbm>>) target_semaphore(%run_scoped3A : memref<!tpu.dma_semaphore, #tpu.memory_space<semaphore_mem>>)
      %dma_wait3A_903 = arith.constant 3072 : i32
      %dma_wait3A_904 = arith.constant 0 : i32
      %dma_wait3A_905 = tpu.memref_slice %arg4[%add3A, %dma_wait3A_903, %dma_wait3A_904] : memref<32x8192x128xf32, #tpu.memory_space<hbm>> -> memref<1x128x128xf32, #tpu.memory_space<hbm>>
      %dma_wait3A_906 = tpu.memref_squeeze %dma_wait3A_905 : memref<1x128x128xf32, #tpu.memory_space<hbm>> -> memref<128x128xf32, #tpu.memory_space<hbm>>
      %dma_wait3A_907 = arith.constant 3072 : i32
      %dma_wait3A_908 = arith.constant 0 : i32
      %dma_wait3A_909 = tpu.memref_slice %arg4[%add3A, %dma_wait3A_907, %dma_wait3A_908] : memref<32x8192x128xf32, #tpu.memory_space<hbm>> -> memref<1x128x128xf32, #tpu.memory_space<hbm>>
      %dma_wait3A_910 = tpu.memref_squeeze %dma_wait3A_909 : memref<1x128x128xf32, #tpu.memory_space<hbm>> -> memref<128x128xf32, #tpu.memory_space<hbm>>
      tpu.wait_dma2 semaphore(%run_scoped3A : memref<!tpu.dma_semaphore, #tpu.memory_space<semaphore_mem>>) src(%arg6 : memref<128x128xf32, #tpu.memory_space<vmem>>) dst(%dma_wait3A_910 : memref<128x128xf32, #tpu.memory_space<hbm>>)
      tpu.yield
    }) : () -> ()
    %dma_start3A_349 = arith.constant 25 : i32
    %dma_start3A_350 = arith.constant 0 : i32
    %dma_start3A_351 = tpu.memref_slice %arg5[%dma_start3A_349, %dma_start3A_350] : memref<64x128xi32, #tpu.memory_space<vmem>> -> memref<1x128xi32, #tpu.memory_space<vmem>>
    %dma_start3A_352 = tpu.memref_squeeze %dma_start3A_351 : memref<1x128xi32, #tpu.memory_space<vmem>> -> memref<128xi32, #tpu.memory_space<vmem>>
    %dma_start3A_353 = arith.constant 0 : i32
    %dma_start3A_354 = arith.constant 0 : i32
    %dma_start3A_355 = tpu.memref_slice %arg2[%dma_start3A_353, %dma_start3A_354] : memref<8192x128xf32, #tpu.memory_space<hbm>> -> memref<8192x128xf32, #tpu.memory_space<hbm>>
    tpu.enqueue_indirect_dma source(%dma_start3A_355 : memref<8192x128xf32, #tpu.memory_space<hbm>>) target(%arg6 : memref<128x128xf32, #tpu.memory_space<vmem>>) offsets(%dma_start3A_352 : memref<128xi32, #tpu.memory_space<vmem>>) semaphore(%arg7 : memref<!tpu.dma_semaphore, #tpu.memory_space<semaphore_mem>>)
    %dma_wait3A_356 = arith.constant 25 : i32
    %dma_wait3A_357 = arith.constant 0 : i32
    %dma_wait3A_358 = tpu.memref_slice %arg5[%dma_wait3A_356, %dma_wait3A_357] : memref<64x128xi32, #tpu.memory_space<vmem>> -> memref<1x128xi32, #tpu.memory_space<vmem>>
    %dma_wait3A_359 = tpu.memref_squeeze %dma_wait3A_358 : memref<1x128xi32, #tpu.memory_space<vmem>> -> memref<128xi32, #tpu.memory_space<vmem>>
    %dma_wait3A_360 = arith.constant 0 : i32
    %dma_wait3A_361 = arith.constant 0 : i32
    %dma_wait3A_362 = tpu.memref_slice %arg2[%dma_wait3A_360, %dma_wait3A_361] : memref<8192x128xf32, #tpu.memory_space<hbm>> -> memref<8192x128xf32, #tpu.memory_space<hbm>>
    tpu.wait_indirect_dma semaphore(%arg7 : memref<!tpu.dma_semaphore, #tpu.memory_space<semaphore_mem>>) src(%dma_wait3A_362 : memref<8192x128xf32, #tpu.memory_space<hbm>>) dst(%arg6 : memref<128x128xf32, #tpu.memory_space<vmem>>)
    "tpu.region"() ({
      %run_scoped3A = tpu.sem_alloc : memref<!tpu.dma_semaphore, #tpu.memory_space<semaphore_mem>>
      %dma_start3A_895 = arith.constant 3200 : i32
      %dma_start3A_896 = arith.constant 0 : i32
      %dma_start3A_897 = tpu.memref_slice %arg4[%add3A, %dma_start3A_895, %dma_start3A_896] : memref<32x8192x128xf32, #tpu.memory_space<hbm>> -> memref<1x128x128xf32, #tpu.memory_space<hbm>>
      %dma_start3A_898 = tpu.memref_squeeze %dma_start3A_897 : memref<1x128x128xf32, #tpu.memory_space<hbm>> -> memref<128x128xf32, #tpu.memory_space<hbm>>
      %dma_start3A_899 = arith.constant 3200 : i32
      %dma_start3A_900 = arith.constant 0 : i32
      %dma_start3A_901 = tpu.memref_slice %arg4[%add3A, %dma_start3A_899, %dma_start3A_900] : memref<32x8192x128xf32, #tpu.memory_space<hbm>> -> memref<1x128x128xf32, #tpu.memory_space<hbm>>
      %dma_start3A_902 = tpu.memref_squeeze %dma_start3A_901 : memref<1x128x128xf32, #tpu.memory_space<hbm>> -> memref<128x128xf32, #tpu.memory_space<hbm>>
      tpu.enqueue_dma source(%arg6 : memref<128x128xf32, #tpu.memory_space<vmem>>) target(%dma_start3A_902 : memref<128x128xf32, #tpu.memory_space<hbm>>) target_semaphore(%run_scoped3A : memref<!tpu.dma_semaphore, #tpu.memory_space<semaphore_mem>>)
      %dma_wait3A_903 = arith.constant 3200 : i32
      %dma_wait3A_904 = arith.constant 0 : i32
      %dma_wait3A_905 = tpu.memref_slice %arg4[%add3A, %dma_wait3A_903, %dma_wait3A_904] : memref<32x8192x128xf32, #tpu.memory_space<hbm>> -> memref<1x128x128xf32, #tpu.memory_space<hbm>>
      %dma_wait3A_906 = tpu.memref_squeeze %dma_wait3A_905 : memref<1x128x128xf32, #tpu.memory_space<hbm>> -> memref<128x128xf32, #tpu.memory_space<hbm>>
      %dma_wait3A_907 = arith.constant 3200 : i32
      %dma_wait3A_908 = arith.constant 0 : i32
      %dma_wait3A_909 = tpu.memref_slice %arg4[%add3A, %dma_wait3A_907, %dma_wait3A_908] : memref<32x8192x128xf32, #tpu.memory_space<hbm>> -> memref<1x128x128xf32, #tpu.memory_space<hbm>>
      %dma_wait3A_910 = tpu.memref_squeeze %dma_wait3A_909 : memref<1x128x128xf32, #tpu.memory_space<hbm>> -> memref<128x128xf32, #tpu.memory_space<hbm>>
      tpu.wait_dma2 semaphore(%run_scoped3A : memref<!tpu.dma_semaphore, #tpu.memory_space<semaphore_mem>>) src(%arg6 : memref<128x128xf32, #tpu.memory_space<vmem>>) dst(%dma_wait3A_910 : memref<128x128xf32, #tpu.memory_space<hbm>>)
      tpu.yield
    }) : () -> ()
    %dma_start3A_363 = arith.constant 26 : i32
    %dma_start3A_364 = arith.constant 0 : i32
    %dma_start3A_365 = tpu.memref_slice %arg5[%dma_start3A_363, %dma_start3A_364] : memref<64x128xi32, #tpu.memory_space<vmem>> -> memref<1x128xi32, #tpu.memory_space<vmem>>
    %dma_start3A_366 = tpu.memref_squeeze %dma_start3A_365 : memref<1x128xi32, #tpu.memory_space<vmem>> -> memref<128xi32, #tpu.memory_space<vmem>>
    %dma_start3A_367 = arith.constant 0 : i32
    %dma_start3A_368 = arith.constant 0 : i32
    %dma_start3A_369 = tpu.memref_slice %arg2[%dma_start3A_367, %dma_start3A_368] : memref<8192x128xf32, #tpu.memory_space<hbm>> -> memref<8192x128xf32, #tpu.memory_space<hbm>>
    tpu.enqueue_indirect_dma source(%dma_start3A_369 : memref<8192x128xf32, #tpu.memory_space<hbm>>) target(%arg6 : memref<128x128xf32, #tpu.memory_space<vmem>>) offsets(%dma_start3A_366 : memref<128xi32, #tpu.memory_space<vmem>>) semaphore(%arg7 : memref<!tpu.dma_semaphore, #tpu.memory_space<semaphore_mem>>)
    %dma_wait3A_370 = arith.constant 26 : i32
    %dma_wait3A_371 = arith.constant 0 : i32
    %dma_wait3A_372 = tpu.memref_slice %arg5[%dma_wait3A_370, %dma_wait3A_371] : memref<64x128xi32, #tpu.memory_space<vmem>> -> memref<1x128xi32, #tpu.memory_space<vmem>>
    %dma_wait3A_373 = tpu.memref_squeeze %dma_wait3A_372 : memref<1x128xi32, #tpu.memory_space<vmem>> -> memref<128xi32, #tpu.memory_space<vmem>>
    %dma_wait3A_374 = arith.constant 0 : i32
    %dma_wait3A_375 = arith.constant 0 : i32
    %dma_wait3A_376 = tpu.memref_slice %arg2[%dma_wait3A_374, %dma_wait3A_375] : memref<8192x128xf32, #tpu.memory_space<hbm>> -> memref<8192x128xf32, #tpu.memory_space<hbm>>
    tpu.wait_indirect_dma semaphore(%arg7 : memref<!tpu.dma_semaphore, #tpu.memory_space<semaphore_mem>>) src(%dma_wait3A_376 : memref<8192x128xf32, #tpu.memory_space<hbm>>) dst(%arg6 : memref<128x128xf32, #tpu.memory_space<vmem>>)
    "tpu.region"() ({
      %run_scoped3A = tpu.sem_alloc : memref<!tpu.dma_semaphore, #tpu.memory_space<semaphore_mem>>
      %dma_start3A_895 = arith.constant 3328 : i32
      %dma_start3A_896 = arith.constant 0 : i32
      %dma_start3A_897 = tpu.memref_slice %arg4[%add3A, %dma_start3A_895, %dma_start3A_896] : memref<32x8192x128xf32, #tpu.memory_space<hbm>> -> memref<1x128x128xf32, #tpu.memory_space<hbm>>
      %dma_start3A_898 = tpu.memref_squeeze %dma_start3A_897 : memref<1x128x128xf32, #tpu.memory_space<hbm>> -> memref<128x128xf32, #tpu.memory_space<hbm>>
      %dma_start3A_899 = arith.constant 3328 : i32
      %dma_start3A_900 = arith.constant 0 : i32
      %dma_start3A_901 = tpu.memref_slice %arg4[%add3A, %dma_start3A_899, %dma_start3A_900] : memref<32x8192x128xf32, #tpu.memory_space<hbm>> -> memref<1x128x128xf32, #tpu.memory_space<hbm>>
      %dma_start3A_902 = tpu.memref_squeeze %dma_start3A_901 : memref<1x128x128xf32, #tpu.memory_space<hbm>> -> memref<128x128xf32, #tpu.memory_space<hbm>>
      tpu.enqueue_dma source(%arg6 : memref<128x128xf32, #tpu.memory_space<vmem>>) target(%dma_start3A_902 : memref<128x128xf32, #tpu.memory_space<hbm>>) target_semaphore(%run_scoped3A : memref<!tpu.dma_semaphore, #tpu.memory_space<semaphore_mem>>)
      %dma_wait3A_903 = arith.constant 3328 : i32
      %dma_wait3A_904 = arith.constant 0 : i32
      %dma_wait3A_905 = tpu.memref_slice %arg4[%add3A, %dma_wait3A_903, %dma_wait3A_904] : memref<32x8192x128xf32, #tpu.memory_space<hbm>> -> memref<1x128x128xf32, #tpu.memory_space<hbm>>
      %dma_wait3A_906 = tpu.memref_squeeze %dma_wait3A_905 : memref<1x128x128xf32, #tpu.memory_space<hbm>> -> memref<128x128xf32, #tpu.memory_space<hbm>>
      %dma_wait3A_907 = arith.constant 3328 : i32
      %dma_wait3A_908 = arith.constant 0 : i32
      %dma_wait3A_909 = tpu.memref_slice %arg4[%add3A, %dma_wait3A_907, %dma_wait3A_908] : memref<32x8192x128xf32, #tpu.memory_space<hbm>> -> memref<1x128x128xf32, #tpu.memory_space<hbm>>
      %dma_wait3A_910 = tpu.memref_squeeze %dma_wait3A_909 : memref<1x128x128xf32, #tpu.memory_space<hbm>> -> memref<128x128xf32, #tpu.memory_space<hbm>>
      tpu.wait_dma2 semaphore(%run_scoped3A : memref<!tpu.dma_semaphore, #tpu.memory_space<semaphore_mem>>) src(%arg6 : memref<128x128xf32, #tpu.memory_space<vmem>>) dst(%dma_wait3A_910 : memref<128x128xf32, #tpu.memory_space<hbm>>)
      tpu.yield
    }) : () -> ()
    %dma_start3A_377 = arith.constant 27 : i32
    %dma_start3A_378 = arith.constant 0 : i32
    %dma_start3A_379 = tpu.memref_slice %arg5[%dma_start3A_377, %dma_start3A_378] : memref<64x128xi32, #tpu.memory_space<vmem>> -> memref<1x128xi32, #tpu.memory_space<vmem>>
    %dma_start3A_380 = tpu.memref_squeeze %dma_start3A_379 : memref<1x128xi32, #tpu.memory_space<vmem>> -> memref<128xi32, #tpu.memory_space<vmem>>
    %dma_start3A_381 = arith.constant 0 : i32
    %dma_start3A_382 = arith.constant 0 : i32
    %dma_start3A_383 = tpu.memref_slice %arg2[%dma_start3A_381, %dma_start3A_382] : memref<8192x128xf32, #tpu.memory_space<hbm>> -> memref<8192x128xf32, #tpu.memory_space<hbm>>
    tpu.enqueue_indirect_dma source(%dma_start3A_383 : memref<8192x128xf32, #tpu.memory_space<hbm>>) target(%arg6 : memref<128x128xf32, #tpu.memory_space<vmem>>) offsets(%dma_start3A_380 : memref<128xi32, #tpu.memory_space<vmem>>) semaphore(%arg7 : memref<!tpu.dma_semaphore, #tpu.memory_space<semaphore_mem>>)
    %dma_wait3A_384 = arith.constant 27 : i32
    %dma_wait3A_385 = arith.constant 0 : i32
    %dma_wait3A_386 = tpu.memref_slice %arg5[%dma_wait3A_384, %dma_wait3A_385] : memref<64x128xi32, #tpu.memory_space<vmem>> -> memref<1x128xi32, #tpu.memory_space<vmem>>
    %dma_wait3A_387 = tpu.memref_squeeze %dma_wait3A_386 : memref<1x128xi32, #tpu.memory_space<vmem>> -> memref<128xi32, #tpu.memory_space<vmem>>
    %dma_wait3A_388 = arith.constant 0 : i32
    %dma_wait3A_389 = arith.constant 0 : i32
    %dma_wait3A_390 = tpu.memref_slice %arg2[%dma_wait3A_388, %dma_wait3A_389] : memref<8192x128xf32, #tpu.memory_space<hbm>> -> memref<8192x128xf32, #tpu.memory_space<hbm>>
    tpu.wait_indirect_dma semaphore(%arg7 : memref<!tpu.dma_semaphore, #tpu.memory_space<semaphore_mem>>) src(%dma_wait3A_390 : memref<8192x128xf32, #tpu.memory_space<hbm>>) dst(%arg6 : memref<128x128xf32, #tpu.memory_space<vmem>>)
    "tpu.region"() ({
      %run_scoped3A = tpu.sem_alloc : memref<!tpu.dma_semaphore, #tpu.memory_space<semaphore_mem>>
      %dma_start3A_895 = arith.constant 3456 : i32
      %dma_start3A_896 = arith.constant 0 : i32
      %dma_start3A_897 = tpu.memref_slice %arg4[%add3A, %dma_start3A_895, %dma_start3A_896] : memref<32x8192x128xf32, #tpu.memory_space<hbm>> -> memref<1x128x128xf32, #tpu.memory_space<hbm>>
      %dma_start3A_898 = tpu.memref_squeeze %dma_start3A_897 : memref<1x128x128xf32, #tpu.memory_space<hbm>> -> memref<128x128xf32, #tpu.memory_space<hbm>>
      %dma_start3A_899 = arith.constant 3456 : i32
      %dma_start3A_900 = arith.constant 0 : i32
      %dma_start3A_901 = tpu.memref_slice %arg4[%add3A, %dma_start3A_899, %dma_start3A_900] : memref<32x8192x128xf32, #tpu.memory_space<hbm>> -> memref<1x128x128xf32, #tpu.memory_space<hbm>>
      %dma_start3A_902 = tpu.memref_squeeze %dma_start3A_901 : memref<1x128x128xf32, #tpu.memory_space<hbm>> -> memref<128x128xf32, #tpu.memory_space<hbm>>
      tpu.enqueue_dma source(%arg6 : memref<128x128xf32, #tpu.memory_space<vmem>>) target(%dma_start3A_902 : memref<128x128xf32, #tpu.memory_space<hbm>>) target_semaphore(%run_scoped3A : memref<!tpu.dma_semaphore, #tpu.memory_space<semaphore_mem>>)
      %dma_wait3A_903 = arith.constant 3456 : i32
      %dma_wait3A_904 = arith.constant 0 : i32
      %dma_wait3A_905 = tpu.memref_slice %arg4[%add3A, %dma_wait3A_903, %dma_wait3A_904] : memref<32x8192x128xf32, #tpu.memory_space<hbm>> -> memref<1x128x128xf32, #tpu.memory_space<hbm>>
      %dma_wait3A_906 = tpu.memref_squeeze %dma_wait3A_905 : memref<1x128x128xf32, #tpu.memory_space<hbm>> -> memref<128x128xf32, #tpu.memory_space<hbm>>
      %dma_wait3A_907 = arith.constant 3456 : i32
      %dma_wait3A_908 = arith.constant 0 : i32
      %dma_wait3A_909 = tpu.memref_slice %arg4[%add3A, %dma_wait3A_907, %dma_wait3A_908] : memref<32x8192x128xf32, #tpu.memory_space<hbm>> -> memref<1x128x128xf32, #tpu.memory_space<hbm>>
      %dma_wait3A_910 = tpu.memref_squeeze %dma_wait3A_909 : memref<1x128x128xf32, #tpu.memory_space<hbm>> -> memref<128x128xf32, #tpu.memory_space<hbm>>
      tpu.wait_dma2 semaphore(%run_scoped3A : memref<!tpu.dma_semaphore, #tpu.memory_space<semaphore_mem>>) src(%arg6 : memref<128x128xf32, #tpu.memory_space<vmem>>) dst(%dma_wait3A_910 : memref<128x128xf32, #tpu.memory_space<hbm>>)
      tpu.yield
    }) : () -> ()
    %dma_start3A_391 = arith.constant 28 : i32
    %dma_start3A_392 = arith.constant 0 : i32
    %dma_start3A_393 = tpu.memref_slice %arg5[%dma_start3A_391, %dma_start3A_392] : memref<64x128xi32, #tpu.memory_space<vmem>> -> memref<1x128xi32, #tpu.memory_space<vmem>>
    %dma_start3A_394 = tpu.memref_squeeze %dma_start3A_393 : memref<1x128xi32, #tpu.memory_space<vmem>> -> memref<128xi32, #tpu.memory_space<vmem>>
    %dma_start3A_395 = arith.constant 0 : i32
    %dma_start3A_396 = arith.constant 0 : i32
    %dma_start3A_397 = tpu.memref_slice %arg2[%dma_start3A_395, %dma_start3A_396] : memref<8192x128xf32, #tpu.memory_space<hbm>> -> memref<8192x128xf32, #tpu.memory_space<hbm>>
    tpu.enqueue_indirect_dma source(%dma_start3A_397 : memref<8192x128xf32, #tpu.memory_space<hbm>>) target(%arg6 : memref<128x128xf32, #tpu.memory_space<vmem>>) offsets(%dma_start3A_394 : memref<128xi32, #tpu.memory_space<vmem>>) semaphore(%arg7 : memref<!tpu.dma_semaphore, #tpu.memory_space<semaphore_mem>>)
    %dma_wait3A_398 = arith.constant 28 : i32
    %dma_wait3A_399 = arith.constant 0 : i32
    %dma_wait3A_400 = tpu.memref_slice %arg5[%dma_wait3A_398, %dma_wait3A_399] : memref<64x128xi32, #tpu.memory_space<vmem>> -> memref<1x128xi32, #tpu.memory_space<vmem>>
    %dma_wait3A_401 = tpu.memref_squeeze %dma_wait3A_400 : memref<1x128xi32, #tpu.memory_space<vmem>> -> memref<128xi32, #tpu.memory_space<vmem>>
    %dma_wait3A_402 = arith.constant 0 : i32
    %dma_wait3A_403 = arith.constant 0 : i32
    %dma_wait3A_404 = tpu.memref_slice %arg2[%dma_wait3A_402, %dma_wait3A_403] : memref<8192x128xf32, #tpu.memory_space<hbm>> -> memref<8192x128xf32, #tpu.memory_space<hbm>>
    tpu.wait_indirect_dma semaphore(%arg7 : memref<!tpu.dma_semaphore, #tpu.memory_space<semaphore_mem>>) src(%dma_wait3A_404 : memref<8192x128xf32, #tpu.memory_space<hbm>>) dst(%arg6 : memref<128x128xf32, #tpu.memory_space<vmem>>)
    "tpu.region"() ({
      %run_scoped3A = tpu.sem_alloc : memref<!tpu.dma_semaphore, #tpu.memory_space<semaphore_mem>>
      %dma_start3A_895 = arith.constant 3584 : i32
      %dma_start3A_896 = arith.constant 0 : i32
      %dma_start3A_897 = tpu.memref_slice %arg4[%add3A, %dma_start3A_895, %dma_start3A_896] : memref<32x8192x128xf32, #tpu.memory_space<hbm>> -> memref<1x128x128xf32, #tpu.memory_space<hbm>>
      %dma_start3A_898 = tpu.memref_squeeze %dma_start3A_897 : memref<1x128x128xf32, #tpu.memory_space<hbm>> -> memref<128x128xf32, #tpu.memory_space<hbm>>
      %dma_start3A_899 = arith.constant 3584 : i32
      %dma_start3A_900 = arith.constant 0 : i32
      %dma_start3A_901 = tpu.memref_slice %arg4[%add3A, %dma_start3A_899, %dma_start3A_900] : memref<32x8192x128xf32, #tpu.memory_space<hbm>> -> memref<1x128x128xf32, #tpu.memory_space<hbm>>
      %dma_start3A_902 = tpu.memref_squeeze %dma_start3A_901 : memref<1x128x128xf32, #tpu.memory_space<hbm>> -> memref<128x128xf32, #tpu.memory_space<hbm>>
      tpu.enqueue_dma source(%arg6 : memref<128x128xf32, #tpu.memory_space<vmem>>) target(%dma_start3A_902 : memref<128x128xf32, #tpu.memory_space<hbm>>) target_semaphore(%run_scoped3A : memref<!tpu.dma_semaphore, #tpu.memory_space<semaphore_mem>>)
      %dma_wait3A_903 = arith.constant 3584 : i32
      %dma_wait3A_904 = arith.constant 0 : i32
      %dma_wait3A_905 = tpu.memref_slice %arg4[%add3A, %dma_wait3A_903, %dma_wait3A_904] : memref<32x8192x128xf32, #tpu.memory_space<hbm>> -> memref<1x128x128xf32, #tpu.memory_space<hbm>>
      %dma_wait3A_906 = tpu.memref_squeeze %dma_wait3A_905 : memref<1x128x128xf32, #tpu.memory_space<hbm>> -> memref<128x128xf32, #tpu.memory_space<hbm>>
      %dma_wait3A_907 = arith.constant 3584 : i32
      %dma_wait3A_908 = arith.constant 0 : i32
      %dma_wait3A_909 = tpu.memref_slice %arg4[%add3A, %dma_wait3A_907, %dma_wait3A_908] : memref<32x8192x128xf32, #tpu.memory_space<hbm>> -> memref<1x128x128xf32, #tpu.memory_space<hbm>>
      %dma_wait3A_910 = tpu.memref_squeeze %dma_wait3A_909 : memref<1x128x128xf32, #tpu.memory_space<hbm>> -> memref<128x128xf32, #tpu.memory_space<hbm>>
      tpu.wait_dma2 semaphore(%run_scoped3A : memref<!tpu.dma_semaphore, #tpu.memory_space<semaphore_mem>>) src(%arg6 : memref<128x128xf32, #tpu.memory_space<vmem>>) dst(%dma_wait3A_910 : memref<128x128xf32, #tpu.memory_space<hbm>>)
      tpu.yield
    }) : () -> ()
    %dma_start3A_405 = arith.constant 29 : i32
    %dma_start3A_406 = arith.constant 0 : i32
    %dma_start3A_407 = tpu.memref_slice %arg5[%dma_start3A_405, %dma_start3A_406] : memref<64x128xi32, #tpu.memory_space<vmem>> -> memref<1x128xi32, #tpu.memory_space<vmem>>
    %dma_start3A_408 = tpu.memref_squeeze %dma_start3A_407 : memref<1x128xi32, #tpu.memory_space<vmem>> -> memref<128xi32, #tpu.memory_space<vmem>>
    %dma_start3A_409 = arith.constant 0 : i32
    %dma_start3A_410 = arith.constant 0 : i32
    %dma_start3A_411 = tpu.memref_slice %arg2[%dma_start3A_409, %dma_start3A_410] : memref<8192x128xf32, #tpu.memory_space<hbm>> -> memref<8192x128xf32, #tpu.memory_space<hbm>>
    tpu.enqueue_indirect_dma source(%dma_start3A_411 : memref<8192x128xf32, #tpu.memory_space<hbm>>) target(%arg6 : memref<128x128xf32, #tpu.memory_space<vmem>>) offsets(%dma_start3A_408 : memref<128xi32, #tpu.memory_space<vmem>>) semaphore(%arg7 : memref<!tpu.dma_semaphore, #tpu.memory_space<semaphore_mem>>)
    %dma_wait3A_412 = arith.constant 29 : i32
    %dma_wait3A_413 = arith.constant 0 : i32
    %dma_wait3A_414 = tpu.memref_slice %arg5[%dma_wait3A_412, %dma_wait3A_413] : memref<64x128xi32, #tpu.memory_space<vmem>> -> memref<1x128xi32, #tpu.memory_space<vmem>>
    %dma_wait3A_415 = tpu.memref_squeeze %dma_wait3A_414 : memref<1x128xi32, #tpu.memory_space<vmem>> -> memref<128xi32, #tpu.memory_space<vmem>>
    %dma_wait3A_416 = arith.constant 0 : i32
    %dma_wait3A_417 = arith.constant 0 : i32
    %dma_wait3A_418 = tpu.memref_slice %arg2[%dma_wait3A_416, %dma_wait3A_417] : memref<8192x128xf32, #tpu.memory_space<hbm>> -> memref<8192x128xf32, #tpu.memory_space<hbm>>
    tpu.wait_indirect_dma semaphore(%arg7 : memref<!tpu.dma_semaphore, #tpu.memory_space<semaphore_mem>>) src(%dma_wait3A_418 : memref<8192x128xf32, #tpu.memory_space<hbm>>) dst(%arg6 : memref<128x128xf32, #tpu.memory_space<vmem>>)
    "tpu.region"() ({
      %run_scoped3A = tpu.sem_alloc : memref<!tpu.dma_semaphore, #tpu.memory_space<semaphore_mem>>
      %dma_start3A_895 = arith.constant 3712 : i32
      %dma_start3A_896 = arith.constant 0 : i32
      %dma_start3A_897 = tpu.memref_slice %arg4[%add3A, %dma_start3A_895, %dma_start3A_896] : memref<32x8192x128xf32, #tpu.memory_space<hbm>> -> memref<1x128x128xf32, #tpu.memory_space<hbm>>
      %dma_start3A_898 = tpu.memref_squeeze %dma_start3A_897 : memref<1x128x128xf32, #tpu.memory_space<hbm>> -> memref<128x128xf32, #tpu.memory_space<hbm>>
      %dma_start3A_899 = arith.constant 3712 : i32
      %dma_start3A_900 = arith.constant 0 : i32
      %dma_start3A_901 = tpu.memref_slice %arg4[%add3A, %dma_start3A_899, %dma_start3A_900] : memref<32x8192x128xf32, #tpu.memory_space<hbm>> -> memref<1x128x128xf32, #tpu.memory_space<hbm>>
      %dma_start3A_902 = tpu.memref_squeeze %dma_start3A_901 : memref<1x128x128xf32, #tpu.memory_space<hbm>> -> memref<128x128xf32, #tpu.memory_space<hbm>>
      tpu.enqueue_dma source(%arg6 : memref<128x128xf32, #tpu.memory_space<vmem>>) target(%dma_start3A_902 : memref<128x128xf32, #tpu.memory_space<hbm>>) target_semaphore(%run_scoped3A : memref<!tpu.dma_semaphore, #tpu.memory_space<semaphore_mem>>)
      %dma_wait3A_903 = arith.constant 3712 : i32
      %dma_wait3A_904 = arith.constant 0 : i32
      %dma_wait3A_905 = tpu.memref_slice %arg4[%add3A, %dma_wait3A_903, %dma_wait3A_904] : memref<32x8192x128xf32, #tpu.memory_space<hbm>> -> memref<1x128x128xf32, #tpu.memory_space<hbm>>
      %dma_wait3A_906 = tpu.memref_squeeze %dma_wait3A_905 : memref<1x128x128xf32, #tpu.memory_space<hbm>> -> memref<128x128xf32, #tpu.memory_space<hbm>>
      %dma_wait3A_907 = arith.constant 3712 : i32
      %dma_wait3A_908 = arith.constant 0 : i32
      %dma_wait3A_909 = tpu.memref_slice %arg4[%add3A, %dma_wait3A_907, %dma_wait3A_908] : memref<32x8192x128xf32, #tpu.memory_space<hbm>> -> memref<1x128x128xf32, #tpu.memory_space<hbm>>
      %dma_wait3A_910 = tpu.memref_squeeze %dma_wait3A_909 : memref<1x128x128xf32, #tpu.memory_space<hbm>> -> memref<128x128xf32, #tpu.memory_space<hbm>>
      tpu.wait_dma2 semaphore(%run_scoped3A : memref<!tpu.dma_semaphore, #tpu.memory_space<semaphore_mem>>) src(%arg6 : memref<128x128xf32, #tpu.memory_space<vmem>>) dst(%dma_wait3A_910 : memref<128x128xf32, #tpu.memory_space<hbm>>)
      tpu.yield
    }) : () -> ()
    %dma_start3A_419 = arith.constant 30 : i32
    %dma_start3A_420 = arith.constant 0 : i32
    %dma_start3A_421 = tpu.memref_slice %arg5[%dma_start3A_419, %dma_start3A_420] : memref<64x128xi32, #tpu.memory_space<vmem>> -> memref<1x128xi32, #tpu.memory_space<vmem>>
    %dma_start3A_422 = tpu.memref_squeeze %dma_start3A_421 : memref<1x128xi32, #tpu.memory_space<vmem>> -> memref<128xi32, #tpu.memory_space<vmem>>
    %dma_start3A_423 = arith.constant 0 : i32
    %dma_start3A_424 = arith.constant 0 : i32
    %dma_start3A_425 = tpu.memref_slice %arg2[%dma_start3A_423, %dma_start3A_424] : memref<8192x128xf32, #tpu.memory_space<hbm>> -> memref<8192x128xf32, #tpu.memory_space<hbm>>
    tpu.enqueue_indirect_dma source(%dma_start3A_425 : memref<8192x128xf32, #tpu.memory_space<hbm>>) target(%arg6 : memref<128x128xf32, #tpu.memory_space<vmem>>) offsets(%dma_start3A_422 : memref<128xi32, #tpu.memory_space<vmem>>) semaphore(%arg7 : memref<!tpu.dma_semaphore, #tpu.memory_space<semaphore_mem>>)
    %dma_wait3A_426 = arith.constant 30 : i32
    %dma_wait3A_427 = arith.constant 0 : i32
    %dma_wait3A_428 = tpu.memref_slice %arg5[%dma_wait3A_426, %dma_wait3A_427] : memref<64x128xi32, #tpu.memory_space<vmem>> -> memref<1x128xi32, #tpu.memory_space<vmem>>
    %dma_wait3A_429 = tpu.memref_squeeze %dma_wait3A_428 : memref<1x128xi32, #tpu.memory_space<vmem>> -> memref<128xi32, #tpu.memory_space<vmem>>
    %dma_wait3A_430 = arith.constant 0 : i32
    %dma_wait3A_431 = arith.constant 0 : i32
    %dma_wait3A_432 = tpu.memref_slice %arg2[%dma_wait3A_430, %dma_wait3A_431] : memref<8192x128xf32, #tpu.memory_space<hbm>> -> memref<8192x128xf32, #tpu.memory_space<hbm>>
    tpu.wait_indirect_dma semaphore(%arg7 : memref<!tpu.dma_semaphore, #tpu.memory_space<semaphore_mem>>) src(%dma_wait3A_432 : memref<8192x128xf32, #tpu.memory_space<hbm>>) dst(%arg6 : memref<128x128xf32, #tpu.memory_space<vmem>>)
    "tpu.region"() ({
      %run_scoped3A = tpu.sem_alloc : memref<!tpu.dma_semaphore, #tpu.memory_space<semaphore_mem>>
      %dma_start3A_895 = arith.constant 3840 : i32
      %dma_start3A_896 = arith.constant 0 : i32
      %dma_start3A_897 = tpu.memref_slice %arg4[%add3A, %dma_start3A_895, %dma_start3A_896] : memref<32x8192x128xf32, #tpu.memory_space<hbm>> -> memref<1x128x128xf32, #tpu.memory_space<hbm>>
      %dma_start3A_898 = tpu.memref_squeeze %dma_start3A_897 : memref<1x128x128xf32, #tpu.memory_space<hbm>> -> memref<128x128xf32, #tpu.memory_space<hbm>>
      %dma_start3A_899 = arith.constant 3840 : i32
      %dma_start3A_900 = arith.constant 0 : i32
      %dma_start3A_901 = tpu.memref_slice %arg4[%add3A, %dma_start3A_899, %dma_start3A_900] : memref<32x8192x128xf32, #tpu.memory_space<hbm>> -> memref<1x128x128xf32, #tpu.memory_space<hbm>>
      %dma_start3A_902 = tpu.memref_squeeze %dma_start3A_901 : memref<1x128x128xf32, #tpu.memory_space<hbm>> -> memref<128x128xf32, #tpu.memory_space<hbm>>
      tpu.enqueue_dma source(%arg6 : memref<128x128xf32, #tpu.memory_space<vmem>>) target(%dma_start3A_902 : memref<128x128xf32, #tpu.memory_space<hbm>>) target_semaphore(%run_scoped3A : memref<!tpu.dma_semaphore, #tpu.memory_space<semaphore_mem>>)
      %dma_wait3A_903 = arith.constant 3840 : i32
      %dma_wait3A_904 = arith.constant 0 : i32
      %dma_wait3A_905 = tpu.memref_slice %arg4[%add3A, %dma_wait3A_903, %dma_wait3A_904] : memref<32x8192x128xf32, #tpu.memory_space<hbm>> -> memref<1x128x128xf32, #tpu.memory_space<hbm>>
      %dma_wait3A_906 = tpu.memref_squeeze %dma_wait3A_905 : memref<1x128x128xf32, #tpu.memory_space<hbm>> -> memref<128x128xf32, #tpu.memory_space<hbm>>
      %dma_wait3A_907 = arith.constant 3840 : i32
      %dma_wait3A_908 = arith.constant 0 : i32
      %dma_wait3A_909 = tpu.memref_slice %arg4[%add3A, %dma_wait3A_907, %dma_wait3A_908] : memref<32x8192x128xf32, #tpu.memory_space<hbm>> -> memref<1x128x128xf32, #tpu.memory_space<hbm>>
      %dma_wait3A_910 = tpu.memref_squeeze %dma_wait3A_909 : memref<1x128x128xf32, #tpu.memory_space<hbm>> -> memref<128x128xf32, #tpu.memory_space<hbm>>
      tpu.wait_dma2 semaphore(%run_scoped3A : memref<!tpu.dma_semaphore, #tpu.memory_space<semaphore_mem>>) src(%arg6 : memref<128x128xf32, #tpu.memory_space<vmem>>) dst(%dma_wait3A_910 : memref<128x128xf32, #tpu.memory_space<hbm>>)
      tpu.yield
    }) : () -> ()
    %dma_start3A_433 = arith.constant 31 : i32
    %dma_start3A_434 = arith.constant 0 : i32
    %dma_start3A_435 = tpu.memref_slice %arg5[%dma_start3A_433, %dma_start3A_434] : memref<64x128xi32, #tpu.memory_space<vmem>> -> memref<1x128xi32, #tpu.memory_space<vmem>>
    %dma_start3A_436 = tpu.memref_squeeze %dma_start3A_435 : memref<1x128xi32, #tpu.memory_space<vmem>> -> memref<128xi32, #tpu.memory_space<vmem>>
    %dma_start3A_437 = arith.constant 0 : i32
    %dma_start3A_438 = arith.constant 0 : i32
    %dma_start3A_439 = tpu.memref_slice %arg2[%dma_start3A_437, %dma_start3A_438] : memref<8192x128xf32, #tpu.memory_space<hbm>> -> memref<8192x128xf32, #tpu.memory_space<hbm>>
    tpu.enqueue_indirect_dma source(%dma_start3A_439 : memref<8192x128xf32, #tpu.memory_space<hbm>>) target(%arg6 : memref<128x128xf32, #tpu.memory_space<vmem>>) offsets(%dma_start3A_436 : memref<128xi32, #tpu.memory_space<vmem>>) semaphore(%arg7 : memref<!tpu.dma_semaphore, #tpu.memory_space<semaphore_mem>>)
    %dma_wait3A_440 = arith.constant 31 : i32
    %dma_wait3A_441 = arith.constant 0 : i32
    %dma_wait3A_442 = tpu.memref_slice %arg5[%dma_wait3A_440, %dma_wait3A_441] : memref<64x128xi32, #tpu.memory_space<vmem>> -> memref<1x128xi32, #tpu.memory_space<vmem>>
    %dma_wait3A_443 = tpu.memref_squeeze %dma_wait3A_442 : memref<1x128xi32, #tpu.memory_space<vmem>> -> memref<128xi32, #tpu.memory_space<vmem>>
    %dma_wait3A_444 = arith.constant 0 : i32
    %dma_wait3A_445 = arith.constant 0 : i32
    %dma_wait3A_446 = tpu.memref_slice %arg2[%dma_wait3A_444, %dma_wait3A_445] : memref<8192x128xf32, #tpu.memory_space<hbm>> -> memref<8192x128xf32, #tpu.memory_space<hbm>>
    tpu.wait_indirect_dma semaphore(%arg7 : memref<!tpu.dma_semaphore, #tpu.memory_space<semaphore_mem>>) src(%dma_wait3A_446 : memref<8192x128xf32, #tpu.memory_space<hbm>>) dst(%arg6 : memref<128x128xf32, #tpu.memory_space<vmem>>)
    "tpu.region"() ({
      %run_scoped3A = tpu.sem_alloc : memref<!tpu.dma_semaphore, #tpu.memory_space<semaphore_mem>>
      %dma_start3A_895 = arith.constant 3968 : i32
      %dma_start3A_896 = arith.constant 0 : i32
      %dma_start3A_897 = tpu.memref_slice %arg4[%add3A, %dma_start3A_895, %dma_start3A_896] : memref<32x8192x128xf32, #tpu.memory_space<hbm>> -> memref<1x128x128xf32, #tpu.memory_space<hbm>>
      %dma_start3A_898 = tpu.memref_squeeze %dma_start3A_897 : memref<1x128x128xf32, #tpu.memory_space<hbm>> -> memref<128x128xf32, #tpu.memory_space<hbm>>
      %dma_start3A_899 = arith.constant 3968 : i32
      %dma_start3A_900 = arith.constant 0 : i32
      %dma_start3A_901 = tpu.memref_slice %arg4[%add3A, %dma_start3A_899, %dma_start3A_900] : memref<32x8192x128xf32, #tpu.memory_space<hbm>> -> memref<1x128x128xf32, #tpu.memory_space<hbm>>
      %dma_start3A_902 = tpu.memref_squeeze %dma_start3A_901 : memref<1x128x128xf32, #tpu.memory_space<hbm>> -> memref<128x128xf32, #tpu.memory_space<hbm>>
      tpu.enqueue_dma source(%arg6 : memref<128x128xf32, #tpu.memory_space<vmem>>) target(%dma_start3A_902 : memref<128x128xf32, #tpu.memory_space<hbm>>) target_semaphore(%run_scoped3A : memref<!tpu.dma_semaphore, #tpu.memory_space<semaphore_mem>>)
      %dma_wait3A_903 = arith.constant 3968 : i32
      %dma_wait3A_904 = arith.constant 0 : i32
      %dma_wait3A_905 = tpu.memref_slice %arg4[%add3A, %dma_wait3A_903, %dma_wait3A_904] : memref<32x8192x128xf32, #tpu.memory_space<hbm>> -> memref<1x128x128xf32, #tpu.memory_space<hbm>>
      %dma_wait3A_906 = tpu.memref_squeeze %dma_wait3A_905 : memref<1x128x128xf32, #tpu.memory_space<hbm>> -> memref<128x128xf32, #tpu.memory_space<hbm>>
      %dma_wait3A_907 = arith.constant 3968 : i32
      %dma_wait3A_908 = arith.constant 0 : i32
      %dma_wait3A_909 = tpu.memref_slice %arg4[%add3A, %dma_wait3A_907, %dma_wait3A_908] : memref<32x8192x128xf32, #tpu.memory_space<hbm>> -> memref<1x128x128xf32, #tpu.memory_space<hbm>>
      %dma_wait3A_910 = tpu.memref_squeeze %dma_wait3A_909 : memref<1x128x128xf32, #tpu.memory_space<hbm>> -> memref<128x128xf32, #tpu.memory_space<hbm>>
      tpu.wait_dma2 semaphore(%run_scoped3A : memref<!tpu.dma_semaphore, #tpu.memory_space<semaphore_mem>>) src(%arg6 : memref<128x128xf32, #tpu.memory_space<vmem>>) dst(%dma_wait3A_910 : memref<128x128xf32, #tpu.memory_space<hbm>>)
      tpu.yield
    }) : () -> ()
    %dma_start3A_447 = arith.constant 32 : i32
    %dma_start3A_448 = arith.constant 0 : i32
    %dma_start3A_449 = tpu.memref_slice %arg5[%dma_start3A_447, %dma_start3A_448] : memref<64x128xi32, #tpu.memory_space<vmem>> -> memref<1x128xi32, #tpu.memory_space<vmem>>
    %dma_start3A_450 = tpu.memref_squeeze %dma_start3A_449 : memref<1x128xi32, #tpu.memory_space<vmem>> -> memref<128xi32, #tpu.memory_space<vmem>>
    %dma_start3A_451 = arith.constant 0 : i32
    %dma_start3A_452 = arith.constant 0 : i32
    %dma_start3A_453 = tpu.memref_slice %arg2[%dma_start3A_451, %dma_start3A_452] : memref<8192x128xf32, #tpu.memory_space<hbm>> -> memref<8192x128xf32, #tpu.memory_space<hbm>>
    tpu.enqueue_indirect_dma source(%dma_start3A_453 : memref<8192x128xf32, #tpu.memory_space<hbm>>) target(%arg6 : memref<128x128xf32, #tpu.memory_space<vmem>>) offsets(%dma_start3A_450 : memref<128xi32, #tpu.memory_space<vmem>>) semaphore(%arg7 : memref<!tpu.dma_semaphore, #tpu.memory_space<semaphore_mem>>)
    %dma_wait3A_454 = arith.constant 32 : i32
    %dma_wait3A_455 = arith.constant 0 : i32
    %dma_wait3A_456 = tpu.memref_slice %arg5[%dma_wait3A_454, %dma_wait3A_455] : memref<64x128xi32, #tpu.memory_space<vmem>> -> memref<1x128xi32, #tpu.memory_space<vmem>>
    %dma_wait3A_457 = tpu.memref_squeeze %dma_wait3A_456 : memref<1x128xi32, #tpu.memory_space<vmem>> -> memref<128xi32, #tpu.memory_space<vmem>>
    %dma_wait3A_458 = arith.constant 0 : i32
    %dma_wait3A_459 = arith.constant 0 : i32
    %dma_wait3A_460 = tpu.memref_slice %arg2[%dma_wait3A_458, %dma_wait3A_459] : memref<8192x128xf32, #tpu.memory_space<hbm>> -> memref<8192x128xf32, #tpu.memory_space<hbm>>
    tpu.wait_indirect_dma semaphore(%arg7 : memref<!tpu.dma_semaphore, #tpu.memory_space<semaphore_mem>>) src(%dma_wait3A_460 : memref<8192x128xf32, #tpu.memory_space<hbm>>) dst(%arg6 : memref<128x128xf32, #tpu.memory_space<vmem>>)
    "tpu.region"() ({
      %run_scoped3A = tpu.sem_alloc : memref<!tpu.dma_semaphore, #tpu.memory_space<semaphore_mem>>
      %dma_start3A_895 = arith.constant 4096 : i32
      %dma_start3A_896 = arith.constant 0 : i32
      %dma_start3A_897 = tpu.memref_slice %arg4[%add3A, %dma_start3A_895, %dma_start3A_896] : memref<32x8192x128xf32, #tpu.memory_space<hbm>> -> memref<1x128x128xf32, #tpu.memory_space<hbm>>
      %dma_start3A_898 = tpu.memref_squeeze %dma_start3A_897 : memref<1x128x128xf32, #tpu.memory_space<hbm>> -> memref<128x128xf32, #tpu.memory_space<hbm>>
      %dma_start3A_899 = arith.constant 4096 : i32
      %dma_start3A_900 = arith.constant 0 : i32
      %dma_start3A_901 = tpu.memref_slice %arg4[%add3A, %dma_start3A_899, %dma_start3A_900] : memref<32x8192x128xf32, #tpu.memory_space<hbm>> -> memref<1x128x128xf32, #tpu.memory_space<hbm>>
      %dma_start3A_902 = tpu.memref_squeeze %dma_start3A_901 : memref<1x128x128xf32, #tpu.memory_space<hbm>> -> memref<128x128xf32, #tpu.memory_space<hbm>>
      tpu.enqueue_dma source(%arg6 : memref<128x128xf32, #tpu.memory_space<vmem>>) target(%dma_start3A_902 : memref<128x128xf32, #tpu.memory_space<hbm>>) target_semaphore(%run_scoped3A : memref<!tpu.dma_semaphore, #tpu.memory_space<semaphore_mem>>)
      %dma_wait3A_903 = arith.constant 4096 : i32
      %dma_wait3A_904 = arith.constant 0 : i32
      %dma_wait3A_905 = tpu.memref_slice %arg4[%add3A, %dma_wait3A_903, %dma_wait3A_904] : memref<32x8192x128xf32, #tpu.memory_space<hbm>> -> memref<1x128x128xf32, #tpu.memory_space<hbm>>
      %dma_wait3A_906 = tpu.memref_squeeze %dma_wait3A_905 : memref<1x128x128xf32, #tpu.memory_space<hbm>> -> memref<128x128xf32, #tpu.memory_space<hbm>>
      %dma_wait3A_907 = arith.constant 4096 : i32
      %dma_wait3A_908 = arith.constant 0 : i32
      %dma_wait3A_909 = tpu.memref_slice %arg4[%add3A, %dma_wait3A_907, %dma_wait3A_908] : memref<32x8192x128xf32, #tpu.memory_space<hbm>> -> memref<1x128x128xf32, #tpu.memory_space<hbm>>
      %dma_wait3A_910 = tpu.memref_squeeze %dma_wait3A_909 : memref<1x128x128xf32, #tpu.memory_space<hbm>> -> memref<128x128xf32, #tpu.memory_space<hbm>>
      tpu.wait_dma2 semaphore(%run_scoped3A : memref<!tpu.dma_semaphore, #tpu.memory_space<semaphore_mem>>) src(%arg6 : memref<128x128xf32, #tpu.memory_space<vmem>>) dst(%dma_wait3A_910 : memref<128x128xf32, #tpu.memory_space<hbm>>)
      tpu.yield
    }) : () -> ()
    %dma_start3A_461 = arith.constant 33 : i32
    %dma_start3A_462 = arith.constant 0 : i32
    %dma_start3A_463 = tpu.memref_slice %arg5[%dma_start3A_461, %dma_start3A_462] : memref<64x128xi32, #tpu.memory_space<vmem>> -> memref<1x128xi32, #tpu.memory_space<vmem>>
    %dma_start3A_464 = tpu.memref_squeeze %dma_start3A_463 : memref<1x128xi32, #tpu.memory_space<vmem>> -> memref<128xi32, #tpu.memory_space<vmem>>
    %dma_start3A_465 = arith.constant 0 : i32
    %dma_start3A_466 = arith.constant 0 : i32
    %dma_start3A_467 = tpu.memref_slice %arg2[%dma_start3A_465, %dma_start3A_466] : memref<8192x128xf32, #tpu.memory_space<hbm>> -> memref<8192x128xf32, #tpu.memory_space<hbm>>
    tpu.enqueue_indirect_dma source(%dma_start3A_467 : memref<8192x128xf32, #tpu.memory_space<hbm>>) target(%arg6 : memref<128x128xf32, #tpu.memory_space<vmem>>) offsets(%dma_start3A_464 : memref<128xi32, #tpu.memory_space<vmem>>) semaphore(%arg7 : memref<!tpu.dma_semaphore, #tpu.memory_space<semaphore_mem>>)
    %dma_wait3A_468 = arith.constant 33 : i32
    %dma_wait3A_469 = arith.constant 0 : i32
    %dma_wait3A_470 = tpu.memref_slice %arg5[%dma_wait3A_468, %dma_wait3A_469] : memref<64x128xi32, #tpu.memory_space<vmem>> -> memref<1x128xi32, #tpu.memory_space<vmem>>
    %dma_wait3A_471 = tpu.memref_squeeze %dma_wait3A_470 : memref<1x128xi32, #tpu.memory_space<vmem>> -> memref<128xi32, #tpu.memory_space<vmem>>
    %dma_wait3A_472 = arith.constant 0 : i32
    %dma_wait3A_473 = arith.constant 0 : i32
    %dma_wait3A_474 = tpu.memref_slice %arg2[%dma_wait3A_472, %dma_wait3A_473] : memref<8192x128xf32, #tpu.memory_space<hbm>> -> memref<8192x128xf32, #tpu.memory_space<hbm>>
    tpu.wait_indirect_dma semaphore(%arg7 : memref<!tpu.dma_semaphore, #tpu.memory_space<semaphore_mem>>) src(%dma_wait3A_474 : memref<8192x128xf32, #tpu.memory_space<hbm>>) dst(%arg6 : memref<128x128xf32, #tpu.memory_space<vmem>>)
    "tpu.region"() ({
      %run_scoped3A = tpu.sem_alloc : memref<!tpu.dma_semaphore, #tpu.memory_space<semaphore_mem>>
      %dma_start3A_895 = arith.constant 4224 : i32
      %dma_start3A_896 = arith.constant 0 : i32
      %dma_start3A_897 = tpu.memref_slice %arg4[%add3A, %dma_start3A_895, %dma_start3A_896] : memref<32x8192x128xf32, #tpu.memory_space<hbm>> -> memref<1x128x128xf32, #tpu.memory_space<hbm>>
      %dma_start3A_898 = tpu.memref_squeeze %dma_start3A_897 : memref<1x128x128xf32, #tpu.memory_space<hbm>> -> memref<128x128xf32, #tpu.memory_space<hbm>>
      %dma_start3A_899 = arith.constant 4224 : i32
      %dma_start3A_900 = arith.constant 0 : i32
      %dma_start3A_901 = tpu.memref_slice %arg4[%add3A, %dma_start3A_899, %dma_start3A_900] : memref<32x8192x128xf32, #tpu.memory_space<hbm>> -> memref<1x128x128xf32, #tpu.memory_space<hbm>>
      %dma_start3A_902 = tpu.memref_squeeze %dma_start3A_901 : memref<1x128x128xf32, #tpu.memory_space<hbm>> -> memref<128x128xf32, #tpu.memory_space<hbm>>
      tpu.enqueue_dma source(%arg6 : memref<128x128xf32, #tpu.memory_space<vmem>>) target(%dma_start3A_902 : memref<128x128xf32, #tpu.memory_space<hbm>>) target_semaphore(%run_scoped3A : memref<!tpu.dma_semaphore, #tpu.memory_space<semaphore_mem>>)
      %dma_wait3A_903 = arith.constant 4224 : i32
      %dma_wait3A_904 = arith.constant 0 : i32
      %dma_wait3A_905 = tpu.memref_slice %arg4[%add3A, %dma_wait3A_903, %dma_wait3A_904] : memref<32x8192x128xf32, #tpu.memory_space<hbm>> -> memref<1x128x128xf32, #tpu.memory_space<hbm>>
      %dma_wait3A_906 = tpu.memref_squeeze %dma_wait3A_905 : memref<1x128x128xf32, #tpu.memory_space<hbm>> -> memref<128x128xf32, #tpu.memory_space<hbm>>
      %dma_wait3A_907 = arith.constant 4224 : i32
      %dma_wait3A_908 = arith.constant 0 : i32
      %dma_wait3A_909 = tpu.memref_slice %arg4[%add3A, %dma_wait3A_907, %dma_wait3A_908] : memref<32x8192x128xf32, #tpu.memory_space<hbm>> -> memref<1x128x128xf32, #tpu.memory_space<hbm>>
      %dma_wait3A_910 = tpu.memref_squeeze %dma_wait3A_909 : memref<1x128x128xf32, #tpu.memory_space<hbm>> -> memref<128x128xf32, #tpu.memory_space<hbm>>
      tpu.wait_dma2 semaphore(%run_scoped3A : memref<!tpu.dma_semaphore, #tpu.memory_space<semaphore_mem>>) src(%arg6 : memref<128x128xf32, #tpu.memory_space<vmem>>) dst(%dma_wait3A_910 : memref<128x128xf32, #tpu.memory_space<hbm>>)
      tpu.yield
    }) : () -> ()
    %dma_start3A_475 = arith.constant 34 : i32
    %dma_start3A_476 = arith.constant 0 : i32
    %dma_start3A_477 = tpu.memref_slice %arg5[%dma_start3A_475, %dma_start3A_476] : memref<64x128xi32, #tpu.memory_space<vmem>> -> memref<1x128xi32, #tpu.memory_space<vmem>>
    %dma_start3A_478 = tpu.memref_squeeze %dma_start3A_477 : memref<1x128xi32, #tpu.memory_space<vmem>> -> memref<128xi32, #tpu.memory_space<vmem>>
    %dma_start3A_479 = arith.constant 0 : i32
    %dma_start3A_480 = arith.constant 0 : i32
    %dma_start3A_481 = tpu.memref_slice %arg2[%dma_start3A_479, %dma_start3A_480] : memref<8192x128xf32, #tpu.memory_space<hbm>> -> memref<8192x128xf32, #tpu.memory_space<hbm>>
    tpu.enqueue_indirect_dma source(%dma_start3A_481 : memref<8192x128xf32, #tpu.memory_space<hbm>>) target(%arg6 : memref<128x128xf32, #tpu.memory_space<vmem>>) offsets(%dma_start3A_478 : memref<128xi32, #tpu.memory_space<vmem>>) semaphore(%arg7 : memref<!tpu.dma_semaphore, #tpu.memory_space<semaphore_mem>>)
    %dma_wait3A_482 = arith.constant 34 : i32
    %dma_wait3A_483 = arith.constant 0 : i32
    %dma_wait3A_484 = tpu.memref_slice %arg5[%dma_wait3A_482, %dma_wait3A_483] : memref<64x128xi32, #tpu.memory_space<vmem>> -> memref<1x128xi32, #tpu.memory_space<vmem>>
    %dma_wait3A_485 = tpu.memref_squeeze %dma_wait3A_484 : memref<1x128xi32, #tpu.memory_space<vmem>> -> memref<128xi32, #tpu.memory_space<vmem>>
    %dma_wait3A_486 = arith.constant 0 : i32
    %dma_wait3A_487 = arith.constant 0 : i32
    %dma_wait3A_488 = tpu.memref_slice %arg2[%dma_wait3A_486, %dma_wait3A_487] : memref<8192x128xf32, #tpu.memory_space<hbm>> -> memref<8192x128xf32, #tpu.memory_space<hbm>>
    tpu.wait_indirect_dma semaphore(%arg7 : memref<!tpu.dma_semaphore, #tpu.memory_space<semaphore_mem>>) src(%dma_wait3A_488 : memref<8192x128xf32, #tpu.memory_space<hbm>>) dst(%arg6 : memref<128x128xf32, #tpu.memory_space<vmem>>)
    "tpu.region"() ({
      %run_scoped3A = tpu.sem_alloc : memref<!tpu.dma_semaphore, #tpu.memory_space<semaphore_mem>>
      %dma_start3A_895 = arith.constant 4352 : i32
      %dma_start3A_896 = arith.constant 0 : i32
      %dma_start3A_897 = tpu.memref_slice %arg4[%add3A, %dma_start3A_895, %dma_start3A_896] : memref<32x8192x128xf32, #tpu.memory_space<hbm>> -> memref<1x128x128xf32, #tpu.memory_space<hbm>>
      %dma_start3A_898 = tpu.memref_squeeze %dma_start3A_897 : memref<1x128x128xf32, #tpu.memory_space<hbm>> -> memref<128x128xf32, #tpu.memory_space<hbm>>
      %dma_start3A_899 = arith.constant 4352 : i32
      %dma_start3A_900 = arith.constant 0 : i32
      %dma_start3A_901 = tpu.memref_slice %arg4[%add3A, %dma_start3A_899, %dma_start3A_900] : memref<32x8192x128xf32, #tpu.memory_space<hbm>> -> memref<1x128x128xf32, #tpu.memory_space<hbm>>
      %dma_start3A_902 = tpu.memref_squeeze %dma_start3A_901 : memref<1x128x128xf32, #tpu.memory_space<hbm>> -> memref<128x128xf32, #tpu.memory_space<hbm>>
      tpu.enqueue_dma source(%arg6 : memref<128x128xf32, #tpu.memory_space<vmem>>) target(%dma_start3A_902 : memref<128x128xf32, #tpu.memory_space<hbm>>) target_semaphore(%run_scoped3A : memref<!tpu.dma_semaphore, #tpu.memory_space<semaphore_mem>>)
      %dma_wait3A_903 = arith.constant 4352 : i32
      %dma_wait3A_904 = arith.constant 0 : i32
      %dma_wait3A_905 = tpu.memref_slice %arg4[%add3A, %dma_wait3A_903, %dma_wait3A_904] : memref<32x8192x128xf32, #tpu.memory_space<hbm>> -> memref<1x128x128xf32, #tpu.memory_space<hbm>>
      %dma_wait3A_906 = tpu.memref_squeeze %dma_wait3A_905 : memref<1x128x128xf32, #tpu.memory_space<hbm>> -> memref<128x128xf32, #tpu.memory_space<hbm>>
      %dma_wait3A_907 = arith.constant 4352 : i32
      %dma_wait3A_908 = arith.constant 0 : i32
      %dma_wait3A_909 = tpu.memref_slice %arg4[%add3A, %dma_wait3A_907, %dma_wait3A_908] : memref<32x8192x128xf32, #tpu.memory_space<hbm>> -> memref<1x128x128xf32, #tpu.memory_space<hbm>>
      %dma_wait3A_910 = tpu.memref_squeeze %dma_wait3A_909 : memref<1x128x128xf32, #tpu.memory_space<hbm>> -> memref<128x128xf32, #tpu.memory_space<hbm>>
      tpu.wait_dma2 semaphore(%run_scoped3A : memref<!tpu.dma_semaphore, #tpu.memory_space<semaphore_mem>>) src(%arg6 : memref<128x128xf32, #tpu.memory_space<vmem>>) dst(%dma_wait3A_910 : memref<128x128xf32, #tpu.memory_space<hbm>>)
      tpu.yield
    }) : () -> ()
    %dma_start3A_489 = arith.constant 35 : i32
    %dma_start3A_490 = arith.constant 0 : i32
    %dma_start3A_491 = tpu.memref_slice %arg5[%dma_start3A_489, %dma_start3A_490] : memref<64x128xi32, #tpu.memory_space<vmem>> -> memref<1x128xi32, #tpu.memory_space<vmem>>
    %dma_start3A_492 = tpu.memref_squeeze %dma_start3A_491 : memref<1x128xi32, #tpu.memory_space<vmem>> -> memref<128xi32, #tpu.memory_space<vmem>>
    %dma_start3A_493 = arith.constant 0 : i32
    %dma_start3A_494 = arith.constant 0 : i32
    %dma_start3A_495 = tpu.memref_slice %arg2[%dma_start3A_493, %dma_start3A_494] : memref<8192x128xf32, #tpu.memory_space<hbm>> -> memref<8192x128xf32, #tpu.memory_space<hbm>>
    tpu.enqueue_indirect_dma source(%dma_start3A_495 : memref<8192x128xf32, #tpu.memory_space<hbm>>) target(%arg6 : memref<128x128xf32, #tpu.memory_space<vmem>>) offsets(%dma_start3A_492 : memref<128xi32, #tpu.memory_space<vmem>>) semaphore(%arg7 : memref<!tpu.dma_semaphore, #tpu.memory_space<semaphore_mem>>)
    %dma_wait3A_496 = arith.constant 35 : i32
    %dma_wait3A_497 = arith.constant 0 : i32
    %dma_wait3A_498 = tpu.memref_slice %arg5[%dma_wait3A_496, %dma_wait3A_497] : memref<64x128xi32, #tpu.memory_space<vmem>> -> memref<1x128xi32, #tpu.memory_space<vmem>>
    %dma_wait3A_499 = tpu.memref_squeeze %dma_wait3A_498 : memref<1x128xi32, #tpu.memory_space<vmem>> -> memref<128xi32, #tpu.memory_space<vmem>>
    %dma_wait3A_500 = arith.constant 0 : i32
    %dma_wait3A_501 = arith.constant 0 : i32
    %dma_wait3A_502 = tpu.memref_slice %arg2[%dma_wait3A_500, %dma_wait3A_501] : memref<8192x128xf32, #tpu.memory_space<hbm>> -> memref<8192x128xf32, #tpu.memory_space<hbm>>
    tpu.wait_indirect_dma semaphore(%arg7 : memref<!tpu.dma_semaphore, #tpu.memory_space<semaphore_mem>>) src(%dma_wait3A_502 : memref<8192x128xf32, #tpu.memory_space<hbm>>) dst(%arg6 : memref<128x128xf32, #tpu.memory_space<vmem>>)
    "tpu.region"() ({
      %run_scoped3A = tpu.sem_alloc : memref<!tpu.dma_semaphore, #tpu.memory_space<semaphore_mem>>
      %dma_start3A_895 = arith.constant 4480 : i32
      %dma_start3A_896 = arith.constant 0 : i32
      %dma_start3A_897 = tpu.memref_slice %arg4[%add3A, %dma_start3A_895, %dma_start3A_896] : memref<32x8192x128xf32, #tpu.memory_space<hbm>> -> memref<1x128x128xf32, #tpu.memory_space<hbm>>
      %dma_start3A_898 = tpu.memref_squeeze %dma_start3A_897 : memref<1x128x128xf32, #tpu.memory_space<hbm>> -> memref<128x128xf32, #tpu.memory_space<hbm>>
      %dma_start3A_899 = arith.constant 4480 : i32
      %dma_start3A_900 = arith.constant 0 : i32
      %dma_start3A_901 = tpu.memref_slice %arg4[%add3A, %dma_start3A_899, %dma_start3A_900] : memref<32x8192x128xf32, #tpu.memory_space<hbm>> -> memref<1x128x128xf32, #tpu.memory_space<hbm>>
      %dma_start3A_902 = tpu.memref_squeeze %dma_start3A_901 : memref<1x128x128xf32, #tpu.memory_space<hbm>> -> memref<128x128xf32, #tpu.memory_space<hbm>>
      tpu.enqueue_dma source(%arg6 : memref<128x128xf32, #tpu.memory_space<vmem>>) target(%dma_start3A_902 : memref<128x128xf32, #tpu.memory_space<hbm>>) target_semaphore(%run_scoped3A : memref<!tpu.dma_semaphore, #tpu.memory_space<semaphore_mem>>)
      %dma_wait3A_903 = arith.constant 4480 : i32
      %dma_wait3A_904 = arith.constant 0 : i32
      %dma_wait3A_905 = tpu.memref_slice %arg4[%add3A, %dma_wait3A_903, %dma_wait3A_904] : memref<32x8192x128xf32, #tpu.memory_space<hbm>> -> memref<1x128x128xf32, #tpu.memory_space<hbm>>
      %dma_wait3A_906 = tpu.memref_squeeze %dma_wait3A_905 : memref<1x128x128xf32, #tpu.memory_space<hbm>> -> memref<128x128xf32, #tpu.memory_space<hbm>>
      %dma_wait3A_907 = arith.constant 4480 : i32
      %dma_wait3A_908 = arith.constant 0 : i32
      %dma_wait3A_909 = tpu.memref_slice %arg4[%add3A, %dma_wait3A_907, %dma_wait3A_908] : memref<32x8192x128xf32, #tpu.memory_space<hbm>> -> memref<1x128x128xf32, #tpu.memory_space<hbm>>
      %dma_wait3A_910 = tpu.memref_squeeze %dma_wait3A_909 : memref<1x128x128xf32, #tpu.memory_space<hbm>> -> memref<128x128xf32, #tpu.memory_space<hbm>>
      tpu.wait_dma2 semaphore(%run_scoped3A : memref<!tpu.dma_semaphore, #tpu.memory_space<semaphore_mem>>) src(%arg6 : memref<128x128xf32, #tpu.memory_space<vmem>>) dst(%dma_wait3A_910 : memref<128x128xf32, #tpu.memory_space<hbm>>)
      tpu.yield
    }) : () -> ()
    %dma_start3A_503 = arith.constant 36 : i32
    %dma_start3A_504 = arith.constant 0 : i32
    %dma_start3A_505 = tpu.memref_slice %arg5[%dma_start3A_503, %dma_start3A_504] : memref<64x128xi32, #tpu.memory_space<vmem>> -> memref<1x128xi32, #tpu.memory_space<vmem>>
    %dma_start3A_506 = tpu.memref_squeeze %dma_start3A_505 : memref<1x128xi32, #tpu.memory_space<vmem>> -> memref<128xi32, #tpu.memory_space<vmem>>
    %dma_start3A_507 = arith.constant 0 : i32
    %dma_start3A_508 = arith.constant 0 : i32
    %dma_start3A_509 = tpu.memref_slice %arg2[%dma_start3A_507, %dma_start3A_508] : memref<8192x128xf32, #tpu.memory_space<hbm>> -> memref<8192x128xf32, #tpu.memory_space<hbm>>
    tpu.enqueue_indirect_dma source(%dma_start3A_509 : memref<8192x128xf32, #tpu.memory_space<hbm>>) target(%arg6 : memref<128x128xf32, #tpu.memory_space<vmem>>) offsets(%dma_start3A_506 : memref<128xi32, #tpu.memory_space<vmem>>) semaphore(%arg7 : memref<!tpu.dma_semaphore, #tpu.memory_space<semaphore_mem>>)
    %dma_wait3A_510 = arith.constant 36 : i32
    %dma_wait3A_511 = arith.constant 0 : i32
    %dma_wait3A_512 = tpu.memref_slice %arg5[%dma_wait3A_510, %dma_wait3A_511] : memref<64x128xi32, #tpu.memory_space<vmem>> -> memref<1x128xi32, #tpu.memory_space<vmem>>
    %dma_wait3A_513 = tpu.memref_squeeze %dma_wait3A_512 : memref<1x128xi32, #tpu.memory_space<vmem>> -> memref<128xi32, #tpu.memory_space<vmem>>
    %dma_wait3A_514 = arith.constant 0 : i32
    %dma_wait3A_515 = arith.constant 0 : i32
    %dma_wait3A_516 = tpu.memref_slice %arg2[%dma_wait3A_514, %dma_wait3A_515] : memref<8192x128xf32, #tpu.memory_space<hbm>> -> memref<8192x128xf32, #tpu.memory_space<hbm>>
    tpu.wait_indirect_dma semaphore(%arg7 : memref<!tpu.dma_semaphore, #tpu.memory_space<semaphore_mem>>) src(%dma_wait3A_516 : memref<8192x128xf32, #tpu.memory_space<hbm>>) dst(%arg6 : memref<128x128xf32, #tpu.memory_space<vmem>>)
    "tpu.region"() ({
      %run_scoped3A = tpu.sem_alloc : memref<!tpu.dma_semaphore, #tpu.memory_space<semaphore_mem>>
      %dma_start3A_895 = arith.constant 4608 : i32
      %dma_start3A_896 = arith.constant 0 : i32
      %dma_start3A_897 = tpu.memref_slice %arg4[%add3A, %dma_start3A_895, %dma_start3A_896] : memref<32x8192x128xf32, #tpu.memory_space<hbm>> -> memref<1x128x128xf32, #tpu.memory_space<hbm>>
      %dma_start3A_898 = tpu.memref_squeeze %dma_start3A_897 : memref<1x128x128xf32, #tpu.memory_space<hbm>> -> memref<128x128xf32, #tpu.memory_space<hbm>>
      %dma_start3A_899 = arith.constant 4608 : i32
      %dma_start3A_900 = arith.constant 0 : i32
      %dma_start3A_901 = tpu.memref_slice %arg4[%add3A, %dma_start3A_899, %dma_start3A_900] : memref<32x8192x128xf32, #tpu.memory_space<hbm>> -> memref<1x128x128xf32, #tpu.memory_space<hbm>>
      %dma_start3A_902 = tpu.memref_squeeze %dma_start3A_901 : memref<1x128x128xf32, #tpu.memory_space<hbm>> -> memref<128x128xf32, #tpu.memory_space<hbm>>
      tpu.enqueue_dma source(%arg6 : memref<128x128xf32, #tpu.memory_space<vmem>>) target(%dma_start3A_902 : memref<128x128xf32, #tpu.memory_space<hbm>>) target_semaphore(%run_scoped3A : memref<!tpu.dma_semaphore, #tpu.memory_space<semaphore_mem>>)
      %dma_wait3A_903 = arith.constant 4608 : i32
      %dma_wait3A_904 = arith.constant 0 : i32
      %dma_wait3A_905 = tpu.memref_slice %arg4[%add3A, %dma_wait3A_903, %dma_wait3A_904] : memref<32x8192x128xf32, #tpu.memory_space<hbm>> -> memref<1x128x128xf32, #tpu.memory_space<hbm>>
      %dma_wait3A_906 = tpu.memref_squeeze %dma_wait3A_905 : memref<1x128x128xf32, #tpu.memory_space<hbm>> -> memref<128x128xf32, #tpu.memory_space<hbm>>
      %dma_wait3A_907 = arith.constant 4608 : i32
      %dma_wait3A_908 = arith.constant 0 : i32
      %dma_wait3A_909 = tpu.memref_slice %arg4[%add3A, %dma_wait3A_907, %dma_wait3A_908] : memref<32x8192x128xf32, #tpu.memory_space<hbm>> -> memref<1x128x128xf32, #tpu.memory_space<hbm>>
      %dma_wait3A_910 = tpu.memref_squeeze %dma_wait3A_909 : memref<1x128x128xf32, #tpu.memory_space<hbm>> -> memref<128x128xf32, #tpu.memory_space<hbm>>
      tpu.wait_dma2 semaphore(%run_scoped3A : memref<!tpu.dma_semaphore, #tpu.memory_space<semaphore_mem>>) src(%arg6 : memref<128x128xf32, #tpu.memory_space<vmem>>) dst(%dma_wait3A_910 : memref<128x128xf32, #tpu.memory_space<hbm>>)
      tpu.yield
    }) : () -> ()
    %dma_start3A_517 = arith.constant 37 : i32
    %dma_start3A_518 = arith.constant 0 : i32
    %dma_start3A_519 = tpu.memref_slice %arg5[%dma_start3A_517, %dma_start3A_518] : memref<64x128xi32, #tpu.memory_space<vmem>> -> memref<1x128xi32, #tpu.memory_space<vmem>>
    %dma_start3A_520 = tpu.memref_squeeze %dma_start3A_519 : memref<1x128xi32, #tpu.memory_space<vmem>> -> memref<128xi32, #tpu.memory_space<vmem>>
    %dma_start3A_521 = arith.constant 0 : i32
    %dma_start3A_522 = arith.constant 0 : i32
    %dma_start3A_523 = tpu.memref_slice %arg2[%dma_start3A_521, %dma_start3A_522] : memref<8192x128xf32, #tpu.memory_space<hbm>> -> memref<8192x128xf32, #tpu.memory_space<hbm>>
    tpu.enqueue_indirect_dma source(%dma_start3A_523 : memref<8192x128xf32, #tpu.memory_space<hbm>>) target(%arg6 : memref<128x128xf32, #tpu.memory_space<vmem>>) offsets(%dma_start3A_520 : memref<128xi32, #tpu.memory_space<vmem>>) semaphore(%arg7 : memref<!tpu.dma_semaphore, #tpu.memory_space<semaphore_mem>>)
    %dma_wait3A_524 = arith.constant 37 : i32
    %dma_wait3A_525 = arith.constant 0 : i32
    %dma_wait3A_526 = tpu.memref_slice %arg5[%dma_wait3A_524, %dma_wait3A_525] : memref<64x128xi32, #tpu.memory_space<vmem>> -> memref<1x128xi32, #tpu.memory_space<vmem>>
    %dma_wait3A_527 = tpu.memref_squeeze %dma_wait3A_526 : memref<1x128xi32, #tpu.memory_space<vmem>> -> memref<128xi32, #tpu.memory_space<vmem>>
    %dma_wait3A_528 = arith.constant 0 : i32
    %dma_wait3A_529 = arith.constant 0 : i32
    %dma_wait3A_530 = tpu.memref_slice %arg2[%dma_wait3A_528, %dma_wait3A_529] : memref<8192x128xf32, #tpu.memory_space<hbm>> -> memref<8192x128xf32, #tpu.memory_space<hbm>>
    tpu.wait_indirect_dma semaphore(%arg7 : memref<!tpu.dma_semaphore, #tpu.memory_space<semaphore_mem>>) src(%dma_wait3A_530 : memref<8192x128xf32, #tpu.memory_space<hbm>>) dst(%arg6 : memref<128x128xf32, #tpu.memory_space<vmem>>)
    "tpu.region"() ({
      %run_scoped3A = tpu.sem_alloc : memref<!tpu.dma_semaphore, #tpu.memory_space<semaphore_mem>>
      %dma_start3A_895 = arith.constant 4736 : i32
      %dma_start3A_896 = arith.constant 0 : i32
      %dma_start3A_897 = tpu.memref_slice %arg4[%add3A, %dma_start3A_895, %dma_start3A_896] : memref<32x8192x128xf32, #tpu.memory_space<hbm>> -> memref<1x128x128xf32, #tpu.memory_space<hbm>>
      %dma_start3A_898 = tpu.memref_squeeze %dma_start3A_897 : memref<1x128x128xf32, #tpu.memory_space<hbm>> -> memref<128x128xf32, #tpu.memory_space<hbm>>
      %dma_start3A_899 = arith.constant 4736 : i32
      %dma_start3A_900 = arith.constant 0 : i32
      %dma_start3A_901 = tpu.memref_slice %arg4[%add3A, %dma_start3A_899, %dma_start3A_900] : memref<32x8192x128xf32, #tpu.memory_space<hbm>> -> memref<1x128x128xf32, #tpu.memory_space<hbm>>
      %dma_start3A_902 = tpu.memref_squeeze %dma_start3A_901 : memref<1x128x128xf32, #tpu.memory_space<hbm>> -> memref<128x128xf32, #tpu.memory_space<hbm>>
      tpu.enqueue_dma source(%arg6 : memref<128x128xf32, #tpu.memory_space<vmem>>) target(%dma_start3A_902 : memref<128x128xf32, #tpu.memory_space<hbm>>) target_semaphore(%run_scoped3A : memref<!tpu.dma_semaphore, #tpu.memory_space<semaphore_mem>>)
      %dma_wait3A_903 = arith.constant 4736 : i32
      %dma_wait3A_904 = arith.constant 0 : i32
      %dma_wait3A_905 = tpu.memref_slice %arg4[%add3A, %dma_wait3A_903, %dma_wait3A_904] : memref<32x8192x128xf32, #tpu.memory_space<hbm>> -> memref<1x128x128xf32, #tpu.memory_space<hbm>>
      %dma_wait3A_906 = tpu.memref_squeeze %dma_wait3A_905 : memref<1x128x128xf32, #tpu.memory_space<hbm>> -> memref<128x128xf32, #tpu.memory_space<hbm>>
      %dma_wait3A_907 = arith.constant 4736 : i32
      %dma_wait3A_908 = arith.constant 0 : i32
      %dma_wait3A_909 = tpu.memref_slice %arg4[%add3A, %dma_wait3A_907, %dma_wait3A_908] : memref<32x8192x128xf32, #tpu.memory_space<hbm>> -> memref<1x128x128xf32, #tpu.memory_space<hbm>>
      %dma_wait3A_910 = tpu.memref_squeeze %dma_wait3A_909 : memref<1x128x128xf32, #tpu.memory_space<hbm>> -> memref<128x128xf32, #tpu.memory_space<hbm>>
      tpu.wait_dma2 semaphore(%run_scoped3A : memref<!tpu.dma_semaphore, #tpu.memory_space<semaphore_mem>>) src(%arg6 : memref<128x128xf32, #tpu.memory_space<vmem>>) dst(%dma_wait3A_910 : memref<128x128xf32, #tpu.memory_space<hbm>>)
      tpu.yield
    }) : () -> ()
    %dma_start3A_531 = arith.constant 38 : i32
    %dma_start3A_532 = arith.constant 0 : i32
    %dma_start3A_533 = tpu.memref_slice %arg5[%dma_start3A_531, %dma_start3A_532] : memref<64x128xi32, #tpu.memory_space<vmem>> -> memref<1x128xi32, #tpu.memory_space<vmem>>
    %dma_start3A_534 = tpu.memref_squeeze %dma_start3A_533 : memref<1x128xi32, #tpu.memory_space<vmem>> -> memref<128xi32, #tpu.memory_space<vmem>>
    %dma_start3A_535 = arith.constant 0 : i32
    %dma_start3A_536 = arith.constant 0 : i32
    %dma_start3A_537 = tpu.memref_slice %arg2[%dma_start3A_535, %dma_start3A_536] : memref<8192x128xf32, #tpu.memory_space<hbm>> -> memref<8192x128xf32, #tpu.memory_space<hbm>>
    tpu.enqueue_indirect_dma source(%dma_start3A_537 : memref<8192x128xf32, #tpu.memory_space<hbm>>) target(%arg6 : memref<128x128xf32, #tpu.memory_space<vmem>>) offsets(%dma_start3A_534 : memref<128xi32, #tpu.memory_space<vmem>>) semaphore(%arg7 : memref<!tpu.dma_semaphore, #tpu.memory_space<semaphore_mem>>)
    %dma_wait3A_538 = arith.constant 38 : i32
    %dma_wait3A_539 = arith.constant 0 : i32
    %dma_wait3A_540 = tpu.memref_slice %arg5[%dma_wait3A_538, %dma_wait3A_539] : memref<64x128xi32, #tpu.memory_space<vmem>> -> memref<1x128xi32, #tpu.memory_space<vmem>>
    %dma_wait3A_541 = tpu.memref_squeeze %dma_wait3A_540 : memref<1x128xi32, #tpu.memory_space<vmem>> -> memref<128xi32, #tpu.memory_space<vmem>>
    %dma_wait3A_542 = arith.constant 0 : i32
    %dma_wait3A_543 = arith.constant 0 : i32
    %dma_wait3A_544 = tpu.memref_slice %arg2[%dma_wait3A_542, %dma_wait3A_543] : memref<8192x128xf32, #tpu.memory_space<hbm>> -> memref<8192x128xf32, #tpu.memory_space<hbm>>
    tpu.wait_indirect_dma semaphore(%arg7 : memref<!tpu.dma_semaphore, #tpu.memory_space<semaphore_mem>>) src(%dma_wait3A_544 : memref<8192x128xf32, #tpu.memory_space<hbm>>) dst(%arg6 : memref<128x128xf32, #tpu.memory_space<vmem>>)
    "tpu.region"() ({
      %run_scoped3A = tpu.sem_alloc : memref<!tpu.dma_semaphore, #tpu.memory_space<semaphore_mem>>
      %dma_start3A_895 = arith.constant 4864 : i32
      %dma_start3A_896 = arith.constant 0 : i32
      %dma_start3A_897 = tpu.memref_slice %arg4[%add3A, %dma_start3A_895, %dma_start3A_896] : memref<32x8192x128xf32, #tpu.memory_space<hbm>> -> memref<1x128x128xf32, #tpu.memory_space<hbm>>
      %dma_start3A_898 = tpu.memref_squeeze %dma_start3A_897 : memref<1x128x128xf32, #tpu.memory_space<hbm>> -> memref<128x128xf32, #tpu.memory_space<hbm>>
      %dma_start3A_899 = arith.constant 4864 : i32
      %dma_start3A_900 = arith.constant 0 : i32
      %dma_start3A_901 = tpu.memref_slice %arg4[%add3A, %dma_start3A_899, %dma_start3A_900] : memref<32x8192x128xf32, #tpu.memory_space<hbm>> -> memref<1x128x128xf32, #tpu.memory_space<hbm>>
      %dma_start3A_902 = tpu.memref_squeeze %dma_start3A_901 : memref<1x128x128xf32, #tpu.memory_space<hbm>> -> memref<128x128xf32, #tpu.memory_space<hbm>>
      tpu.enqueue_dma source(%arg6 : memref<128x128xf32, #tpu.memory_space<vmem>>) target(%dma_start3A_902 : memref<128x128xf32, #tpu.memory_space<hbm>>) target_semaphore(%run_scoped3A : memref<!tpu.dma_semaphore, #tpu.memory_space<semaphore_mem>>)
      %dma_wait3A_903 = arith.constant 4864 : i32
      %dma_wait3A_904 = arith.constant 0 : i32
      %dma_wait3A_905 = tpu.memref_slice %arg4[%add3A, %dma_wait3A_903, %dma_wait3A_904] : memref<32x8192x128xf32, #tpu.memory_space<hbm>> -> memref<1x128x128xf32, #tpu.memory_space<hbm>>
      %dma_wait3A_906 = tpu.memref_squeeze %dma_wait3A_905 : memref<1x128x128xf32, #tpu.memory_space<hbm>> -> memref<128x128xf32, #tpu.memory_space<hbm>>
      %dma_wait3A_907 = arith.constant 4864 : i32
      %dma_wait3A_908 = arith.constant 0 : i32
      %dma_wait3A_909 = tpu.memref_slice %arg4[%add3A, %dma_wait3A_907, %dma_wait3A_908] : memref<32x8192x128xf32, #tpu.memory_space<hbm>> -> memref<1x128x128xf32, #tpu.memory_space<hbm>>
      %dma_wait3A_910 = tpu.memref_squeeze %dma_wait3A_909 : memref<1x128x128xf32, #tpu.memory_space<hbm>> -> memref<128x128xf32, #tpu.memory_space<hbm>>
      tpu.wait_dma2 semaphore(%run_scoped3A : memref<!tpu.dma_semaphore, #tpu.memory_space<semaphore_mem>>) src(%arg6 : memref<128x128xf32, #tpu.memory_space<vmem>>) dst(%dma_wait3A_910 : memref<128x128xf32, #tpu.memory_space<hbm>>)
      tpu.yield
    }) : () -> ()
    %dma_start3A_545 = arith.constant 39 : i32
    %dma_start3A_546 = arith.constant 0 : i32
    %dma_start3A_547 = tpu.memref_slice %arg5[%dma_start3A_545, %dma_start3A_546] : memref<64x128xi32, #tpu.memory_space<vmem>> -> memref<1x128xi32, #tpu.memory_space<vmem>>
    %dma_start3A_548 = tpu.memref_squeeze %dma_start3A_547 : memref<1x128xi32, #tpu.memory_space<vmem>> -> memref<128xi32, #tpu.memory_space<vmem>>
    %dma_start3A_549 = arith.constant 0 : i32
    %dma_start3A_550 = arith.constant 0 : i32
    %dma_start3A_551 = tpu.memref_slice %arg2[%dma_start3A_549, %dma_start3A_550] : memref<8192x128xf32, #tpu.memory_space<hbm>> -> memref<8192x128xf32, #tpu.memory_space<hbm>>
    tpu.enqueue_indirect_dma source(%dma_start3A_551 : memref<8192x128xf32, #tpu.memory_space<hbm>>) target(%arg6 : memref<128x128xf32, #tpu.memory_space<vmem>>) offsets(%dma_start3A_548 : memref<128xi32, #tpu.memory_space<vmem>>) semaphore(%arg7 : memref<!tpu.dma_semaphore, #tpu.memory_space<semaphore_mem>>)
    %dma_wait3A_552 = arith.constant 39 : i32
    %dma_wait3A_553 = arith.constant 0 : i32
    %dma_wait3A_554 = tpu.memref_slice %arg5[%dma_wait3A_552, %dma_wait3A_553] : memref<64x128xi32, #tpu.memory_space<vmem>> -> memref<1x128xi32, #tpu.memory_space<vmem>>
    %dma_wait3A_555 = tpu.memref_squeeze %dma_wait3A_554 : memref<1x128xi32, #tpu.memory_space<vmem>> -> memref<128xi32, #tpu.memory_space<vmem>>
    %dma_wait3A_556 = arith.constant 0 : i32
    %dma_wait3A_557 = arith.constant 0 : i32
    %dma_wait3A_558 = tpu.memref_slice %arg2[%dma_wait3A_556, %dma_wait3A_557] : memref<8192x128xf32, #tpu.memory_space<hbm>> -> memref<8192x128xf32, #tpu.memory_space<hbm>>
    tpu.wait_indirect_dma semaphore(%arg7 : memref<!tpu.dma_semaphore, #tpu.memory_space<semaphore_mem>>) src(%dma_wait3A_558 : memref<8192x128xf32, #tpu.memory_space<hbm>>) dst(%arg6 : memref<128x128xf32, #tpu.memory_space<vmem>>)
    "tpu.region"() ({
      %run_scoped3A = tpu.sem_alloc : memref<!tpu.dma_semaphore, #tpu.memory_space<semaphore_mem>>
      %dma_start3A_895 = arith.constant 4992 : i32
      %dma_start3A_896 = arith.constant 0 : i32
      %dma_start3A_897 = tpu.memref_slice %arg4[%add3A, %dma_start3A_895, %dma_start3A_896] : memref<32x8192x128xf32, #tpu.memory_space<hbm>> -> memref<1x128x128xf32, #tpu.memory_space<hbm>>
      %dma_start3A_898 = tpu.memref_squeeze %dma_start3A_897 : memref<1x128x128xf32, #tpu.memory_space<hbm>> -> memref<128x128xf32, #tpu.memory_space<hbm>>
      %dma_start3A_899 = arith.constant 4992 : i32
      %dma_start3A_900 = arith.constant 0 : i32
      %dma_start3A_901 = tpu.memref_slice %arg4[%add3A, %dma_start3A_899, %dma_start3A_900] : memref<32x8192x128xf32, #tpu.memory_space<hbm>> -> memref<1x128x128xf32, #tpu.memory_space<hbm>>
      %dma_start3A_902 = tpu.memref_squeeze %dma_start3A_901 : memref<1x128x128xf32, #tpu.memory_space<hbm>> -> memref<128x128xf32, #tpu.memory_space<hbm>>
      tpu.enqueue_dma source(%arg6 : memref<128x128xf32, #tpu.memory_space<vmem>>) target(%dma_start3A_902 : memref<128x128xf32, #tpu.memory_space<hbm>>) target_semaphore(%run_scoped3A : memref<!tpu.dma_semaphore, #tpu.memory_space<semaphore_mem>>)
      %dma_wait3A_903 = arith.constant 4992 : i32
      %dma_wait3A_904 = arith.constant 0 : i32
      %dma_wait3A_905 = tpu.memref_slice %arg4[%add3A, %dma_wait3A_903, %dma_wait3A_904] : memref<32x8192x128xf32, #tpu.memory_space<hbm>> -> memref<1x128x128xf32, #tpu.memory_space<hbm>>
      %dma_wait3A_906 = tpu.memref_squeeze %dma_wait3A_905 : memref<1x128x128xf32, #tpu.memory_space<hbm>> -> memref<128x128xf32, #tpu.memory_space<hbm>>
      %dma_wait3A_907 = arith.constant 4992 : i32
      %dma_wait3A_908 = arith.constant 0 : i32
      %dma_wait3A_909 = tpu.memref_slice %arg4[%add3A, %dma_wait3A_907, %dma_wait3A_908] : memref<32x8192x128xf32, #tpu.memory_space<hbm>> -> memref<1x128x128xf32, #tpu.memory_space<hbm>>
      %dma_wait3A_910 = tpu.memref_squeeze %dma_wait3A_909 : memref<1x128x128xf32, #tpu.memory_space<hbm>> -> memref<128x128xf32, #tpu.memory_space<hbm>>
      tpu.wait_dma2 semaphore(%run_scoped3A : memref<!tpu.dma_semaphore, #tpu.memory_space<semaphore_mem>>) src(%arg6 : memref<128x128xf32, #tpu.memory_space<vmem>>) dst(%dma_wait3A_910 : memref<128x128xf32, #tpu.memory_space<hbm>>)
      tpu.yield
    }) : () -> ()
    %dma_start3A_559 = arith.constant 40 : i32
    %dma_start3A_560 = arith.constant 0 : i32
    %dma_start3A_561 = tpu.memref_slice %arg5[%dma_start3A_559, %dma_start3A_560] : memref<64x128xi32, #tpu.memory_space<vmem>> -> memref<1x128xi32, #tpu.memory_space<vmem>>
    %dma_start3A_562 = tpu.memref_squeeze %dma_start3A_561 : memref<1x128xi32, #tpu.memory_space<vmem>> -> memref<128xi32, #tpu.memory_space<vmem>>
    %dma_start3A_563 = arith.constant 0 : i32
    %dma_start3A_564 = arith.constant 0 : i32
    %dma_start3A_565 = tpu.memref_slice %arg2[%dma_start3A_563, %dma_start3A_564] : memref<8192x128xf32, #tpu.memory_space<hbm>> -> memref<8192x128xf32, #tpu.memory_space<hbm>>
    tpu.enqueue_indirect_dma source(%dma_start3A_565 : memref<8192x128xf32, #tpu.memory_space<hbm>>) target(%arg6 : memref<128x128xf32, #tpu.memory_space<vmem>>) offsets(%dma_start3A_562 : memref<128xi32, #tpu.memory_space<vmem>>) semaphore(%arg7 : memref<!tpu.dma_semaphore, #tpu.memory_space<semaphore_mem>>)
    %dma_wait3A_566 = arith.constant 40 : i32
    %dma_wait3A_567 = arith.constant 0 : i32
    %dma_wait3A_568 = tpu.memref_slice %arg5[%dma_wait3A_566, %dma_wait3A_567] : memref<64x128xi32, #tpu.memory_space<vmem>> -> memref<1x128xi32, #tpu.memory_space<vmem>>
    %dma_wait3A_569 = tpu.memref_squeeze %dma_wait3A_568 : memref<1x128xi32, #tpu.memory_space<vmem>> -> memref<128xi32, #tpu.memory_space<vmem>>
    %dma_wait3A_570 = arith.constant 0 : i32
    %dma_wait3A_571 = arith.constant 0 : i32
    %dma_wait3A_572 = tpu.memref_slice %arg2[%dma_wait3A_570, %dma_wait3A_571] : memref<8192x128xf32, #tpu.memory_space<hbm>> -> memref<8192x128xf32, #tpu.memory_space<hbm>>
    tpu.wait_indirect_dma semaphore(%arg7 : memref<!tpu.dma_semaphore, #tpu.memory_space<semaphore_mem>>) src(%dma_wait3A_572 : memref<8192x128xf32, #tpu.memory_space<hbm>>) dst(%arg6 : memref<128x128xf32, #tpu.memory_space<vmem>>)
    "tpu.region"() ({
      %run_scoped3A = tpu.sem_alloc : memref<!tpu.dma_semaphore, #tpu.memory_space<semaphore_mem>>
      %dma_start3A_895 = arith.constant 5120 : i32
      %dma_start3A_896 = arith.constant 0 : i32
      %dma_start3A_897 = tpu.memref_slice %arg4[%add3A, %dma_start3A_895, %dma_start3A_896] : memref<32x8192x128xf32, #tpu.memory_space<hbm>> -> memref<1x128x128xf32, #tpu.memory_space<hbm>>
      %dma_start3A_898 = tpu.memref_squeeze %dma_start3A_897 : memref<1x128x128xf32, #tpu.memory_space<hbm>> -> memref<128x128xf32, #tpu.memory_space<hbm>>
      %dma_start3A_899 = arith.constant 5120 : i32
      %dma_start3A_900 = arith.constant 0 : i32
      %dma_start3A_901 = tpu.memref_slice %arg4[%add3A, %dma_start3A_899, %dma_start3A_900] : memref<32x8192x128xf32, #tpu.memory_space<hbm>> -> memref<1x128x128xf32, #tpu.memory_space<hbm>>
      %dma_start3A_902 = tpu.memref_squeeze %dma_start3A_901 : memref<1x128x128xf32, #tpu.memory_space<hbm>> -> memref<128x128xf32, #tpu.memory_space<hbm>>
      tpu.enqueue_dma source(%arg6 : memref<128x128xf32, #tpu.memory_space<vmem>>) target(%dma_start3A_902 : memref<128x128xf32, #tpu.memory_space<hbm>>) target_semaphore(%run_scoped3A : memref<!tpu.dma_semaphore, #tpu.memory_space<semaphore_mem>>)
      %dma_wait3A_903 = arith.constant 5120 : i32
      %dma_wait3A_904 = arith.constant 0 : i32
      %dma_wait3A_905 = tpu.memref_slice %arg4[%add3A, %dma_wait3A_903, %dma_wait3A_904] : memref<32x8192x128xf32, #tpu.memory_space<hbm>> -> memref<1x128x128xf32, #tpu.memory_space<hbm>>
      %dma_wait3A_906 = tpu.memref_squeeze %dma_wait3A_905 : memref<1x128x128xf32, #tpu.memory_space<hbm>> -> memref<128x128xf32, #tpu.memory_space<hbm>>
      %dma_wait3A_907 = arith.constant 5120 : i32
      %dma_wait3A_908 = arith.constant 0 : i32
      %dma_wait3A_909 = tpu.memref_slice %arg4[%add3A, %dma_wait3A_907, %dma_wait3A_908] : memref<32x8192x128xf32, #tpu.memory_space<hbm>> -> memref<1x128x128xf32, #tpu.memory_space<hbm>>
      %dma_wait3A_910 = tpu.memref_squeeze %dma_wait3A_909 : memref<1x128x128xf32, #tpu.memory_space<hbm>> -> memref<128x128xf32, #tpu.memory_space<hbm>>
      tpu.wait_dma2 semaphore(%run_scoped3A : memref<!tpu.dma_semaphore, #tpu.memory_space<semaphore_mem>>) src(%arg6 : memref<128x128xf32, #tpu.memory_space<vmem>>) dst(%dma_wait3A_910 : memref<128x128xf32, #tpu.memory_space<hbm>>)
      tpu.yield
    }) : () -> ()
    %dma_start3A_573 = arith.constant 41 : i32
    %dma_start3A_574 = arith.constant 0 : i32
    %dma_start3A_575 = tpu.memref_slice %arg5[%dma_start3A_573, %dma_start3A_574] : memref<64x128xi32, #tpu.memory_space<vmem>> -> memref<1x128xi32, #tpu.memory_space<vmem>>
    %dma_start3A_576 = tpu.memref_squeeze %dma_start3A_575 : memref<1x128xi32, #tpu.memory_space<vmem>> -> memref<128xi32, #tpu.memory_space<vmem>>
    %dma_start3A_577 = arith.constant 0 : i32
    %dma_start3A_578 = arith.constant 0 : i32
    %dma_start3A_579 = tpu.memref_slice %arg2[%dma_start3A_577, %dma_start3A_578] : memref<8192x128xf32, #tpu.memory_space<hbm>> -> memref<8192x128xf32, #tpu.memory_space<hbm>>
    tpu.enqueue_indirect_dma source(%dma_start3A_579 : memref<8192x128xf32, #tpu.memory_space<hbm>>) target(%arg6 : memref<128x128xf32, #tpu.memory_space<vmem>>) offsets(%dma_start3A_576 : memref<128xi32, #tpu.memory_space<vmem>>) semaphore(%arg7 : memref<!tpu.dma_semaphore, #tpu.memory_space<semaphore_mem>>)
    %dma_wait3A_580 = arith.constant 41 : i32
    %dma_wait3A_581 = arith.constant 0 : i32
    %dma_wait3A_582 = tpu.memref_slice %arg5[%dma_wait3A_580, %dma_wait3A_581] : memref<64x128xi32, #tpu.memory_space<vmem>> -> memref<1x128xi32, #tpu.memory_space<vmem>>
    %dma_wait3A_583 = tpu.memref_squeeze %dma_wait3A_582 : memref<1x128xi32, #tpu.memory_space<vmem>> -> memref<128xi32, #tpu.memory_space<vmem>>
    %dma_wait3A_584 = arith.constant 0 : i32
    %dma_wait3A_585 = arith.constant 0 : i32
    %dma_wait3A_586 = tpu.memref_slice %arg2[%dma_wait3A_584, %dma_wait3A_585] : memref<8192x128xf32, #tpu.memory_space<hbm>> -> memref<8192x128xf32, #tpu.memory_space<hbm>>
    tpu.wait_indirect_dma semaphore(%arg7 : memref<!tpu.dma_semaphore, #tpu.memory_space<semaphore_mem>>) src(%dma_wait3A_586 : memref<8192x128xf32, #tpu.memory_space<hbm>>) dst(%arg6 : memref<128x128xf32, #tpu.memory_space<vmem>>)
    "tpu.region"() ({
      %run_scoped3A = tpu.sem_alloc : memref<!tpu.dma_semaphore, #tpu.memory_space<semaphore_mem>>
      %dma_start3A_895 = arith.constant 5248 : i32
      %dma_start3A_896 = arith.constant 0 : i32
      %dma_start3A_897 = tpu.memref_slice %arg4[%add3A, %dma_start3A_895, %dma_start3A_896] : memref<32x8192x128xf32, #tpu.memory_space<hbm>> -> memref<1x128x128xf32, #tpu.memory_space<hbm>>
      %dma_start3A_898 = tpu.memref_squeeze %dma_start3A_897 : memref<1x128x128xf32, #tpu.memory_space<hbm>> -> memref<128x128xf32, #tpu.memory_space<hbm>>
      %dma_start3A_899 = arith.constant 5248 : i32
      %dma_start3A_900 = arith.constant 0 : i32
      %dma_start3A_901 = tpu.memref_slice %arg4[%add3A, %dma_start3A_899, %dma_start3A_900] : memref<32x8192x128xf32, #tpu.memory_space<hbm>> -> memref<1x128x128xf32, #tpu.memory_space<hbm>>
      %dma_start3A_902 = tpu.memref_squeeze %dma_start3A_901 : memref<1x128x128xf32, #tpu.memory_space<hbm>> -> memref<128x128xf32, #tpu.memory_space<hbm>>
      tpu.enqueue_dma source(%arg6 : memref<128x128xf32, #tpu.memory_space<vmem>>) target(%dma_start3A_902 : memref<128x128xf32, #tpu.memory_space<hbm>>) target_semaphore(%run_scoped3A : memref<!tpu.dma_semaphore, #tpu.memory_space<semaphore_mem>>)
      %dma_wait3A_903 = arith.constant 5248 : i32
      %dma_wait3A_904 = arith.constant 0 : i32
      %dma_wait3A_905 = tpu.memref_slice %arg4[%add3A, %dma_wait3A_903, %dma_wait3A_904] : memref<32x8192x128xf32, #tpu.memory_space<hbm>> -> memref<1x128x128xf32, #tpu.memory_space<hbm>>
      %dma_wait3A_906 = tpu.memref_squeeze %dma_wait3A_905 : memref<1x128x128xf32, #tpu.memory_space<hbm>> -> memref<128x128xf32, #tpu.memory_space<hbm>>
      %dma_wait3A_907 = arith.constant 5248 : i32
      %dma_wait3A_908 = arith.constant 0 : i32
      %dma_wait3A_909 = tpu.memref_slice %arg4[%add3A, %dma_wait3A_907, %dma_wait3A_908] : memref<32x8192x128xf32, #tpu.memory_space<hbm>> -> memref<1x128x128xf32, #tpu.memory_space<hbm>>
      %dma_wait3A_910 = tpu.memref_squeeze %dma_wait3A_909 : memref<1x128x128xf32, #tpu.memory_space<hbm>> -> memref<128x128xf32, #tpu.memory_space<hbm>>
      tpu.wait_dma2 semaphore(%run_scoped3A : memref<!tpu.dma_semaphore, #tpu.memory_space<semaphore_mem>>) src(%arg6 : memref<128x128xf32, #tpu.memory_space<vmem>>) dst(%dma_wait3A_910 : memref<128x128xf32, #tpu.memory_space<hbm>>)
      tpu.yield
    }) : () -> ()
    %dma_start3A_587 = arith.constant 42 : i32
    %dma_start3A_588 = arith.constant 0 : i32
    %dma_start3A_589 = tpu.memref_slice %arg5[%dma_start3A_587, %dma_start3A_588] : memref<64x128xi32, #tpu.memory_space<vmem>> -> memref<1x128xi32, #tpu.memory_space<vmem>>
    %dma_start3A_590 = tpu.memref_squeeze %dma_start3A_589 : memref<1x128xi32, #tpu.memory_space<vmem>> -> memref<128xi32, #tpu.memory_space<vmem>>
    %dma_start3A_591 = arith.constant 0 : i32
    %dma_start3A_592 = arith.constant 0 : i32
    %dma_start3A_593 = tpu.memref_slice %arg2[%dma_start3A_591, %dma_start3A_592] : memref<8192x128xf32, #tpu.memory_space<hbm>> -> memref<8192x128xf32, #tpu.memory_space<hbm>>
    tpu.enqueue_indirect_dma source(%dma_start3A_593 : memref<8192x128xf32, #tpu.memory_space<hbm>>) target(%arg6 : memref<128x128xf32, #tpu.memory_space<vmem>>) offsets(%dma_start3A_590 : memref<128xi32, #tpu.memory_space<vmem>>) semaphore(%arg7 : memref<!tpu.dma_semaphore, #tpu.memory_space<semaphore_mem>>)
    %dma_wait3A_594 = arith.constant 42 : i32
    %dma_wait3A_595 = arith.constant 0 : i32
    %dma_wait3A_596 = tpu.memref_slice %arg5[%dma_wait3A_594, %dma_wait3A_595] : memref<64x128xi32, #tpu.memory_space<vmem>> -> memref<1x128xi32, #tpu.memory_space<vmem>>
    %dma_wait3A_597 = tpu.memref_squeeze %dma_wait3A_596 : memref<1x128xi32, #tpu.memory_space<vmem>> -> memref<128xi32, #tpu.memory_space<vmem>>
    %dma_wait3A_598 = arith.constant 0 : i32
    %dma_wait3A_599 = arith.constant 0 : i32
    %dma_wait3A_600 = tpu.memref_slice %arg2[%dma_wait3A_598, %dma_wait3A_599] : memref<8192x128xf32, #tpu.memory_space<hbm>> -> memref<8192x128xf32, #tpu.memory_space<hbm>>
    tpu.wait_indirect_dma semaphore(%arg7 : memref<!tpu.dma_semaphore, #tpu.memory_space<semaphore_mem>>) src(%dma_wait3A_600 : memref<8192x128xf32, #tpu.memory_space<hbm>>) dst(%arg6 : memref<128x128xf32, #tpu.memory_space<vmem>>)
    "tpu.region"() ({
      %run_scoped3A = tpu.sem_alloc : memref<!tpu.dma_semaphore, #tpu.memory_space<semaphore_mem>>
      %dma_start3A_895 = arith.constant 5376 : i32
      %dma_start3A_896 = arith.constant 0 : i32
      %dma_start3A_897 = tpu.memref_slice %arg4[%add3A, %dma_start3A_895, %dma_start3A_896] : memref<32x8192x128xf32, #tpu.memory_space<hbm>> -> memref<1x128x128xf32, #tpu.memory_space<hbm>>
      %dma_start3A_898 = tpu.memref_squeeze %dma_start3A_897 : memref<1x128x128xf32, #tpu.memory_space<hbm>> -> memref<128x128xf32, #tpu.memory_space<hbm>>
      %dma_start3A_899 = arith.constant 5376 : i32
      %dma_start3A_900 = arith.constant 0 : i32
      %dma_start3A_901 = tpu.memref_slice %arg4[%add3A, %dma_start3A_899, %dma_start3A_900] : memref<32x8192x128xf32, #tpu.memory_space<hbm>> -> memref<1x128x128xf32, #tpu.memory_space<hbm>>
      %dma_start3A_902 = tpu.memref_squeeze %dma_start3A_901 : memref<1x128x128xf32, #tpu.memory_space<hbm>> -> memref<128x128xf32, #tpu.memory_space<hbm>>
      tpu.enqueue_dma source(%arg6 : memref<128x128xf32, #tpu.memory_space<vmem>>) target(%dma_start3A_902 : memref<128x128xf32, #tpu.memory_space<hbm>>) target_semaphore(%run_scoped3A : memref<!tpu.dma_semaphore, #tpu.memory_space<semaphore_mem>>)
      %dma_wait3A_903 = arith.constant 5376 : i32
      %dma_wait3A_904 = arith.constant 0 : i32
      %dma_wait3A_905 = tpu.memref_slice %arg4[%add3A, %dma_wait3A_903, %dma_wait3A_904] : memref<32x8192x128xf32, #tpu.memory_space<hbm>> -> memref<1x128x128xf32, #tpu.memory_space<hbm>>
      %dma_wait3A_906 = tpu.memref_squeeze %dma_wait3A_905 : memref<1x128x128xf32, #tpu.memory_space<hbm>> -> memref<128x128xf32, #tpu.memory_space<hbm>>
      %dma_wait3A_907 = arith.constant 5376 : i32
      %dma_wait3A_908 = arith.constant 0 : i32
      %dma_wait3A_909 = tpu.memref_slice %arg4[%add3A, %dma_wait3A_907, %dma_wait3A_908] : memref<32x8192x128xf32, #tpu.memory_space<hbm>> -> memref<1x128x128xf32, #tpu.memory_space<hbm>>
      %dma_wait3A_910 = tpu.memref_squeeze %dma_wait3A_909 : memref<1x128x128xf32, #tpu.memory_space<hbm>> -> memref<128x128xf32, #tpu.memory_space<hbm>>
      tpu.wait_dma2 semaphore(%run_scoped3A : memref<!tpu.dma_semaphore, #tpu.memory_space<semaphore_mem>>) src(%arg6 : memref<128x128xf32, #tpu.memory_space<vmem>>) dst(%dma_wait3A_910 : memref<128x128xf32, #tpu.memory_space<hbm>>)
      tpu.yield
    }) : () -> ()
    %dma_start3A_601 = arith.constant 43 : i32
    %dma_start3A_602 = arith.constant 0 : i32
    %dma_start3A_603 = tpu.memref_slice %arg5[%dma_start3A_601, %dma_start3A_602] : memref<64x128xi32, #tpu.memory_space<vmem>> -> memref<1x128xi32, #tpu.memory_space<vmem>>
    %dma_start3A_604 = tpu.memref_squeeze %dma_start3A_603 : memref<1x128xi32, #tpu.memory_space<vmem>> -> memref<128xi32, #tpu.memory_space<vmem>>
    %dma_start3A_605 = arith.constant 0 : i32
    %dma_start3A_606 = arith.constant 0 : i32
    %dma_start3A_607 = tpu.memref_slice %arg2[%dma_start3A_605, %dma_start3A_606] : memref<8192x128xf32, #tpu.memory_space<hbm>> -> memref<8192x128xf32, #tpu.memory_space<hbm>>
    tpu.enqueue_indirect_dma source(%dma_start3A_607 : memref<8192x128xf32, #tpu.memory_space<hbm>>) target(%arg6 : memref<128x128xf32, #tpu.memory_space<vmem>>) offsets(%dma_start3A_604 : memref<128xi32, #tpu.memory_space<vmem>>) semaphore(%arg7 : memref<!tpu.dma_semaphore, #tpu.memory_space<semaphore_mem>>)
    %dma_wait3A_608 = arith.constant 43 : i32
    %dma_wait3A_609 = arith.constant 0 : i32
    %dma_wait3A_610 = tpu.memref_slice %arg5[%dma_wait3A_608, %dma_wait3A_609] : memref<64x128xi32, #tpu.memory_space<vmem>> -> memref<1x128xi32, #tpu.memory_space<vmem>>
    %dma_wait3A_611 = tpu.memref_squeeze %dma_wait3A_610 : memref<1x128xi32, #tpu.memory_space<vmem>> -> memref<128xi32, #tpu.memory_space<vmem>>
    %dma_wait3A_612 = arith.constant 0 : i32
    %dma_wait3A_613 = arith.constant 0 : i32
    %dma_wait3A_614 = tpu.memref_slice %arg2[%dma_wait3A_612, %dma_wait3A_613] : memref<8192x128xf32, #tpu.memory_space<hbm>> -> memref<8192x128xf32, #tpu.memory_space<hbm>>
    tpu.wait_indirect_dma semaphore(%arg7 : memref<!tpu.dma_semaphore, #tpu.memory_space<semaphore_mem>>) src(%dma_wait3A_614 : memref<8192x128xf32, #tpu.memory_space<hbm>>) dst(%arg6 : memref<128x128xf32, #tpu.memory_space<vmem>>)
    "tpu.region"() ({
      %run_scoped3A = tpu.sem_alloc : memref<!tpu.dma_semaphore, #tpu.memory_space<semaphore_mem>>
      %dma_start3A_895 = arith.constant 5504 : i32
      %dma_start3A_896 = arith.constant 0 : i32
      %dma_start3A_897 = tpu.memref_slice %arg4[%add3A, %dma_start3A_895, %dma_start3A_896] : memref<32x8192x128xf32, #tpu.memory_space<hbm>> -> memref<1x128x128xf32, #tpu.memory_space<hbm>>
      %dma_start3A_898 = tpu.memref_squeeze %dma_start3A_897 : memref<1x128x128xf32, #tpu.memory_space<hbm>> -> memref<128x128xf32, #tpu.memory_space<hbm>>
      %dma_start3A_899 = arith.constant 5504 : i32
      %dma_start3A_900 = arith.constant 0 : i32
      %dma_start3A_901 = tpu.memref_slice %arg4[%add3A, %dma_start3A_899, %dma_start3A_900] : memref<32x8192x128xf32, #tpu.memory_space<hbm>> -> memref<1x128x128xf32, #tpu.memory_space<hbm>>
      %dma_start3A_902 = tpu.memref_squeeze %dma_start3A_901 : memref<1x128x128xf32, #tpu.memory_space<hbm>> -> memref<128x128xf32, #tpu.memory_space<hbm>>
      tpu.enqueue_dma source(%arg6 : memref<128x128xf32, #tpu.memory_space<vmem>>) target(%dma_start3A_902 : memref<128x128xf32, #tpu.memory_space<hbm>>) target_semaphore(%run_scoped3A : memref<!tpu.dma_semaphore, #tpu.memory_space<semaphore_mem>>)
      %dma_wait3A_903 = arith.constant 5504 : i32
      %dma_wait3A_904 = arith.constant 0 : i32
      %dma_wait3A_905 = tpu.memref_slice %arg4[%add3A, %dma_wait3A_903, %dma_wait3A_904] : memref<32x8192x128xf32, #tpu.memory_space<hbm>> -> memref<1x128x128xf32, #tpu.memory_space<hbm>>
      %dma_wait3A_906 = tpu.memref_squeeze %dma_wait3A_905 : memref<1x128x128xf32, #tpu.memory_space<hbm>> -> memref<128x128xf32, #tpu.memory_space<hbm>>
      %dma_wait3A_907 = arith.constant 5504 : i32
      %dma_wait3A_908 = arith.constant 0 : i32
      %dma_wait3A_909 = tpu.memref_slice %arg4[%add3A, %dma_wait3A_907, %dma_wait3A_908] : memref<32x8192x128xf32, #tpu.memory_space<hbm>> -> memref<1x128x128xf32, #tpu.memory_space<hbm>>
      %dma_wait3A_910 = tpu.memref_squeeze %dma_wait3A_909 : memref<1x128x128xf32, #tpu.memory_space<hbm>> -> memref<128x128xf32, #tpu.memory_space<hbm>>
      tpu.wait_dma2 semaphore(%run_scoped3A : memref<!tpu.dma_semaphore, #tpu.memory_space<semaphore_mem>>) src(%arg6 : memref<128x128xf32, #tpu.memory_space<vmem>>) dst(%dma_wait3A_910 : memref<128x128xf32, #tpu.memory_space<hbm>>)
      tpu.yield
    }) : () -> ()
    %dma_start3A_615 = arith.constant 44 : i32
    %dma_start3A_616 = arith.constant 0 : i32
    %dma_start3A_617 = tpu.memref_slice %arg5[%dma_start3A_615, %dma_start3A_616] : memref<64x128xi32, #tpu.memory_space<vmem>> -> memref<1x128xi32, #tpu.memory_space<vmem>>
    %dma_start3A_618 = tpu.memref_squeeze %dma_start3A_617 : memref<1x128xi32, #tpu.memory_space<vmem>> -> memref<128xi32, #tpu.memory_space<vmem>>
    %dma_start3A_619 = arith.constant 0 : i32
    %dma_start3A_620 = arith.constant 0 : i32
    %dma_start3A_621 = tpu.memref_slice %arg2[%dma_start3A_619, %dma_start3A_620] : memref<8192x128xf32, #tpu.memory_space<hbm>> -> memref<8192x128xf32, #tpu.memory_space<hbm>>
    tpu.enqueue_indirect_dma source(%dma_start3A_621 : memref<8192x128xf32, #tpu.memory_space<hbm>>) target(%arg6 : memref<128x128xf32, #tpu.memory_space<vmem>>) offsets(%dma_start3A_618 : memref<128xi32, #tpu.memory_space<vmem>>) semaphore(%arg7 : memref<!tpu.dma_semaphore, #tpu.memory_space<semaphore_mem>>)
    %dma_wait3A_622 = arith.constant 44 : i32
    %dma_wait3A_623 = arith.constant 0 : i32
    %dma_wait3A_624 = tpu.memref_slice %arg5[%dma_wait3A_622, %dma_wait3A_623] : memref<64x128xi32, #tpu.memory_space<vmem>> -> memref<1x128xi32, #tpu.memory_space<vmem>>
    %dma_wait3A_625 = tpu.memref_squeeze %dma_wait3A_624 : memref<1x128xi32, #tpu.memory_space<vmem>> -> memref<128xi32, #tpu.memory_space<vmem>>
    %dma_wait3A_626 = arith.constant 0 : i32
    %dma_wait3A_627 = arith.constant 0 : i32
    %dma_wait3A_628 = tpu.memref_slice %arg2[%dma_wait3A_626, %dma_wait3A_627] : memref<8192x128xf32, #tpu.memory_space<hbm>> -> memref<8192x128xf32, #tpu.memory_space<hbm>>
    tpu.wait_indirect_dma semaphore(%arg7 : memref<!tpu.dma_semaphore, #tpu.memory_space<semaphore_mem>>) src(%dma_wait3A_628 : memref<8192x128xf32, #tpu.memory_space<hbm>>) dst(%arg6 : memref<128x128xf32, #tpu.memory_space<vmem>>)
    "tpu.region"() ({
      %run_scoped3A = tpu.sem_alloc : memref<!tpu.dma_semaphore, #tpu.memory_space<semaphore_mem>>
      %dma_start3A_895 = arith.constant 5632 : i32
      %dma_start3A_896 = arith.constant 0 : i32
      %dma_start3A_897 = tpu.memref_slice %arg4[%add3A, %dma_start3A_895, %dma_start3A_896] : memref<32x8192x128xf32, #tpu.memory_space<hbm>> -> memref<1x128x128xf32, #tpu.memory_space<hbm>>
      %dma_start3A_898 = tpu.memref_squeeze %dma_start3A_897 : memref<1x128x128xf32, #tpu.memory_space<hbm>> -> memref<128x128xf32, #tpu.memory_space<hbm>>
      %dma_start3A_899 = arith.constant 5632 : i32
      %dma_start3A_900 = arith.constant 0 : i32
      %dma_start3A_901 = tpu.memref_slice %arg4[%add3A, %dma_start3A_899, %dma_start3A_900] : memref<32x8192x128xf32, #tpu.memory_space<hbm>> -> memref<1x128x128xf32, #tpu.memory_space<hbm>>
      %dma_start3A_902 = tpu.memref_squeeze %dma_start3A_901 : memref<1x128x128xf32, #tpu.memory_space<hbm>> -> memref<128x128xf32, #tpu.memory_space<hbm>>
      tpu.enqueue_dma source(%arg6 : memref<128x128xf32, #tpu.memory_space<vmem>>) target(%dma_start3A_902 : memref<128x128xf32, #tpu.memory_space<hbm>>) target_semaphore(%run_scoped3A : memref<!tpu.dma_semaphore, #tpu.memory_space<semaphore_mem>>)
      %dma_wait3A_903 = arith.constant 5632 : i32
      %dma_wait3A_904 = arith.constant 0 : i32
      %dma_wait3A_905 = tpu.memref_slice %arg4[%add3A, %dma_wait3A_903, %dma_wait3A_904] : memref<32x8192x128xf32, #tpu.memory_space<hbm>> -> memref<1x128x128xf32, #tpu.memory_space<hbm>>
      %dma_wait3A_906 = tpu.memref_squeeze %dma_wait3A_905 : memref<1x128x128xf32, #tpu.memory_space<hbm>> -> memref<128x128xf32, #tpu.memory_space<hbm>>
      %dma_wait3A_907 = arith.constant 5632 : i32
      %dma_wait3A_908 = arith.constant 0 : i32
      %dma_wait3A_909 = tpu.memref_slice %arg4[%add3A, %dma_wait3A_907, %dma_wait3A_908] : memref<32x8192x128xf32, #tpu.memory_space<hbm>> -> memref<1x128x128xf32, #tpu.memory_space<hbm>>
      %dma_wait3A_910 = tpu.memref_squeeze %dma_wait3A_909 : memref<1x128x128xf32, #tpu.memory_space<hbm>> -> memref<128x128xf32, #tpu.memory_space<hbm>>
      tpu.wait_dma2 semaphore(%run_scoped3A : memref<!tpu.dma_semaphore, #tpu.memory_space<semaphore_mem>>) src(%arg6 : memref<128x128xf32, #tpu.memory_space<vmem>>) dst(%dma_wait3A_910 : memref<128x128xf32, #tpu.memory_space<hbm>>)
      tpu.yield
    }) : () -> ()
    %dma_start3A_629 = arith.constant 45 : i32
    %dma_start3A_630 = arith.constant 0 : i32
    %dma_start3A_631 = tpu.memref_slice %arg5[%dma_start3A_629, %dma_start3A_630] : memref<64x128xi32, #tpu.memory_space<vmem>> -> memref<1x128xi32, #tpu.memory_space<vmem>>
    %dma_start3A_632 = tpu.memref_squeeze %dma_start3A_631 : memref<1x128xi32, #tpu.memory_space<vmem>> -> memref<128xi32, #tpu.memory_space<vmem>>
    %dma_start3A_633 = arith.constant 0 : i32
    %dma_start3A_634 = arith.constant 0 : i32
    %dma_start3A_635 = tpu.memref_slice %arg2[%dma_start3A_633, %dma_start3A_634] : memref<8192x128xf32, #tpu.memory_space<hbm>> -> memref<8192x128xf32, #tpu.memory_space<hbm>>
    tpu.enqueue_indirect_dma source(%dma_start3A_635 : memref<8192x128xf32, #tpu.memory_space<hbm>>) target(%arg6 : memref<128x128xf32, #tpu.memory_space<vmem>>) offsets(%dma_start3A_632 : memref<128xi32, #tpu.memory_space<vmem>>) semaphore(%arg7 : memref<!tpu.dma_semaphore, #tpu.memory_space<semaphore_mem>>)
    %dma_wait3A_636 = arith.constant 45 : i32
    %dma_wait3A_637 = arith.constant 0 : i32
    %dma_wait3A_638 = tpu.memref_slice %arg5[%dma_wait3A_636, %dma_wait3A_637] : memref<64x128xi32, #tpu.memory_space<vmem>> -> memref<1x128xi32, #tpu.memory_space<vmem>>
    %dma_wait3A_639 = tpu.memref_squeeze %dma_wait3A_638 : memref<1x128xi32, #tpu.memory_space<vmem>> -> memref<128xi32, #tpu.memory_space<vmem>>
    %dma_wait3A_640 = arith.constant 0 : i32
    %dma_wait3A_641 = arith.constant 0 : i32
    %dma_wait3A_642 = tpu.memref_slice %arg2[%dma_wait3A_640, %dma_wait3A_641] : memref<8192x128xf32, #tpu.memory_space<hbm>> -> memref<8192x128xf32, #tpu.memory_space<hbm>>
    tpu.wait_indirect_dma semaphore(%arg7 : memref<!tpu.dma_semaphore, #tpu.memory_space<semaphore_mem>>) src(%dma_wait3A_642 : memref<8192x128xf32, #tpu.memory_space<hbm>>) dst(%arg6 : memref<128x128xf32, #tpu.memory_space<vmem>>)
    "tpu.region"() ({
      %run_scoped3A = tpu.sem_alloc : memref<!tpu.dma_semaphore, #tpu.memory_space<semaphore_mem>>
      %dma_start3A_895 = arith.constant 5760 : i32
      %dma_start3A_896 = arith.constant 0 : i32
      %dma_start3A_897 = tpu.memref_slice %arg4[%add3A, %dma_start3A_895, %dma_start3A_896] : memref<32x8192x128xf32, #tpu.memory_space<hbm>> -> memref<1x128x128xf32, #tpu.memory_space<hbm>>
      %dma_start3A_898 = tpu.memref_squeeze %dma_start3A_897 : memref<1x128x128xf32, #tpu.memory_space<hbm>> -> memref<128x128xf32, #tpu.memory_space<hbm>>
      %dma_start3A_899 = arith.constant 5760 : i32
      %dma_start3A_900 = arith.constant 0 : i32
      %dma_start3A_901 = tpu.memref_slice %arg4[%add3A, %dma_start3A_899, %dma_start3A_900] : memref<32x8192x128xf32, #tpu.memory_space<hbm>> -> memref<1x128x128xf32, #tpu.memory_space<hbm>>
      %dma_start3A_902 = tpu.memref_squeeze %dma_start3A_901 : memref<1x128x128xf32, #tpu.memory_space<hbm>> -> memref<128x128xf32, #tpu.memory_space<hbm>>
      tpu.enqueue_dma source(%arg6 : memref<128x128xf32, #tpu.memory_space<vmem>>) target(%dma_start3A_902 : memref<128x128xf32, #tpu.memory_space<hbm>>) target_semaphore(%run_scoped3A : memref<!tpu.dma_semaphore, #tpu.memory_space<semaphore_mem>>)
      %dma_wait3A_903 = arith.constant 5760 : i32
      %dma_wait3A_904 = arith.constant 0 : i32
      %dma_wait3A_905 = tpu.memref_slice %arg4[%add3A, %dma_wait3A_903, %dma_wait3A_904] : memref<32x8192x128xf32, #tpu.memory_space<hbm>> -> memref<1x128x128xf32, #tpu.memory_space<hbm>>
      %dma_wait3A_906 = tpu.memref_squeeze %dma_wait3A_905 : memref<1x128x128xf32, #tpu.memory_space<hbm>> -> memref<128x128xf32, #tpu.memory_space<hbm>>
      %dma_wait3A_907 = arith.constant 5760 : i32
      %dma_wait3A_908 = arith.constant 0 : i32
      %dma_wait3A_909 = tpu.memref_slice %arg4[%add3A, %dma_wait3A_907, %dma_wait3A_908] : memref<32x8192x128xf32, #tpu.memory_space<hbm>> -> memref<1x128x128xf32, #tpu.memory_space<hbm>>
      %dma_wait3A_910 = tpu.memref_squeeze %dma_wait3A_909 : memref<1x128x128xf32, #tpu.memory_space<hbm>> -> memref<128x128xf32, #tpu.memory_space<hbm>>
      tpu.wait_dma2 semaphore(%run_scoped3A : memref<!tpu.dma_semaphore, #tpu.memory_space<semaphore_mem>>) src(%arg6 : memref<128x128xf32, #tpu.memory_space<vmem>>) dst(%dma_wait3A_910 : memref<128x128xf32, #tpu.memory_space<hbm>>)
      tpu.yield
    }) : () -> ()
    %dma_start3A_643 = arith.constant 46 : i32
    %dma_start3A_644 = arith.constant 0 : i32
    %dma_start3A_645 = tpu.memref_slice %arg5[%dma_start3A_643, %dma_start3A_644] : memref<64x128xi32, #tpu.memory_space<vmem>> -> memref<1x128xi32, #tpu.memory_space<vmem>>
    %dma_start3A_646 = tpu.memref_squeeze %dma_start3A_645 : memref<1x128xi32, #tpu.memory_space<vmem>> -> memref<128xi32, #tpu.memory_space<vmem>>
    %dma_start3A_647 = arith.constant 0 : i32
    %dma_start3A_648 = arith.constant 0 : i32
    %dma_start3A_649 = tpu.memref_slice %arg2[%dma_start3A_647, %dma_start3A_648] : memref<8192x128xf32, #tpu.memory_space<hbm>> -> memref<8192x128xf32, #tpu.memory_space<hbm>>
    tpu.enqueue_indirect_dma source(%dma_start3A_649 : memref<8192x128xf32, #tpu.memory_space<hbm>>) target(%arg6 : memref<128x128xf32, #tpu.memory_space<vmem>>) offsets(%dma_start3A_646 : memref<128xi32, #tpu.memory_space<vmem>>) semaphore(%arg7 : memref<!tpu.dma_semaphore, #tpu.memory_space<semaphore_mem>>)
    %dma_wait3A_650 = arith.constant 46 : i32
    %dma_wait3A_651 = arith.constant 0 : i32
    %dma_wait3A_652 = tpu.memref_slice %arg5[%dma_wait3A_650, %dma_wait3A_651] : memref<64x128xi32, #tpu.memory_space<vmem>> -> memref<1x128xi32, #tpu.memory_space<vmem>>
    %dma_wait3A_653 = tpu.memref_squeeze %dma_wait3A_652 : memref<1x128xi32, #tpu.memory_space<vmem>> -> memref<128xi32, #tpu.memory_space<vmem>>
    %dma_wait3A_654 = arith.constant 0 : i32
    %dma_wait3A_655 = arith.constant 0 : i32
    %dma_wait3A_656 = tpu.memref_slice %arg2[%dma_wait3A_654, %dma_wait3A_655] : memref<8192x128xf32, #tpu.memory_space<hbm>> -> memref<8192x128xf32, #tpu.memory_space<hbm>>
    tpu.wait_indirect_dma semaphore(%arg7 : memref<!tpu.dma_semaphore, #tpu.memory_space<semaphore_mem>>) src(%dma_wait3A_656 : memref<8192x128xf32, #tpu.memory_space<hbm>>) dst(%arg6 : memref<128x128xf32, #tpu.memory_space<vmem>>)
    "tpu.region"() ({
      %run_scoped3A = tpu.sem_alloc : memref<!tpu.dma_semaphore, #tpu.memory_space<semaphore_mem>>
      %dma_start3A_895 = arith.constant 5888 : i32
      %dma_start3A_896 = arith.constant 0 : i32
      %dma_start3A_897 = tpu.memref_slice %arg4[%add3A, %dma_start3A_895, %dma_start3A_896] : memref<32x8192x128xf32, #tpu.memory_space<hbm>> -> memref<1x128x128xf32, #tpu.memory_space<hbm>>
      %dma_start3A_898 = tpu.memref_squeeze %dma_start3A_897 : memref<1x128x128xf32, #tpu.memory_space<hbm>> -> memref<128x128xf32, #tpu.memory_space<hbm>>
      %dma_start3A_899 = arith.constant 5888 : i32
      %dma_start3A_900 = arith.constant 0 : i32
      %dma_start3A_901 = tpu.memref_slice %arg4[%add3A, %dma_start3A_899, %dma_start3A_900] : memref<32x8192x128xf32, #tpu.memory_space<hbm>> -> memref<1x128x128xf32, #tpu.memory_space<hbm>>
      %dma_start3A_902 = tpu.memref_squeeze %dma_start3A_901 : memref<1x128x128xf32, #tpu.memory_space<hbm>> -> memref<128x128xf32, #tpu.memory_space<hbm>>
      tpu.enqueue_dma source(%arg6 : memref<128x128xf32, #tpu.memory_space<vmem>>) target(%dma_start3A_902 : memref<128x128xf32, #tpu.memory_space<hbm>>) target_semaphore(%run_scoped3A : memref<!tpu.dma_semaphore, #tpu.memory_space<semaphore_mem>>)
      %dma_wait3A_903 = arith.constant 5888 : i32
      %dma_wait3A_904 = arith.constant 0 : i32
      %dma_wait3A_905 = tpu.memref_slice %arg4[%add3A, %dma_wait3A_903, %dma_wait3A_904] : memref<32x8192x128xf32, #tpu.memory_space<hbm>> -> memref<1x128x128xf32, #tpu.memory_space<hbm>>
      %dma_wait3A_906 = tpu.memref_squeeze %dma_wait3A_905 : memref<1x128x128xf32, #tpu.memory_space<hbm>> -> memref<128x128xf32, #tpu.memory_space<hbm>>
      %dma_wait3A_907 = arith.constant 5888 : i32
      %dma_wait3A_908 = arith.constant 0 : i32
      %dma_wait3A_909 = tpu.memref_slice %arg4[%add3A, %dma_wait3A_907, %dma_wait3A_908] : memref<32x8192x128xf32, #tpu.memory_space<hbm>> -> memref<1x128x128xf32, #tpu.memory_space<hbm>>
      %dma_wait3A_910 = tpu.memref_squeeze %dma_wait3A_909 : memref<1x128x128xf32, #tpu.memory_space<hbm>> -> memref<128x128xf32, #tpu.memory_space<hbm>>
      tpu.wait_dma2 semaphore(%run_scoped3A : memref<!tpu.dma_semaphore, #tpu.memory_space<semaphore_mem>>) src(%arg6 : memref<128x128xf32, #tpu.memory_space<vmem>>) dst(%dma_wait3A_910 : memref<128x128xf32, #tpu.memory_space<hbm>>)
      tpu.yield
    }) : () -> ()
    %dma_start3A_657 = arith.constant 47 : i32
    %dma_start3A_658 = arith.constant 0 : i32
    %dma_start3A_659 = tpu.memref_slice %arg5[%dma_start3A_657, %dma_start3A_658] : memref<64x128xi32, #tpu.memory_space<vmem>> -> memref<1x128xi32, #tpu.memory_space<vmem>>
    %dma_start3A_660 = tpu.memref_squeeze %dma_start3A_659 : memref<1x128xi32, #tpu.memory_space<vmem>> -> memref<128xi32, #tpu.memory_space<vmem>>
    %dma_start3A_661 = arith.constant 0 : i32
    %dma_start3A_662 = arith.constant 0 : i32
    %dma_start3A_663 = tpu.memref_slice %arg2[%dma_start3A_661, %dma_start3A_662] : memref<8192x128xf32, #tpu.memory_space<hbm>> -> memref<8192x128xf32, #tpu.memory_space<hbm>>
    tpu.enqueue_indirect_dma source(%dma_start3A_663 : memref<8192x128xf32, #tpu.memory_space<hbm>>) target(%arg6 : memref<128x128xf32, #tpu.memory_space<vmem>>) offsets(%dma_start3A_660 : memref<128xi32, #tpu.memory_space<vmem>>) semaphore(%arg7 : memref<!tpu.dma_semaphore, #tpu.memory_space<semaphore_mem>>)
    %dma_wait3A_664 = arith.constant 47 : i32
    %dma_wait3A_665 = arith.constant 0 : i32
    %dma_wait3A_666 = tpu.memref_slice %arg5[%dma_wait3A_664, %dma_wait3A_665] : memref<64x128xi32, #tpu.memory_space<vmem>> -> memref<1x128xi32, #tpu.memory_space<vmem>>
    %dma_wait3A_667 = tpu.memref_squeeze %dma_wait3A_666 : memref<1x128xi32, #tpu.memory_space<vmem>> -> memref<128xi32, #tpu.memory_space<vmem>>
    %dma_wait3A_668 = arith.constant 0 : i32
    %dma_wait3A_669 = arith.constant 0 : i32
    %dma_wait3A_670 = tpu.memref_slice %arg2[%dma_wait3A_668, %dma_wait3A_669] : memref<8192x128xf32, #tpu.memory_space<hbm>> -> memref<8192x128xf32, #tpu.memory_space<hbm>>
    tpu.wait_indirect_dma semaphore(%arg7 : memref<!tpu.dma_semaphore, #tpu.memory_space<semaphore_mem>>) src(%dma_wait3A_670 : memref<8192x128xf32, #tpu.memory_space<hbm>>) dst(%arg6 : memref<128x128xf32, #tpu.memory_space<vmem>>)
    "tpu.region"() ({
      %run_scoped3A = tpu.sem_alloc : memref<!tpu.dma_semaphore, #tpu.memory_space<semaphore_mem>>
      %dma_start3A_895 = arith.constant 6016 : i32
      %dma_start3A_896 = arith.constant 0 : i32
      %dma_start3A_897 = tpu.memref_slice %arg4[%add3A, %dma_start3A_895, %dma_start3A_896] : memref<32x8192x128xf32, #tpu.memory_space<hbm>> -> memref<1x128x128xf32, #tpu.memory_space<hbm>>
      %dma_start3A_898 = tpu.memref_squeeze %dma_start3A_897 : memref<1x128x128xf32, #tpu.memory_space<hbm>> -> memref<128x128xf32, #tpu.memory_space<hbm>>
      %dma_start3A_899 = arith.constant 6016 : i32
      %dma_start3A_900 = arith.constant 0 : i32
      %dma_start3A_901 = tpu.memref_slice %arg4[%add3A, %dma_start3A_899, %dma_start3A_900] : memref<32x8192x128xf32, #tpu.memory_space<hbm>> -> memref<1x128x128xf32, #tpu.memory_space<hbm>>
      %dma_start3A_902 = tpu.memref_squeeze %dma_start3A_901 : memref<1x128x128xf32, #tpu.memory_space<hbm>> -> memref<128x128xf32, #tpu.memory_space<hbm>>
      tpu.enqueue_dma source(%arg6 : memref<128x128xf32, #tpu.memory_space<vmem>>) target(%dma_start3A_902 : memref<128x128xf32, #tpu.memory_space<hbm>>) target_semaphore(%run_scoped3A : memref<!tpu.dma_semaphore, #tpu.memory_space<semaphore_mem>>)
      %dma_wait3A_903 = arith.constant 6016 : i32
      %dma_wait3A_904 = arith.constant 0 : i32
      %dma_wait3A_905 = tpu.memref_slice %arg4[%add3A, %dma_wait3A_903, %dma_wait3A_904] : memref<32x8192x128xf32, #tpu.memory_space<hbm>> -> memref<1x128x128xf32, #tpu.memory_space<hbm>>
      %dma_wait3A_906 = tpu.memref_squeeze %dma_wait3A_905 : memref<1x128x128xf32, #tpu.memory_space<hbm>> -> memref<128x128xf32, #tpu.memory_space<hbm>>
      %dma_wait3A_907 = arith.constant 6016 : i32
      %dma_wait3A_908 = arith.constant 0 : i32
      %dma_wait3A_909 = tpu.memref_slice %arg4[%add3A, %dma_wait3A_907, %dma_wait3A_908] : memref<32x8192x128xf32, #tpu.memory_space<hbm>> -> memref<1x128x128xf32, #tpu.memory_space<hbm>>
      %dma_wait3A_910 = tpu.memref_squeeze %dma_wait3A_909 : memref<1x128x128xf32, #tpu.memory_space<hbm>> -> memref<128x128xf32, #tpu.memory_space<hbm>>
      tpu.wait_dma2 semaphore(%run_scoped3A : memref<!tpu.dma_semaphore, #tpu.memory_space<semaphore_mem>>) src(%arg6 : memref<128x128xf32, #tpu.memory_space<vmem>>) dst(%dma_wait3A_910 : memref<128x128xf32, #tpu.memory_space<hbm>>)
      tpu.yield
    }) : () -> ()
    %dma_start3A_671 = arith.constant 48 : i32
    %dma_start3A_672 = arith.constant 0 : i32
    %dma_start3A_673 = tpu.memref_slice %arg5[%dma_start3A_671, %dma_start3A_672] : memref<64x128xi32, #tpu.memory_space<vmem>> -> memref<1x128xi32, #tpu.memory_space<vmem>>
    %dma_start3A_674 = tpu.memref_squeeze %dma_start3A_673 : memref<1x128xi32, #tpu.memory_space<vmem>> -> memref<128xi32, #tpu.memory_space<vmem>>
    %dma_start3A_675 = arith.constant 0 : i32
    %dma_start3A_676 = arith.constant 0 : i32
    %dma_start3A_677 = tpu.memref_slice %arg2[%dma_start3A_675, %dma_start3A_676] : memref<8192x128xf32, #tpu.memory_space<hbm>> -> memref<8192x128xf32, #tpu.memory_space<hbm>>
    tpu.enqueue_indirect_dma source(%dma_start3A_677 : memref<8192x128xf32, #tpu.memory_space<hbm>>) target(%arg6 : memref<128x128xf32, #tpu.memory_space<vmem>>) offsets(%dma_start3A_674 : memref<128xi32, #tpu.memory_space<vmem>>) semaphore(%arg7 : memref<!tpu.dma_semaphore, #tpu.memory_space<semaphore_mem>>)
    %dma_wait3A_678 = arith.constant 48 : i32
    %dma_wait3A_679 = arith.constant 0 : i32
    %dma_wait3A_680 = tpu.memref_slice %arg5[%dma_wait3A_678, %dma_wait3A_679] : memref<64x128xi32, #tpu.memory_space<vmem>> -> memref<1x128xi32, #tpu.memory_space<vmem>>
    %dma_wait3A_681 = tpu.memref_squeeze %dma_wait3A_680 : memref<1x128xi32, #tpu.memory_space<vmem>> -> memref<128xi32, #tpu.memory_space<vmem>>
    %dma_wait3A_682 = arith.constant 0 : i32
    %dma_wait3A_683 = arith.constant 0 : i32
    %dma_wait3A_684 = tpu.memref_slice %arg2[%dma_wait3A_682, %dma_wait3A_683] : memref<8192x128xf32, #tpu.memory_space<hbm>> -> memref<8192x128xf32, #tpu.memory_space<hbm>>
    tpu.wait_indirect_dma semaphore(%arg7 : memref<!tpu.dma_semaphore, #tpu.memory_space<semaphore_mem>>) src(%dma_wait3A_684 : memref<8192x128xf32, #tpu.memory_space<hbm>>) dst(%arg6 : memref<128x128xf32, #tpu.memory_space<vmem>>)
    "tpu.region"() ({
      %run_scoped3A = tpu.sem_alloc : memref<!tpu.dma_semaphore, #tpu.memory_space<semaphore_mem>>
      %dma_start3A_895 = arith.constant 6144 : i32
      %dma_start3A_896 = arith.constant 0 : i32
      %dma_start3A_897 = tpu.memref_slice %arg4[%add3A, %dma_start3A_895, %dma_start3A_896] : memref<32x8192x128xf32, #tpu.memory_space<hbm>> -> memref<1x128x128xf32, #tpu.memory_space<hbm>>
      %dma_start3A_898 = tpu.memref_squeeze %dma_start3A_897 : memref<1x128x128xf32, #tpu.memory_space<hbm>> -> memref<128x128xf32, #tpu.memory_space<hbm>>
      %dma_start3A_899 = arith.constant 6144 : i32
      %dma_start3A_900 = arith.constant 0 : i32
      %dma_start3A_901 = tpu.memref_slice %arg4[%add3A, %dma_start3A_899, %dma_start3A_900] : memref<32x8192x128xf32, #tpu.memory_space<hbm>> -> memref<1x128x128xf32, #tpu.memory_space<hbm>>
      %dma_start3A_902 = tpu.memref_squeeze %dma_start3A_901 : memref<1x128x128xf32, #tpu.memory_space<hbm>> -> memref<128x128xf32, #tpu.memory_space<hbm>>
      tpu.enqueue_dma source(%arg6 : memref<128x128xf32, #tpu.memory_space<vmem>>) target(%dma_start3A_902 : memref<128x128xf32, #tpu.memory_space<hbm>>) target_semaphore(%run_scoped3A : memref<!tpu.dma_semaphore, #tpu.memory_space<semaphore_mem>>)
      %dma_wait3A_903 = arith.constant 6144 : i32
      %dma_wait3A_904 = arith.constant 0 : i32
      %dma_wait3A_905 = tpu.memref_slice %arg4[%add3A, %dma_wait3A_903, %dma_wait3A_904] : memref<32x8192x128xf32, #tpu.memory_space<hbm>> -> memref<1x128x128xf32, #tpu.memory_space<hbm>>
      %dma_wait3A_906 = tpu.memref_squeeze %dma_wait3A_905 : memref<1x128x128xf32, #tpu.memory_space<hbm>> -> memref<128x128xf32, #tpu.memory_space<hbm>>
      %dma_wait3A_907 = arith.constant 6144 : i32
      %dma_wait3A_908 = arith.constant 0 : i32
      %dma_wait3A_909 = tpu.memref_slice %arg4[%add3A, %dma_wait3A_907, %dma_wait3A_908] : memref<32x8192x128xf32, #tpu.memory_space<hbm>> -> memref<1x128x128xf32, #tpu.memory_space<hbm>>
      %dma_wait3A_910 = tpu.memref_squeeze %dma_wait3A_909 : memref<1x128x128xf32, #tpu.memory_space<hbm>> -> memref<128x128xf32, #tpu.memory_space<hbm>>
      tpu.wait_dma2 semaphore(%run_scoped3A : memref<!tpu.dma_semaphore, #tpu.memory_space<semaphore_mem>>) src(%arg6 : memref<128x128xf32, #tpu.memory_space<vmem>>) dst(%dma_wait3A_910 : memref<128x128xf32, #tpu.memory_space<hbm>>)
      tpu.yield
    }) : () -> ()
    %dma_start3A_685 = arith.constant 49 : i32
    %dma_start3A_686 = arith.constant 0 : i32
    %dma_start3A_687 = tpu.memref_slice %arg5[%dma_start3A_685, %dma_start3A_686] : memref<64x128xi32, #tpu.memory_space<vmem>> -> memref<1x128xi32, #tpu.memory_space<vmem>>
    %dma_start3A_688 = tpu.memref_squeeze %dma_start3A_687 : memref<1x128xi32, #tpu.memory_space<vmem>> -> memref<128xi32, #tpu.memory_space<vmem>>
    %dma_start3A_689 = arith.constant 0 : i32
    %dma_start3A_690 = arith.constant 0 : i32
    %dma_start3A_691 = tpu.memref_slice %arg2[%dma_start3A_689, %dma_start3A_690] : memref<8192x128xf32, #tpu.memory_space<hbm>> -> memref<8192x128xf32, #tpu.memory_space<hbm>>
    tpu.enqueue_indirect_dma source(%dma_start3A_691 : memref<8192x128xf32, #tpu.memory_space<hbm>>) target(%arg6 : memref<128x128xf32, #tpu.memory_space<vmem>>) offsets(%dma_start3A_688 : memref<128xi32, #tpu.memory_space<vmem>>) semaphore(%arg7 : memref<!tpu.dma_semaphore, #tpu.memory_space<semaphore_mem>>)
    %dma_wait3A_692 = arith.constant 49 : i32
    %dma_wait3A_693 = arith.constant 0 : i32
    %dma_wait3A_694 = tpu.memref_slice %arg5[%dma_wait3A_692, %dma_wait3A_693] : memref<64x128xi32, #tpu.memory_space<vmem>> -> memref<1x128xi32, #tpu.memory_space<vmem>>
    %dma_wait3A_695 = tpu.memref_squeeze %dma_wait3A_694 : memref<1x128xi32, #tpu.memory_space<vmem>> -> memref<128xi32, #tpu.memory_space<vmem>>
    %dma_wait3A_696 = arith.constant 0 : i32
    %dma_wait3A_697 = arith.constant 0 : i32
    %dma_wait3A_698 = tpu.memref_slice %arg2[%dma_wait3A_696, %dma_wait3A_697] : memref<8192x128xf32, #tpu.memory_space<hbm>> -> memref<8192x128xf32, #tpu.memory_space<hbm>>
    tpu.wait_indirect_dma semaphore(%arg7 : memref<!tpu.dma_semaphore, #tpu.memory_space<semaphore_mem>>) src(%dma_wait3A_698 : memref<8192x128xf32, #tpu.memory_space<hbm>>) dst(%arg6 : memref<128x128xf32, #tpu.memory_space<vmem>>)
    "tpu.region"() ({
      %run_scoped3A = tpu.sem_alloc : memref<!tpu.dma_semaphore, #tpu.memory_space<semaphore_mem>>
      %dma_start3A_895 = arith.constant 6272 : i32
      %dma_start3A_896 = arith.constant 0 : i32
      %dma_start3A_897 = tpu.memref_slice %arg4[%add3A, %dma_start3A_895, %dma_start3A_896] : memref<32x8192x128xf32, #tpu.memory_space<hbm>> -> memref<1x128x128xf32, #tpu.memory_space<hbm>>
      %dma_start3A_898 = tpu.memref_squeeze %dma_start3A_897 : memref<1x128x128xf32, #tpu.memory_space<hbm>> -> memref<128x128xf32, #tpu.memory_space<hbm>>
      %dma_start3A_899 = arith.constant 6272 : i32
      %dma_start3A_900 = arith.constant 0 : i32
      %dma_start3A_901 = tpu.memref_slice %arg4[%add3A, %dma_start3A_899, %dma_start3A_900] : memref<32x8192x128xf32, #tpu.memory_space<hbm>> -> memref<1x128x128xf32, #tpu.memory_space<hbm>>
      %dma_start3A_902 = tpu.memref_squeeze %dma_start3A_901 : memref<1x128x128xf32, #tpu.memory_space<hbm>> -> memref<128x128xf32, #tpu.memory_space<hbm>>
      tpu.enqueue_dma source(%arg6 : memref<128x128xf32, #tpu.memory_space<vmem>>) target(%dma_start3A_902 : memref<128x128xf32, #tpu.memory_space<hbm>>) target_semaphore(%run_scoped3A : memref<!tpu.dma_semaphore, #tpu.memory_space<semaphore_mem>>)
      %dma_wait3A_903 = arith.constant 6272 : i32
      %dma_wait3A_904 = arith.constant 0 : i32
      %dma_wait3A_905 = tpu.memref_slice %arg4[%add3A, %dma_wait3A_903, %dma_wait3A_904] : memref<32x8192x128xf32, #tpu.memory_space<hbm>> -> memref<1x128x128xf32, #tpu.memory_space<hbm>>
      %dma_wait3A_906 = tpu.memref_squeeze %dma_wait3A_905 : memref<1x128x128xf32, #tpu.memory_space<hbm>> -> memref<128x128xf32, #tpu.memory_space<hbm>>
      %dma_wait3A_907 = arith.constant 6272 : i32
      %dma_wait3A_908 = arith.constant 0 : i32
      %dma_wait3A_909 = tpu.memref_slice %arg4[%add3A, %dma_wait3A_907, %dma_wait3A_908] : memref<32x8192x128xf32, #tpu.memory_space<hbm>> -> memref<1x128x128xf32, #tpu.memory_space<hbm>>
      %dma_wait3A_910 = tpu.memref_squeeze %dma_wait3A_909 : memref<1x128x128xf32, #tpu.memory_space<hbm>> -> memref<128x128xf32, #tpu.memory_space<hbm>>
      tpu.wait_dma2 semaphore(%run_scoped3A : memref<!tpu.dma_semaphore, #tpu.memory_space<semaphore_mem>>) src(%arg6 : memref<128x128xf32, #tpu.memory_space<vmem>>) dst(%dma_wait3A_910 : memref<128x128xf32, #tpu.memory_space<hbm>>)
      tpu.yield
    }) : () -> ()
    %dma_start3A_699 = arith.constant 50 : i32
    %dma_start3A_700 = arith.constant 0 : i32
    %dma_start3A_701 = tpu.memref_slice %arg5[%dma_start3A_699, %dma_start3A_700] : memref<64x128xi32, #tpu.memory_space<vmem>> -> memref<1x128xi32, #tpu.memory_space<vmem>>
    %dma_start3A_702 = tpu.memref_squeeze %dma_start3A_701 : memref<1x128xi32, #tpu.memory_space<vmem>> -> memref<128xi32, #tpu.memory_space<vmem>>
    %dma_start3A_703 = arith.constant 0 : i32
    %dma_start3A_704 = arith.constant 0 : i32
    %dma_start3A_705 = tpu.memref_slice %arg2[%dma_start3A_703, %dma_start3A_704] : memref<8192x128xf32, #tpu.memory_space<hbm>> -> memref<8192x128xf32, #tpu.memory_space<hbm>>
    tpu.enqueue_indirect_dma source(%dma_start3A_705 : memref<8192x128xf32, #tpu.memory_space<hbm>>) target(%arg6 : memref<128x128xf32, #tpu.memory_space<vmem>>) offsets(%dma_start3A_702 : memref<128xi32, #tpu.memory_space<vmem>>) semaphore(%arg7 : memref<!tpu.dma_semaphore, #tpu.memory_space<semaphore_mem>>)
    %dma_wait3A_706 = arith.constant 50 : i32
    %dma_wait3A_707 = arith.constant 0 : i32
    %dma_wait3A_708 = tpu.memref_slice %arg5[%dma_wait3A_706, %dma_wait3A_707] : memref<64x128xi32, #tpu.memory_space<vmem>> -> memref<1x128xi32, #tpu.memory_space<vmem>>
    %dma_wait3A_709 = tpu.memref_squeeze %dma_wait3A_708 : memref<1x128xi32, #tpu.memory_space<vmem>> -> memref<128xi32, #tpu.memory_space<vmem>>
    %dma_wait3A_710 = arith.constant 0 : i32
    %dma_wait3A_711 = arith.constant 0 : i32
    %dma_wait3A_712 = tpu.memref_slice %arg2[%dma_wait3A_710, %dma_wait3A_711] : memref<8192x128xf32, #tpu.memory_space<hbm>> -> memref<8192x128xf32, #tpu.memory_space<hbm>>
    tpu.wait_indirect_dma semaphore(%arg7 : memref<!tpu.dma_semaphore, #tpu.memory_space<semaphore_mem>>) src(%dma_wait3A_712 : memref<8192x128xf32, #tpu.memory_space<hbm>>) dst(%arg6 : memref<128x128xf32, #tpu.memory_space<vmem>>)
    "tpu.region"() ({
      %run_scoped3A = tpu.sem_alloc : memref<!tpu.dma_semaphore, #tpu.memory_space<semaphore_mem>>
      %dma_start3A_895 = arith.constant 6400 : i32
      %dma_start3A_896 = arith.constant 0 : i32
      %dma_start3A_897 = tpu.memref_slice %arg4[%add3A, %dma_start3A_895, %dma_start3A_896] : memref<32x8192x128xf32, #tpu.memory_space<hbm>> -> memref<1x128x128xf32, #tpu.memory_space<hbm>>
      %dma_start3A_898 = tpu.memref_squeeze %dma_start3A_897 : memref<1x128x128xf32, #tpu.memory_space<hbm>> -> memref<128x128xf32, #tpu.memory_space<hbm>>
      %dma_start3A_899 = arith.constant 6400 : i32
      %dma_start3A_900 = arith.constant 0 : i32
      %dma_start3A_901 = tpu.memref_slice %arg4[%add3A, %dma_start3A_899, %dma_start3A_900] : memref<32x8192x128xf32, #tpu.memory_space<hbm>> -> memref<1x128x128xf32, #tpu.memory_space<hbm>>
      %dma_start3A_902 = tpu.memref_squeeze %dma_start3A_901 : memref<1x128x128xf32, #tpu.memory_space<hbm>> -> memref<128x128xf32, #tpu.memory_space<hbm>>
      tpu.enqueue_dma source(%arg6 : memref<128x128xf32, #tpu.memory_space<vmem>>) target(%dma_start3A_902 : memref<128x128xf32, #tpu.memory_space<hbm>>) target_semaphore(%run_scoped3A : memref<!tpu.dma_semaphore, #tpu.memory_space<semaphore_mem>>)
      %dma_wait3A_903 = arith.constant 6400 : i32
      %dma_wait3A_904 = arith.constant 0 : i32
      %dma_wait3A_905 = tpu.memref_slice %arg4[%add3A, %dma_wait3A_903, %dma_wait3A_904] : memref<32x8192x128xf32, #tpu.memory_space<hbm>> -> memref<1x128x128xf32, #tpu.memory_space<hbm>>
      %dma_wait3A_906 = tpu.memref_squeeze %dma_wait3A_905 : memref<1x128x128xf32, #tpu.memory_space<hbm>> -> memref<128x128xf32, #tpu.memory_space<hbm>>
      %dma_wait3A_907 = arith.constant 6400 : i32
      %dma_wait3A_908 = arith.constant 0 : i32
      %dma_wait3A_909 = tpu.memref_slice %arg4[%add3A, %dma_wait3A_907, %dma_wait3A_908] : memref<32x8192x128xf32, #tpu.memory_space<hbm>> -> memref<1x128x128xf32, #tpu.memory_space<hbm>>
      %dma_wait3A_910 = tpu.memref_squeeze %dma_wait3A_909 : memref<1x128x128xf32, #tpu.memory_space<hbm>> -> memref<128x128xf32, #tpu.memory_space<hbm>>
      tpu.wait_dma2 semaphore(%run_scoped3A : memref<!tpu.dma_semaphore, #tpu.memory_space<semaphore_mem>>) src(%arg6 : memref<128x128xf32, #tpu.memory_space<vmem>>) dst(%dma_wait3A_910 : memref<128x128xf32, #tpu.memory_space<hbm>>)
      tpu.yield
    }) : () -> ()
    %dma_start3A_713 = arith.constant 51 : i32
    %dma_start3A_714 = arith.constant 0 : i32
    %dma_start3A_715 = tpu.memref_slice %arg5[%dma_start3A_713, %dma_start3A_714] : memref<64x128xi32, #tpu.memory_space<vmem>> -> memref<1x128xi32, #tpu.memory_space<vmem>>
    %dma_start3A_716 = tpu.memref_squeeze %dma_start3A_715 : memref<1x128xi32, #tpu.memory_space<vmem>> -> memref<128xi32, #tpu.memory_space<vmem>>
    %dma_start3A_717 = arith.constant 0 : i32
    %dma_start3A_718 = arith.constant 0 : i32
    %dma_start3A_719 = tpu.memref_slice %arg2[%dma_start3A_717, %dma_start3A_718] : memref<8192x128xf32, #tpu.memory_space<hbm>> -> memref<8192x128xf32, #tpu.memory_space<hbm>>
    tpu.enqueue_indirect_dma source(%dma_start3A_719 : memref<8192x128xf32, #tpu.memory_space<hbm>>) target(%arg6 : memref<128x128xf32, #tpu.memory_space<vmem>>) offsets(%dma_start3A_716 : memref<128xi32, #tpu.memory_space<vmem>>) semaphore(%arg7 : memref<!tpu.dma_semaphore, #tpu.memory_space<semaphore_mem>>)
    %dma_wait3A_720 = arith.constant 51 : i32
    %dma_wait3A_721 = arith.constant 0 : i32
    %dma_wait3A_722 = tpu.memref_slice %arg5[%dma_wait3A_720, %dma_wait3A_721] : memref<64x128xi32, #tpu.memory_space<vmem>> -> memref<1x128xi32, #tpu.memory_space<vmem>>
    %dma_wait3A_723 = tpu.memref_squeeze %dma_wait3A_722 : memref<1x128xi32, #tpu.memory_space<vmem>> -> memref<128xi32, #tpu.memory_space<vmem>>
    %dma_wait3A_724 = arith.constant 0 : i32
    %dma_wait3A_725 = arith.constant 0 : i32
    %dma_wait3A_726 = tpu.memref_slice %arg2[%dma_wait3A_724, %dma_wait3A_725] : memref<8192x128xf32, #tpu.memory_space<hbm>> -> memref<8192x128xf32, #tpu.memory_space<hbm>>
    tpu.wait_indirect_dma semaphore(%arg7 : memref<!tpu.dma_semaphore, #tpu.memory_space<semaphore_mem>>) src(%dma_wait3A_726 : memref<8192x128xf32, #tpu.memory_space<hbm>>) dst(%arg6 : memref<128x128xf32, #tpu.memory_space<vmem>>)
    "tpu.region"() ({
      %run_scoped3A = tpu.sem_alloc : memref<!tpu.dma_semaphore, #tpu.memory_space<semaphore_mem>>
      %dma_start3A_895 = arith.constant 6528 : i32
      %dma_start3A_896 = arith.constant 0 : i32
      %dma_start3A_897 = tpu.memref_slice %arg4[%add3A, %dma_start3A_895, %dma_start3A_896] : memref<32x8192x128xf32, #tpu.memory_space<hbm>> -> memref<1x128x128xf32, #tpu.memory_space<hbm>>
      %dma_start3A_898 = tpu.memref_squeeze %dma_start3A_897 : memref<1x128x128xf32, #tpu.memory_space<hbm>> -> memref<128x128xf32, #tpu.memory_space<hbm>>
      %dma_start3A_899 = arith.constant 6528 : i32
      %dma_start3A_900 = arith.constant 0 : i32
      %dma_start3A_901 = tpu.memref_slice %arg4[%add3A, %dma_start3A_899, %dma_start3A_900] : memref<32x8192x128xf32, #tpu.memory_space<hbm>> -> memref<1x128x128xf32, #tpu.memory_space<hbm>>
      %dma_start3A_902 = tpu.memref_squeeze %dma_start3A_901 : memref<1x128x128xf32, #tpu.memory_space<hbm>> -> memref<128x128xf32, #tpu.memory_space<hbm>>
      tpu.enqueue_dma source(%arg6 : memref<128x128xf32, #tpu.memory_space<vmem>>) target(%dma_start3A_902 : memref<128x128xf32, #tpu.memory_space<hbm>>) target_semaphore(%run_scoped3A : memref<!tpu.dma_semaphore, #tpu.memory_space<semaphore_mem>>)
      %dma_wait3A_903 = arith.constant 6528 : i32
      %dma_wait3A_904 = arith.constant 0 : i32
      %dma_wait3A_905 = tpu.memref_slice %arg4[%add3A, %dma_wait3A_903, %dma_wait3A_904] : memref<32x8192x128xf32, #tpu.memory_space<hbm>> -> memref<1x128x128xf32, #tpu.memory_space<hbm>>
      %dma_wait3A_906 = tpu.memref_squeeze %dma_wait3A_905 : memref<1x128x128xf32, #tpu.memory_space<hbm>> -> memref<128x128xf32, #tpu.memory_space<hbm>>
      %dma_wait3A_907 = arith.constant 6528 : i32
      %dma_wait3A_908 = arith.constant 0 : i32
      %dma_wait3A_909 = tpu.memref_slice %arg4[%add3A, %dma_wait3A_907, %dma_wait3A_908] : memref<32x8192x128xf32, #tpu.memory_space<hbm>> -> memref<1x128x128xf32, #tpu.memory_space<hbm>>
      %dma_wait3A_910 = tpu.memref_squeeze %dma_wait3A_909 : memref<1x128x128xf32, #tpu.memory_space<hbm>> -> memref<128x128xf32, #tpu.memory_space<hbm>>
      tpu.wait_dma2 semaphore(%run_scoped3A : memref<!tpu.dma_semaphore, #tpu.memory_space<semaphore_mem>>) src(%arg6 : memref<128x128xf32, #tpu.memory_space<vmem>>) dst(%dma_wait3A_910 : memref<128x128xf32, #tpu.memory_space<hbm>>)
      tpu.yield
    }) : () -> ()
    %dma_start3A_727 = arith.constant 52 : i32
    %dma_start3A_728 = arith.constant 0 : i32
    %dma_start3A_729 = tpu.memref_slice %arg5[%dma_start3A_727, %dma_start3A_728] : memref<64x128xi32, #tpu.memory_space<vmem>> -> memref<1x128xi32, #tpu.memory_space<vmem>>
    %dma_start3A_730 = tpu.memref_squeeze %dma_start3A_729 : memref<1x128xi32, #tpu.memory_space<vmem>> -> memref<128xi32, #tpu.memory_space<vmem>>
    %dma_start3A_731 = arith.constant 0 : i32
    %dma_start3A_732 = arith.constant 0 : i32
    %dma_start3A_733 = tpu.memref_slice %arg2[%dma_start3A_731, %dma_start3A_732] : memref<8192x128xf32, #tpu.memory_space<hbm>> -> memref<8192x128xf32, #tpu.memory_space<hbm>>
    tpu.enqueue_indirect_dma source(%dma_start3A_733 : memref<8192x128xf32, #tpu.memory_space<hbm>>) target(%arg6 : memref<128x128xf32, #tpu.memory_space<vmem>>) offsets(%dma_start3A_730 : memref<128xi32, #tpu.memory_space<vmem>>) semaphore(%arg7 : memref<!tpu.dma_semaphore, #tpu.memory_space<semaphore_mem>>)
    %dma_wait3A_734 = arith.constant 52 : i32
    %dma_wait3A_735 = arith.constant 0 : i32
    %dma_wait3A_736 = tpu.memref_slice %arg5[%dma_wait3A_734, %dma_wait3A_735] : memref<64x128xi32, #tpu.memory_space<vmem>> -> memref<1x128xi32, #tpu.memory_space<vmem>>
    %dma_wait3A_737 = tpu.memref_squeeze %dma_wait3A_736 : memref<1x128xi32, #tpu.memory_space<vmem>> -> memref<128xi32, #tpu.memory_space<vmem>>
    %dma_wait3A_738 = arith.constant 0 : i32
    %dma_wait3A_739 = arith.constant 0 : i32
    %dma_wait3A_740 = tpu.memref_slice %arg2[%dma_wait3A_738, %dma_wait3A_739] : memref<8192x128xf32, #tpu.memory_space<hbm>> -> memref<8192x128xf32, #tpu.memory_space<hbm>>
    tpu.wait_indirect_dma semaphore(%arg7 : memref<!tpu.dma_semaphore, #tpu.memory_space<semaphore_mem>>) src(%dma_wait3A_740 : memref<8192x128xf32, #tpu.memory_space<hbm>>) dst(%arg6 : memref<128x128xf32, #tpu.memory_space<vmem>>)
    "tpu.region"() ({
      %run_scoped3A = tpu.sem_alloc : memref<!tpu.dma_semaphore, #tpu.memory_space<semaphore_mem>>
      %dma_start3A_895 = arith.constant 6656 : i32
      %dma_start3A_896 = arith.constant 0 : i32
      %dma_start3A_897 = tpu.memref_slice %arg4[%add3A, %dma_start3A_895, %dma_start3A_896] : memref<32x8192x128xf32, #tpu.memory_space<hbm>> -> memref<1x128x128xf32, #tpu.memory_space<hbm>>
      %dma_start3A_898 = tpu.memref_squeeze %dma_start3A_897 : memref<1x128x128xf32, #tpu.memory_space<hbm>> -> memref<128x128xf32, #tpu.memory_space<hbm>>
      %dma_start3A_899 = arith.constant 6656 : i32
      %dma_start3A_900 = arith.constant 0 : i32
      %dma_start3A_901 = tpu.memref_slice %arg4[%add3A, %dma_start3A_899, %dma_start3A_900] : memref<32x8192x128xf32, #tpu.memory_space<hbm>> -> memref<1x128x128xf32, #tpu.memory_space<hbm>>
      %dma_start3A_902 = tpu.memref_squeeze %dma_start3A_901 : memref<1x128x128xf32, #tpu.memory_space<hbm>> -> memref<128x128xf32, #tpu.memory_space<hbm>>
      tpu.enqueue_dma source(%arg6 : memref<128x128xf32, #tpu.memory_space<vmem>>) target(%dma_start3A_902 : memref<128x128xf32, #tpu.memory_space<hbm>>) target_semaphore(%run_scoped3A : memref<!tpu.dma_semaphore, #tpu.memory_space<semaphore_mem>>)
      %dma_wait3A_903 = arith.constant 6656 : i32
      %dma_wait3A_904 = arith.constant 0 : i32
      %dma_wait3A_905 = tpu.memref_slice %arg4[%add3A, %dma_wait3A_903, %dma_wait3A_904] : memref<32x8192x128xf32, #tpu.memory_space<hbm>> -> memref<1x128x128xf32, #tpu.memory_space<hbm>>
      %dma_wait3A_906 = tpu.memref_squeeze %dma_wait3A_905 : memref<1x128x128xf32, #tpu.memory_space<hbm>> -> memref<128x128xf32, #tpu.memory_space<hbm>>
      %dma_wait3A_907 = arith.constant 6656 : i32
      %dma_wait3A_908 = arith.constant 0 : i32
      %dma_wait3A_909 = tpu.memref_slice %arg4[%add3A, %dma_wait3A_907, %dma_wait3A_908] : memref<32x8192x128xf32, #tpu.memory_space<hbm>> -> memref<1x128x128xf32, #tpu.memory_space<hbm>>
      %dma_wait3A_910 = tpu.memref_squeeze %dma_wait3A_909 : memref<1x128x128xf32, #tpu.memory_space<hbm>> -> memref<128x128xf32, #tpu.memory_space<hbm>>
      tpu.wait_dma2 semaphore(%run_scoped3A : memref<!tpu.dma_semaphore, #tpu.memory_space<semaphore_mem>>) src(%arg6 : memref<128x128xf32, #tpu.memory_space<vmem>>) dst(%dma_wait3A_910 : memref<128x128xf32, #tpu.memory_space<hbm>>)
      tpu.yield
    }) : () -> ()
    %dma_start3A_741 = arith.constant 53 : i32
    %dma_start3A_742 = arith.constant 0 : i32
    %dma_start3A_743 = tpu.memref_slice %arg5[%dma_start3A_741, %dma_start3A_742] : memref<64x128xi32, #tpu.memory_space<vmem>> -> memref<1x128xi32, #tpu.memory_space<vmem>>
    %dma_start3A_744 = tpu.memref_squeeze %dma_start3A_743 : memref<1x128xi32, #tpu.memory_space<vmem>> -> memref<128xi32, #tpu.memory_space<vmem>>
    %dma_start3A_745 = arith.constant 0 : i32
    %dma_start3A_746 = arith.constant 0 : i32
    %dma_start3A_747 = tpu.memref_slice %arg2[%dma_start3A_745, %dma_start3A_746] : memref<8192x128xf32, #tpu.memory_space<hbm>> -> memref<8192x128xf32, #tpu.memory_space<hbm>>
    tpu.enqueue_indirect_dma source(%dma_start3A_747 : memref<8192x128xf32, #tpu.memory_space<hbm>>) target(%arg6 : memref<128x128xf32, #tpu.memory_space<vmem>>) offsets(%dma_start3A_744 : memref<128xi32, #tpu.memory_space<vmem>>) semaphore(%arg7 : memref<!tpu.dma_semaphore, #tpu.memory_space<semaphore_mem>>)
    %dma_wait3A_748 = arith.constant 53 : i32
    %dma_wait3A_749 = arith.constant 0 : i32
    %dma_wait3A_750 = tpu.memref_slice %arg5[%dma_wait3A_748, %dma_wait3A_749] : memref<64x128xi32, #tpu.memory_space<vmem>> -> memref<1x128xi32, #tpu.memory_space<vmem>>
    %dma_wait3A_751 = tpu.memref_squeeze %dma_wait3A_750 : memref<1x128xi32, #tpu.memory_space<vmem>> -> memref<128xi32, #tpu.memory_space<vmem>>
    %dma_wait3A_752 = arith.constant 0 : i32
    %dma_wait3A_753 = arith.constant 0 : i32
    %dma_wait3A_754 = tpu.memref_slice %arg2[%dma_wait3A_752, %dma_wait3A_753] : memref<8192x128xf32, #tpu.memory_space<hbm>> -> memref<8192x128xf32, #tpu.memory_space<hbm>>
    tpu.wait_indirect_dma semaphore(%arg7 : memref<!tpu.dma_semaphore, #tpu.memory_space<semaphore_mem>>) src(%dma_wait3A_754 : memref<8192x128xf32, #tpu.memory_space<hbm>>) dst(%arg6 : memref<128x128xf32, #tpu.memory_space<vmem>>)
    "tpu.region"() ({
      %run_scoped3A = tpu.sem_alloc : memref<!tpu.dma_semaphore, #tpu.memory_space<semaphore_mem>>
      %dma_start3A_895 = arith.constant 6784 : i32
      %dma_start3A_896 = arith.constant 0 : i32
      %dma_start3A_897 = tpu.memref_slice %arg4[%add3A, %dma_start3A_895, %dma_start3A_896] : memref<32x8192x128xf32, #tpu.memory_space<hbm>> -> memref<1x128x128xf32, #tpu.memory_space<hbm>>
      %dma_start3A_898 = tpu.memref_squeeze %dma_start3A_897 : memref<1x128x128xf32, #tpu.memory_space<hbm>> -> memref<128x128xf32, #tpu.memory_space<hbm>>
      %dma_start3A_899 = arith.constant 6784 : i32
      %dma_start3A_900 = arith.constant 0 : i32
      %dma_start3A_901 = tpu.memref_slice %arg4[%add3A, %dma_start3A_899, %dma_start3A_900] : memref<32x8192x128xf32, #tpu.memory_space<hbm>> -> memref<1x128x128xf32, #tpu.memory_space<hbm>>
      %dma_start3A_902 = tpu.memref_squeeze %dma_start3A_901 : memref<1x128x128xf32, #tpu.memory_space<hbm>> -> memref<128x128xf32, #tpu.memory_space<hbm>>
      tpu.enqueue_dma source(%arg6 : memref<128x128xf32, #tpu.memory_space<vmem>>) target(%dma_start3A_902 : memref<128x128xf32, #tpu.memory_space<hbm>>) target_semaphore(%run_scoped3A : memref<!tpu.dma_semaphore, #tpu.memory_space<semaphore_mem>>)
      %dma_wait3A_903 = arith.constant 6784 : i32
      %dma_wait3A_904 = arith.constant 0 : i32
      %dma_wait3A_905 = tpu.memref_slice %arg4[%add3A, %dma_wait3A_903, %dma_wait3A_904] : memref<32x8192x128xf32, #tpu.memory_space<hbm>> -> memref<1x128x128xf32, #tpu.memory_space<hbm>>
      %dma_wait3A_906 = tpu.memref_squeeze %dma_wait3A_905 : memref<1x128x128xf32, #tpu.memory_space<hbm>> -> memref<128x128xf32, #tpu.memory_space<hbm>>
      %dma_wait3A_907 = arith.constant 6784 : i32
      %dma_wait3A_908 = arith.constant 0 : i32
      %dma_wait3A_909 = tpu.memref_slice %arg4[%add3A, %dma_wait3A_907, %dma_wait3A_908] : memref<32x8192x128xf32, #tpu.memory_space<hbm>> -> memref<1x128x128xf32, #tpu.memory_space<hbm>>
      %dma_wait3A_910 = tpu.memref_squeeze %dma_wait3A_909 : memref<1x128x128xf32, #tpu.memory_space<hbm>> -> memref<128x128xf32, #tpu.memory_space<hbm>>
      tpu.wait_dma2 semaphore(%run_scoped3A : memref<!tpu.dma_semaphore, #tpu.memory_space<semaphore_mem>>) src(%arg6 : memref<128x128xf32, #tpu.memory_space<vmem>>) dst(%dma_wait3A_910 : memref<128x128xf32, #tpu.memory_space<hbm>>)
      tpu.yield
    }) : () -> ()
    %dma_start3A_755 = arith.constant 54 : i32
    %dma_start3A_756 = arith.constant 0 : i32
    %dma_start3A_757 = tpu.memref_slice %arg5[%dma_start3A_755, %dma_start3A_756] : memref<64x128xi32, #tpu.memory_space<vmem>> -> memref<1x128xi32, #tpu.memory_space<vmem>>
    %dma_start3A_758 = tpu.memref_squeeze %dma_start3A_757 : memref<1x128xi32, #tpu.memory_space<vmem>> -> memref<128xi32, #tpu.memory_space<vmem>>
    %dma_start3A_759 = arith.constant 0 : i32
    %dma_start3A_760 = arith.constant 0 : i32
    %dma_start3A_761 = tpu.memref_slice %arg2[%dma_start3A_759, %dma_start3A_760] : memref<8192x128xf32, #tpu.memory_space<hbm>> -> memref<8192x128xf32, #tpu.memory_space<hbm>>
    tpu.enqueue_indirect_dma source(%dma_start3A_761 : memref<8192x128xf32, #tpu.memory_space<hbm>>) target(%arg6 : memref<128x128xf32, #tpu.memory_space<vmem>>) offsets(%dma_start3A_758 : memref<128xi32, #tpu.memory_space<vmem>>) semaphore(%arg7 : memref<!tpu.dma_semaphore, #tpu.memory_space<semaphore_mem>>)
    %dma_wait3A_762 = arith.constant 54 : i32
    %dma_wait3A_763 = arith.constant 0 : i32
    %dma_wait3A_764 = tpu.memref_slice %arg5[%dma_wait3A_762, %dma_wait3A_763] : memref<64x128xi32, #tpu.memory_space<vmem>> -> memref<1x128xi32, #tpu.memory_space<vmem>>
    %dma_wait3A_765 = tpu.memref_squeeze %dma_wait3A_764 : memref<1x128xi32, #tpu.memory_space<vmem>> -> memref<128xi32, #tpu.memory_space<vmem>>
    %dma_wait3A_766 = arith.constant 0 : i32
    %dma_wait3A_767 = arith.constant 0 : i32
    %dma_wait3A_768 = tpu.memref_slice %arg2[%dma_wait3A_766, %dma_wait3A_767] : memref<8192x128xf32, #tpu.memory_space<hbm>> -> memref<8192x128xf32, #tpu.memory_space<hbm>>
    tpu.wait_indirect_dma semaphore(%arg7 : memref<!tpu.dma_semaphore, #tpu.memory_space<semaphore_mem>>) src(%dma_wait3A_768 : memref<8192x128xf32, #tpu.memory_space<hbm>>) dst(%arg6 : memref<128x128xf32, #tpu.memory_space<vmem>>)
    "tpu.region"() ({
      %run_scoped3A = tpu.sem_alloc : memref<!tpu.dma_semaphore, #tpu.memory_space<semaphore_mem>>
      %dma_start3A_895 = arith.constant 6912 : i32
      %dma_start3A_896 = arith.constant 0 : i32
      %dma_start3A_897 = tpu.memref_slice %arg4[%add3A, %dma_start3A_895, %dma_start3A_896] : memref<32x8192x128xf32, #tpu.memory_space<hbm>> -> memref<1x128x128xf32, #tpu.memory_space<hbm>>
      %dma_start3A_898 = tpu.memref_squeeze %dma_start3A_897 : memref<1x128x128xf32, #tpu.memory_space<hbm>> -> memref<128x128xf32, #tpu.memory_space<hbm>>
      %dma_start3A_899 = arith.constant 6912 : i32
      %dma_start3A_900 = arith.constant 0 : i32
      %dma_start3A_901 = tpu.memref_slice %arg4[%add3A, %dma_start3A_899, %dma_start3A_900] : memref<32x8192x128xf32, #tpu.memory_space<hbm>> -> memref<1x128x128xf32, #tpu.memory_space<hbm>>
      %dma_start3A_902 = tpu.memref_squeeze %dma_start3A_901 : memref<1x128x128xf32, #tpu.memory_space<hbm>> -> memref<128x128xf32, #tpu.memory_space<hbm>>
      tpu.enqueue_dma source(%arg6 : memref<128x128xf32, #tpu.memory_space<vmem>>) target(%dma_start3A_902 : memref<128x128xf32, #tpu.memory_space<hbm>>) target_semaphore(%run_scoped3A : memref<!tpu.dma_semaphore, #tpu.memory_space<semaphore_mem>>)
      %dma_wait3A_903 = arith.constant 6912 : i32
      %dma_wait3A_904 = arith.constant 0 : i32
      %dma_wait3A_905 = tpu.memref_slice %arg4[%add3A, %dma_wait3A_903, %dma_wait3A_904] : memref<32x8192x128xf32, #tpu.memory_space<hbm>> -> memref<1x128x128xf32, #tpu.memory_space<hbm>>
      %dma_wait3A_906 = tpu.memref_squeeze %dma_wait3A_905 : memref<1x128x128xf32, #tpu.memory_space<hbm>> -> memref<128x128xf32, #tpu.memory_space<hbm>>
      %dma_wait3A_907 = arith.constant 6912 : i32
      %dma_wait3A_908 = arith.constant 0 : i32
      %dma_wait3A_909 = tpu.memref_slice %arg4[%add3A, %dma_wait3A_907, %dma_wait3A_908] : memref<32x8192x128xf32, #tpu.memory_space<hbm>> -> memref<1x128x128xf32, #tpu.memory_space<hbm>>
      %dma_wait3A_910 = tpu.memref_squeeze %dma_wait3A_909 : memref<1x128x128xf32, #tpu.memory_space<hbm>> -> memref<128x128xf32, #tpu.memory_space<hbm>>
      tpu.wait_dma2 semaphore(%run_scoped3A : memref<!tpu.dma_semaphore, #tpu.memory_space<semaphore_mem>>) src(%arg6 : memref<128x128xf32, #tpu.memory_space<vmem>>) dst(%dma_wait3A_910 : memref<128x128xf32, #tpu.memory_space<hbm>>)
      tpu.yield
    }) : () -> ()
    %dma_start3A_769 = arith.constant 55 : i32
    %dma_start3A_770 = arith.constant 0 : i32
    %dma_start3A_771 = tpu.memref_slice %arg5[%dma_start3A_769, %dma_start3A_770] : memref<64x128xi32, #tpu.memory_space<vmem>> -> memref<1x128xi32, #tpu.memory_space<vmem>>
    %dma_start3A_772 = tpu.memref_squeeze %dma_start3A_771 : memref<1x128xi32, #tpu.memory_space<vmem>> -> memref<128xi32, #tpu.memory_space<vmem>>
    %dma_start3A_773 = arith.constant 0 : i32
    %dma_start3A_774 = arith.constant 0 : i32
    %dma_start3A_775 = tpu.memref_slice %arg2[%dma_start3A_773, %dma_start3A_774] : memref<8192x128xf32, #tpu.memory_space<hbm>> -> memref<8192x128xf32, #tpu.memory_space<hbm>>
    tpu.enqueue_indirect_dma source(%dma_start3A_775 : memref<8192x128xf32, #tpu.memory_space<hbm>>) target(%arg6 : memref<128x128xf32, #tpu.memory_space<vmem>>) offsets(%dma_start3A_772 : memref<128xi32, #tpu.memory_space<vmem>>) semaphore(%arg7 : memref<!tpu.dma_semaphore, #tpu.memory_space<semaphore_mem>>)
    %dma_wait3A_776 = arith.constant 55 : i32
    %dma_wait3A_777 = arith.constant 0 : i32
    %dma_wait3A_778 = tpu.memref_slice %arg5[%dma_wait3A_776, %dma_wait3A_777] : memref<64x128xi32, #tpu.memory_space<vmem>> -> memref<1x128xi32, #tpu.memory_space<vmem>>
    %dma_wait3A_779 = tpu.memref_squeeze %dma_wait3A_778 : memref<1x128xi32, #tpu.memory_space<vmem>> -> memref<128xi32, #tpu.memory_space<vmem>>
    %dma_wait3A_780 = arith.constant 0 : i32
    %dma_wait3A_781 = arith.constant 0 : i32
    %dma_wait3A_782 = tpu.memref_slice %arg2[%dma_wait3A_780, %dma_wait3A_781] : memref<8192x128xf32, #tpu.memory_space<hbm>> -> memref<8192x128xf32, #tpu.memory_space<hbm>>
    tpu.wait_indirect_dma semaphore(%arg7 : memref<!tpu.dma_semaphore, #tpu.memory_space<semaphore_mem>>) src(%dma_wait3A_782 : memref<8192x128xf32, #tpu.memory_space<hbm>>) dst(%arg6 : memref<128x128xf32, #tpu.memory_space<vmem>>)
    "tpu.region"() ({
      %run_scoped3A = tpu.sem_alloc : memref<!tpu.dma_semaphore, #tpu.memory_space<semaphore_mem>>
      %dma_start3A_895 = arith.constant 7040 : i32
      %dma_start3A_896 = arith.constant 0 : i32
      %dma_start3A_897 = tpu.memref_slice %arg4[%add3A, %dma_start3A_895, %dma_start3A_896] : memref<32x8192x128xf32, #tpu.memory_space<hbm>> -> memref<1x128x128xf32, #tpu.memory_space<hbm>>
      %dma_start3A_898 = tpu.memref_squeeze %dma_start3A_897 : memref<1x128x128xf32, #tpu.memory_space<hbm>> -> memref<128x128xf32, #tpu.memory_space<hbm>>
      %dma_start3A_899 = arith.constant 7040 : i32
      %dma_start3A_900 = arith.constant 0 : i32
      %dma_start3A_901 = tpu.memref_slice %arg4[%add3A, %dma_start3A_899, %dma_start3A_900] : memref<32x8192x128xf32, #tpu.memory_space<hbm>> -> memref<1x128x128xf32, #tpu.memory_space<hbm>>
      %dma_start3A_902 = tpu.memref_squeeze %dma_start3A_901 : memref<1x128x128xf32, #tpu.memory_space<hbm>> -> memref<128x128xf32, #tpu.memory_space<hbm>>
      tpu.enqueue_dma source(%arg6 : memref<128x128xf32, #tpu.memory_space<vmem>>) target(%dma_start3A_902 : memref<128x128xf32, #tpu.memory_space<hbm>>) target_semaphore(%run_scoped3A : memref<!tpu.dma_semaphore, #tpu.memory_space<semaphore_mem>>)
      %dma_wait3A_903 = arith.constant 7040 : i32
      %dma_wait3A_904 = arith.constant 0 : i32
      %dma_wait3A_905 = tpu.memref_slice %arg4[%add3A, %dma_wait3A_903, %dma_wait3A_904] : memref<32x8192x128xf32, #tpu.memory_space<hbm>> -> memref<1x128x128xf32, #tpu.memory_space<hbm>>
      %dma_wait3A_906 = tpu.memref_squeeze %dma_wait3A_905 : memref<1x128x128xf32, #tpu.memory_space<hbm>> -> memref<128x128xf32, #tpu.memory_space<hbm>>
      %dma_wait3A_907 = arith.constant 7040 : i32
      %dma_wait3A_908 = arith.constant 0 : i32
      %dma_wait3A_909 = tpu.memref_slice %arg4[%add3A, %dma_wait3A_907, %dma_wait3A_908] : memref<32x8192x128xf32, #tpu.memory_space<hbm>> -> memref<1x128x128xf32, #tpu.memory_space<hbm>>
      %dma_wait3A_910 = tpu.memref_squeeze %dma_wait3A_909 : memref<1x128x128xf32, #tpu.memory_space<hbm>> -> memref<128x128xf32, #tpu.memory_space<hbm>>
      tpu.wait_dma2 semaphore(%run_scoped3A : memref<!tpu.dma_semaphore, #tpu.memory_space<semaphore_mem>>) src(%arg6 : memref<128x128xf32, #tpu.memory_space<vmem>>) dst(%dma_wait3A_910 : memref<128x128xf32, #tpu.memory_space<hbm>>)
      tpu.yield
    }) : () -> ()
    %dma_start3A_783 = arith.constant 56 : i32
    %dma_start3A_784 = arith.constant 0 : i32
    %dma_start3A_785 = tpu.memref_slice %arg5[%dma_start3A_783, %dma_start3A_784] : memref<64x128xi32, #tpu.memory_space<vmem>> -> memref<1x128xi32, #tpu.memory_space<vmem>>
    %dma_start3A_786 = tpu.memref_squeeze %dma_start3A_785 : memref<1x128xi32, #tpu.memory_space<vmem>> -> memref<128xi32, #tpu.memory_space<vmem>>
    %dma_start3A_787 = arith.constant 0 : i32
    %dma_start3A_788 = arith.constant 0 : i32
    %dma_start3A_789 = tpu.memref_slice %arg2[%dma_start3A_787, %dma_start3A_788] : memref<8192x128xf32, #tpu.memory_space<hbm>> -> memref<8192x128xf32, #tpu.memory_space<hbm>>
    tpu.enqueue_indirect_dma source(%dma_start3A_789 : memref<8192x128xf32, #tpu.memory_space<hbm>>) target(%arg6 : memref<128x128xf32, #tpu.memory_space<vmem>>) offsets(%dma_start3A_786 : memref<128xi32, #tpu.memory_space<vmem>>) semaphore(%arg7 : memref<!tpu.dma_semaphore, #tpu.memory_space<semaphore_mem>>)
    %dma_wait3A_790 = arith.constant 56 : i32
    %dma_wait3A_791 = arith.constant 0 : i32
    %dma_wait3A_792 = tpu.memref_slice %arg5[%dma_wait3A_790, %dma_wait3A_791] : memref<64x128xi32, #tpu.memory_space<vmem>> -> memref<1x128xi32, #tpu.memory_space<vmem>>
    %dma_wait3A_793 = tpu.memref_squeeze %dma_wait3A_792 : memref<1x128xi32, #tpu.memory_space<vmem>> -> memref<128xi32, #tpu.memory_space<vmem>>
    %dma_wait3A_794 = arith.constant 0 : i32
    %dma_wait3A_795 = arith.constant 0 : i32
    %dma_wait3A_796 = tpu.memref_slice %arg2[%dma_wait3A_794, %dma_wait3A_795] : memref<8192x128xf32, #tpu.memory_space<hbm>> -> memref<8192x128xf32, #tpu.memory_space<hbm>>
    tpu.wait_indirect_dma semaphore(%arg7 : memref<!tpu.dma_semaphore, #tpu.memory_space<semaphore_mem>>) src(%dma_wait3A_796 : memref<8192x128xf32, #tpu.memory_space<hbm>>) dst(%arg6 : memref<128x128xf32, #tpu.memory_space<vmem>>)
    "tpu.region"() ({
      %run_scoped3A = tpu.sem_alloc : memref<!tpu.dma_semaphore, #tpu.memory_space<semaphore_mem>>
      %dma_start3A_895 = arith.constant 7168 : i32
      %dma_start3A_896 = arith.constant 0 : i32
      %dma_start3A_897 = tpu.memref_slice %arg4[%add3A, %dma_start3A_895, %dma_start3A_896] : memref<32x8192x128xf32, #tpu.memory_space<hbm>> -> memref<1x128x128xf32, #tpu.memory_space<hbm>>
      %dma_start3A_898 = tpu.memref_squeeze %dma_start3A_897 : memref<1x128x128xf32, #tpu.memory_space<hbm>> -> memref<128x128xf32, #tpu.memory_space<hbm>>
      %dma_start3A_899 = arith.constant 7168 : i32
      %dma_start3A_900 = arith.constant 0 : i32
      %dma_start3A_901 = tpu.memref_slice %arg4[%add3A, %dma_start3A_899, %dma_start3A_900] : memref<32x8192x128xf32, #tpu.memory_space<hbm>> -> memref<1x128x128xf32, #tpu.memory_space<hbm>>
      %dma_start3A_902 = tpu.memref_squeeze %dma_start3A_901 : memref<1x128x128xf32, #tpu.memory_space<hbm>> -> memref<128x128xf32, #tpu.memory_space<hbm>>
      tpu.enqueue_dma source(%arg6 : memref<128x128xf32, #tpu.memory_space<vmem>>) target(%dma_start3A_902 : memref<128x128xf32, #tpu.memory_space<hbm>>) target_semaphore(%run_scoped3A : memref<!tpu.dma_semaphore, #tpu.memory_space<semaphore_mem>>)
      %dma_wait3A_903 = arith.constant 7168 : i32
      %dma_wait3A_904 = arith.constant 0 : i32
      %dma_wait3A_905 = tpu.memref_slice %arg4[%add3A, %dma_wait3A_903, %dma_wait3A_904] : memref<32x8192x128xf32, #tpu.memory_space<hbm>> -> memref<1x128x128xf32, #tpu.memory_space<hbm>>
      %dma_wait3A_906 = tpu.memref_squeeze %dma_wait3A_905 : memref<1x128x128xf32, #tpu.memory_space<hbm>> -> memref<128x128xf32, #tpu.memory_space<hbm>>
      %dma_wait3A_907 = arith.constant 7168 : i32
      %dma_wait3A_908 = arith.constant 0 : i32
      %dma_wait3A_909 = tpu.memref_slice %arg4[%add3A, %dma_wait3A_907, %dma_wait3A_908] : memref<32x8192x128xf32, #tpu.memory_space<hbm>> -> memref<1x128x128xf32, #tpu.memory_space<hbm>>
      %dma_wait3A_910 = tpu.memref_squeeze %dma_wait3A_909 : memref<1x128x128xf32, #tpu.memory_space<hbm>> -> memref<128x128xf32, #tpu.memory_space<hbm>>
      tpu.wait_dma2 semaphore(%run_scoped3A : memref<!tpu.dma_semaphore, #tpu.memory_space<semaphore_mem>>) src(%arg6 : memref<128x128xf32, #tpu.memory_space<vmem>>) dst(%dma_wait3A_910 : memref<128x128xf32, #tpu.memory_space<hbm>>)
      tpu.yield
    }) : () -> ()
    %dma_start3A_797 = arith.constant 57 : i32
    %dma_start3A_798 = arith.constant 0 : i32
    %dma_start3A_799 = tpu.memref_slice %arg5[%dma_start3A_797, %dma_start3A_798] : memref<64x128xi32, #tpu.memory_space<vmem>> -> memref<1x128xi32, #tpu.memory_space<vmem>>
    %dma_start3A_800 = tpu.memref_squeeze %dma_start3A_799 : memref<1x128xi32, #tpu.memory_space<vmem>> -> memref<128xi32, #tpu.memory_space<vmem>>
    %dma_start3A_801 = arith.constant 0 : i32
    %dma_start3A_802 = arith.constant 0 : i32
    %dma_start3A_803 = tpu.memref_slice %arg2[%dma_start3A_801, %dma_start3A_802] : memref<8192x128xf32, #tpu.memory_space<hbm>> -> memref<8192x128xf32, #tpu.memory_space<hbm>>
    tpu.enqueue_indirect_dma source(%dma_start3A_803 : memref<8192x128xf32, #tpu.memory_space<hbm>>) target(%arg6 : memref<128x128xf32, #tpu.memory_space<vmem>>) offsets(%dma_start3A_800 : memref<128xi32, #tpu.memory_space<vmem>>) semaphore(%arg7 : memref<!tpu.dma_semaphore, #tpu.memory_space<semaphore_mem>>)
    %dma_wait3A_804 = arith.constant 57 : i32
    %dma_wait3A_805 = arith.constant 0 : i32
    %dma_wait3A_806 = tpu.memref_slice %arg5[%dma_wait3A_804, %dma_wait3A_805] : memref<64x128xi32, #tpu.memory_space<vmem>> -> memref<1x128xi32, #tpu.memory_space<vmem>>
    %dma_wait3A_807 = tpu.memref_squeeze %dma_wait3A_806 : memref<1x128xi32, #tpu.memory_space<vmem>> -> memref<128xi32, #tpu.memory_space<vmem>>
    %dma_wait3A_808 = arith.constant 0 : i32
    %dma_wait3A_809 = arith.constant 0 : i32
    %dma_wait3A_810 = tpu.memref_slice %arg2[%dma_wait3A_808, %dma_wait3A_809] : memref<8192x128xf32, #tpu.memory_space<hbm>> -> memref<8192x128xf32, #tpu.memory_space<hbm>>
    tpu.wait_indirect_dma semaphore(%arg7 : memref<!tpu.dma_semaphore, #tpu.memory_space<semaphore_mem>>) src(%dma_wait3A_810 : memref<8192x128xf32, #tpu.memory_space<hbm>>) dst(%arg6 : memref<128x128xf32, #tpu.memory_space<vmem>>)
    "tpu.region"() ({
      %run_scoped3A = tpu.sem_alloc : memref<!tpu.dma_semaphore, #tpu.memory_space<semaphore_mem>>
      %dma_start3A_895 = arith.constant 7296 : i32
      %dma_start3A_896 = arith.constant 0 : i32
      %dma_start3A_897 = tpu.memref_slice %arg4[%add3A, %dma_start3A_895, %dma_start3A_896] : memref<32x8192x128xf32, #tpu.memory_space<hbm>> -> memref<1x128x128xf32, #tpu.memory_space<hbm>>
      %dma_start3A_898 = tpu.memref_squeeze %dma_start3A_897 : memref<1x128x128xf32, #tpu.memory_space<hbm>> -> memref<128x128xf32, #tpu.memory_space<hbm>>
      %dma_start3A_899 = arith.constant 7296 : i32
      %dma_start3A_900 = arith.constant 0 : i32
      %dma_start3A_901 = tpu.memref_slice %arg4[%add3A, %dma_start3A_899, %dma_start3A_900] : memref<32x8192x128xf32, #tpu.memory_space<hbm>> -> memref<1x128x128xf32, #tpu.memory_space<hbm>>
      %dma_start3A_902 = tpu.memref_squeeze %dma_start3A_901 : memref<1x128x128xf32, #tpu.memory_space<hbm>> -> memref<128x128xf32, #tpu.memory_space<hbm>>
      tpu.enqueue_dma source(%arg6 : memref<128x128xf32, #tpu.memory_space<vmem>>) target(%dma_start3A_902 : memref<128x128xf32, #tpu.memory_space<hbm>>) target_semaphore(%run_scoped3A : memref<!tpu.dma_semaphore, #tpu.memory_space<semaphore_mem>>)
      %dma_wait3A_903 = arith.constant 7296 : i32
      %dma_wait3A_904 = arith.constant 0 : i32
      %dma_wait3A_905 = tpu.memref_slice %arg4[%add3A, %dma_wait3A_903, %dma_wait3A_904] : memref<32x8192x128xf32, #tpu.memory_space<hbm>> -> memref<1x128x128xf32, #tpu.memory_space<hbm>>
      %dma_wait3A_906 = tpu.memref_squeeze %dma_wait3A_905 : memref<1x128x128xf32, #tpu.memory_space<hbm>> -> memref<128x128xf32, #tpu.memory_space<hbm>>
      %dma_wait3A_907 = arith.constant 7296 : i32
      %dma_wait3A_908 = arith.constant 0 : i32
      %dma_wait3A_909 = tpu.memref_slice %arg4[%add3A, %dma_wait3A_907, %dma_wait3A_908] : memref<32x8192x128xf32, #tpu.memory_space<hbm>> -> memref<1x128x128xf32, #tpu.memory_space<hbm>>
      %dma_wait3A_910 = tpu.memref_squeeze %dma_wait3A_909 : memref<1x128x128xf32, #tpu.memory_space<hbm>> -> memref<128x128xf32, #tpu.memory_space<hbm>>
      tpu.wait_dma2 semaphore(%run_scoped3A : memref<!tpu.dma_semaphore, #tpu.memory_space<semaphore_mem>>) src(%arg6 : memref<128x128xf32, #tpu.memory_space<vmem>>) dst(%dma_wait3A_910 : memref<128x128xf32, #tpu.memory_space<hbm>>)
      tpu.yield
    }) : () -> ()
    %dma_start3A_811 = arith.constant 58 : i32
    %dma_start3A_812 = arith.constant 0 : i32
    %dma_start3A_813 = tpu.memref_slice %arg5[%dma_start3A_811, %dma_start3A_812] : memref<64x128xi32, #tpu.memory_space<vmem>> -> memref<1x128xi32, #tpu.memory_space<vmem>>
    %dma_start3A_814 = tpu.memref_squeeze %dma_start3A_813 : memref<1x128xi32, #tpu.memory_space<vmem>> -> memref<128xi32, #tpu.memory_space<vmem>>
    %dma_start3A_815 = arith.constant 0 : i32
    %dma_start3A_816 = arith.constant 0 : i32
    %dma_start3A_817 = tpu.memref_slice %arg2[%dma_start3A_815, %dma_start3A_816] : memref<8192x128xf32, #tpu.memory_space<hbm>> -> memref<8192x128xf32, #tpu.memory_space<hbm>>
    tpu.enqueue_indirect_dma source(%dma_start3A_817 : memref<8192x128xf32, #tpu.memory_space<hbm>>) target(%arg6 : memref<128x128xf32, #tpu.memory_space<vmem>>) offsets(%dma_start3A_814 : memref<128xi32, #tpu.memory_space<vmem>>) semaphore(%arg7 : memref<!tpu.dma_semaphore, #tpu.memory_space<semaphore_mem>>)
    %dma_wait3A_818 = arith.constant 58 : i32
    %dma_wait3A_819 = arith.constant 0 : i32
    %dma_wait3A_820 = tpu.memref_slice %arg5[%dma_wait3A_818, %dma_wait3A_819] : memref<64x128xi32, #tpu.memory_space<vmem>> -> memref<1x128xi32, #tpu.memory_space<vmem>>
    %dma_wait3A_821 = tpu.memref_squeeze %dma_wait3A_820 : memref<1x128xi32, #tpu.memory_space<vmem>> -> memref<128xi32, #tpu.memory_space<vmem>>
    %dma_wait3A_822 = arith.constant 0 : i32
    %dma_wait3A_823 = arith.constant 0 : i32
    %dma_wait3A_824 = tpu.memref_slice %arg2[%dma_wait3A_822, %dma_wait3A_823] : memref<8192x128xf32, #tpu.memory_space<hbm>> -> memref<8192x128xf32, #tpu.memory_space<hbm>>
    tpu.wait_indirect_dma semaphore(%arg7 : memref<!tpu.dma_semaphore, #tpu.memory_space<semaphore_mem>>) src(%dma_wait3A_824 : memref<8192x128xf32, #tpu.memory_space<hbm>>) dst(%arg6 : memref<128x128xf32, #tpu.memory_space<vmem>>)
    "tpu.region"() ({
      %run_scoped3A = tpu.sem_alloc : memref<!tpu.dma_semaphore, #tpu.memory_space<semaphore_mem>>
      %dma_start3A_895 = arith.constant 7424 : i32
      %dma_start3A_896 = arith.constant 0 : i32
      %dma_start3A_897 = tpu.memref_slice %arg4[%add3A, %dma_start3A_895, %dma_start3A_896] : memref<32x8192x128xf32, #tpu.memory_space<hbm>> -> memref<1x128x128xf32, #tpu.memory_space<hbm>>
      %dma_start3A_898 = tpu.memref_squeeze %dma_start3A_897 : memref<1x128x128xf32, #tpu.memory_space<hbm>> -> memref<128x128xf32, #tpu.memory_space<hbm>>
      %dma_start3A_899 = arith.constant 7424 : i32
      %dma_start3A_900 = arith.constant 0 : i32
      %dma_start3A_901 = tpu.memref_slice %arg4[%add3A, %dma_start3A_899, %dma_start3A_900] : memref<32x8192x128xf32, #tpu.memory_space<hbm>> -> memref<1x128x128xf32, #tpu.memory_space<hbm>>
      %dma_start3A_902 = tpu.memref_squeeze %dma_start3A_901 : memref<1x128x128xf32, #tpu.memory_space<hbm>> -> memref<128x128xf32, #tpu.memory_space<hbm>>
      tpu.enqueue_dma source(%arg6 : memref<128x128xf32, #tpu.memory_space<vmem>>) target(%dma_start3A_902 : memref<128x128xf32, #tpu.memory_space<hbm>>) target_semaphore(%run_scoped3A : memref<!tpu.dma_semaphore, #tpu.memory_space<semaphore_mem>>)
      %dma_wait3A_903 = arith.constant 7424 : i32
      %dma_wait3A_904 = arith.constant 0 : i32
      %dma_wait3A_905 = tpu.memref_slice %arg4[%add3A, %dma_wait3A_903, %dma_wait3A_904] : memref<32x8192x128xf32, #tpu.memory_space<hbm>> -> memref<1x128x128xf32, #tpu.memory_space<hbm>>
      %dma_wait3A_906 = tpu.memref_squeeze %dma_wait3A_905 : memref<1x128x128xf32, #tpu.memory_space<hbm>> -> memref<128x128xf32, #tpu.memory_space<hbm>>
      %dma_wait3A_907 = arith.constant 7424 : i32
      %dma_wait3A_908 = arith.constant 0 : i32
      %dma_wait3A_909 = tpu.memref_slice %arg4[%add3A, %dma_wait3A_907, %dma_wait3A_908] : memref<32x8192x128xf32, #tpu.memory_space<hbm>> -> memref<1x128x128xf32, #tpu.memory_space<hbm>>
      %dma_wait3A_910 = tpu.memref_squeeze %dma_wait3A_909 : memref<1x128x128xf32, #tpu.memory_space<hbm>> -> memref<128x128xf32, #tpu.memory_space<hbm>>
      tpu.wait_dma2 semaphore(%run_scoped3A : memref<!tpu.dma_semaphore, #tpu.memory_space<semaphore_mem>>) src(%arg6 : memref<128x128xf32, #tpu.memory_space<vmem>>) dst(%dma_wait3A_910 : memref<128x128xf32, #tpu.memory_space<hbm>>)
      tpu.yield
    }) : () -> ()
    %dma_start3A_825 = arith.constant 59 : i32
    %dma_start3A_826 = arith.constant 0 : i32
    %dma_start3A_827 = tpu.memref_slice %arg5[%dma_start3A_825, %dma_start3A_826] : memref<64x128xi32, #tpu.memory_space<vmem>> -> memref<1x128xi32, #tpu.memory_space<vmem>>
    %dma_start3A_828 = tpu.memref_squeeze %dma_start3A_827 : memref<1x128xi32, #tpu.memory_space<vmem>> -> memref<128xi32, #tpu.memory_space<vmem>>
    %dma_start3A_829 = arith.constant 0 : i32
    %dma_start3A_830 = arith.constant 0 : i32
    %dma_start3A_831 = tpu.memref_slice %arg2[%dma_start3A_829, %dma_start3A_830] : memref<8192x128xf32, #tpu.memory_space<hbm>> -> memref<8192x128xf32, #tpu.memory_space<hbm>>
    tpu.enqueue_indirect_dma source(%dma_start3A_831 : memref<8192x128xf32, #tpu.memory_space<hbm>>) target(%arg6 : memref<128x128xf32, #tpu.memory_space<vmem>>) offsets(%dma_start3A_828 : memref<128xi32, #tpu.memory_space<vmem>>) semaphore(%arg7 : memref<!tpu.dma_semaphore, #tpu.memory_space<semaphore_mem>>)
    %dma_wait3A_832 = arith.constant 59 : i32
    %dma_wait3A_833 = arith.constant 0 : i32
    %dma_wait3A_834 = tpu.memref_slice %arg5[%dma_wait3A_832, %dma_wait3A_833] : memref<64x128xi32, #tpu.memory_space<vmem>> -> memref<1x128xi32, #tpu.memory_space<vmem>>
    %dma_wait3A_835 = tpu.memref_squeeze %dma_wait3A_834 : memref<1x128xi32, #tpu.memory_space<vmem>> -> memref<128xi32, #tpu.memory_space<vmem>>
    %dma_wait3A_836 = arith.constant 0 : i32
    %dma_wait3A_837 = arith.constant 0 : i32
    %dma_wait3A_838 = tpu.memref_slice %arg2[%dma_wait3A_836, %dma_wait3A_837] : memref<8192x128xf32, #tpu.memory_space<hbm>> -> memref<8192x128xf32, #tpu.memory_space<hbm>>
    tpu.wait_indirect_dma semaphore(%arg7 : memref<!tpu.dma_semaphore, #tpu.memory_space<semaphore_mem>>) src(%dma_wait3A_838 : memref<8192x128xf32, #tpu.memory_space<hbm>>) dst(%arg6 : memref<128x128xf32, #tpu.memory_space<vmem>>)
    "tpu.region"() ({
      %run_scoped3A = tpu.sem_alloc : memref<!tpu.dma_semaphore, #tpu.memory_space<semaphore_mem>>
      %dma_start3A_895 = arith.constant 7552 : i32
      %dma_start3A_896 = arith.constant 0 : i32
      %dma_start3A_897 = tpu.memref_slice %arg4[%add3A, %dma_start3A_895, %dma_start3A_896] : memref<32x8192x128xf32, #tpu.memory_space<hbm>> -> memref<1x128x128xf32, #tpu.memory_space<hbm>>
      %dma_start3A_898 = tpu.memref_squeeze %dma_start3A_897 : memref<1x128x128xf32, #tpu.memory_space<hbm>> -> memref<128x128xf32, #tpu.memory_space<hbm>>
      %dma_start3A_899 = arith.constant 7552 : i32
      %dma_start3A_900 = arith.constant 0 : i32
      %dma_start3A_901 = tpu.memref_slice %arg4[%add3A, %dma_start3A_899, %dma_start3A_900] : memref<32x8192x128xf32, #tpu.memory_space<hbm>> -> memref<1x128x128xf32, #tpu.memory_space<hbm>>
      %dma_start3A_902 = tpu.memref_squeeze %dma_start3A_901 : memref<1x128x128xf32, #tpu.memory_space<hbm>> -> memref<128x128xf32, #tpu.memory_space<hbm>>
      tpu.enqueue_dma source(%arg6 : memref<128x128xf32, #tpu.memory_space<vmem>>) target(%dma_start3A_902 : memref<128x128xf32, #tpu.memory_space<hbm>>) target_semaphore(%run_scoped3A : memref<!tpu.dma_semaphore, #tpu.memory_space<semaphore_mem>>)
      %dma_wait3A_903 = arith.constant 7552 : i32
      %dma_wait3A_904 = arith.constant 0 : i32
      %dma_wait3A_905 = tpu.memref_slice %arg4[%add3A, %dma_wait3A_903, %dma_wait3A_904] : memref<32x8192x128xf32, #tpu.memory_space<hbm>> -> memref<1x128x128xf32, #tpu.memory_space<hbm>>
      %dma_wait3A_906 = tpu.memref_squeeze %dma_wait3A_905 : memref<1x128x128xf32, #tpu.memory_space<hbm>> -> memref<128x128xf32, #tpu.memory_space<hbm>>
      %dma_wait3A_907 = arith.constant 7552 : i32
      %dma_wait3A_908 = arith.constant 0 : i32
      %dma_wait3A_909 = tpu.memref_slice %arg4[%add3A, %dma_wait3A_907, %dma_wait3A_908] : memref<32x8192x128xf32, #tpu.memory_space<hbm>> -> memref<1x128x128xf32, #tpu.memory_space<hbm>>
      %dma_wait3A_910 = tpu.memref_squeeze %dma_wait3A_909 : memref<1x128x128xf32, #tpu.memory_space<hbm>> -> memref<128x128xf32, #tpu.memory_space<hbm>>
      tpu.wait_dma2 semaphore(%run_scoped3A : memref<!tpu.dma_semaphore, #tpu.memory_space<semaphore_mem>>) src(%arg6 : memref<128x128xf32, #tpu.memory_space<vmem>>) dst(%dma_wait3A_910 : memref<128x128xf32, #tpu.memory_space<hbm>>)
      tpu.yield
    }) : () -> ()
    %dma_start3A_839 = arith.constant 60 : i32
    %dma_start3A_840 = arith.constant 0 : i32
    %dma_start3A_841 = tpu.memref_slice %arg5[%dma_start3A_839, %dma_start3A_840] : memref<64x128xi32, #tpu.memory_space<vmem>> -> memref<1x128xi32, #tpu.memory_space<vmem>>
    %dma_start3A_842 = tpu.memref_squeeze %dma_start3A_841 : memref<1x128xi32, #tpu.memory_space<vmem>> -> memref<128xi32, #tpu.memory_space<vmem>>
    %dma_start3A_843 = arith.constant 0 : i32
    %dma_start3A_844 = arith.constant 0 : i32
    %dma_start3A_845 = tpu.memref_slice %arg2[%dma_start3A_843, %dma_start3A_844] : memref<8192x128xf32, #tpu.memory_space<hbm>> -> memref<8192x128xf32, #tpu.memory_space<hbm>>
    tpu.enqueue_indirect_dma source(%dma_start3A_845 : memref<8192x128xf32, #tpu.memory_space<hbm>>) target(%arg6 : memref<128x128xf32, #tpu.memory_space<vmem>>) offsets(%dma_start3A_842 : memref<128xi32, #tpu.memory_space<vmem>>) semaphore(%arg7 : memref<!tpu.dma_semaphore, #tpu.memory_space<semaphore_mem>>)
    %dma_wait3A_846 = arith.constant 60 : i32
    %dma_wait3A_847 = arith.constant 0 : i32
    %dma_wait3A_848 = tpu.memref_slice %arg5[%dma_wait3A_846, %dma_wait3A_847] : memref<64x128xi32, #tpu.memory_space<vmem>> -> memref<1x128xi32, #tpu.memory_space<vmem>>
    %dma_wait3A_849 = tpu.memref_squeeze %dma_wait3A_848 : memref<1x128xi32, #tpu.memory_space<vmem>> -> memref<128xi32, #tpu.memory_space<vmem>>
    %dma_wait3A_850 = arith.constant 0 : i32
    %dma_wait3A_851 = arith.constant 0 : i32
    %dma_wait3A_852 = tpu.memref_slice %arg2[%dma_wait3A_850, %dma_wait3A_851] : memref<8192x128xf32, #tpu.memory_space<hbm>> -> memref<8192x128xf32, #tpu.memory_space<hbm>>
    tpu.wait_indirect_dma semaphore(%arg7 : memref<!tpu.dma_semaphore, #tpu.memory_space<semaphore_mem>>) src(%dma_wait3A_852 : memref<8192x128xf32, #tpu.memory_space<hbm>>) dst(%arg6 : memref<128x128xf32, #tpu.memory_space<vmem>>)
    "tpu.region"() ({
      %run_scoped3A = tpu.sem_alloc : memref<!tpu.dma_semaphore, #tpu.memory_space<semaphore_mem>>
      %dma_start3A_895 = arith.constant 7680 : i32
      %dma_start3A_896 = arith.constant 0 : i32
      %dma_start3A_897 = tpu.memref_slice %arg4[%add3A, %dma_start3A_895, %dma_start3A_896] : memref<32x8192x128xf32, #tpu.memory_space<hbm>> -> memref<1x128x128xf32, #tpu.memory_space<hbm>>
      %dma_start3A_898 = tpu.memref_squeeze %dma_start3A_897 : memref<1x128x128xf32, #tpu.memory_space<hbm>> -> memref<128x128xf32, #tpu.memory_space<hbm>>
      %dma_start3A_899 = arith.constant 7680 : i32
      %dma_start3A_900 = arith.constant 0 : i32
      %dma_start3A_901 = tpu.memref_slice %arg4[%add3A, %dma_start3A_899, %dma_start3A_900] : memref<32x8192x128xf32, #tpu.memory_space<hbm>> -> memref<1x128x128xf32, #tpu.memory_space<hbm>>
      %dma_start3A_902 = tpu.memref_squeeze %dma_start3A_901 : memref<1x128x128xf32, #tpu.memory_space<hbm>> -> memref<128x128xf32, #tpu.memory_space<hbm>>
      tpu.enqueue_dma source(%arg6 : memref<128x128xf32, #tpu.memory_space<vmem>>) target(%dma_start3A_902 : memref<128x128xf32, #tpu.memory_space<hbm>>) target_semaphore(%run_scoped3A : memref<!tpu.dma_semaphore, #tpu.memory_space<semaphore_mem>>)
      %dma_wait3A_903 = arith.constant 7680 : i32
      %dma_wait3A_904 = arith.constant 0 : i32
      %dma_wait3A_905 = tpu.memref_slice %arg4[%add3A, %dma_wait3A_903, %dma_wait3A_904] : memref<32x8192x128xf32, #tpu.memory_space<hbm>> -> memref<1x128x128xf32, #tpu.memory_space<hbm>>
      %dma_wait3A_906 = tpu.memref_squeeze %dma_wait3A_905 : memref<1x128x128xf32, #tpu.memory_space<hbm>> -> memref<128x128xf32, #tpu.memory_space<hbm>>
      %dma_wait3A_907 = arith.constant 7680 : i32
      %dma_wait3A_908 = arith.constant 0 : i32
      %dma_wait3A_909 = tpu.memref_slice %arg4[%add3A, %dma_wait3A_907, %dma_wait3A_908] : memref<32x8192x128xf32, #tpu.memory_space<hbm>> -> memref<1x128x128xf32, #tpu.memory_space<hbm>>
      %dma_wait3A_910 = tpu.memref_squeeze %dma_wait3A_909 : memref<1x128x128xf32, #tpu.memory_space<hbm>> -> memref<128x128xf32, #tpu.memory_space<hbm>>
      tpu.wait_dma2 semaphore(%run_scoped3A : memref<!tpu.dma_semaphore, #tpu.memory_space<semaphore_mem>>) src(%arg6 : memref<128x128xf32, #tpu.memory_space<vmem>>) dst(%dma_wait3A_910 : memref<128x128xf32, #tpu.memory_space<hbm>>)
      tpu.yield
    }) : () -> ()
    %dma_start3A_853 = arith.constant 61 : i32
    %dma_start3A_854 = arith.constant 0 : i32
    %dma_start3A_855 = tpu.memref_slice %arg5[%dma_start3A_853, %dma_start3A_854] : memref<64x128xi32, #tpu.memory_space<vmem>> -> memref<1x128xi32, #tpu.memory_space<vmem>>
    %dma_start3A_856 = tpu.memref_squeeze %dma_start3A_855 : memref<1x128xi32, #tpu.memory_space<vmem>> -> memref<128xi32, #tpu.memory_space<vmem>>
    %dma_start3A_857 = arith.constant 0 : i32
    %dma_start3A_858 = arith.constant 0 : i32
    %dma_start3A_859 = tpu.memref_slice %arg2[%dma_start3A_857, %dma_start3A_858] : memref<8192x128xf32, #tpu.memory_space<hbm>> -> memref<8192x128xf32, #tpu.memory_space<hbm>>
    tpu.enqueue_indirect_dma source(%dma_start3A_859 : memref<8192x128xf32, #tpu.memory_space<hbm>>) target(%arg6 : memref<128x128xf32, #tpu.memory_space<vmem>>) offsets(%dma_start3A_856 : memref<128xi32, #tpu.memory_space<vmem>>) semaphore(%arg7 : memref<!tpu.dma_semaphore, #tpu.memory_space<semaphore_mem>>)
    %dma_wait3A_860 = arith.constant 61 : i32
    %dma_wait3A_861 = arith.constant 0 : i32
    %dma_wait3A_862 = tpu.memref_slice %arg5[%dma_wait3A_860, %dma_wait3A_861] : memref<64x128xi32, #tpu.memory_space<vmem>> -> memref<1x128xi32, #tpu.memory_space<vmem>>
    %dma_wait3A_863 = tpu.memref_squeeze %dma_wait3A_862 : memref<1x128xi32, #tpu.memory_space<vmem>> -> memref<128xi32, #tpu.memory_space<vmem>>
    %dma_wait3A_864 = arith.constant 0 : i32
    %dma_wait3A_865 = arith.constant 0 : i32
    %dma_wait3A_866 = tpu.memref_slice %arg2[%dma_wait3A_864, %dma_wait3A_865] : memref<8192x128xf32, #tpu.memory_space<hbm>> -> memref<8192x128xf32, #tpu.memory_space<hbm>>
    tpu.wait_indirect_dma semaphore(%arg7 : memref<!tpu.dma_semaphore, #tpu.memory_space<semaphore_mem>>) src(%dma_wait3A_866 : memref<8192x128xf32, #tpu.memory_space<hbm>>) dst(%arg6 : memref<128x128xf32, #tpu.memory_space<vmem>>)
    "tpu.region"() ({
      %run_scoped3A = tpu.sem_alloc : memref<!tpu.dma_semaphore, #tpu.memory_space<semaphore_mem>>
      %dma_start3A_895 = arith.constant 7808 : i32
      %dma_start3A_896 = arith.constant 0 : i32
      %dma_start3A_897 = tpu.memref_slice %arg4[%add3A, %dma_start3A_895, %dma_start3A_896] : memref<32x8192x128xf32, #tpu.memory_space<hbm>> -> memref<1x128x128xf32, #tpu.memory_space<hbm>>
      %dma_start3A_898 = tpu.memref_squeeze %dma_start3A_897 : memref<1x128x128xf32, #tpu.memory_space<hbm>> -> memref<128x128xf32, #tpu.memory_space<hbm>>
      %dma_start3A_899 = arith.constant 7808 : i32
      %dma_start3A_900 = arith.constant 0 : i32
      %dma_start3A_901 = tpu.memref_slice %arg4[%add3A, %dma_start3A_899, %dma_start3A_900] : memref<32x8192x128xf32, #tpu.memory_space<hbm>> -> memref<1x128x128xf32, #tpu.memory_space<hbm>>
      %dma_start3A_902 = tpu.memref_squeeze %dma_start3A_901 : memref<1x128x128xf32, #tpu.memory_space<hbm>> -> memref<128x128xf32, #tpu.memory_space<hbm>>
      tpu.enqueue_dma source(%arg6 : memref<128x128xf32, #tpu.memory_space<vmem>>) target(%dma_start3A_902 : memref<128x128xf32, #tpu.memory_space<hbm>>) target_semaphore(%run_scoped3A : memref<!tpu.dma_semaphore, #tpu.memory_space<semaphore_mem>>)
      %dma_wait3A_903 = arith.constant 7808 : i32
      %dma_wait3A_904 = arith.constant 0 : i32
      %dma_wait3A_905 = tpu.memref_slice %arg4[%add3A, %dma_wait3A_903, %dma_wait3A_904] : memref<32x8192x128xf32, #tpu.memory_space<hbm>> -> memref<1x128x128xf32, #tpu.memory_space<hbm>>
      %dma_wait3A_906 = tpu.memref_squeeze %dma_wait3A_905 : memref<1x128x128xf32, #tpu.memory_space<hbm>> -> memref<128x128xf32, #tpu.memory_space<hbm>>
      %dma_wait3A_907 = arith.constant 7808 : i32
      %dma_wait3A_908 = arith.constant 0 : i32
      %dma_wait3A_909 = tpu.memref_slice %arg4[%add3A, %dma_wait3A_907, %dma_wait3A_908] : memref<32x8192x128xf32, #tpu.memory_space<hbm>> -> memref<1x128x128xf32, #tpu.memory_space<hbm>>
      %dma_wait3A_910 = tpu.memref_squeeze %dma_wait3A_909 : memref<1x128x128xf32, #tpu.memory_space<hbm>> -> memref<128x128xf32, #tpu.memory_space<hbm>>
      tpu.wait_dma2 semaphore(%run_scoped3A : memref<!tpu.dma_semaphore, #tpu.memory_space<semaphore_mem>>) src(%arg6 : memref<128x128xf32, #tpu.memory_space<vmem>>) dst(%dma_wait3A_910 : memref<128x128xf32, #tpu.memory_space<hbm>>)
      tpu.yield
    }) : () -> ()
    %dma_start3A_867 = arith.constant 62 : i32
    %dma_start3A_868 = arith.constant 0 : i32
    %dma_start3A_869 = tpu.memref_slice %arg5[%dma_start3A_867, %dma_start3A_868] : memref<64x128xi32, #tpu.memory_space<vmem>> -> memref<1x128xi32, #tpu.memory_space<vmem>>
    %dma_start3A_870 = tpu.memref_squeeze %dma_start3A_869 : memref<1x128xi32, #tpu.memory_space<vmem>> -> memref<128xi32, #tpu.memory_space<vmem>>
    %dma_start3A_871 = arith.constant 0 : i32
    %dma_start3A_872 = arith.constant 0 : i32
    %dma_start3A_873 = tpu.memref_slice %arg2[%dma_start3A_871, %dma_start3A_872] : memref<8192x128xf32, #tpu.memory_space<hbm>> -> memref<8192x128xf32, #tpu.memory_space<hbm>>
    tpu.enqueue_indirect_dma source(%dma_start3A_873 : memref<8192x128xf32, #tpu.memory_space<hbm>>) target(%arg6 : memref<128x128xf32, #tpu.memory_space<vmem>>) offsets(%dma_start3A_870 : memref<128xi32, #tpu.memory_space<vmem>>) semaphore(%arg7 : memref<!tpu.dma_semaphore, #tpu.memory_space<semaphore_mem>>)
    %dma_wait3A_874 = arith.constant 62 : i32
    %dma_wait3A_875 = arith.constant 0 : i32
    %dma_wait3A_876 = tpu.memref_slice %arg5[%dma_wait3A_874, %dma_wait3A_875] : memref<64x128xi32, #tpu.memory_space<vmem>> -> memref<1x128xi32, #tpu.memory_space<vmem>>
    %dma_wait3A_877 = tpu.memref_squeeze %dma_wait3A_876 : memref<1x128xi32, #tpu.memory_space<vmem>> -> memref<128xi32, #tpu.memory_space<vmem>>
    %dma_wait3A_878 = arith.constant 0 : i32
    %dma_wait3A_879 = arith.constant 0 : i32
    %dma_wait3A_880 = tpu.memref_slice %arg2[%dma_wait3A_878, %dma_wait3A_879] : memref<8192x128xf32, #tpu.memory_space<hbm>> -> memref<8192x128xf32, #tpu.memory_space<hbm>>
    tpu.wait_indirect_dma semaphore(%arg7 : memref<!tpu.dma_semaphore, #tpu.memory_space<semaphore_mem>>) src(%dma_wait3A_880 : memref<8192x128xf32, #tpu.memory_space<hbm>>) dst(%arg6 : memref<128x128xf32, #tpu.memory_space<vmem>>)
    "tpu.region"() ({
      %run_scoped3A = tpu.sem_alloc : memref<!tpu.dma_semaphore, #tpu.memory_space<semaphore_mem>>
      %dma_start3A_895 = arith.constant 7936 : i32
      %dma_start3A_896 = arith.constant 0 : i32
      %dma_start3A_897 = tpu.memref_slice %arg4[%add3A, %dma_start3A_895, %dma_start3A_896] : memref<32x8192x128xf32, #tpu.memory_space<hbm>> -> memref<1x128x128xf32, #tpu.memory_space<hbm>>
      %dma_start3A_898 = tpu.memref_squeeze %dma_start3A_897 : memref<1x128x128xf32, #tpu.memory_space<hbm>> -> memref<128x128xf32, #tpu.memory_space<hbm>>
      %dma_start3A_899 = arith.constant 7936 : i32
      %dma_start3A_900 = arith.constant 0 : i32
      %dma_start3A_901 = tpu.memref_slice %arg4[%add3A, %dma_start3A_899, %dma_start3A_900] : memref<32x8192x128xf32, #tpu.memory_space<hbm>> -> memref<1x128x128xf32, #tpu.memory_space<hbm>>
      %dma_start3A_902 = tpu.memref_squeeze %dma_start3A_901 : memref<1x128x128xf32, #tpu.memory_space<hbm>> -> memref<128x128xf32, #tpu.memory_space<hbm>>
      tpu.enqueue_dma source(%arg6 : memref<128x128xf32, #tpu.memory_space<vmem>>) target(%dma_start3A_902 : memref<128x128xf32, #tpu.memory_space<hbm>>) target_semaphore(%run_scoped3A : memref<!tpu.dma_semaphore, #tpu.memory_space<semaphore_mem>>)
      %dma_wait3A_903 = arith.constant 7936 : i32
      %dma_wait3A_904 = arith.constant 0 : i32
      %dma_wait3A_905 = tpu.memref_slice %arg4[%add3A, %dma_wait3A_903, %dma_wait3A_904] : memref<32x8192x128xf32, #tpu.memory_space<hbm>> -> memref<1x128x128xf32, #tpu.memory_space<hbm>>
      %dma_wait3A_906 = tpu.memref_squeeze %dma_wait3A_905 : memref<1x128x128xf32, #tpu.memory_space<hbm>> -> memref<128x128xf32, #tpu.memory_space<hbm>>
      %dma_wait3A_907 = arith.constant 7936 : i32
      %dma_wait3A_908 = arith.constant 0 : i32
      %dma_wait3A_909 = tpu.memref_slice %arg4[%add3A, %dma_wait3A_907, %dma_wait3A_908] : memref<32x8192x128xf32, #tpu.memory_space<hbm>> -> memref<1x128x128xf32, #tpu.memory_space<hbm>>
      %dma_wait3A_910 = tpu.memref_squeeze %dma_wait3A_909 : memref<1x128x128xf32, #tpu.memory_space<hbm>> -> memref<128x128xf32, #tpu.memory_space<hbm>>
      tpu.wait_dma2 semaphore(%run_scoped3A : memref<!tpu.dma_semaphore, #tpu.memory_space<semaphore_mem>>) src(%arg6 : memref<128x128xf32, #tpu.memory_space<vmem>>) dst(%dma_wait3A_910 : memref<128x128xf32, #tpu.memory_space<hbm>>)
      tpu.yield
    }) : () -> ()
    %dma_start3A_881 = arith.constant 63 : i32
    %dma_start3A_882 = arith.constant 0 : i32
    %dma_start3A_883 = tpu.memref_slice %arg5[%dma_start3A_881, %dma_start3A_882] : memref<64x128xi32, #tpu.memory_space<vmem>> -> memref<1x128xi32, #tpu.memory_space<vmem>>
    %dma_start3A_884 = tpu.memref_squeeze %dma_start3A_883 : memref<1x128xi32, #tpu.memory_space<vmem>> -> memref<128xi32, #tpu.memory_space<vmem>>
    %dma_start3A_885 = arith.constant 0 : i32
    %dma_start3A_886 = arith.constant 0 : i32
    %dma_start3A_887 = tpu.memref_slice %arg2[%dma_start3A_885, %dma_start3A_886] : memref<8192x128xf32, #tpu.memory_space<hbm>> -> memref<8192x128xf32, #tpu.memory_space<hbm>>
    tpu.enqueue_indirect_dma source(%dma_start3A_887 : memref<8192x128xf32, #tpu.memory_space<hbm>>) target(%arg6 : memref<128x128xf32, #tpu.memory_space<vmem>>) offsets(%dma_start3A_884 : memref<128xi32, #tpu.memory_space<vmem>>) semaphore(%arg7 : memref<!tpu.dma_semaphore, #tpu.memory_space<semaphore_mem>>)
    %dma_wait3A_888 = arith.constant 63 : i32
    %dma_wait3A_889 = arith.constant 0 : i32
    %dma_wait3A_890 = tpu.memref_slice %arg5[%dma_wait3A_888, %dma_wait3A_889] : memref<64x128xi32, #tpu.memory_space<vmem>> -> memref<1x128xi32, #tpu.memory_space<vmem>>
    %dma_wait3A_891 = tpu.memref_squeeze %dma_wait3A_890 : memref<1x128xi32, #tpu.memory_space<vmem>> -> memref<128xi32, #tpu.memory_space<vmem>>
    %dma_wait3A_892 = arith.constant 0 : i32
    %dma_wait3A_893 = arith.constant 0 : i32
    %dma_wait3A_894 = tpu.memref_slice %arg2[%dma_wait3A_892, %dma_wait3A_893] : memref<8192x128xf32, #tpu.memory_space<hbm>> -> memref<8192x128xf32, #tpu.memory_space<hbm>>
    tpu.wait_indirect_dma semaphore(%arg7 : memref<!tpu.dma_semaphore, #tpu.memory_space<semaphore_mem>>) src(%dma_wait3A_894 : memref<8192x128xf32, #tpu.memory_space<hbm>>) dst(%arg6 : memref<128x128xf32, #tpu.memory_space<vmem>>)
    "tpu.region"() ({
      %run_scoped3A = tpu.sem_alloc : memref<!tpu.dma_semaphore, #tpu.memory_space<semaphore_mem>>
      %dma_start3A_895 = arith.constant 8064 : i32
      %dma_start3A_896 = arith.constant 0 : i32
      %dma_start3A_897 = tpu.memref_slice %arg4[%add3A, %dma_start3A_895, %dma_start3A_896] : memref<32x8192x128xf32, #tpu.memory_space<hbm>> -> memref<1x128x128xf32, #tpu.memory_space<hbm>>
      %dma_start3A_898 = tpu.memref_squeeze %dma_start3A_897 : memref<1x128x128xf32, #tpu.memory_space<hbm>> -> memref<128x128xf32, #tpu.memory_space<hbm>>
      %dma_start3A_899 = arith.constant 8064 : i32
      %dma_start3A_900 = arith.constant 0 : i32
      %dma_start3A_901 = tpu.memref_slice %arg4[%add3A, %dma_start3A_899, %dma_start3A_900] : memref<32x8192x128xf32, #tpu.memory_space<hbm>> -> memref<1x128x128xf32, #tpu.memory_space<hbm>>
      %dma_start3A_902 = tpu.memref_squeeze %dma_start3A_901 : memref<1x128x128xf32, #tpu.memory_space<hbm>> -> memref<128x128xf32, #tpu.memory_space<hbm>>
      tpu.enqueue_dma source(%arg6 : memref<128x128xf32, #tpu.memory_space<vmem>>) target(%dma_start3A_902 : memref<128x128xf32, #tpu.memory_space<hbm>>) target_semaphore(%run_scoped3A : memref<!tpu.dma_semaphore, #tpu.memory_space<semaphore_mem>>)
      %dma_wait3A_903 = arith.constant 8064 : i32
      %dma_wait3A_904 = arith.constant 0 : i32
      %dma_wait3A_905 = tpu.memref_slice %arg4[%add3A, %dma_wait3A_903, %dma_wait3A_904] : memref<32x8192x128xf32, #tpu.memory_space<hbm>> -> memref<1x128x128xf32, #tpu.memory_space<hbm>>
      %dma_wait3A_906 = tpu.memref_squeeze %dma_wait3A_905 : memref<1x128x128xf32, #tpu.memory_space<hbm>> -> memref<128x128xf32, #tpu.memory_space<hbm>>
      %dma_wait3A_907 = arith.constant 8064 : i32
      %dma_wait3A_908 = arith.constant 0 : i32
      %dma_wait3A_909 = tpu.memref_slice %arg4[%add3A, %dma_wait3A_907, %dma_wait3A_908] : memref<32x8192x128xf32, #tpu.memory_space<hbm>> -> memref<1x128x128xf32, #tpu.memory_space<hbm>>
      %dma_wait3A_910 = tpu.memref_squeeze %dma_wait3A_909 : memref<1x128x128xf32, #tpu.memory_space<hbm>> -> memref<128x128xf32, #tpu.memory_space<hbm>>
      tpu.wait_dma2 semaphore(%run_scoped3A : memref<!tpu.dma_semaphore, #tpu.memory_space<semaphore_mem>>) src(%arg6 : memref<128x128xf32, #tpu.memory_space<vmem>>) dst(%dma_wait3A_910 : memref<128x128xf32, #tpu.memory_space<hbm>>)
      tpu.yield
    }) : () -> ()
    return
  }
}

module attributes {stable_mosaic.version = 14 : i64} {
  func.func @_knn_kernel(%arg0: i32, %arg1: memref<128x128xf32, #tpu.memory_space<vmem>>, %arg2: memref<128x8192xf32, #tpu.memory_space<vmem>>, %arg3: memref<128x32xi32, #tpu.memory_space<vmem>>) attributes {dimension_semantics = [#tpu.dimension_semantics<parallel>], iteration_bounds = array<i64: 64>, scalar_prefetch = 0 : i64, scratch_operands = 0 : i64, tpu.core_type = #tpu.core_type<tc>, window_params = [{transform_indices = @transform_0, window_bounds = array<i64: 128, 128>}, {pipeline_mode = #tpu.pipeline_mode<synchronous>, transform_indices = @transform_1, window_bounds = array<i64: 128, 8192>}, {transform_indices = @transform_2, window_bounds = array<i64: 128, 32>}]} {
    %get3A = arith.constant 0 : index
    %get3A_0 = arith.constant 0 : index
    %get3A_1 = vector.load %arg1[%get3A, %get3A_0] : memref<128x128xf32, #tpu.memory_space<vmem>>, vector<128x128xf32>
    %get3A_2 = arith.constant 0 : index
    %get3A_3 = arith.constant 0 : index
    %get3A_4 = vector.load %arg2[%get3A_2, %get3A_3] : memref<128x8192xf32, #tpu.memory_space<vmem>>, vector<128x8192xf32>
    %dot_general3A = arith.constant dense<0.000000e+00> : vector<128x8192xf32>
    %dot_general3A_5 = tpu.matmul %get3A_1, %get3A_4, %dot_general3A {dimension_numbers = #tpu.dot_dimension_numbers<[1], [0], [0], [1], [0, 0, 1, 1], [], []>, transpose_lhs_hint = false} : vector<128x128xf32>, vector<128x8192xf32>, vector<128x8192xf32> -> vector<128x8192xf32>
    %mul3A = arith.mulf %get3A_1, %get3A_1 : vector<128x128xf32>
    %reduce_sum3A = arith.constant dense<0.000000e+00> : vector<128xf32>
    %reduce_sum3A_6 = vector.multi_reduction <add>, %mul3A, %reduce_sum3A [1] : vector<128x128xf32> to vector<128xf32>
    %broadcast_in_dim3A = vector.shape_cast %reduce_sum3A_6 : vector<128xf32> to vector<128x1xf32>
    %mul3A_7 = arith.mulf %get3A_4, %get3A_4 : vector<128x8192xf32>
    %reduce_sum3A_8 = arith.constant dense<0.000000e+00> : vector<8192xf32>
    %reduce_sum3A_9 = vector.multi_reduction <add>, %mul3A_7, %reduce_sum3A_8 [0] : vector<128x8192xf32> to vector<8192xf32>
    %broadcast_in_dim3A_10 = vector.shape_cast %reduce_sum3A_9 : vector<8192xf32> to vector<1x8192xf32>
    %add3A = vector.broadcast %broadcast_in_dim3A : vector<128x1xf32> to vector<128x8192xf32>
    %add3A_11 = vector.broadcast %broadcast_in_dim3A_10 : vector<1x8192xf32> to vector<128x8192xf32>
    %add3A_12 = arith.addf %add3A, %add3A_11 : vector<128x8192xf32>
    %mul3A_13 = arith.constant 2.000000e+00 : f32
    %mul3A_14 = vector.broadcast %mul3A_13 : f32 to vector<128x8192xf32>
    %mul3A_15 = arith.mulf %mul3A_14, %dot_general3A_5 : vector<128x8192xf32>
    %sub3A = arith.subf %add3A_12, %mul3A_15 : vector<128x8192xf32>
    %iota3A = tpu.iota {dimensions = array<i32: 1>} : vector<1x8192xi32>
    %mul3A_16 = arith.constant 128 : i32
    %mul3A_17 = arith.muli %arg0, %mul3A_16 : i32
    %iota3A_18 = tpu.iota {dimensions = array<i32: 0>} : vector<128x1xi32>
    %add3A_19 = vector.broadcast %mul3A_17 : i32 to vector<128x1xi32>
    %add3A_20 = arith.addi %add3A_19, %iota3A_18 : vector<128x1xi32>
    %eq3A = vector.broadcast %iota3A : vector<1x8192xi32> to vector<128x8192xi32>
    %eq3A_21 = vector.broadcast %add3A_20 : vector<128x1xi32> to vector<128x8192xi32>
    %eq3A_22 = arith.cmpi eq, %eq3A, %eq3A_21 : vector<128x8192xi32>
    %jit3A = arith.constant 0x7F800000 : f32
    %broadcast_in_dim3A_23 = vector.broadcast %jit3A : f32 to vector<128x8192xf32>
    %select_n3A = arith.select %eq3A_22, %broadcast_in_dim3A_23, %sub3A : vector<128x8192xi1>, vector<128x8192xf32>
    %reduce_min3A = arith.constant dense<0x7F800000> : vector<128xf32>
    %reduce_min3A_24 = vector.multi_reduction <minimumf>, %select_n3A, %reduce_min3A [1] : vector<128x8192xf32> to vector<128xf32>
    %broadcast_in_dim3A_25 = vector.shape_cast %reduce_min3A_24 : vector<128xf32> to vector<128x1xf32>
    %eq3A_26 = vector.broadcast %broadcast_in_dim3A_25 : vector<128x1xf32> to vector<128x8192xf32>
    %eq3A_27 = arith.cmpf oeq, %select_n3A, %eq3A_26 : vector<128x8192xf32>
    %jit3A_28 = arith.constant 1073741824 : i32
    %broadcast_in_dim3A_29 = vector.shape_cast %iota3A : vector<1x8192xi32> to vector<1x8192xi32>
    %broadcast_in_dim3A_30 = vector.broadcast %broadcast_in_dim3A_29 : vector<1x8192xi32> to vector<128x8192xi32>
    %broadcast_in_dim3A_31 = vector.broadcast %jit3A_28 : i32 to vector<128x8192xi32>
    %select_n3A_32 = arith.select %eq3A_27, %broadcast_in_dim3A_30, %broadcast_in_dim3A_31 : vector<128x8192xi1>, vector<128x8192xi32>
    %reduce_min3A_33 = arith.constant dense<2147483647> : vector<128xi32>
    %reduce_min3A_34 = vector.multi_reduction <minsi>, %select_n3A_32, %reduce_min3A_33 [1] : vector<128x8192xi32> to vector<128xi32>
    %broadcast_in_dim3A_35 = vector.shape_cast %reduce_min3A_34 : vector<128xi32> to vector<128x1xi32>
    %swap3A = arith.constant 0 : index
    %swap3A_36 = arith.constant 0 : index
    %swap3A_37 = vector.load %arg3[%swap3A, %swap3A_36] : memref<128x32xi32, #tpu.memory_space<vmem>>, vector<128x1xi32>
    tpu.vector_store %arg3[%swap3A, %swap3A_36], %broadcast_in_dim3A_35 {strides = array<i32>} : memref<128x32xi32, #tpu.memory_space<vmem>>, vector<128x1xi32>,
    %eq3A_38 = vector.broadcast %iota3A : vector<1x8192xi32> to vector<128x8192xi32>
    %eq3A_39 = vector.broadcast %broadcast_in_dim3A_35 : vector<128x1xi32> to vector<128x8192xi32>
    %eq3A_40 = arith.cmpi eq, %eq3A_38, %eq3A_39 : vector<128x8192xi32>
    %jit3A_41 = arith.constant 0x7F800000 : f32
    %broadcast_in_dim3A_42 = vector.broadcast %jit3A_41 : f32 to vector<128x8192xf32>
    %select_n3A_43 = arith.select %eq3A_40, %broadcast_in_dim3A_42, %select_n3A : vector<128x8192xi1>, vector<128x8192xf32>
    %reduce_min3A_44 = arith.constant dense<0x7F800000> : vector<128xf32>
    %reduce_min3A_45 = vector.multi_reduction <minimumf>, %select_n3A_43, %reduce_min3A_44 [1] : vector<128x8192xf32> to vector<128xf32>
    %broadcast_in_dim3A_46 = vector.shape_cast %reduce_min3A_45 : vector<128xf32> to vector<128x1xf32>
    %eq3A_47 = vector.broadcast %broadcast_in_dim3A_46 : vector<128x1xf32> to vector<128x8192xf32>
    %eq3A_48 = arith.cmpf oeq, %select_n3A_43, %eq3A_47 : vector<128x8192xf32>
    %jit3A_49 = arith.constant 1073741824 : i32
    %broadcast_in_dim3A_50 = vector.shape_cast %iota3A : vector<1x8192xi32> to vector<1x8192xi32>
    %broadcast_in_dim3A_51 = vector.broadcast %broadcast_in_dim3A_50 : vector<1x8192xi32> to vector<128x8192xi32>
    %broadcast_in_dim3A_52 = vector.broadcast %jit3A_49 : i32 to vector<128x8192xi32>
    %select_n3A_53 = arith.select %eq3A_48, %broadcast_in_dim3A_51, %broadcast_in_dim3A_52 : vector<128x8192xi1>, vector<128x8192xi32>
    %reduce_min3A_54 = arith.constant dense<2147483647> : vector<128xi32>
    %reduce_min3A_55 = vector.multi_reduction <minsi>, %select_n3A_53, %reduce_min3A_54 [1] : vector<128x8192xi32> to vector<128xi32>
    %broadcast_in_dim3A_56 = vector.shape_cast %reduce_min3A_55 : vector<128xi32> to vector<128x1xi32>
    %swap3A_57 = arith.constant 0 : index
    %swap3A_58 = arith.constant 1 : index
    %swap3A_59 = vector.load %arg3[%swap3A_57, %swap3A_58] : memref<128x32xi32, #tpu.memory_space<vmem>>, vector<128x1xi32>
    tpu.vector_store %arg3[%swap3A_57, %swap3A_58], %broadcast_in_dim3A_56 {strides = array<i32>} : memref<128x32xi32, #tpu.memory_space<vmem>>, vector<128x1xi32>,
    %eq3A_60 = vector.broadcast %iota3A : vector<1x8192xi32> to vector<128x8192xi32>
    %eq3A_61 = vector.broadcast %broadcast_in_dim3A_56 : vector<128x1xi32> to vector<128x8192xi32>
    %eq3A_62 = arith.cmpi eq, %eq3A_60, %eq3A_61 : vector<128x8192xi32>
    %jit3A_63 = arith.constant 0x7F800000 : f32
    %broadcast_in_dim3A_64 = vector.broadcast %jit3A_63 : f32 to vector<128x8192xf32>
    %select_n3A_65 = arith.select %eq3A_62, %broadcast_in_dim3A_64, %select_n3A_43 : vector<128x8192xi1>, vector<128x8192xf32>
    %reduce_min3A_66 = arith.constant dense<0x7F800000> : vector<128xf32>
    %reduce_min3A_67 = vector.multi_reduction <minimumf>, %select_n3A_65, %reduce_min3A_66 [1] : vector<128x8192xf32> to vector<128xf32>
    %broadcast_in_dim3A_68 = vector.shape_cast %reduce_min3A_67 : vector<128xf32> to vector<128x1xf32>
    %eq3A_69 = vector.broadcast %broadcast_in_dim3A_68 : vector<128x1xf32> to vector<128x8192xf32>
    %eq3A_70 = arith.cmpf oeq, %select_n3A_65, %eq3A_69 : vector<128x8192xf32>
    %jit3A_71 = arith.constant 1073741824 : i32
    %broadcast_in_dim3A_72 = vector.shape_cast %iota3A : vector<1x8192xi32> to vector<1x8192xi32>
    %broadcast_in_dim3A_73 = vector.broadcast %broadcast_in_dim3A_72 : vector<1x8192xi32> to vector<128x8192xi32>
    %broadcast_in_dim3A_74 = vector.broadcast %jit3A_71 : i32 to vector<128x8192xi32>
    %select_n3A_75 = arith.select %eq3A_70, %broadcast_in_dim3A_73, %broadcast_in_dim3A_74 : vector<128x8192xi1>, vector<128x8192xi32>
    %reduce_min3A_76 = arith.constant dense<2147483647> : vector<128xi32>
    %reduce_min3A_77 = vector.multi_reduction <minsi>, %select_n3A_75, %reduce_min3A_76 [1] : vector<128x8192xi32> to vector<128xi32>
    %broadcast_in_dim3A_78 = vector.shape_cast %reduce_min3A_77 : vector<128xi32> to vector<128x1xi32>
    %swap3A_79 = arith.constant 0 : index
    %swap3A_80 = arith.constant 2 : index
    %swap3A_81 = vector.load %arg3[%swap3A_79, %swap3A_80] : memref<128x32xi32, #tpu.memory_space<vmem>>, vector<128x1xi32>
    tpu.vector_store %arg3[%swap3A_79, %swap3A_80], %broadcast_in_dim3A_78 {strides = array<i32>} : memref<128x32xi32, #tpu.memory_space<vmem>>, vector<128x1xi32>,
    %eq3A_82 = vector.broadcast %iota3A : vector<1x8192xi32> to vector<128x8192xi32>
    %eq3A_83 = vector.broadcast %broadcast_in_dim3A_78 : vector<128x1xi32> to vector<128x8192xi32>
    %eq3A_84 = arith.cmpi eq, %eq3A_82, %eq3A_83 : vector<128x8192xi32>
    %jit3A_85 = arith.constant 0x7F800000 : f32
    %broadcast_in_dim3A_86 = vector.broadcast %jit3A_85 : f32 to vector<128x8192xf32>
    %select_n3A_87 = arith.select %eq3A_84, %broadcast_in_dim3A_86, %select_n3A_65 : vector<128x8192xi1>, vector<128x8192xf32>
    %reduce_min3A_88 = arith.constant dense<0x7F800000> : vector<128xf32>
    %reduce_min3A_89 = vector.multi_reduction <minimumf>, %select_n3A_87, %reduce_min3A_88 [1] : vector<128x8192xf32> to vector<128xf32>
    %broadcast_in_dim3A_90 = vector.shape_cast %reduce_min3A_89 : vector<128xf32> to vector<128x1xf32>
    %eq3A_91 = vector.broadcast %broadcast_in_dim3A_90 : vector<128x1xf32> to vector<128x8192xf32>
    %eq3A_92 = arith.cmpf oeq, %select_n3A_87, %eq3A_91 : vector<128x8192xf32>
    %jit3A_93 = arith.constant 1073741824 : i32
    %broadcast_in_dim3A_94 = vector.shape_cast %iota3A : vector<1x8192xi32> to vector<1x8192xi32>
    %broadcast_in_dim3A_95 = vector.broadcast %broadcast_in_dim3A_94 : vector<1x8192xi32> to vector<128x8192xi32>
    %broadcast_in_dim3A_96 = vector.broadcast %jit3A_93 : i32 to vector<128x8192xi32>
    %select_n3A_97 = arith.select %eq3A_92, %broadcast_in_dim3A_95, %broadcast_in_dim3A_96 : vector<128x8192xi1>, vector<128x8192xi32>
    %reduce_min3A_98 = arith.constant dense<2147483647> : vector<128xi32>
    %reduce_min3A_99 = vector.multi_reduction <minsi>, %select_n3A_97, %reduce_min3A_98 [1] : vector<128x8192xi32> to vector<128xi32>
    %broadcast_in_dim3A_100 = vector.shape_cast %reduce_min3A_99 : vector<128xi32> to vector<128x1xi32>
    %swap3A_101 = arith.constant 0 : index
    %swap3A_102 = arith.constant 3 : index
    %swap3A_103 = vector.load %arg3[%swap3A_101, %swap3A_102] : memref<128x32xi32, #tpu.memory_space<vmem>>, vector<128x1xi32>
    tpu.vector_store %arg3[%swap3A_101, %swap3A_102], %broadcast_in_dim3A_100 {strides = array<i32>} : memref<128x32xi32, #tpu.memory_space<vmem>>, vector<128x1xi32>,
    %eq3A_104 = vector.broadcast %iota3A : vector<1x8192xi32> to vector<128x8192xi32>
    %eq3A_105 = vector.broadcast %broadcast_in_dim3A_100 : vector<128x1xi32> to vector<128x8192xi32>
    %eq3A_106 = arith.cmpi eq, %eq3A_104, %eq3A_105 : vector<128x8192xi32>
    %jit3A_107 = arith.constant 0x7F800000 : f32
    %broadcast_in_dim3A_108 = vector.broadcast %jit3A_107 : f32 to vector<128x8192xf32>
    %select_n3A_109 = arith.select %eq3A_106, %broadcast_in_dim3A_108, %select_n3A_87 : vector<128x8192xi1>, vector<128x8192xf32>
    %reduce_min3A_110 = arith.constant dense<0x7F800000> : vector<128xf32>
    %reduce_min3A_111 = vector.multi_reduction <minimumf>, %select_n3A_109, %reduce_min3A_110 [1] : vector<128x8192xf32> to vector<128xf32>
    %broadcast_in_dim3A_112 = vector.shape_cast %reduce_min3A_111 : vector<128xf32> to vector<128x1xf32>
    %eq3A_113 = vector.broadcast %broadcast_in_dim3A_112 : vector<128x1xf32> to vector<128x8192xf32>
    %eq3A_114 = arith.cmpf oeq, %select_n3A_109, %eq3A_113 : vector<128x8192xf32>
    %jit3A_115 = arith.constant 1073741824 : i32
    %broadcast_in_dim3A_116 = vector.shape_cast %iota3A : vector<1x8192xi32> to vector<1x8192xi32>
    %broadcast_in_dim3A_117 = vector.broadcast %broadcast_in_dim3A_116 : vector<1x8192xi32> to vector<128x8192xi32>
    %broadcast_in_dim3A_118 = vector.broadcast %jit3A_115 : i32 to vector<128x8192xi32>
    %select_n3A_119 = arith.select %eq3A_114, %broadcast_in_dim3A_117, %broadcast_in_dim3A_118 : vector<128x8192xi1>, vector<128x8192xi32>
    %reduce_min3A_120 = arith.constant dense<2147483647> : vector<128xi32>
    %reduce_min3A_121 = vector.multi_reduction <minsi>, %select_n3A_119, %reduce_min3A_120 [1] : vector<128x8192xi32> to vector<128xi32>
    %broadcast_in_dim3A_122 = vector.shape_cast %reduce_min3A_121 : vector<128xi32> to vector<128x1xi32>
    %swap3A_123 = arith.constant 0 : index
    %swap3A_124 = arith.constant 4 : index
    %swap3A_125 = vector.load %arg3[%swap3A_123, %swap3A_124] : memref<128x32xi32, #tpu.memory_space<vmem>>, vector<128x1xi32>
    tpu.vector_store %arg3[%swap3A_123, %swap3A_124], %broadcast_in_dim3A_122 {strides = array<i32>} : memref<128x32xi32, #tpu.memory_space<vmem>>, vector<128x1xi32>,
    %eq3A_126 = vector.broadcast %iota3A : vector<1x8192xi32> to vector<128x8192xi32>
    %eq3A_127 = vector.broadcast %broadcast_in_dim3A_122 : vector<128x1xi32> to vector<128x8192xi32>
    %eq3A_128 = arith.cmpi eq, %eq3A_126, %eq3A_127 : vector<128x8192xi32>
    %jit3A_129 = arith.constant 0x7F800000 : f32
    %broadcast_in_dim3A_130 = vector.broadcast %jit3A_129 : f32 to vector<128x8192xf32>
    %select_n3A_131 = arith.select %eq3A_128, %broadcast_in_dim3A_130, %select_n3A_109 : vector<128x8192xi1>, vector<128x8192xf32>
    %reduce_min3A_132 = arith.constant dense<0x7F800000> : vector<128xf32>
    %reduce_min3A_133 = vector.multi_reduction <minimumf>, %select_n3A_131, %reduce_min3A_132 [1] : vector<128x8192xf32> to vector<128xf32>
    %broadcast_in_dim3A_134 = vector.shape_cast %reduce_min3A_133 : vector<128xf32> to vector<128x1xf32>
    %eq3A_135 = vector.broadcast %broadcast_in_dim3A_134 : vector<128x1xf32> to vector<128x8192xf32>
    %eq3A_136 = arith.cmpf oeq, %select_n3A_131, %eq3A_135 : vector<128x8192xf32>
    %jit3A_137 = arith.constant 1073741824 : i32
    %broadcast_in_dim3A_138 = vector.shape_cast %iota3A : vector<1x8192xi32> to vector<1x8192xi32>
    %broadcast_in_dim3A_139 = vector.broadcast %broadcast_in_dim3A_138 : vector<1x8192xi32> to vector<128x8192xi32>
    %broadcast_in_dim3A_140 = vector.broadcast %jit3A_137 : i32 to vector<128x8192xi32>
    %select_n3A_141 = arith.select %eq3A_136, %broadcast_in_dim3A_139, %broadcast_in_dim3A_140 : vector<128x8192xi1>, vector<128x8192xi32>
    %reduce_min3A_142 = arith.constant dense<2147483647> : vector<128xi32>
    %reduce_min3A_143 = vector.multi_reduction <minsi>, %select_n3A_141, %reduce_min3A_142 [1] : vector<128x8192xi32> to vector<128xi32>
    %broadcast_in_dim3A_144 = vector.shape_cast %reduce_min3A_143 : vector<128xi32> to vector<128x1xi32>
    %swap3A_145 = arith.constant 0 : index
    %swap3A_146 = arith.constant 5 : index
    %swap3A_147 = vector.load %arg3[%swap3A_145, %swap3A_146] : memref<128x32xi32, #tpu.memory_space<vmem>>, vector<128x1xi32>
    tpu.vector_store %arg3[%swap3A_145, %swap3A_146], %broadcast_in_dim3A_144 {strides = array<i32>} : memref<128x32xi32, #tpu.memory_space<vmem>>, vector<128x1xi32>,
    %eq3A_148 = vector.broadcast %iota3A : vector<1x8192xi32> to vector<128x8192xi32>
    %eq3A_149 = vector.broadcast %broadcast_in_dim3A_144 : vector<128x1xi32> to vector<128x8192xi32>
    %eq3A_150 = arith.cmpi eq, %eq3A_148, %eq3A_149 : vector<128x8192xi32>
    %jit3A_151 = arith.constant 0x7F800000 : f32
    %broadcast_in_dim3A_152 = vector.broadcast %jit3A_151 : f32 to vector<128x8192xf32>
    %select_n3A_153 = arith.select %eq3A_150, %broadcast_in_dim3A_152, %select_n3A_131 : vector<128x8192xi1>, vector<128x8192xf32>
    %reduce_min3A_154 = arith.constant dense<0x7F800000> : vector<128xf32>
    %reduce_min3A_155 = vector.multi_reduction <minimumf>, %select_n3A_153, %reduce_min3A_154 [1] : vector<128x8192xf32> to vector<128xf32>
    %broadcast_in_dim3A_156 = vector.shape_cast %reduce_min3A_155 : vector<128xf32> to vector<128x1xf32>
    %eq3A_157 = vector.broadcast %broadcast_in_dim3A_156 : vector<128x1xf32> to vector<128x8192xf32>
    %eq3A_158 = arith.cmpf oeq, %select_n3A_153, %eq3A_157 : vector<128x8192xf32>
    %jit3A_159 = arith.constant 1073741824 : i32
    %broadcast_in_dim3A_160 = vector.shape_cast %iota3A : vector<1x8192xi32> to vector<1x8192xi32>
    %broadcast_in_dim3A_161 = vector.broadcast %broadcast_in_dim3A_160 : vector<1x8192xi32> to vector<128x8192xi32>
    %broadcast_in_dim3A_162 = vector.broadcast %jit3A_159 : i32 to vector<128x8192xi32>
    %select_n3A_163 = arith.select %eq3A_158, %broadcast_in_dim3A_161, %broadcast_in_dim3A_162 : vector<128x8192xi1>, vector<128x8192xi32>
    %reduce_min3A_164 = arith.constant dense<2147483647> : vector<128xi32>
    %reduce_min3A_165 = vector.multi_reduction <minsi>, %select_n3A_163, %reduce_min3A_164 [1] : vector<128x8192xi32> to vector<128xi32>
    %broadcast_in_dim3A_166 = vector.shape_cast %reduce_min3A_165 : vector<128xi32> to vector<128x1xi32>
    %swap3A_167 = arith.constant 0 : index
    %swap3A_168 = arith.constant 6 : index
    %swap3A_169 = vector.load %arg3[%swap3A_167, %swap3A_168] : memref<128x32xi32, #tpu.memory_space<vmem>>, vector<128x1xi32>
    tpu.vector_store %arg3[%swap3A_167, %swap3A_168], %broadcast_in_dim3A_166 {strides = array<i32>} : memref<128x32xi32, #tpu.memory_space<vmem>>, vector<128x1xi32>,
    %eq3A_170 = vector.broadcast %iota3A : vector<1x8192xi32> to vector<128x8192xi32>
    %eq3A_171 = vector.broadcast %broadcast_in_dim3A_166 : vector<128x1xi32> to vector<128x8192xi32>
    %eq3A_172 = arith.cmpi eq, %eq3A_170, %eq3A_171 : vector<128x8192xi32>
    %jit3A_173 = arith.constant 0x7F800000 : f32
    %broadcast_in_dim3A_174 = vector.broadcast %jit3A_173 : f32 to vector<128x8192xf32>
    %select_n3A_175 = arith.select %eq3A_172, %broadcast_in_dim3A_174, %select_n3A_153 : vector<128x8192xi1>, vector<128x8192xf32>
    %reduce_min3A_176 = arith.constant dense<0x7F800000> : vector<128xf32>
    %reduce_min3A_177 = vector.multi_reduction <minimumf>, %select_n3A_175, %reduce_min3A_176 [1] : vector<128x8192xf32> to vector<128xf32>
    %broadcast_in_dim3A_178 = vector.shape_cast %reduce_min3A_177 : vector<128xf32> to vector<128x1xf32>
    %eq3A_179 = vector.broadcast %broadcast_in_dim3A_178 : vector<128x1xf32> to vector<128x8192xf32>
    %eq3A_180 = arith.cmpf oeq, %select_n3A_175, %eq3A_179 : vector<128x8192xf32>
    %jit3A_181 = arith.constant 1073741824 : i32
    %broadcast_in_dim3A_182 = vector.shape_cast %iota3A : vector<1x8192xi32> to vector<1x8192xi32>
    %broadcast_in_dim3A_183 = vector.broadcast %broadcast_in_dim3A_182 : vector<1x8192xi32> to vector<128x8192xi32>
    %broadcast_in_dim3A_184 = vector.broadcast %jit3A_181 : i32 to vector<128x8192xi32>
    %select_n3A_185 = arith.select %eq3A_180, %broadcast_in_dim3A_183, %broadcast_in_dim3A_184 : vector<128x8192xi1>, vector<128x8192xi32>
    %reduce_min3A_186 = arith.constant dense<2147483647> : vector<128xi32>
    %reduce_min3A_187 = vector.multi_reduction <minsi>, %select_n3A_185, %reduce_min3A_186 [1] : vector<128x8192xi32> to vector<128xi32>
    %broadcast_in_dim3A_188 = vector.shape_cast %reduce_min3A_187 : vector<128xi32> to vector<128x1xi32>
    %swap3A_189 = arith.constant 0 : index
    %swap3A_190 = arith.constant 7 : index
    %swap3A_191 = vector.load %arg3[%swap3A_189, %swap3A_190] : memref<128x32xi32, #tpu.memory_space<vmem>>, vector<128x1xi32>
    tpu.vector_store %arg3[%swap3A_189, %swap3A_190], %broadcast_in_dim3A_188 {strides = array<i32>} : memref<128x32xi32, #tpu.memory_space<vmem>>, vector<128x1xi32>,
    %eq3A_192 = vector.broadcast %iota3A : vector<1x8192xi32> to vector<128x8192xi32>
    %eq3A_193 = vector.broadcast %broadcast_in_dim3A_188 : vector<128x1xi32> to vector<128x8192xi32>
    %eq3A_194 = arith.cmpi eq, %eq3A_192, %eq3A_193 : vector<128x8192xi32>
    %jit3A_195 = arith.constant 0x7F800000 : f32
    %broadcast_in_dim3A_196 = vector.broadcast %jit3A_195 : f32 to vector<128x8192xf32>
    %select_n3A_197 = arith.select %eq3A_194, %broadcast_in_dim3A_196, %select_n3A_175 : vector<128x8192xi1>, vector<128x8192xf32>
    %reduce_min3A_198 = arith.constant dense<0x7F800000> : vector<128xf32>
    %reduce_min3A_199 = vector.multi_reduction <minimumf>, %select_n3A_197, %reduce_min3A_198 [1] : vector<128x8192xf32> to vector<128xf32>
    %broadcast_in_dim3A_200 = vector.shape_cast %reduce_min3A_199 : vector<128xf32> to vector<128x1xf32>
    %eq3A_201 = vector.broadcast %broadcast_in_dim3A_200 : vector<128x1xf32> to vector<128x8192xf32>
    %eq3A_202 = arith.cmpf oeq, %select_n3A_197, %eq3A_201 : vector<128x8192xf32>
    %jit3A_203 = arith.constant 1073741824 : i32
    %broadcast_in_dim3A_204 = vector.shape_cast %iota3A : vector<1x8192xi32> to vector<1x8192xi32>
    %broadcast_in_dim3A_205 = vector.broadcast %broadcast_in_dim3A_204 : vector<1x8192xi32> to vector<128x8192xi32>
    %broadcast_in_dim3A_206 = vector.broadcast %jit3A_203 : i32 to vector<128x8192xi32>
    %select_n3A_207 = arith.select %eq3A_202, %broadcast_in_dim3A_205, %broadcast_in_dim3A_206 : vector<128x8192xi1>, vector<128x8192xi32>
    %reduce_min3A_208 = arith.constant dense<2147483647> : vector<128xi32>
    %reduce_min3A_209 = vector.multi_reduction <minsi>, %select_n3A_207, %reduce_min3A_208 [1] : vector<128x8192xi32> to vector<128xi32>
    %broadcast_in_dim3A_210 = vector.shape_cast %reduce_min3A_209 : vector<128xi32> to vector<128x1xi32>
    %swap3A_211 = arith.constant 0 : index
    %swap3A_212 = arith.constant 8 : index
    %swap3A_213 = vector.load %arg3[%swap3A_211, %swap3A_212] : memref<128x32xi32, #tpu.memory_space<vmem>>, vector<128x1xi32>
    tpu.vector_store %arg3[%swap3A_211, %swap3A_212], %broadcast_in_dim3A_210 {strides = array<i32>} : memref<128x32xi32, #tpu.memory_space<vmem>>, vector<128x1xi32>,
    %eq3A_214 = vector.broadcast %iota3A : vector<1x8192xi32> to vector<128x8192xi32>
    %eq3A_215 = vector.broadcast %broadcast_in_dim3A_210 : vector<128x1xi32> to vector<128x8192xi32>
    %eq3A_216 = arith.cmpi eq, %eq3A_214, %eq3A_215 : vector<128x8192xi32>
    %jit3A_217 = arith.constant 0x7F800000 : f32
    %broadcast_in_dim3A_218 = vector.broadcast %jit3A_217 : f32 to vector<128x8192xf32>
    %select_n3A_219 = arith.select %eq3A_216, %broadcast_in_dim3A_218, %select_n3A_197 : vector<128x8192xi1>, vector<128x8192xf32>
    %reduce_min3A_220 = arith.constant dense<0x7F800000> : vector<128xf32>
    %reduce_min3A_221 = vector.multi_reduction <minimumf>, %select_n3A_219, %reduce_min3A_220 [1] : vector<128x8192xf32> to vector<128xf32>
    %broadcast_in_dim3A_222 = vector.shape_cast %reduce_min3A_221 : vector<128xf32> to vector<128x1xf32>
    %eq3A_223 = vector.broadcast %broadcast_in_dim3A_222 : vector<128x1xf32> to vector<128x8192xf32>
    %eq3A_224 = arith.cmpf oeq, %select_n3A_219, %eq3A_223 : vector<128x8192xf32>
    %jit3A_225 = arith.constant 1073741824 : i32
    %broadcast_in_dim3A_226 = vector.shape_cast %iota3A : vector<1x8192xi32> to vector<1x8192xi32>
    %broadcast_in_dim3A_227 = vector.broadcast %broadcast_in_dim3A_226 : vector<1x8192xi32> to vector<128x8192xi32>
    %broadcast_in_dim3A_228 = vector.broadcast %jit3A_225 : i32 to vector<128x8192xi32>
    %select_n3A_229 = arith.select %eq3A_224, %broadcast_in_dim3A_227, %broadcast_in_dim3A_228 : vector<128x8192xi1>, vector<128x8192xi32>
    %reduce_min3A_230 = arith.constant dense<2147483647> : vector<128xi32>
    %reduce_min3A_231 = vector.multi_reduction <minsi>, %select_n3A_229, %reduce_min3A_230 [1] : vector<128x8192xi32> to vector<128xi32>
    %broadcast_in_dim3A_232 = vector.shape_cast %reduce_min3A_231 : vector<128xi32> to vector<128x1xi32>
    %swap3A_233 = arith.constant 0 : index
    %swap3A_234 = arith.constant 9 : index
    %swap3A_235 = vector.load %arg3[%swap3A_233, %swap3A_234] : memref<128x32xi32, #tpu.memory_space<vmem>>, vector<128x1xi32>
    tpu.vector_store %arg3[%swap3A_233, %swap3A_234], %broadcast_in_dim3A_232 {strides = array<i32>} : memref<128x32xi32, #tpu.memory_space<vmem>>, vector<128x1xi32>,
    %eq3A_236 = vector.broadcast %iota3A : vector<1x8192xi32> to vector<128x8192xi32>
    %eq3A_237 = vector.broadcast %broadcast_in_dim3A_232 : vector<128x1xi32> to vector<128x8192xi32>
    %eq3A_238 = arith.cmpi eq, %eq3A_236, %eq3A_237 : vector<128x8192xi32>
    %jit3A_239 = arith.constant 0x7F800000 : f32
    %broadcast_in_dim3A_240 = vector.broadcast %jit3A_239 : f32 to vector<128x8192xf32>
    %select_n3A_241 = arith.select %eq3A_238, %broadcast_in_dim3A_240, %select_n3A_219 : vector<128x8192xi1>, vector<128x8192xf32>
    %reduce_min3A_242 = arith.constant dense<0x7F800000> : vector<128xf32>
    %reduce_min3A_243 = vector.multi_reduction <minimumf>, %select_n3A_241, %reduce_min3A_242 [1] : vector<128x8192xf32> to vector<128xf32>
    %broadcast_in_dim3A_244 = vector.shape_cast %reduce_min3A_243 : vector<128xf32> to vector<128x1xf32>
    %eq3A_245 = vector.broadcast %broadcast_in_dim3A_244 : vector<128x1xf32> to vector<128x8192xf32>
    %eq3A_246 = arith.cmpf oeq, %select_n3A_241, %eq3A_245 : vector<128x8192xf32>
    %jit3A_247 = arith.constant 1073741824 : i32
    %broadcast_in_dim3A_248 = vector.shape_cast %iota3A : vector<1x8192xi32> to vector<1x8192xi32>
    %broadcast_in_dim3A_249 = vector.broadcast %broadcast_in_dim3A_248 : vector<1x8192xi32> to vector<128x8192xi32>
    %broadcast_in_dim3A_250 = vector.broadcast %jit3A_247 : i32 to vector<128x8192xi32>
    %select_n3A_251 = arith.select %eq3A_246, %broadcast_in_dim3A_249, %broadcast_in_dim3A_250 : vector<128x8192xi1>, vector<128x8192xi32>
    %reduce_min3A_252 = arith.constant dense<2147483647> : vector<128xi32>
    %reduce_min3A_253 = vector.multi_reduction <minsi>, %select_n3A_251, %reduce_min3A_252 [1] : vector<128x8192xi32> to vector<128xi32>
    %broadcast_in_dim3A_254 = vector.shape_cast %reduce_min3A_253 : vector<128xi32> to vector<128x1xi32>
    %swap3A_255 = arith.constant 0 : index
    %swap3A_256 = arith.constant 10 : index
    %swap3A_257 = vector.load %arg3[%swap3A_255, %swap3A_256] : memref<128x32xi32, #tpu.memory_space<vmem>>, vector<128x1xi32>
    tpu.vector_store %arg3[%swap3A_255, %swap3A_256], %broadcast_in_dim3A_254 {strides = array<i32>} : memref<128x32xi32, #tpu.memory_space<vmem>>, vector<128x1xi32>,
    %eq3A_258 = vector.broadcast %iota3A : vector<1x8192xi32> to vector<128x8192xi32>
    %eq3A_259 = vector.broadcast %broadcast_in_dim3A_254 : vector<128x1xi32> to vector<128x8192xi32>
    %eq3A_260 = arith.cmpi eq, %eq3A_258, %eq3A_259 : vector<128x8192xi32>
    %jit3A_261 = arith.constant 0x7F800000 : f32
    %broadcast_in_dim3A_262 = vector.broadcast %jit3A_261 : f32 to vector<128x8192xf32>
    %select_n3A_263 = arith.select %eq3A_260, %broadcast_in_dim3A_262, %select_n3A_241 : vector<128x8192xi1>, vector<128x8192xf32>
    %reduce_min3A_264 = arith.constant dense<0x7F800000> : vector<128xf32>
    %reduce_min3A_265 = vector.multi_reduction <minimumf>, %select_n3A_263, %reduce_min3A_264 [1] : vector<128x8192xf32> to vector<128xf32>
    %broadcast_in_dim3A_266 = vector.shape_cast %reduce_min3A_265 : vector<128xf32> to vector<128x1xf32>
    %eq3A_267 = vector.broadcast %broadcast_in_dim3A_266 : vector<128x1xf32> to vector<128x8192xf32>
    %eq3A_268 = arith.cmpf oeq, %select_n3A_263, %eq3A_267 : vector<128x8192xf32>
    %jit3A_269 = arith.constant 1073741824 : i32
    %broadcast_in_dim3A_270 = vector.shape_cast %iota3A : vector<1x8192xi32> to vector<1x8192xi32>
    %broadcast_in_dim3A_271 = vector.broadcast %broadcast_in_dim3A_270 : vector<1x8192xi32> to vector<128x8192xi32>
    %broadcast_in_dim3A_272 = vector.broadcast %jit3A_269 : i32 to vector<128x8192xi32>
    %select_n3A_273 = arith.select %eq3A_268, %broadcast_in_dim3A_271, %broadcast_in_dim3A_272 : vector<128x8192xi1>, vector<128x8192xi32>
    %reduce_min3A_274 = arith.constant dense<2147483647> : vector<128xi32>
    %reduce_min3A_275 = vector.multi_reduction <minsi>, %select_n3A_273, %reduce_min3A_274 [1] : vector<128x8192xi32> to vector<128xi32>
    %broadcast_in_dim3A_276 = vector.shape_cast %reduce_min3A_275 : vector<128xi32> to vector<128x1xi32>
    %swap3A_277 = arith.constant 0 : index
    %swap3A_278 = arith.constant 11 : index
    %swap3A_279 = vector.load %arg3[%swap3A_277, %swap3A_278] : memref<128x32xi32, #tpu.memory_space<vmem>>, vector<128x1xi32>
    tpu.vector_store %arg3[%swap3A_277, %swap3A_278], %broadcast_in_dim3A_276 {strides = array<i32>} : memref<128x32xi32, #tpu.memory_space<vmem>>, vector<128x1xi32>,
    %eq3A_280 = vector.broadcast %iota3A : vector<1x8192xi32> to vector<128x8192xi32>
    %eq3A_281 = vector.broadcast %broadcast_in_dim3A_276 : vector<128x1xi32> to vector<128x8192xi32>
    %eq3A_282 = arith.cmpi eq, %eq3A_280, %eq3A_281 : vector<128x8192xi32>
    %jit3A_283 = arith.constant 0x7F800000 : f32
    %broadcast_in_dim3A_284 = vector.broadcast %jit3A_283 : f32 to vector<128x8192xf32>
    %select_n3A_285 = arith.select %eq3A_282, %broadcast_in_dim3A_284, %select_n3A_263 : vector<128x8192xi1>, vector<128x8192xf32>
    %reduce_min3A_286 = arith.constant dense<0x7F800000> : vector<128xf32>
    %reduce_min3A_287 = vector.multi_reduction <minimumf>, %select_n3A_285, %reduce_min3A_286 [1] : vector<128x8192xf32> to vector<128xf32>
    %broadcast_in_dim3A_288 = vector.shape_cast %reduce_min3A_287 : vector<128xf32> to vector<128x1xf32>
    %eq3A_289 = vector.broadcast %broadcast_in_dim3A_288 : vector<128x1xf32> to vector<128x8192xf32>
    %eq3A_290 = arith.cmpf oeq, %select_n3A_285, %eq3A_289 : vector<128x8192xf32>
    %jit3A_291 = arith.constant 1073741824 : i32
    %broadcast_in_dim3A_292 = vector.shape_cast %iota3A : vector<1x8192xi32> to vector<1x8192xi32>
    %broadcast_in_dim3A_293 = vector.broadcast %broadcast_in_dim3A_292 : vector<1x8192xi32> to vector<128x8192xi32>
    %broadcast_in_dim3A_294 = vector.broadcast %jit3A_291 : i32 to vector<128x8192xi32>
    %select_n3A_295 = arith.select %eq3A_290, %broadcast_in_dim3A_293, %broadcast_in_dim3A_294 : vector<128x8192xi1>, vector<128x8192xi32>
    %reduce_min3A_296 = arith.constant dense<2147483647> : vector<128xi32>
    %reduce_min3A_297 = vector.multi_reduction <minsi>, %select_n3A_295, %reduce_min3A_296 [1] : vector<128x8192xi32> to vector<128xi32>
    %broadcast_in_dim3A_298 = vector.shape_cast %reduce_min3A_297 : vector<128xi32> to vector<128x1xi32>
    %swap3A_299 = arith.constant 0 : index
    %swap3A_300 = arith.constant 12 : index
    %swap3A_301 = vector.load %arg3[%swap3A_299, %swap3A_300] : memref<128x32xi32, #tpu.memory_space<vmem>>, vector<128x1xi32>
    tpu.vector_store %arg3[%swap3A_299, %swap3A_300], %broadcast_in_dim3A_298 {strides = array<i32>} : memref<128x32xi32, #tpu.memory_space<vmem>>, vector<128x1xi32>,
    %eq3A_302 = vector.broadcast %iota3A : vector<1x8192xi32> to vector<128x8192xi32>
    %eq3A_303 = vector.broadcast %broadcast_in_dim3A_298 : vector<128x1xi32> to vector<128x8192xi32>
    %eq3A_304 = arith.cmpi eq, %eq3A_302, %eq3A_303 : vector<128x8192xi32>
    %jit3A_305 = arith.constant 0x7F800000 : f32
    %broadcast_in_dim3A_306 = vector.broadcast %jit3A_305 : f32 to vector<128x8192xf32>
    %select_n3A_307 = arith.select %eq3A_304, %broadcast_in_dim3A_306, %select_n3A_285 : vector<128x8192xi1>, vector<128x8192xf32>
    %reduce_min3A_308 = arith.constant dense<0x7F800000> : vector<128xf32>
    %reduce_min3A_309 = vector.multi_reduction <minimumf>, %select_n3A_307, %reduce_min3A_308 [1] : vector<128x8192xf32> to vector<128xf32>
    %broadcast_in_dim3A_310 = vector.shape_cast %reduce_min3A_309 : vector<128xf32> to vector<128x1xf32>
    %eq3A_311 = vector.broadcast %broadcast_in_dim3A_310 : vector<128x1xf32> to vector<128x8192xf32>
    %eq3A_312 = arith.cmpf oeq, %select_n3A_307, %eq3A_311 : vector<128x8192xf32>
    %jit3A_313 = arith.constant 1073741824 : i32
    %broadcast_in_dim3A_314 = vector.shape_cast %iota3A : vector<1x8192xi32> to vector<1x8192xi32>
    %broadcast_in_dim3A_315 = vector.broadcast %broadcast_in_dim3A_314 : vector<1x8192xi32> to vector<128x8192xi32>
    %broadcast_in_dim3A_316 = vector.broadcast %jit3A_313 : i32 to vector<128x8192xi32>
    %select_n3A_317 = arith.select %eq3A_312, %broadcast_in_dim3A_315, %broadcast_in_dim3A_316 : vector<128x8192xi1>, vector<128x8192xi32>
    %reduce_min3A_318 = arith.constant dense<2147483647> : vector<128xi32>
    %reduce_min3A_319 = vector.multi_reduction <minsi>, %select_n3A_317, %reduce_min3A_318 [1] : vector<128x8192xi32> to vector<128xi32>
    %broadcast_in_dim3A_320 = vector.shape_cast %reduce_min3A_319 : vector<128xi32> to vector<128x1xi32>
    %swap3A_321 = arith.constant 0 : index
    %swap3A_322 = arith.constant 13 : index
    %swap3A_323 = vector.load %arg3[%swap3A_321, %swap3A_322] : memref<128x32xi32, #tpu.memory_space<vmem>>, vector<128x1xi32>
    tpu.vector_store %arg3[%swap3A_321, %swap3A_322], %broadcast_in_dim3A_320 {strides = array<i32>} : memref<128x32xi32, #tpu.memory_space<vmem>>, vector<128x1xi32>,
    %eq3A_324 = vector.broadcast %iota3A : vector<1x8192xi32> to vector<128x8192xi32>
    %eq3A_325 = vector.broadcast %broadcast_in_dim3A_320 : vector<128x1xi32> to vector<128x8192xi32>
    %eq3A_326 = arith.cmpi eq, %eq3A_324, %eq3A_325 : vector<128x8192xi32>
    %jit3A_327 = arith.constant 0x7F800000 : f32
    %broadcast_in_dim3A_328 = vector.broadcast %jit3A_327 : f32 to vector<128x8192xf32>
    %select_n3A_329 = arith.select %eq3A_326, %broadcast_in_dim3A_328, %select_n3A_307 : vector<128x8192xi1>, vector<128x8192xf32>
    %reduce_min3A_330 = arith.constant dense<0x7F800000> : vector<128xf32>
    %reduce_min3A_331 = vector.multi_reduction <minimumf>, %select_n3A_329, %reduce_min3A_330 [1] : vector<128x8192xf32> to vector<128xf32>
    %broadcast_in_dim3A_332 = vector.shape_cast %reduce_min3A_331 : vector<128xf32> to vector<128x1xf32>
    %eq3A_333 = vector.broadcast %broadcast_in_dim3A_332 : vector<128x1xf32> to vector<128x8192xf32>
    %eq3A_334 = arith.cmpf oeq, %select_n3A_329, %eq3A_333 : vector<128x8192xf32>
    %jit3A_335 = arith.constant 1073741824 : i32
    %broadcast_in_dim3A_336 = vector.shape_cast %iota3A : vector<1x8192xi32> to vector<1x8192xi32>
    %broadcast_in_dim3A_337 = vector.broadcast %broadcast_in_dim3A_336 : vector<1x8192xi32> to vector<128x8192xi32>
    %broadcast_in_dim3A_338 = vector.broadcast %jit3A_335 : i32 to vector<128x8192xi32>
    %select_n3A_339 = arith.select %eq3A_334, %broadcast_in_dim3A_337, %broadcast_in_dim3A_338 : vector<128x8192xi1>, vector<128x8192xi32>
    %reduce_min3A_340 = arith.constant dense<2147483647> : vector<128xi32>
    %reduce_min3A_341 = vector.multi_reduction <minsi>, %select_n3A_339, %reduce_min3A_340 [1] : vector<128x8192xi32> to vector<128xi32>
    %broadcast_in_dim3A_342 = vector.shape_cast %reduce_min3A_341 : vector<128xi32> to vector<128x1xi32>
    %swap3A_343 = arith.constant 0 : index
    %swap3A_344 = arith.constant 14 : index
    %swap3A_345 = vector.load %arg3[%swap3A_343, %swap3A_344] : memref<128x32xi32, #tpu.memory_space<vmem>>, vector<128x1xi32>
    tpu.vector_store %arg3[%swap3A_343, %swap3A_344], %broadcast_in_dim3A_342 {strides = array<i32>} : memref<128x32xi32, #tpu.memory_space<vmem>>, vector<128x1xi32>,
    %eq3A_346 = vector.broadcast %iota3A : vector<1x8192xi32> to vector<128x8192xi32>
    %eq3A_347 = vector.broadcast %broadcast_in_dim3A_342 : vector<128x1xi32> to vector<128x8192xi32>
    %eq3A_348 = arith.cmpi eq, %eq3A_346, %eq3A_347 : vector<128x8192xi32>
    %jit3A_349 = arith.constant 0x7F800000 : f32
    %broadcast_in_dim3A_350 = vector.broadcast %jit3A_349 : f32 to vector<128x8192xf32>
    %select_n3A_351 = arith.select %eq3A_348, %broadcast_in_dim3A_350, %select_n3A_329 : vector<128x8192xi1>, vector<128x8192xf32>
    %reduce_min3A_352 = arith.constant dense<0x7F800000> : vector<128xf32>
    %reduce_min3A_353 = vector.multi_reduction <minimumf>, %select_n3A_351, %reduce_min3A_352 [1] : vector<128x8192xf32> to vector<128xf32>
    %broadcast_in_dim3A_354 = vector.shape_cast %reduce_min3A_353 : vector<128xf32> to vector<128x1xf32>
    %eq3A_355 = vector.broadcast %broadcast_in_dim3A_354 : vector<128x1xf32> to vector<128x8192xf32>
    %eq3A_356 = arith.cmpf oeq, %select_n3A_351, %eq3A_355 : vector<128x8192xf32>
    %jit3A_357 = arith.constant 1073741824 : i32
    %broadcast_in_dim3A_358 = vector.shape_cast %iota3A : vector<1x8192xi32> to vector<1x8192xi32>
    %broadcast_in_dim3A_359 = vector.broadcast %broadcast_in_dim3A_358 : vector<1x8192xi32> to vector<128x8192xi32>
    %broadcast_in_dim3A_360 = vector.broadcast %jit3A_357 : i32 to vector<128x8192xi32>
    %select_n3A_361 = arith.select %eq3A_356, %broadcast_in_dim3A_359, %broadcast_in_dim3A_360 : vector<128x8192xi1>, vector<128x8192xi32>
    %reduce_min3A_362 = arith.constant dense<2147483647> : vector<128xi32>
    %reduce_min3A_363 = vector.multi_reduction <minsi>, %select_n3A_361, %reduce_min3A_362 [1] : vector<128x8192xi32> to vector<128xi32>
    %broadcast_in_dim3A_364 = vector.shape_cast %reduce_min3A_363 : vector<128xi32> to vector<128x1xi32>
    %swap3A_365 = arith.constant 0 : index
    %swap3A_366 = arith.constant 15 : index
    %swap3A_367 = vector.load %arg3[%swap3A_365, %swap3A_366] : memref<128x32xi32, #tpu.memory_space<vmem>>, vector<128x1xi32>
    tpu.vector_store %arg3[%swap3A_365, %swap3A_366], %broadcast_in_dim3A_364 {strides = array<i32>} : memref<128x32xi32, #tpu.memory_space<vmem>>, vector<128x1xi32>,
    %eq3A_368 = vector.broadcast %iota3A : vector<1x8192xi32> to vector<128x8192xi32>
    %eq3A_369 = vector.broadcast %broadcast_in_dim3A_364 : vector<128x1xi32> to vector<128x8192xi32>
    %eq3A_370 = arith.cmpi eq, %eq3A_368, %eq3A_369 : vector<128x8192xi32>
    %jit3A_371 = arith.constant 0x7F800000 : f32
    %broadcast_in_dim3A_372 = vector.broadcast %jit3A_371 : f32 to vector<128x8192xf32>
    %select_n3A_373 = arith.select %eq3A_370, %broadcast_in_dim3A_372, %select_n3A_351 : vector<128x8192xi1>, vector<128x8192xf32>
    %reduce_min3A_374 = arith.constant dense<0x7F800000> : vector<128xf32>
    %reduce_min3A_375 = vector.multi_reduction <minimumf>, %select_n3A_373, %reduce_min3A_374 [1] : vector<128x8192xf32> to vector<128xf32>
    %broadcast_in_dim3A_376 = vector.shape_cast %reduce_min3A_375 : vector<128xf32> to vector<128x1xf32>
    %eq3A_377 = vector.broadcast %broadcast_in_dim3A_376 : vector<128x1xf32> to vector<128x8192xf32>
    %eq3A_378 = arith.cmpf oeq, %select_n3A_373, %eq3A_377 : vector<128x8192xf32>
    %jit3A_379 = arith.constant 1073741824 : i32
    %broadcast_in_dim3A_380 = vector.shape_cast %iota3A : vector<1x8192xi32> to vector<1x8192xi32>
    %broadcast_in_dim3A_381 = vector.broadcast %broadcast_in_dim3A_380 : vector<1x8192xi32> to vector<128x8192xi32>
    %broadcast_in_dim3A_382 = vector.broadcast %jit3A_379 : i32 to vector<128x8192xi32>
    %select_n3A_383 = arith.select %eq3A_378, %broadcast_in_dim3A_381, %broadcast_in_dim3A_382 : vector<128x8192xi1>, vector<128x8192xi32>
    %reduce_min3A_384 = arith.constant dense<2147483647> : vector<128xi32>
    %reduce_min3A_385 = vector.multi_reduction <minsi>, %select_n3A_383, %reduce_min3A_384 [1] : vector<128x8192xi32> to vector<128xi32>
    %broadcast_in_dim3A_386 = vector.shape_cast %reduce_min3A_385 : vector<128xi32> to vector<128x1xi32>
    %swap3A_387 = arith.constant 0 : index
    %swap3A_388 = arith.constant 16 : index
    %swap3A_389 = vector.load %arg3[%swap3A_387, %swap3A_388] : memref<128x32xi32, #tpu.memory_space<vmem>>, vector<128x1xi32>
    tpu.vector_store %arg3[%swap3A_387, %swap3A_388], %broadcast_in_dim3A_386 {strides = array<i32>} : memref<128x32xi32, #tpu.memory_space<vmem>>, vector<128x1xi32>,
    %eq3A_390 = vector.broadcast %iota3A : vector<1x8192xi32> to vector<128x8192xi32>
    %eq3A_391 = vector.broadcast %broadcast_in_dim3A_386 : vector<128x1xi32> to vector<128x8192xi32>
    %eq3A_392 = arith.cmpi eq, %eq3A_390, %eq3A_391 : vector<128x8192xi32>
    %jit3A_393 = arith.constant 0x7F800000 : f32
    %broadcast_in_dim3A_394 = vector.broadcast %jit3A_393 : f32 to vector<128x8192xf32>
    %select_n3A_395 = arith.select %eq3A_392, %broadcast_in_dim3A_394, %select_n3A_373 : vector<128x8192xi1>, vector<128x8192xf32>
    %reduce_min3A_396 = arith.constant dense<0x7F800000> : vector<128xf32>
    %reduce_min3A_397 = vector.multi_reduction <minimumf>, %select_n3A_395, %reduce_min3A_396 [1] : vector<128x8192xf32> to vector<128xf32>
    %broadcast_in_dim3A_398 = vector.shape_cast %reduce_min3A_397 : vector<128xf32> to vector<128x1xf32>
    %eq3A_399 = vector.broadcast %broadcast_in_dim3A_398 : vector<128x1xf32> to vector<128x8192xf32>
    %eq3A_400 = arith.cmpf oeq, %select_n3A_395, %eq3A_399 : vector<128x8192xf32>
    %jit3A_401 = arith.constant 1073741824 : i32
    %broadcast_in_dim3A_402 = vector.shape_cast %iota3A : vector<1x8192xi32> to vector<1x8192xi32>
    %broadcast_in_dim3A_403 = vector.broadcast %broadcast_in_dim3A_402 : vector<1x8192xi32> to vector<128x8192xi32>
    %broadcast_in_dim3A_404 = vector.broadcast %jit3A_401 : i32 to vector<128x8192xi32>
    %select_n3A_405 = arith.select %eq3A_400, %broadcast_in_dim3A_403, %broadcast_in_dim3A_404 : vector<128x8192xi1>, vector<128x8192xi32>
    %reduce_min3A_406 = arith.constant dense<2147483647> : vector<128xi32>
    %reduce_min3A_407 = vector.multi_reduction <minsi>, %select_n3A_405, %reduce_min3A_406 [1] : vector<128x8192xi32> to vector<128xi32>
    %broadcast_in_dim3A_408 = vector.shape_cast %reduce_min3A_407 : vector<128xi32> to vector<128x1xi32>
    %swap3A_409 = arith.constant 0 : index
    %swap3A_410 = arith.constant 17 : index
    %swap3A_411 = vector.load %arg3[%swap3A_409, %swap3A_410] : memref<128x32xi32, #tpu.memory_space<vmem>>, vector<128x1xi32>
    tpu.vector_store %arg3[%swap3A_409, %swap3A_410], %broadcast_in_dim3A_408 {strides = array<i32>} : memref<128x32xi32, #tpu.memory_space<vmem>>, vector<128x1xi32>,
    %eq3A_412 = vector.broadcast %iota3A : vector<1x8192xi32> to vector<128x8192xi32>
    %eq3A_413 = vector.broadcast %broadcast_in_dim3A_408 : vector<128x1xi32> to vector<128x8192xi32>
    %eq3A_414 = arith.cmpi eq, %eq3A_412, %eq3A_413 : vector<128x8192xi32>
    %jit3A_415 = arith.constant 0x7F800000 : f32
    %broadcast_in_dim3A_416 = vector.broadcast %jit3A_415 : f32 to vector<128x8192xf32>
    %select_n3A_417 = arith.select %eq3A_414, %broadcast_in_dim3A_416, %select_n3A_395 : vector<128x8192xi1>, vector<128x8192xf32>
    %reduce_min3A_418 = arith.constant dense<0x7F800000> : vector<128xf32>
    %reduce_min3A_419 = vector.multi_reduction <minimumf>, %select_n3A_417, %reduce_min3A_418 [1] : vector<128x8192xf32> to vector<128xf32>
    %broadcast_in_dim3A_420 = vector.shape_cast %reduce_min3A_419 : vector<128xf32> to vector<128x1xf32>
    %eq3A_421 = vector.broadcast %broadcast_in_dim3A_420 : vector<128x1xf32> to vector<128x8192xf32>
    %eq3A_422 = arith.cmpf oeq, %select_n3A_417, %eq3A_421 : vector<128x8192xf32>
    %jit3A_423 = arith.constant 1073741824 : i32
    %broadcast_in_dim3A_424 = vector.shape_cast %iota3A : vector<1x8192xi32> to vector<1x8192xi32>
    %broadcast_in_dim3A_425 = vector.broadcast %broadcast_in_dim3A_424 : vector<1x8192xi32> to vector<128x8192xi32>
    %broadcast_in_dim3A_426 = vector.broadcast %jit3A_423 : i32 to vector<128x8192xi32>
    %select_n3A_427 = arith.select %eq3A_422, %broadcast_in_dim3A_425, %broadcast_in_dim3A_426 : vector<128x8192xi1>, vector<128x8192xi32>
    %reduce_min3A_428 = arith.constant dense<2147483647> : vector<128xi32>
    %reduce_min3A_429 = vector.multi_reduction <minsi>, %select_n3A_427, %reduce_min3A_428 [1] : vector<128x8192xi32> to vector<128xi32>
    %broadcast_in_dim3A_430 = vector.shape_cast %reduce_min3A_429 : vector<128xi32> to vector<128x1xi32>
    %swap3A_431 = arith.constant 0 : index
    %swap3A_432 = arith.constant 18 : index
    %swap3A_433 = vector.load %arg3[%swap3A_431, %swap3A_432] : memref<128x32xi32, #tpu.memory_space<vmem>>, vector<128x1xi32>
    tpu.vector_store %arg3[%swap3A_431, %swap3A_432], %broadcast_in_dim3A_430 {strides = array<i32>} : memref<128x32xi32, #tpu.memory_space<vmem>>, vector<128x1xi32>,
    %eq3A_434 = vector.broadcast %iota3A : vector<1x8192xi32> to vector<128x8192xi32>
    %eq3A_435 = vector.broadcast %broadcast_in_dim3A_430 : vector<128x1xi32> to vector<128x8192xi32>
    %eq3A_436 = arith.cmpi eq, %eq3A_434, %eq3A_435 : vector<128x8192xi32>
    %jit3A_437 = arith.constant 0x7F800000 : f32
    %broadcast_in_dim3A_438 = vector.broadcast %jit3A_437 : f32 to vector<128x8192xf32>
    %select_n3A_439 = arith.select %eq3A_436, %broadcast_in_dim3A_438, %select_n3A_417 : vector<128x8192xi1>, vector<128x8192xf32>
    %reduce_min3A_440 = arith.constant dense<0x7F800000> : vector<128xf32>
    %reduce_min3A_441 = vector.multi_reduction <minimumf>, %select_n3A_439, %reduce_min3A_440 [1] : vector<128x8192xf32> to vector<128xf32>
    %broadcast_in_dim3A_442 = vector.shape_cast %reduce_min3A_441 : vector<128xf32> to vector<128x1xf32>
    %eq3A_443 = vector.broadcast %broadcast_in_dim3A_442 : vector<128x1xf32> to vector<128x8192xf32>
    %eq3A_444 = arith.cmpf oeq, %select_n3A_439, %eq3A_443 : vector<128x8192xf32>
    %jit3A_445 = arith.constant 1073741824 : i32
    %broadcast_in_dim3A_446 = vector.shape_cast %iota3A : vector<1x8192xi32> to vector<1x8192xi32>
    %broadcast_in_dim3A_447 = vector.broadcast %broadcast_in_dim3A_446 : vector<1x8192xi32> to vector<128x8192xi32>
    %broadcast_in_dim3A_448 = vector.broadcast %jit3A_445 : i32 to vector<128x8192xi32>
    %select_n3A_449 = arith.select %eq3A_444, %broadcast_in_dim3A_447, %broadcast_in_dim3A_448 : vector<128x8192xi1>, vector<128x8192xi32>
    %reduce_min3A_450 = arith.constant dense<2147483647> : vector<128xi32>
    %reduce_min3A_451 = vector.multi_reduction <minsi>, %select_n3A_449, %reduce_min3A_450 [1] : vector<128x8192xi32> to vector<128xi32>
    %broadcast_in_dim3A_452 = vector.shape_cast %reduce_min3A_451 : vector<128xi32> to vector<128x1xi32>
    %swap3A_453 = arith.constant 0 : index
    %swap3A_454 = arith.constant 19 : index
    %swap3A_455 = vector.load %arg3[%swap3A_453, %swap3A_454] : memref<128x32xi32, #tpu.memory_space<vmem>>, vector<128x1xi32>
    tpu.vector_store %arg3[%swap3A_453, %swap3A_454], %broadcast_in_dim3A_452 {strides = array<i32>} : memref<128x32xi32, #tpu.memory_space<vmem>>, vector<128x1xi32>,
    %eq3A_456 = vector.broadcast %iota3A : vector<1x8192xi32> to vector<128x8192xi32>
    %eq3A_457 = vector.broadcast %broadcast_in_dim3A_452 : vector<128x1xi32> to vector<128x8192xi32>
    %eq3A_458 = arith.cmpi eq, %eq3A_456, %eq3A_457 : vector<128x8192xi32>
    %jit3A_459 = arith.constant 0x7F800000 : f32
    %broadcast_in_dim3A_460 = vector.broadcast %jit3A_459 : f32 to vector<128x8192xf32>
    %select_n3A_461 = arith.select %eq3A_458, %broadcast_in_dim3A_460, %select_n3A_439 : vector<128x8192xi1>, vector<128x8192xf32>
    %reduce_min3A_462 = arith.constant dense<0x7F800000> : vector<128xf32>
    %reduce_min3A_463 = vector.multi_reduction <minimumf>, %select_n3A_461, %reduce_min3A_462 [1] : vector<128x8192xf32> to vector<128xf32>
    %broadcast_in_dim3A_464 = vector.shape_cast %reduce_min3A_463 : vector<128xf32> to vector<128x1xf32>
    %eq3A_465 = vector.broadcast %broadcast_in_dim3A_464 : vector<128x1xf32> to vector<128x8192xf32>
    %eq3A_466 = arith.cmpf oeq, %select_n3A_461, %eq3A_465 : vector<128x8192xf32>
    %jit3A_467 = arith.constant 1073741824 : i32
    %broadcast_in_dim3A_468 = vector.shape_cast %iota3A : vector<1x8192xi32> to vector<1x8192xi32>
    %broadcast_in_dim3A_469 = vector.broadcast %broadcast_in_dim3A_468 : vector<1x8192xi32> to vector<128x8192xi32>
    %broadcast_in_dim3A_470 = vector.broadcast %jit3A_467 : i32 to vector<128x8192xi32>
    %select_n3A_471 = arith.select %eq3A_466, %broadcast_in_dim3A_469, %broadcast_in_dim3A_470 : vector<128x8192xi1>, vector<128x8192xi32>
    %reduce_min3A_472 = arith.constant dense<2147483647> : vector<128xi32>
    %reduce_min3A_473 = vector.multi_reduction <minsi>, %select_n3A_471, %reduce_min3A_472 [1] : vector<128x8192xi32> to vector<128xi32>
    %broadcast_in_dim3A_474 = vector.shape_cast %reduce_min3A_473 : vector<128xi32> to vector<128x1xi32>
    %swap3A_475 = arith.constant 0 : index
    %swap3A_476 = arith.constant 20 : index
    %swap3A_477 = vector.load %arg3[%swap3A_475, %swap3A_476] : memref<128x32xi32, #tpu.memory_space<vmem>>, vector<128x1xi32>
    tpu.vector_store %arg3[%swap3A_475, %swap3A_476], %broadcast_in_dim3A_474 {strides = array<i32>} : memref<128x32xi32, #tpu.memory_space<vmem>>, vector<128x1xi32>,
    %eq3A_478 = vector.broadcast %iota3A : vector<1x8192xi32> to vector<128x8192xi32>
    %eq3A_479 = vector.broadcast %broadcast_in_dim3A_474 : vector<128x1xi32> to vector<128x8192xi32>
    %eq3A_480 = arith.cmpi eq, %eq3A_478, %eq3A_479 : vector<128x8192xi32>
    %jit3A_481 = arith.constant 0x7F800000 : f32
    %broadcast_in_dim3A_482 = vector.broadcast %jit3A_481 : f32 to vector<128x8192xf32>
    %select_n3A_483 = arith.select %eq3A_480, %broadcast_in_dim3A_482, %select_n3A_461 : vector<128x8192xi1>, vector<128x8192xf32>
    %reduce_min3A_484 = arith.constant dense<0x7F800000> : vector<128xf32>
    %reduce_min3A_485 = vector.multi_reduction <minimumf>, %select_n3A_483, %reduce_min3A_484 [1] : vector<128x8192xf32> to vector<128xf32>
    %broadcast_in_dim3A_486 = vector.shape_cast %reduce_min3A_485 : vector<128xf32> to vector<128x1xf32>
    %eq3A_487 = vector.broadcast %broadcast_in_dim3A_486 : vector<128x1xf32> to vector<128x8192xf32>
    %eq3A_488 = arith.cmpf oeq, %select_n3A_483, %eq3A_487 : vector<128x8192xf32>
    %jit3A_489 = arith.constant 1073741824 : i32
    %broadcast_in_dim3A_490 = vector.shape_cast %iota3A : vector<1x8192xi32> to vector<1x8192xi32>
    %broadcast_in_dim3A_491 = vector.broadcast %broadcast_in_dim3A_490 : vector<1x8192xi32> to vector<128x8192xi32>
    %broadcast_in_dim3A_492 = vector.broadcast %jit3A_489 : i32 to vector<128x8192xi32>
    %select_n3A_493 = arith.select %eq3A_488, %broadcast_in_dim3A_491, %broadcast_in_dim3A_492 : vector<128x8192xi1>, vector<128x8192xi32>
    %reduce_min3A_494 = arith.constant dense<2147483647> : vector<128xi32>
    %reduce_min3A_495 = vector.multi_reduction <minsi>, %select_n3A_493, %reduce_min3A_494 [1] : vector<128x8192xi32> to vector<128xi32>
    %broadcast_in_dim3A_496 = vector.shape_cast %reduce_min3A_495 : vector<128xi32> to vector<128x1xi32>
    %swap3A_497 = arith.constant 0 : index
    %swap3A_498 = arith.constant 21 : index
    %swap3A_499 = vector.load %arg3[%swap3A_497, %swap3A_498] : memref<128x32xi32, #tpu.memory_space<vmem>>, vector<128x1xi32>
    tpu.vector_store %arg3[%swap3A_497, %swap3A_498], %broadcast_in_dim3A_496 {strides = array<i32>} : memref<128x32xi32, #tpu.memory_space<vmem>>, vector<128x1xi32>,
    %eq3A_500 = vector.broadcast %iota3A : vector<1x8192xi32> to vector<128x8192xi32>
    %eq3A_501 = vector.broadcast %broadcast_in_dim3A_496 : vector<128x1xi32> to vector<128x8192xi32>
    %eq3A_502 = arith.cmpi eq, %eq3A_500, %eq3A_501 : vector<128x8192xi32>
    %jit3A_503 = arith.constant 0x7F800000 : f32
    %broadcast_in_dim3A_504 = vector.broadcast %jit3A_503 : f32 to vector<128x8192xf32>
    %select_n3A_505 = arith.select %eq3A_502, %broadcast_in_dim3A_504, %select_n3A_483 : vector<128x8192xi1>, vector<128x8192xf32>
    %reduce_min3A_506 = arith.constant dense<0x7F800000> : vector<128xf32>
    %reduce_min3A_507 = vector.multi_reduction <minimumf>, %select_n3A_505, %reduce_min3A_506 [1] : vector<128x8192xf32> to vector<128xf32>
    %broadcast_in_dim3A_508 = vector.shape_cast %reduce_min3A_507 : vector<128xf32> to vector<128x1xf32>
    %eq3A_509 = vector.broadcast %broadcast_in_dim3A_508 : vector<128x1xf32> to vector<128x8192xf32>
    %eq3A_510 = arith.cmpf oeq, %select_n3A_505, %eq3A_509 : vector<128x8192xf32>
    %jit3A_511 = arith.constant 1073741824 : i32
    %broadcast_in_dim3A_512 = vector.shape_cast %iota3A : vector<1x8192xi32> to vector<1x8192xi32>
    %broadcast_in_dim3A_513 = vector.broadcast %broadcast_in_dim3A_512 : vector<1x8192xi32> to vector<128x8192xi32>
    %broadcast_in_dim3A_514 = vector.broadcast %jit3A_511 : i32 to vector<128x8192xi32>
    %select_n3A_515 = arith.select %eq3A_510, %broadcast_in_dim3A_513, %broadcast_in_dim3A_514 : vector<128x8192xi1>, vector<128x8192xi32>
    %reduce_min3A_516 = arith.constant dense<2147483647> : vector<128xi32>
    %reduce_min3A_517 = vector.multi_reduction <minsi>, %select_n3A_515, %reduce_min3A_516 [1] : vector<128x8192xi32> to vector<128xi32>
    %broadcast_in_dim3A_518 = vector.shape_cast %reduce_min3A_517 : vector<128xi32> to vector<128x1xi32>
    %swap3A_519 = arith.constant 0 : index
    %swap3A_520 = arith.constant 22 : index
    %swap3A_521 = vector.load %arg3[%swap3A_519, %swap3A_520] : memref<128x32xi32, #tpu.memory_space<vmem>>, vector<128x1xi32>
    tpu.vector_store %arg3[%swap3A_519, %swap3A_520], %broadcast_in_dim3A_518 {strides = array<i32>} : memref<128x32xi32, #tpu.memory_space<vmem>>, vector<128x1xi32>,
    %eq3A_522 = vector.broadcast %iota3A : vector<1x8192xi32> to vector<128x8192xi32>
    %eq3A_523 = vector.broadcast %broadcast_in_dim3A_518 : vector<128x1xi32> to vector<128x8192xi32>
    %eq3A_524 = arith.cmpi eq, %eq3A_522, %eq3A_523 : vector<128x8192xi32>
    %jit3A_525 = arith.constant 0x7F800000 : f32
    %broadcast_in_dim3A_526 = vector.broadcast %jit3A_525 : f32 to vector<128x8192xf32>
    %select_n3A_527 = arith.select %eq3A_524, %broadcast_in_dim3A_526, %select_n3A_505 : vector<128x8192xi1>, vector<128x8192xf32>
    %reduce_min3A_528 = arith.constant dense<0x7F800000> : vector<128xf32>
    %reduce_min3A_529 = vector.multi_reduction <minimumf>, %select_n3A_527, %reduce_min3A_528 [1] : vector<128x8192xf32> to vector<128xf32>
    %broadcast_in_dim3A_530 = vector.shape_cast %reduce_min3A_529 : vector<128xf32> to vector<128x1xf32>
    %eq3A_531 = vector.broadcast %broadcast_in_dim3A_530 : vector<128x1xf32> to vector<128x8192xf32>
    %eq3A_532 = arith.cmpf oeq, %select_n3A_527, %eq3A_531 : vector<128x8192xf32>
    %jit3A_533 = arith.constant 1073741824 : i32
    %broadcast_in_dim3A_534 = vector.shape_cast %iota3A : vector<1x8192xi32> to vector<1x8192xi32>
    %broadcast_in_dim3A_535 = vector.broadcast %broadcast_in_dim3A_534 : vector<1x8192xi32> to vector<128x8192xi32>
    %broadcast_in_dim3A_536 = vector.broadcast %jit3A_533 : i32 to vector<128x8192xi32>
    %select_n3A_537 = arith.select %eq3A_532, %broadcast_in_dim3A_535, %broadcast_in_dim3A_536 : vector<128x8192xi1>, vector<128x8192xi32>
    %reduce_min3A_538 = arith.constant dense<2147483647> : vector<128xi32>
    %reduce_min3A_539 = vector.multi_reduction <minsi>, %select_n3A_537, %reduce_min3A_538 [1] : vector<128x8192xi32> to vector<128xi32>
    %broadcast_in_dim3A_540 = vector.shape_cast %reduce_min3A_539 : vector<128xi32> to vector<128x1xi32>
    %swap3A_541 = arith.constant 0 : index
    %swap3A_542 = arith.constant 23 : index
    %swap3A_543 = vector.load %arg3[%swap3A_541, %swap3A_542] : memref<128x32xi32, #tpu.memory_space<vmem>>, vector<128x1xi32>
    tpu.vector_store %arg3[%swap3A_541, %swap3A_542], %broadcast_in_dim3A_540 {strides = array<i32>} : memref<128x32xi32, #tpu.memory_space<vmem>>, vector<128x1xi32>,
    %eq3A_544 = vector.broadcast %iota3A : vector<1x8192xi32> to vector<128x8192xi32>
    %eq3A_545 = vector.broadcast %broadcast_in_dim3A_540 : vector<128x1xi32> to vector<128x8192xi32>
    %eq3A_546 = arith.cmpi eq, %eq3A_544, %eq3A_545 : vector<128x8192xi32>
    %jit3A_547 = arith.constant 0x7F800000 : f32
    %broadcast_in_dim3A_548 = vector.broadcast %jit3A_547 : f32 to vector<128x8192xf32>
    %select_n3A_549 = arith.select %eq3A_546, %broadcast_in_dim3A_548, %select_n3A_527 : vector<128x8192xi1>, vector<128x8192xf32>
    %reduce_min3A_550 = arith.constant dense<0x7F800000> : vector<128xf32>
    %reduce_min3A_551 = vector.multi_reduction <minimumf>, %select_n3A_549, %reduce_min3A_550 [1] : vector<128x8192xf32> to vector<128xf32>
    %broadcast_in_dim3A_552 = vector.shape_cast %reduce_min3A_551 : vector<128xf32> to vector<128x1xf32>
    %eq3A_553 = vector.broadcast %broadcast_in_dim3A_552 : vector<128x1xf32> to vector<128x8192xf32>
    %eq3A_554 = arith.cmpf oeq, %select_n3A_549, %eq3A_553 : vector<128x8192xf32>
    %jit3A_555 = arith.constant 1073741824 : i32
    %broadcast_in_dim3A_556 = vector.shape_cast %iota3A : vector<1x8192xi32> to vector<1x8192xi32>
    %broadcast_in_dim3A_557 = vector.broadcast %broadcast_in_dim3A_556 : vector<1x8192xi32> to vector<128x8192xi32>
    %broadcast_in_dim3A_558 = vector.broadcast %jit3A_555 : i32 to vector<128x8192xi32>
    %select_n3A_559 = arith.select %eq3A_554, %broadcast_in_dim3A_557, %broadcast_in_dim3A_558 : vector<128x8192xi1>, vector<128x8192xi32>
    %reduce_min3A_560 = arith.constant dense<2147483647> : vector<128xi32>
    %reduce_min3A_561 = vector.multi_reduction <minsi>, %select_n3A_559, %reduce_min3A_560 [1] : vector<128x8192xi32> to vector<128xi32>
    %broadcast_in_dim3A_562 = vector.shape_cast %reduce_min3A_561 : vector<128xi32> to vector<128x1xi32>
    %swap3A_563 = arith.constant 0 : index
    %swap3A_564 = arith.constant 24 : index
    %swap3A_565 = vector.load %arg3[%swap3A_563, %swap3A_564] : memref<128x32xi32, #tpu.memory_space<vmem>>, vector<128x1xi32>
    tpu.vector_store %arg3[%swap3A_563, %swap3A_564], %broadcast_in_dim3A_562 {strides = array<i32>} : memref<128x32xi32, #tpu.memory_space<vmem>>, vector<128x1xi32>,
    %eq3A_566 = vector.broadcast %iota3A : vector<1x8192xi32> to vector<128x8192xi32>
    %eq3A_567 = vector.broadcast %broadcast_in_dim3A_562 : vector<128x1xi32> to vector<128x8192xi32>
    %eq3A_568 = arith.cmpi eq, %eq3A_566, %eq3A_567 : vector<128x8192xi32>
    %jit3A_569 = arith.constant 0x7F800000 : f32
    %broadcast_in_dim3A_570 = vector.broadcast %jit3A_569 : f32 to vector<128x8192xf32>
    %select_n3A_571 = arith.select %eq3A_568, %broadcast_in_dim3A_570, %select_n3A_549 : vector<128x8192xi1>, vector<128x8192xf32>
    %reduce_min3A_572 = arith.constant dense<0x7F800000> : vector<128xf32>
    %reduce_min3A_573 = vector.multi_reduction <minimumf>, %select_n3A_571, %reduce_min3A_572 [1] : vector<128x8192xf32> to vector<128xf32>
    %broadcast_in_dim3A_574 = vector.shape_cast %reduce_min3A_573 : vector<128xf32> to vector<128x1xf32>
    %eq3A_575 = vector.broadcast %broadcast_in_dim3A_574 : vector<128x1xf32> to vector<128x8192xf32>
    %eq3A_576 = arith.cmpf oeq, %select_n3A_571, %eq3A_575 : vector<128x8192xf32>
    %jit3A_577 = arith.constant 1073741824 : i32
    %broadcast_in_dim3A_578 = vector.shape_cast %iota3A : vector<1x8192xi32> to vector<1x8192xi32>
    %broadcast_in_dim3A_579 = vector.broadcast %broadcast_in_dim3A_578 : vector<1x8192xi32> to vector<128x8192xi32>
    %broadcast_in_dim3A_580 = vector.broadcast %jit3A_577 : i32 to vector<128x8192xi32>
    %select_n3A_581 = arith.select %eq3A_576, %broadcast_in_dim3A_579, %broadcast_in_dim3A_580 : vector<128x8192xi1>, vector<128x8192xi32>
    %reduce_min3A_582 = arith.constant dense<2147483647> : vector<128xi32>
    %reduce_min3A_583 = vector.multi_reduction <minsi>, %select_n3A_581, %reduce_min3A_582 [1] : vector<128x8192xi32> to vector<128xi32>
    %broadcast_in_dim3A_584 = vector.shape_cast %reduce_min3A_583 : vector<128xi32> to vector<128x1xi32>
    %swap3A_585 = arith.constant 0 : index
    %swap3A_586 = arith.constant 25 : index
    %swap3A_587 = vector.load %arg3[%swap3A_585, %swap3A_586] : memref<128x32xi32, #tpu.memory_space<vmem>>, vector<128x1xi32>
    tpu.vector_store %arg3[%swap3A_585, %swap3A_586], %broadcast_in_dim3A_584 {strides = array<i32>} : memref<128x32xi32, #tpu.memory_space<vmem>>, vector<128x1xi32>,
    %eq3A_588 = vector.broadcast %iota3A : vector<1x8192xi32> to vector<128x8192xi32>
    %eq3A_589 = vector.broadcast %broadcast_in_dim3A_584 : vector<128x1xi32> to vector<128x8192xi32>
    %eq3A_590 = arith.cmpi eq, %eq3A_588, %eq3A_589 : vector<128x8192xi32>
    %jit3A_591 = arith.constant 0x7F800000 : f32
    %broadcast_in_dim3A_592 = vector.broadcast %jit3A_591 : f32 to vector<128x8192xf32>
    %select_n3A_593 = arith.select %eq3A_590, %broadcast_in_dim3A_592, %select_n3A_571 : vector<128x8192xi1>, vector<128x8192xf32>
    %reduce_min3A_594 = arith.constant dense<0x7F800000> : vector<128xf32>
    %reduce_min3A_595 = vector.multi_reduction <minimumf>, %select_n3A_593, %reduce_min3A_594 [1] : vector<128x8192xf32> to vector<128xf32>
    %broadcast_in_dim3A_596 = vector.shape_cast %reduce_min3A_595 : vector<128xf32> to vector<128x1xf32>
    %eq3A_597 = vector.broadcast %broadcast_in_dim3A_596 : vector<128x1xf32> to vector<128x8192xf32>
    %eq3A_598 = arith.cmpf oeq, %select_n3A_593, %eq3A_597 : vector<128x8192xf32>
    %jit3A_599 = arith.constant 1073741824 : i32
    %broadcast_in_dim3A_600 = vector.shape_cast %iota3A : vector<1x8192xi32> to vector<1x8192xi32>
    %broadcast_in_dim3A_601 = vector.broadcast %broadcast_in_dim3A_600 : vector<1x8192xi32> to vector<128x8192xi32>
    %broadcast_in_dim3A_602 = vector.broadcast %jit3A_599 : i32 to vector<128x8192xi32>
    %select_n3A_603 = arith.select %eq3A_598, %broadcast_in_dim3A_601, %broadcast_in_dim3A_602 : vector<128x8192xi1>, vector<128x8192xi32>
    %reduce_min3A_604 = arith.constant dense<2147483647> : vector<128xi32>
    %reduce_min3A_605 = vector.multi_reduction <minsi>, %select_n3A_603, %reduce_min3A_604 [1] : vector<128x8192xi32> to vector<128xi32>
    %broadcast_in_dim3A_606 = vector.shape_cast %reduce_min3A_605 : vector<128xi32> to vector<128x1xi32>
    %swap3A_607 = arith.constant 0 : index
    %swap3A_608 = arith.constant 26 : index
    %swap3A_609 = vector.load %arg3[%swap3A_607, %swap3A_608] : memref<128x32xi32, #tpu.memory_space<vmem>>, vector<128x1xi32>
    tpu.vector_store %arg3[%swap3A_607, %swap3A_608], %broadcast_in_dim3A_606 {strides = array<i32>} : memref<128x32xi32, #tpu.memory_space<vmem>>, vector<128x1xi32>,
    %eq3A_610 = vector.broadcast %iota3A : vector<1x8192xi32> to vector<128x8192xi32>
    %eq3A_611 = vector.broadcast %broadcast_in_dim3A_606 : vector<128x1xi32> to vector<128x8192xi32>
    %eq3A_612 = arith.cmpi eq, %eq3A_610, %eq3A_611 : vector<128x8192xi32>
    %jit3A_613 = arith.constant 0x7F800000 : f32
    %broadcast_in_dim3A_614 = vector.broadcast %jit3A_613 : f32 to vector<128x8192xf32>
    %select_n3A_615 = arith.select %eq3A_612, %broadcast_in_dim3A_614, %select_n3A_593 : vector<128x8192xi1>, vector<128x8192xf32>
    %reduce_min3A_616 = arith.constant dense<0x7F800000> : vector<128xf32>
    %reduce_min3A_617 = vector.multi_reduction <minimumf>, %select_n3A_615, %reduce_min3A_616 [1] : vector<128x8192xf32> to vector<128xf32>
    %broadcast_in_dim3A_618 = vector.shape_cast %reduce_min3A_617 : vector<128xf32> to vector<128x1xf32>
    %eq3A_619 = vector.broadcast %broadcast_in_dim3A_618 : vector<128x1xf32> to vector<128x8192xf32>
    %eq3A_620 = arith.cmpf oeq, %select_n3A_615, %eq3A_619 : vector<128x8192xf32>
    %jit3A_621 = arith.constant 1073741824 : i32
    %broadcast_in_dim3A_622 = vector.shape_cast %iota3A : vector<1x8192xi32> to vector<1x8192xi32>
    %broadcast_in_dim3A_623 = vector.broadcast %broadcast_in_dim3A_622 : vector<1x8192xi32> to vector<128x8192xi32>
    %broadcast_in_dim3A_624 = vector.broadcast %jit3A_621 : i32 to vector<128x8192xi32>
    %select_n3A_625 = arith.select %eq3A_620, %broadcast_in_dim3A_623, %broadcast_in_dim3A_624 : vector<128x8192xi1>, vector<128x8192xi32>
    %reduce_min3A_626 = arith.constant dense<2147483647> : vector<128xi32>
    %reduce_min3A_627 = vector.multi_reduction <minsi>, %select_n3A_625, %reduce_min3A_626 [1] : vector<128x8192xi32> to vector<128xi32>
    %broadcast_in_dim3A_628 = vector.shape_cast %reduce_min3A_627 : vector<128xi32> to vector<128x1xi32>
    %swap3A_629 = arith.constant 0 : index
    %swap3A_630 = arith.constant 27 : index
    %swap3A_631 = vector.load %arg3[%swap3A_629, %swap3A_630] : memref<128x32xi32, #tpu.memory_space<vmem>>, vector<128x1xi32>
    tpu.vector_store %arg3[%swap3A_629, %swap3A_630], %broadcast_in_dim3A_628 {strides = array<i32>} : memref<128x32xi32, #tpu.memory_space<vmem>>, vector<128x1xi32>,
    %eq3A_632 = vector.broadcast %iota3A : vector<1x8192xi32> to vector<128x8192xi32>
    %eq3A_633 = vector.broadcast %broadcast_in_dim3A_628 : vector<128x1xi32> to vector<128x8192xi32>
    %eq3A_634 = arith.cmpi eq, %eq3A_632, %eq3A_633 : vector<128x8192xi32>
    %jit3A_635 = arith.constant 0x7F800000 : f32
    %broadcast_in_dim3A_636 = vector.broadcast %jit3A_635 : f32 to vector<128x8192xf32>
    %select_n3A_637 = arith.select %eq3A_634, %broadcast_in_dim3A_636, %select_n3A_615 : vector<128x8192xi1>, vector<128x8192xf32>
    %reduce_min3A_638 = arith.constant dense<0x7F800000> : vector<128xf32>
    %reduce_min3A_639 = vector.multi_reduction <minimumf>, %select_n3A_637, %reduce_min3A_638 [1] : vector<128x8192xf32> to vector<128xf32>
    %broadcast_in_dim3A_640 = vector.shape_cast %reduce_min3A_639 : vector<128xf32> to vector<128x1xf32>
    %eq3A_641 = vector.broadcast %broadcast_in_dim3A_640 : vector<128x1xf32> to vector<128x8192xf32>
    %eq3A_642 = arith.cmpf oeq, %select_n3A_637, %eq3A_641 : vector<128x8192xf32>
    %jit3A_643 = arith.constant 1073741824 : i32
    %broadcast_in_dim3A_644 = vector.shape_cast %iota3A : vector<1x8192xi32> to vector<1x8192xi32>
    %broadcast_in_dim3A_645 = vector.broadcast %broadcast_in_dim3A_644 : vector<1x8192xi32> to vector<128x8192xi32>
    %broadcast_in_dim3A_646 = vector.broadcast %jit3A_643 : i32 to vector<128x8192xi32>
    %select_n3A_647 = arith.select %eq3A_642, %broadcast_in_dim3A_645, %broadcast_in_dim3A_646 : vector<128x8192xi1>, vector<128x8192xi32>
    %reduce_min3A_648 = arith.constant dense<2147483647> : vector<128xi32>
    %reduce_min3A_649 = vector.multi_reduction <minsi>, %select_n3A_647, %reduce_min3A_648 [1] : vector<128x8192xi32> to vector<128xi32>
    %broadcast_in_dim3A_650 = vector.shape_cast %reduce_min3A_649 : vector<128xi32> to vector<128x1xi32>
    %swap3A_651 = arith.constant 0 : index
    %swap3A_652 = arith.constant 28 : index
    %swap3A_653 = vector.load %arg3[%swap3A_651, %swap3A_652] : memref<128x32xi32, #tpu.memory_space<vmem>>, vector<128x1xi32>
    tpu.vector_store %arg3[%swap3A_651, %swap3A_652], %broadcast_in_dim3A_650 {strides = array<i32>} : memref<128x32xi32, #tpu.memory_space<vmem>>, vector<128x1xi32>,
    %eq3A_654 = vector.broadcast %iota3A : vector<1x8192xi32> to vector<128x8192xi32>
    %eq3A_655 = vector.broadcast %broadcast_in_dim3A_650 : vector<128x1xi32> to vector<128x8192xi32>
    %eq3A_656 = arith.cmpi eq, %eq3A_654, %eq3A_655 : vector<128x8192xi32>
    %jit3A_657 = arith.constant 0x7F800000 : f32
    %broadcast_in_dim3A_658 = vector.broadcast %jit3A_657 : f32 to vector<128x8192xf32>
    %select_n3A_659 = arith.select %eq3A_656, %broadcast_in_dim3A_658, %select_n3A_637 : vector<128x8192xi1>, vector<128x8192xf32>
    %reduce_min3A_660 = arith.constant dense<0x7F800000> : vector<128xf32>
    %reduce_min3A_661 = vector.multi_reduction <minimumf>, %select_n3A_659, %reduce_min3A_660 [1] : vector<128x8192xf32> to vector<128xf32>
    %broadcast_in_dim3A_662 = vector.shape_cast %reduce_min3A_661 : vector<128xf32> to vector<128x1xf32>
    %eq3A_663 = vector.broadcast %broadcast_in_dim3A_662 : vector<128x1xf32> to vector<128x8192xf32>
    %eq3A_664 = arith.cmpf oeq, %select_n3A_659, %eq3A_663 : vector<128x8192xf32>
    %jit3A_665 = arith.constant 1073741824 : i32
    %broadcast_in_dim3A_666 = vector.shape_cast %iota3A : vector<1x8192xi32> to vector<1x8192xi32>
    %broadcast_in_dim3A_667 = vector.broadcast %broadcast_in_dim3A_666 : vector<1x8192xi32> to vector<128x8192xi32>
    %broadcast_in_dim3A_668 = vector.broadcast %jit3A_665 : i32 to vector<128x8192xi32>
    %select_n3A_669 = arith.select %eq3A_664, %broadcast_in_dim3A_667, %broadcast_in_dim3A_668 : vector<128x8192xi1>, vector<128x8192xi32>
    %reduce_min3A_670 = arith.constant dense<2147483647> : vector<128xi32>
    %reduce_min3A_671 = vector.multi_reduction <minsi>, %select_n3A_669, %reduce_min3A_670 [1] : vector<128x8192xi32> to vector<128xi32>
    %broadcast_in_dim3A_672 = vector.shape_cast %reduce_min3A_671 : vector<128xi32> to vector<128x1xi32>
    %swap3A_673 = arith.constant 0 : index
    %swap3A_674 = arith.constant 29 : index
    %swap3A_675 = vector.load %arg3[%swap3A_673, %swap3A_674] : memref<128x32xi32, #tpu.memory_space<vmem>>, vector<128x1xi32>
    tpu.vector_store %arg3[%swap3A_673, %swap3A_674], %broadcast_in_dim3A_672 {strides = array<i32>} : memref<128x32xi32, #tpu.memory_space<vmem>>, vector<128x1xi32>,
    %eq3A_676 = vector.broadcast %iota3A : vector<1x8192xi32> to vector<128x8192xi32>
    %eq3A_677 = vector.broadcast %broadcast_in_dim3A_672 : vector<128x1xi32> to vector<128x8192xi32>
    %eq3A_678 = arith.cmpi eq, %eq3A_676, %eq3A_677 : vector<128x8192xi32>
    %jit3A_679 = arith.constant 0x7F800000 : f32
    %broadcast_in_dim3A_680 = vector.broadcast %jit3A_679 : f32 to vector<128x8192xf32>
    %select_n3A_681 = arith.select %eq3A_678, %broadcast_in_dim3A_680, %select_n3A_659 : vector<128x8192xi1>, vector<128x8192xf32>
    %reduce_min3A_682 = arith.constant dense<0x7F800000> : vector<128xf32>
    %reduce_min3A_683 = vector.multi_reduction <minimumf>, %select_n3A_681, %reduce_min3A_682 [1] : vector<128x8192xf32> to vector<128xf32>
    %broadcast_in_dim3A_684 = vector.shape_cast %reduce_min3A_683 : vector<128xf32> to vector<128x1xf32>
    %eq3A_685 = vector.broadcast %broadcast_in_dim3A_684 : vector<128x1xf32> to vector<128x8192xf32>
    %eq3A_686 = arith.cmpf oeq, %select_n3A_681, %eq3A_685 : vector<128x8192xf32>
    %jit3A_687 = arith.constant 1073741824 : i32
    %broadcast_in_dim3A_688 = vector.shape_cast %iota3A : vector<1x8192xi32> to vector<1x8192xi32>
    %broadcast_in_dim3A_689 = vector.broadcast %broadcast_in_dim3A_688 : vector<1x8192xi32> to vector<128x8192xi32>
    %broadcast_in_dim3A_690 = vector.broadcast %jit3A_687 : i32 to vector<128x8192xi32>
    %select_n3A_691 = arith.select %eq3A_686, %broadcast_in_dim3A_689, %broadcast_in_dim3A_690 : vector<128x8192xi1>, vector<128x8192xi32>
    %reduce_min3A_692 = arith.constant dense<2147483647> : vector<128xi32>
    %reduce_min3A_693 = vector.multi_reduction <minsi>, %select_n3A_691, %reduce_min3A_692 [1] : vector<128x8192xi32> to vector<128xi32>
    %broadcast_in_dim3A_694 = vector.shape_cast %reduce_min3A_693 : vector<128xi32> to vector<128x1xi32>
    %swap3A_695 = arith.constant 0 : index
    %swap3A_696 = arith.constant 30 : index
    %swap3A_697 = vector.load %arg3[%swap3A_695, %swap3A_696] : memref<128x32xi32, #tpu.memory_space<vmem>>, vector<128x1xi32>
    tpu.vector_store %arg3[%swap3A_695, %swap3A_696], %broadcast_in_dim3A_694 {strides = array<i32>} : memref<128x32xi32, #tpu.memory_space<vmem>>, vector<128x1xi32>,
    %eq3A_698 = vector.broadcast %iota3A : vector<1x8192xi32> to vector<128x8192xi32>
    %eq3A_699 = vector.broadcast %broadcast_in_dim3A_694 : vector<128x1xi32> to vector<128x8192xi32>
    %eq3A_700 = arith.cmpi eq, %eq3A_698, %eq3A_699 : vector<128x8192xi32>
    %jit3A_701 = arith.constant 0x7F800000 : f32
    %broadcast_in_dim3A_702 = vector.broadcast %jit3A_701 : f32 to vector<128x8192xf32>
    %select_n3A_703 = arith.select %eq3A_700, %broadcast_in_dim3A_702, %select_n3A_681 : vector<128x8192xi1>, vector<128x8192xf32>
    %reduce_min3A_704 = arith.constant dense<0x7F800000> : vector<128xf32>
    %reduce_min3A_705 = vector.multi_reduction <minimumf>, %select_n3A_703, %reduce_min3A_704 [1] : vector<128x8192xf32> to vector<128xf32>
    %broadcast_in_dim3A_706 = vector.shape_cast %reduce_min3A_705 : vector<128xf32> to vector<128x1xf32>
    %eq3A_707 = vector.broadcast %broadcast_in_dim3A_706 : vector<128x1xf32> to vector<128x8192xf32>
    %eq3A_708 = arith.cmpf oeq, %select_n3A_703, %eq3A_707 : vector<128x8192xf32>
    %jit3A_709 = arith.constant 1073741824 : i32
    %broadcast_in_dim3A_710 = vector.shape_cast %iota3A : vector<1x8192xi32> to vector<1x8192xi32>
    %broadcast_in_dim3A_711 = vector.broadcast %broadcast_in_dim3A_710 : vector<1x8192xi32> to vector<128x8192xi32>
    %broadcast_in_dim3A_712 = vector.broadcast %jit3A_709 : i32 to vector<128x8192xi32>
    %select_n3A_713 = arith.select %eq3A_708, %broadcast_in_dim3A_711, %broadcast_in_dim3A_712 : vector<128x8192xi1>, vector<128x8192xi32>
    %reduce_min3A_714 = arith.constant dense<2147483647> : vector<128xi32>
    %reduce_min3A_715 = vector.multi_reduction <minsi>, %select_n3A_713, %reduce_min3A_714 [1] : vector<128x8192xi32> to vector<128xi32>
    %broadcast_in_dim3A_716 = vector.shape_cast %reduce_min3A_715 : vector<128xi32> to vector<128x1xi32>
    %swap3A_717 = arith.constant 0 : index
    %swap3A_718 = arith.constant 31 : index
    %swap3A_719 = vector.load %arg3[%swap3A_717, %swap3A_718] : memref<128x32xi32, #tpu.memory_space<vmem>>, vector<128x1xi32>
    tpu.vector_store %arg3[%swap3A_717, %swap3A_718], %broadcast_in_dim3A_716 {strides = array<i32>} : memref<128x32xi32, #tpu.memory_space<vmem>>, vector<128x1xi32>,
    return
  }
  func.func @transform_0(%arg0: i32) -> (i32, i32) {
    %c0_i32 = arith.constant 0 : i32
    %c0_i32_0 = arith.constant 0 : i32
    return %arg0, %c0_i32 : i32, i32
  }
  func.func @transform_1(%arg0: i32) -> (i32, i32) {
    %c0_i32 = arith.constant 0 : i32
    %c0_i32_0 = arith.constant 0 : i32
    %c0_i32_1 = arith.constant 0 : i32
    return %c0_i32, %c0_i32_0 : i32, i32
  }
  func.func @transform_2(%arg0: i32) -> (i32, i32) {
    %c0_i32 = arith.constant 0 : i32
    %c0_i32_0 = arith.constant 0 : i32
    return %arg0, %c0_i32 : i32, i32
  }
}

module attributes {stable_mosaic.version = 14 : i64} {
  func.func @_embed_kernel(%arg0: i32, %arg1: memref<128x32xf32, #tpu.memory_space<vmem>>, %arg2: memref<128x32xf32, #tpu.memory_space<vmem>>, %arg3: memref<128x32xf32, #tpu.memory_space<vmem>>, %arg4: memref<128x3xf32, #tpu.memory_space<vmem>>, %arg5: memref<128x9xf32, #tpu.memory_space<vmem>>, %arg6: memref<32x2048xf32, #tpu.memory_space<vmem>>, %arg7: memref<1x2048xf32, #tpu.memory_space<vmem>>, %arg8: memref<1x2048xf32, #tpu.memory_space<vmem>>, %arg9: memref<3x192xf32, #tpu.memory_space<vmem>>, %arg10: memref<1x192xf32, #tpu.memory_space<vmem>>, %arg11: memref<1x192xf32, #tpu.memory_space<vmem>>, %arg12: memref<128x32xf32, #tpu.memory_space<vmem>>, %arg13: memref<128x32xf32, #tpu.memory_space<vmem>>, %arg14: memref<128x32xf32, #tpu.memory_space<vmem>>, %arg15: memref<128x2048xf32, #tpu.memory_space<vmem>>, %arg16: memref<128x192xf32, #tpu.memory_space<vmem>>) attributes {dimension_semantics = [#tpu.dimension_semantics<parallel>], iteration_bounds = array<i64: 64>, scalar_prefetch = 0 : i64, scratch_operands = 0 : i64, tpu.core_type = #tpu.core_type<tc>, window_params = [{transform_indices = @transform_0, window_bounds = array<i64: 128, 32>}, {transform_indices = @transform_1, window_bounds = array<i64: 128, 32>}, {transform_indices = @transform_2, window_bounds = array<i64: 128, 32>}, {transform_indices = @transform_3, window_bounds = array<i64: 128, 3>}, {transform_indices = @transform_4, window_bounds = array<i64: 128, 9>}, {pipeline_mode = #tpu.pipeline_mode<synchronous>, transform_indices = @transform_5, window_bounds = array<i64: 32, 2048>}, {pipeline_mode = #tpu.pipeline_mode<synchronous>, transform_indices = @transform_6, window_bounds = array<i64: 1, 2048>}, {pipeline_mode = #tpu.pipeline_mode<synchronous>, transform_indices = @transform_7, window_bounds = array<i64: 1, 2048>}, {pipeline_mode = #tpu.pipeline_mode<synchronous>, transform_indices = @transform_8, window_bounds = array<i64: 3, 192>}, {pipeline_mode = #tpu.pipeline_mode<synchronous>, transform_indices = @transform_9, window_bounds = array<i64: 1, 192>}, {pipeline_mode = #tpu.pipeline_mode<synchronous>, transform_indices = @transform_10, window_bounds = array<i64: 1, 192>}, {transform_indices = @transform_11, window_bounds = array<i64: 128, 32>}, {transform_indices = @transform_12, window_bounds = array<i64: 128, 32>}, {transform_indices = @transform_13, window_bounds = array<i64: 128, 32>}, {transform_indices = @transform_14, window_bounds = array<i64: 128, 2048>}, {transform_indices = @transform_15, window_bounds = array<i64: 128, 192>}]} {
    %get3A = arith.constant 0 : index
    %get3A_0 = arith.constant 0 : index
    %get3A_1 = vector.load %arg4[%get3A, %get3A_0] : memref<128x3xf32, #tpu.memory_space<vmem>>, vector<128x3xf32>
    %get3A_2 = arith.constant 0 : index
    %get3A_3 = arith.constant 0 : index
    %get3A_4 = vector.load %arg5[%get3A_2, %get3A_3] : memref<128x9xf32, #tpu.memory_space<vmem>>, vector<128x9xf32>
    %get3A_5 = arith.constant 0 : index
    %get3A_6 = arith.constant 0 : index
    %get3A_7 = vector.load %arg1[%get3A_5, %get3A_6] : memref<128x32xf32, #tpu.memory_space<vmem>>, vector<128x32xf32>
    %slice3A = vector.extract_strided_slice %get3A_1 {offsets = [0, 0], sizes = [128, 1], strides = [1, 1]} : vector<128x3xf32> to vector<128x1xf32>
    %sub3A = vector.broadcast %slice3A : vector<128x1xf32> to vector<128x32xf32>
    %sub3A_8 = arith.subf %get3A_7, %sub3A : vector<128x32xf32>
    %get3A_9 = arith.constant 0 : index
    %get3A_10 = arith.constant 0 : index
    %get3A_11 = vector.load %arg2[%get3A_9, %get3A_10] : memref<128x32xf32, #tpu.memory_space<vmem>>, vector<128x32xf32>
    %slice3A_12 = vector.extract_strided_slice %get3A_1 {offsets = [0, 1], sizes = [128, 1], strides = [1, 1]} : vector<128x3xf32> to vector<128x1xf32>
    %sub3A_13 = vector.broadcast %slice3A_12 : vector<128x1xf32> to vector<128x32xf32>
    %sub3A_14 = arith.subf %get3A_11, %sub3A_13 : vector<128x32xf32>
    %get3A_15 = arith.constant 0 : index
    %get3A_16 = arith.constant 0 : index
    %get3A_17 = vector.load %arg3[%get3A_15, %get3A_16] : memref<128x32xf32, #tpu.memory_space<vmem>>, vector<128x32xf32>
    %slice3A_18 = vector.extract_strided_slice %get3A_1 {offsets = [0, 2], sizes = [128, 1], strides = [1, 1]} : vector<128x3xf32> to vector<128x1xf32>
    %sub3A_19 = vector.broadcast %slice3A_18 : vector<128x1xf32> to vector<128x32xf32>
    %sub3A_20 = arith.subf %get3A_17, %sub3A_19 : vector<128x32xf32>
    %slice3A_21 = vector.extract_strided_slice %get3A_4 {offsets = [0, 0], sizes = [128, 1], strides = [1, 1]} : vector<128x9xf32> to vector<128x1xf32>
    %mul3A = vector.broadcast %slice3A_21 : vector<128x1xf32> to vector<128x32xf32>
    %mul3A_22 = arith.mulf %mul3A, %sub3A_8 : vector<128x32xf32>
    %slice3A_23 = vector.extract_strided_slice %get3A_4 {offsets = [0, 3], sizes = [128, 1], strides = [1, 1]} : vector<128x9xf32> to vector<128x1xf32>
    %mul3A_24 = vector.broadcast %slice3A_23 : vector<128x1xf32> to vector<128x32xf32>
    %mul3A_25 = arith.mulf %mul3A_24, %sub3A_14 : vector<128x32xf32>
    %add3A = arith.addf %mul3A_22, %mul3A_25 : vector<128x32xf32>
    %slice3A_26 = vector.extract_strided_slice %get3A_4 {offsets = [0, 6], sizes = [128, 1], strides = [1, 1]} : vector<128x9xf32> to vector<128x1xf32>
    %mul3A_27 = vector.broadcast %slice3A_26 : vector<128x1xf32> to vector<128x32xf32>
    %mul3A_28 = arith.mulf %mul3A_27, %sub3A_20 : vector<128x32xf32>
    %add3A_29 = arith.addf %add3A, %mul3A_28 : vector<128x32xf32>
    %slice3A_30 = vector.extract_strided_slice %get3A_4 {offsets = [0, 1], sizes = [128, 1], strides = [1, 1]} : vector<128x9xf32> to vector<128x1xf32>
    %mul3A_31 = vector.broadcast %slice3A_30 : vector<128x1xf32> to vector<128x32xf32>
    %mul3A_32 = arith.mulf %mul3A_31, %sub3A_8 : vector<128x32xf32>
    %slice3A_33 = vector.extract_strided_slice %get3A_4 {offsets = [0, 4], sizes = [128, 1], strides = [1, 1]} : vector<128x9xf32> to vector<128x1xf32>
    %mul3A_34 = vector.broadcast %slice3A_33 : vector<128x1xf32> to vector<128x32xf32>
    %mul3A_35 = arith.mulf %mul3A_34, %sub3A_14 : vector<128x32xf32>
    %add3A_36 = arith.addf %mul3A_32, %mul3A_35 : vector<128x32xf32>
    %slice3A_37 = vector.extract_strided_slice %get3A_4 {offsets = [0, 7], sizes = [128, 1], strides = [1, 1]} : vector<128x9xf32> to vector<128x1xf32>
    %mul3A_38 = vector.broadcast %slice3A_37 : vector<128x1xf32> to vector<128x32xf32>
    %mul3A_39 = arith.mulf %mul3A_38, %sub3A_20 : vector<128x32xf32>
    %add3A_40 = arith.addf %add3A_36, %mul3A_39 : vector<128x32xf32>
    %slice3A_41 = vector.extract_strided_slice %get3A_4 {offsets = [0, 2], sizes = [128, 1], strides = [1, 1]} : vector<128x9xf32> to vector<128x1xf32>
    %mul3A_42 = vector.broadcast %slice3A_41 : vector<128x1xf32> to vector<128x32xf32>
    %mul3A_43 = arith.mulf %mul3A_42, %sub3A_8 : vector<128x32xf32>
    %slice3A_44 = vector.extract_strided_slice %get3A_4 {offsets = [0, 5], sizes = [128, 1], strides = [1, 1]} : vector<128x9xf32> to vector<128x1xf32>
    %mul3A_45 = vector.broadcast %slice3A_44 : vector<128x1xf32> to vector<128x32xf32>
    %mul3A_46 = arith.mulf %mul3A_45, %sub3A_14 : vector<128x32xf32>
    %add3A_47 = arith.addf %mul3A_43, %mul3A_46 : vector<128x32xf32>
    %slice3A_48 = vector.extract_strided_slice %get3A_4 {offsets = [0, 8], sizes = [128, 1], strides = [1, 1]} : vector<128x9xf32> to vector<128x1xf32>
    %mul3A_49 = vector.broadcast %slice3A_48 : vector<128x1xf32> to vector<128x32xf32>
    %mul3A_50 = arith.mulf %mul3A_49, %sub3A_20 : vector<128x32xf32>
    %add3A_51 = arith.addf %add3A_47, %mul3A_50 : vector<128x32xf32>
    %swap3A = arith.constant 0 : index
    %swap3A_52 = arith.constant 0 : index
    %swap3A_53 = vector.load %arg12[%swap3A, %swap3A_52] : memref<128x32xf32, #tpu.memory_space<vmem>>, vector<128x32xf32>
    tpu.vector_store %arg12[%swap3A, %swap3A_52], %add3A_29 {strides = array<i32>} : memref<128x32xf32, #tpu.memory_space<vmem>>, vector<128x32xf32>,
    %swap3A_54 = arith.constant 0 : index
    %swap3A_55 = arith.constant 0 : index
    %swap3A_56 = vector.load %arg13[%swap3A_54, %swap3A_55] : memref<128x32xf32, #tpu.memory_space<vmem>>, vector<128x32xf32>
    tpu.vector_store %arg13[%swap3A_54, %swap3A_55], %add3A_40 {strides = array<i32>} : memref<128x32xf32, #tpu.memory_space<vmem>>, vector<128x32xf32>,
    %swap3A_57 = arith.constant 0 : index
    %swap3A_58 = arith.constant 0 : index
    %swap3A_59 = vector.load %arg14[%swap3A_57, %swap3A_58] : memref<128x32xf32, #tpu.memory_space<vmem>>, vector<128x32xf32>
    tpu.vector_store %arg14[%swap3A_57, %swap3A_58], %add3A_51 {strides = array<i32>} : memref<128x32xf32, #tpu.memory_space<vmem>>, vector<128x32xf32>,
    %mul3A_60 = arith.mulf %add3A_29, %add3A_29 : vector<128x32xf32>
    %mul3A_61 = arith.mulf %add3A_40, %add3A_40 : vector<128x32xf32>
    %add3A_62 = arith.addf %mul3A_60, %mul3A_61 : vector<128x32xf32>
    %mul3A_63 = arith.mulf %add3A_51, %add3A_51 : vector<128x32xf32>
    %add3A_64 = arith.addf %add3A_62, %mul3A_63 : vector<128x32xf32>
    %sqrt3A = math.sqrt %add3A_64 : vector<128x32xf32>
    %get3A_65 = arith.constant 0 : index
    %get3A_66 = arith.constant 0 : index
    %get3A_67 = vector.load %arg6[%get3A_65, %get3A_66] : memref<32x2048xf32, #tpu.memory_space<vmem>>, vector<32x2048xf32>
    %dot_general3A = arith.constant dense<0.000000e+00> : vector<128x2048xf32>
    %dot_general3A_68 = tpu.matmul %sqrt3A, %get3A_67, %dot_general3A {dimension_numbers = #tpu.dot_dimension_numbers<[1], [0], [0], [1], [0, 0, 1, 1], [], []>, transpose_lhs_hint = false} : vector<128x32xf32>, vector<32x2048xf32>, vector<128x2048xf32> -> vector<128x2048xf32>
    %get3A_69 = arith.constant 0 : index
    %get3A_70 = arith.constant 0 : index
    %get3A_71 = vector.load %arg7[%get3A_69, %get3A_70] : memref<1x2048xf32, #tpu.memory_space<vmem>>, vector<1x2048xf32>
    %mul3A_72 = vector.broadcast %get3A_71 : vector<1x2048xf32> to vector<128x2048xf32>
    %mul3A_73 = arith.mulf %dot_general3A_68, %mul3A_72 : vector<128x2048xf32>
    %get3A_74 = arith.constant 0 : index
    %get3A_75 = arith.constant 0 : index
    %get3A_76 = vector.load %arg8[%get3A_74, %get3A_75] : memref<1x2048xf32, #tpu.memory_space<vmem>>, vector<1x2048xf32>
    %add3A_77 = vector.broadcast %get3A_76 : vector<1x2048xf32> to vector<128x2048xf32>
    %add3A_78 = arith.addf %mul3A_73, %add3A_77 : vector<128x2048xf32>
    %sin3A = math.sin %add3A_78 : vector<128x2048xf32>
    %swap3A_79 = arith.constant 0 : index
    %swap3A_80 = arith.constant 0 : index
    %swap3A_81 = vector.load %arg15[%swap3A_79, %swap3A_80] : memref<128x2048xf32, #tpu.memory_space<vmem>>, vector<128x2048xf32>
    tpu.vector_store %arg15[%swap3A_79, %swap3A_80], %sin3A {strides = array<i32>} : memref<128x2048xf32, #tpu.memory_space<vmem>>, vector<128x2048xf32>,
    %get3A_82 = arith.constant 0 : index
    %get3A_83 = arith.constant 0 : index
    %get3A_84 = vector.load %arg9[%get3A_82, %get3A_83] : memref<3x192xf32, #tpu.memory_space<vmem>>, vector<3x192xf32>
    %dot_general3A_85 = arith.constant dense<0.000000e+00> : vector<128x192xf32>
    %dot_general3A_86 = tpu.matmul %get3A_1, %get3A_84, %dot_general3A_85 {dimension_numbers = #tpu.dot_dimension_numbers<[1], [0], [0], [1], [0, 0, 1, 1], [], []>, transpose_lhs_hint = false} : vector<128x3xf32>, vector<3x192xf32>, vector<128x192xf32> -> vector<128x192xf32>
    %get3A_87 = arith.constant 0 : index
    %get3A_88 = arith.constant 0 : index
    %get3A_89 = vector.load %arg10[%get3A_87, %get3A_88] : memref<1x192xf32, #tpu.memory_space<vmem>>, vector<1x192xf32>
    %mul3A_90 = vector.broadcast %get3A_89 : vector<1x192xf32> to vector<128x192xf32>
    %mul3A_91 = arith.mulf %dot_general3A_86, %mul3A_90 : vector<128x192xf32>
    %get3A_92 = arith.constant 0 : index
    %get3A_93 = arith.constant 0 : index
    %get3A_94 = vector.load %arg11[%get3A_92, %get3A_93] : memref<1x192xf32, #tpu.memory_space<vmem>>, vector<1x192xf32>
    %add3A_95 = vector.broadcast %get3A_94 : vector<1x192xf32> to vector<128x192xf32>
    %add3A_96 = arith.addf %mul3A_91, %add3A_95 : vector<128x192xf32>
    %sin3A_97 = math.sin %add3A_96 : vector<128x192xf32>
    %swap3A_98 = arith.constant 0 : index
    %swap3A_99 = arith.constant 0 : index
    %swap3A_100 = vector.load %arg16[%swap3A_98, %swap3A_99] : memref<128x192xf32, #tpu.memory_space<vmem>>, vector<128x192xf32>
    tpu.vector_store %arg16[%swap3A_98, %swap3A_99], %sin3A_97 {strides = array<i32>} : memref<128x192xf32, #tpu.memory_space<vmem>>, vector<128x192xf32>,
    return
  }
  func.func @transform_0(%arg0: i32) -> (i32, i32) {
    %c0_i32 = arith.constant 0 : i32
    %c0_i32_0 = arith.constant 0 : i32
    return %arg0, %c0_i32 : i32, i32
  }
  func.func @transform_1(%arg0: i32) -> (i32, i32) {
    %c0_i32 = arith.constant 0 : i32
    %c0_i32_0 = arith.constant 0 : i32
    return %arg0, %c0_i32 : i32, i32
  }
  func.func @transform_2(%arg0: i32) -> (i32, i32) {
    %c0_i32 = arith.constant 0 : i32
    %c0_i32_0 = arith.constant 0 : i32
    return %arg0, %c0_i32 : i32, i32
  }
  func.func @transform_3(%arg0: i32) -> (i32, i32) {
    %c0_i32 = arith.constant 0 : i32
    %c0_i32_0 = arith.constant 0 : i32
    return %arg0, %c0_i32 : i32, i32
  }
  func.func @transform_4(%arg0: i32) -> (i32, i32) {
    %c0_i32 = arith.constant 0 : i32
    %c0_i32_0 = arith.constant 0 : i32
    return %arg0, %c0_i32 : i32, i32
  }
  func.func @transform_5(%arg0: i32) -> (i32, i32) {
    %c0_i32 = arith.constant 0 : i32
    %c0_i32_0 = arith.constant 0 : i32
    %c0_i32_1 = arith.constant 0 : i32
    return %c0_i32, %c0_i32_0 : i32, i32
  }
  func.func @transform_6(%arg0: i32) -> (i32, i32) {
    %c0_i32 = arith.constant 0 : i32
    %c0_i32_0 = arith.constant 0 : i32
    %c0_i32_1 = arith.constant 0 : i32
    return %c0_i32, %c0_i32_0 : i32, i32
  }
  func.func @transform_7(%arg0: i32) -> (i32, i32) {
    %c0_i32 = arith.constant 0 : i32
    %c0_i32_0 = arith.constant 0 : i32
    %c0_i32_1 = arith.constant 0 : i32
    return %c0_i32, %c0_i32_0 : i32, i32
  }
  func.func @transform_8(%arg0: i32) -> (i32, i32) {
    %c0_i32 = arith.constant 0 : i32
    %c0_i32_0 = arith.constant 0 : i32
    %c0_i32_1 = arith.constant 0 : i32
    return %c0_i32, %c0_i32_0 : i32, i32
  }
  func.func @transform_9(%arg0: i32) -> (i32, i32) {
    %c0_i32 = arith.constant 0 : i32
    %c0_i32_0 = arith.constant 0 : i32
    %c0_i32_1 = arith.constant 0 : i32
    return %c0_i32, %c0_i32_0 : i32, i32
  }
  func.func @transform_10(%arg0: i32) -> (i32, i32) {
    %c0_i32 = arith.constant 0 : i32
    %c0_i32_0 = arith.constant 0 : i32
    %c0_i32_1 = arith.constant 0 : i32
    return %c0_i32, %c0_i32_0 : i32, i32
  }
  func.func @transform_11(%arg0: i32) -> (i32, i32) {
    %c0_i32 = arith.constant 0 : i32
    %c0_i32_0 = arith.constant 0 : i32
    return %arg0, %c0_i32 : i32, i32
  }
  func.func @transform_12(%arg0: i32) -> (i32, i32) {
    %c0_i32 = arith.constant 0 : i32
    %c0_i32_0 = arith.constant 0 : i32
    return %arg0, %c0_i32 : i32, i32
  }
  func.func @transform_13(%arg0: i32) -> (i32, i32) {
    %c0_i32 = arith.constant 0 : i32
    %c0_i32_0 = arith.constant 0 : i32
    return %arg0, %c0_i32 : i32, i32
  }
  func.func @transform_14(%arg0: i32) -> (i32, i32) {
    %c0_i32 = arith.constant 0 : i32
    %c0_i32_0 = arith.constant 0 : i32
    return %arg0, %c0_i32 : i32, i32
  }
  func.func @transform_15(%arg0: i32) -> (i32, i32) {
    %c0_i32 = arith.constant 0 : i32
    %c0_i32_0 = arith.constant 0 : i32
    return %arg0, %c0_i32 : i32, i32
  }
}

</mosaic_0001>

<sc_bundles>
// kernel: kernel.5.cloned.1.call-start
scs
__scs_entry_jumppad:
0x0: {  	(pc) =	sbr.rel $0x88, $3  }
0x1: {  	(tag) =	ssettag $0x0;
	lr =	simm.s32 $0x1  }
0x2: {  	[smem:$0x3FA0] =	sst lr;
	_ =	strace $0xD0000000  }
0x3: {  	_ = 	snop  }
0x4: {  	_ = 	snop  }
0x5: {  	_ = 	snop  }
0x6: {  	_ = 	snop  }
0x7: {  	_ = 	snop  }
__scs_overlays_trampoline_lowered:
0x8: {  	[smem:$0x3FAF] =	sst s0  }
0x9: {  	[smem:$0x3FB0] =	sst s1  }
0xa: {  	[smem:$0x3FB1] =	sst s2  }
0xb: {  	[smem:$0x3FB2] =	sst s3  }
0xc: {  	[smem:$0x3FB3] =	sst s4  }
0xd: {  	[smem:$0x3FB4] =	sst s5  }
0xe: {  	[smem:$0x3FB5] =	sst s6  }
0xf: {  	[smem:$0x3FB6] =	sst s7  }
0x10: {  	[smem:$0x3FB7] =	sst s8  }
0x11: {  	[smem:$0x3FB8] =	sst s9;
	s0 =	simm.s32 @!p0 $0x0  }
0x12: {  	s1 =	sld [smem:$0x3F9E];
	s0 =	simm.s32 @p0 $0x1  }
0x13: {  	[smem:$0x3FB9] =	sst s0;
	s0 =	simm.s32 @!p1 $0x0  }
0x14: {  	s2 =	sld [smem:$0x3F9D];
	s0 =	simm.s32 @p1 $0x1  }
0x15: {  	[smem:$0x3FBA] =	sst s0;
	s0 =	simm.s32 @!p2 $0x0  }
0x16: {  	s3 =	sld [smem:$0x3FDB];
	s0 =	simm.s32 @p2 $0x1  }
0x17: {  	s4 =	simm.s32 $0x1BF5;
	[smem:$0x3FBC] =	sst s0  }
0x18: {  	s0 =	sld [smem:$0x3F9F];
	_ =	swait.ge [sflag:s4], $0x0  }
0x19: {  	s7 =	sld [smem:$0x3FA0]  }
0x1a: {  	s8 =	sadd.s32 $0xFFFFE003, lr  }
0x1b: {  	s9 =	sadd.s32 $0xFFFFFEF7, lr;
	s5 =	simm.s32 $0xFFFFFFFF;
	p2 =	slt.u32 s8, $0xFFFFF086  }
0x1c: {  	p1 =	slt.u32 s9, $0xF7A;
	s5 =	simm.s32 @!p2 $0x0  }
0x1d: {  	s5 =	simm.s32 @p1 $0x1;
	p0 =	seq.s32 s7, s2  }
0x1e: {  	s7 =	smul.u32 @!p0 $0xF7A, s2;
	p2 =	seq.s32 @!p0 s5, $0x0  }
0x1f: {  	s9 =	smul.u32 $0xF7A, s1;
	s8 =	simm.s32 @!p0 $0x1BF5;
	p2 =	por !p2, p0  }
0x20: {  	[sflag:s8] =	ssyncset.s32 @!p0 $0xFFFFF086;
	s6 =	sadd.s32 @!p0 s3, s7;
	s7 =	simm.s32 @!p0 $0x108  }
0x21: {  	s3 =	sadd.s32 s3, s9;
	s6 =	sadd.s32 @!p0 $0x88, s6;
	s7 =	simm.s32 @p2 $0x1082  }
0x22: {  	[simem:s7], [sflag:s8] =	dma.local @!p0 [hbm:s6], $0xF7A  }
0x23: {  	s9 =	sor.u32 $0xD0000000, s2;
	s6 =	simm.s32 $0x108;
	_ =	swait.ge @!p0 [sflag:s8], $0x0  }
0x24: {  	s3 =	sadd.s32 $0x88, s3;
	s6 =	simm.s32 @!p1 $0x1082;
	[sflag:s4] =	ssyncset.s32 $0xFFFFF086  }
0x25: {  	[simem:s6], [sflag:s4] =	dma.local [hbm:s3], $0xF7A  }
0x26: {  	[smem:$0x3FA0] =	sst s1;
	(tag) =	ssettag s2;
	_ =	strace s9  }
0x27: {  	s1 =	sld [smem:$0x3FB0]  }
0x28: {  	s2 =	sld [smem:$0x3FB1]  }
0x29: {  	s4 =	sld [smem:$0x3FB3]  }
0x2a: {  	p0 =	seq.s32 s5, $0x0;
	s5 =	sld [smem:$0x3FB4]  }
0x2b: {  	s6 =	sld [smem:$0x3FB5]  }
0x2c: {  	s7 =	sld [smem:$0x3FB6]  }
0x2d: {  	s3 =	simm.s32 $0x108;
	s8 =	sld [smem:$0x3FB7]  }
0x2e: {  	s3 =	simm.s32 @!p0 $0x1082;
	s9 =	sld [smem:$0x3FB8]  }
0x2f: {  	lr =	sadd.s32 s0, s3;
	s0 =	sld [smem:$0x3FAF]  }
0x30: {  	s3 =	sld [smem:$0x3FB2]  }
0x31: {  	[smem:$0x3FBB] =	sst s10  }
0x32: {  	s10 =	sld [smem:$0x3FB9];
	_ =	sdelay $0x3  }
0x33: {  	p0 =	seq.s32 s10, $0x1;
	s10 =	sld [smem:$0x3FBB];
	_ =	sdelay $0x3  }
0x34: {  	[smem:$0x3FBB] =	sst s10  }
0x35: {  	s10 =	sld [smem:$0x3FBA];
	_ =	sdelay $0x3  }
0x36: {  	p1 =	seq.s32 s10, $0x1;
	s10 =	sld [smem:$0x3FBB];
	_ =	sdelay $0x3  }
0x37: {  	[smem:$0x3FBB] =	sst s10  }
0x38: {  	s10 =	sld [smem:$0x3FBC]  }
0x39: {  	_ = 	snop;
	(pc) =	sbr.ind lr, $3  }
0x3a: {  	_ = 	snop  }
0x3b: {  	_ = 	snop  }
0x3c: {  	p2 =	seq.s32 s10, $0x1;
	s10 =	sld [smem:$0x3FBB]  }
0x3d: {  	_ =	shalt  }
0x3e: {  	_ =	shalt  }
0x3f: {  	_ =	shalt  }
0x40: {  	_ =	shalt  }
0x41: {  	_ =	shalt  }
0x42: {  	_ =	shalt  }
0x43: {  	_ =	shalt  }
0x44: {  	_ =	shalt  }
0x45: {  	_ =	shalt  }
0x46: {  	_ =	shalt  }
0x47: {  	_ =	shalt  }
0x48: {  	_ =	shalt  }
0x49: {  	_ =	shalt  }
0x4a: {  	_ =	shalt  }
0x4b: {  	_ =	shalt  }
0x4c: {  	_ =	shalt  }
0x4d: {  	_ =	shalt  }
0x4e: {  	_ =	shalt  }
0x4f: {  	_ =	shalt  }
0x50: {  	_ =	shalt  }
0x51: {  	_ =	shalt  }
0x52: {  	_ =	shalt  }
0x53: {  	_ =	shalt  }
0x54: {  	_ =	shalt  }
0x55: {  	_ =	shalt  }
0x56: {  	_ =	shalt  }
0x57: {  	_ =	shalt  }
0x58: {  	_ =	shalt  }
0x59: {  	_ =	shalt  }
0x5a: {  	_ =	shalt  }
0x5b: {  	_ =	shalt  }
0x5c: {  	_ =	shalt  }
0x5d: {  	_ =	shalt  }
0x5e: {  	_ =	shalt  }
0x5f: {  	_ =	shalt  }
0x60: {  	_ =	shalt  }
0x61: {  	_ =	shalt  }
0x62: {  	_ =	shalt  }
0x63: {  	_ =	shalt  }
0x64: {  	_ =	shalt  }
0x65: {  	_ =	shalt  }
0x66: {  	_ =	shalt  }
0x67: {  	_ =	shalt  }
0x68: {  	_ =	shalt  }
0x69: {  	_ =	shalt  }
0x6a: {  	_ =	shalt  }
0x6b: {  	_ =	shalt  }
0x6c: {  	_ =	shalt  }
0x6d: {  	_ =	shalt  }
0x6e: {  	_ =	shalt  }
0x6f: {  	_ =	shalt  }
0x70: {  	_ =	shalt  }
0x71: {  	_ =	shalt  }
0x72: {  	_ =	shalt  }
0x73: {  	_ =	shalt  }
0x74: {  	_ =	shalt  }
0x75: {  	_ =	shalt  }
0x76: {  	_ =	shalt  }
0x77: {  	_ =	shalt  }
0x78: {  	_ =	shalt  }
0x79: {  	_ =	shalt  }
0x7a: {  	_ =	shalt  }
0x7b: {  	_ =	shalt  }
0x7c: {  	_ =	shalt  }
0x7d: {  	_ =	shalt  }
0x7e: {  	_ =	shalt  }
0x7f: {  	_ =	shalt  }
0x80: {  	_ =	shalt  }
0x81: {  	_ =	shalt  }
0x82: {  	_ =	shalt  }
0x83: {  	_ =	shalt  }
0x84: {  	_ =	shalt  }
0x85: {  	_ =	shalt  }
0x86: {  	_ =	shalt  }
0x87: {  	_ =	shalt  }
.Lfunc_end0:
.L_simem_size_0:
called_computation_lowered:
.L_overlay_start_0:
0x88: {  	s2 =	sld [smem:$0x3FD9]  }
0x89: {  	s3 =	sld [smem:$0x3FFE];
	_ =	sdelay $0x1  }
0x8a: {  	s1 =	srdreg.scid  }
0x8b: {  	s0 =	sand.u32 $0x1, s1  }
0x8c: {  	s14 =	sshll.u32 s0, $0xA;
	s2 =	sadd.s32 s3, s2  }
0x8d: {  	s2 =	sadd.s32 s2, s14  }
0x8e: {  	[smem:$0x3FC7] =	sst s2  }
0x8f: {  	_ = 	snop  }
0x90: {  	s2 =	sld [smem:$0x3FD0];
	_ =	sdelay $0x2  }
0x91: {  	s15 =	simm.s32 $0xA;
	s4 =	simm.s32 $0x10  }
0x92: {  	[smem:s4], [sflag:s15] =	dma.local [hbm:s2], $0x1  }
0x93: {  	_ =	swait.eq [sflag:s15], $0x1  }
0x94: {  	[sflag:s15] =	ssyncset.done $0x0  }
0x95: {  	s16 =	sld [smem:$0x10];
	[sflag:s15] =	ssyncadd.s32 $0xFFFFFFFF  }
0x96: {  	s17 =	sld [smem:$0x12];
	(tm) =	ssettm $0x1  }
0x97: {  	s18 =	sld [smem:$0x3FFB];
	_ =	sdelay $0x3  }
0x98: {  	_ =	strace s18  }
0x99: {  	s4 =	sld [smem:$0x3FFC];
	_ =	sdelay $0x3  }
0x9a: {  	_ =	strace s4  }
0x9b: {  	s4 =	sld [smem:$0x3FFD];
	_ =	sdelay $0x3  }
0x9c: {  	_ =	strace s4  }
0x9d: {  	_ =	strace $0x8FFFFFFF  }
0x9e: {  	s19 =	sld [smem:$0x3FDB];
	_ =	sdelay $0x1  }
0x9f: {  	s5 =	simm.s32 $_scs_section_size  }
0xa0: {  	s6 =	simm.s32 $_size__tile_overlayer_lowered;
	s7 =	simm.s32 $_tile_overlayer_lowered  }
0xa1: {  	s22 =	simm.s32 $0x1BFF;
	s21 =	sshll.u32 s7, $0x1;
	s4 =	sadd.s32 s5, s19  }
0xa2: {  	s8 =	simm.s32 $0x0;
	s20 =	sshll.u32 s6, $0x1;
	s6 =	sadd.s32 s21, s4  }
0xa3: {  	[timem:s8], [sflag:s22] =	dma.local [hbm:s6], s20  }
0xa4: {  	_ =	swait.ge [sflag:s22], s20  }
0xa5: {  	s5 =	ssub.s32 $0x0, s20;
	[sflag:s22] =	ssyncset.done $0x0  }
0xa6: {  	[sflag:s22] =	ssyncadd.s32 s5;
	_ =	sdelay $0x1  }
0xa7: {  	s23 =	simm.s32 $0x1B8B  }
0xa8: {  	_ =	swait.ge [sflag:s23], $0x1  }
0xa9: {  	[sflag:s23] =	ssyncset.done $0x0  }
0xaa: {  	s25 =	simm.s32 $0x1B8E;
	s24 =	sld [smem:$0x3FFE];
	[sflag:s23] =	ssyncadd.s32 $0xFFFFFFFF  }
0xab: {  	s26 =	simm.s32 $execute0_lowered;
	[smem:$0x3FD2] =	sst s25  }
0xac: {  	s6 =	sshll.u32 s26, $0x1;
	_ =	strace $0x80000046;
	[dreg:$0x1] =	wrdreg $0xFFFFFFFF  }
0xad: {  	s28 =	simm.s32 $_size_execute0_lowered;
	s4 =	sadd.s32 s4, s6;
	[dreg:$0x0] =	wrdreg $0x0  }
0xae: {  	s6 =	sshll.u32 s28, $0x1;
	[dreg:$0x2] =	wrdreg s4  }
0xaf: {  	[dreg:$0x3] =	wrdreg s6  }
0xb0: {  	[dreg:$0x4] =	wrdreg $0xC0  }
0xb1: {  	_ =	task [dreg:s8], $0x5FFFF  }
0xb2: {  	[dreg:$0x1] =	wrdreg $0xFFFFFFFF  }
0xb3: {  	[dreg:$0x0] =	wrdreg $0x60  }
0xb4: {  	[dreg:$0x2] =	wrdreg s16  }
0xb5: {  	[dreg:$0x3] =	wrdreg s17  }
0xb6: {  	[dreg:$0x4] =	wrdreg s24  }
0xb7: {  	[dreg:$0x5] =	wrdreg $0x9  }
0xb8: {  	_ =	task.clear_ibuf [dreg:s8], $0x6FFFF;
	_ =	strace $0x90000046  }
0xb9: {  	s29 =	simm.s32 $0x9;
	_ =	strace $0x80000048  }
0xba: {  	_ =	swait.ge [sflag:s29], $0x1  }
0xbb: {  	[sflag:s29] =	ssyncadd.s32 $0xFFFFFFFF  }
0xbc: {  	_ =	strace $0x90000048  }
0xbd: {  	_ =	sfence  }
0xbe: {  	s30 =	sld [smem:$0x0];
	_ =	sdelay $0x2  }
0xbf: {  	s31 =	sshll.u32 s1, $0xD;
	s1 =	sshrl.u32 s1, $0x2  }
0xc0: {  	s3 =	sand.u32 $0x4000, s31;
	s1 =	sadd.s32 s1, s30  }
0xc1: {  	s0 =	sor.u32 s3, s0;
	s1 =	sshll.u32 s1, $0x11  }
0xc2: {  	s0 =	sor.u32 s1, s0  }
0xc3: {  	s0 =	sadd.s32 $0x8F2B, s0  }
0xc4: {  	[sflag:s0] =	ssyncadd.remote.s32 $0x1  }
0xc5: {  	_ =	sfence.sel $0xFFFF  }
0xc6: {  	[dreg:$0x0] =	wrdreg $0xFFFFFFFF;
	(pc) =	sbr.abs _section_cstart, $3  }
0xc7: {  	[dreg:$0x1] =	wrdreg $0xFFFFFFFF  }
0xc8: {  	_ =	task.clear_ibuf [dreg:s8], $0x2FFFF;
	_ =	strace $0x9FFFFFFF  }
0xc9: {  	(tm) =	ssettm $0x7FFFFFFF  }
tec
execute0_lowered:
.L_overlay_start_1:
0x0: {  	(tag) =	ssettag $0x1  }
0x1: {  	s2 =	rddreg [dreg:$0x0]  }
0x2: {  	s1 =	srdreg.scid;
	s3 =	stileid.u32  }
0x3: {  	s0 =	rddreg [dreg:$0x1];
	s1 =	sand.u32 $0x1, s1;
	s5 =	sshll.u32 s3, $0x1  }
0x4: {  	s4 =	rddreg [dreg:$0x2];
	s5 =	sor.u32 s1, s5  }
0x5: {  	s3 =	simm.s32 $0x0;
	s6 =	sshll.u32 s5, $0x11;
	s5 =	sshll.u32 s5, $0xA  }
0x6: {  	[smem:$0x7FF] =	sst s3;
	s4 =	sadd.s32 s6, s4;
	s0 =	sadd.s32 s0, s5  }
0x7: {  	_ =	strace $0x80000047;
	[dreg:$0x4] =	wrdreg s0;
	s12 =	sadd.s32 $0x25C00, s4  }
0x8: {  	s13 =	sadd.s32 $0x26400, s4;
	[dreg:$0x5] =	wrdreg s12  }
0x9: {  	s14 =	sadd.s32 $0x26C00, s4;
	[dreg:$0x6] =	wrdreg s13  }
0xa: {  	s15 =	sadd.s32 $0x27400, s4;
	[dreg:$0x7] =	wrdreg s14  }
0xb: {  	s16 =	sadd.s32 $0x27C00, s4;
	[dreg:$0x8] =	wrdreg s15  }
0xc: {  	s17 =	sadd.s32 $0x28400, s4;
	[dreg:$0x9] =	wrdreg s16  }
0xd: {  	s18 =	sadd.s32 $0x28C00, s4;
	[dreg:$0xa] =	wrdreg s17  }
0xe: {  	s19 =	sadd.s32 $0x29400, s4;
	[dreg:$0xb] =	wrdreg s18  }
0xf: {  	s20 =	sadd.s32 $0x29C00, s4;
	[dreg:$0xc] =	wrdreg s19  }
0x10: {  	s21 =	sadd.s32 $0x2A400, s4;
	[dreg:$0xd] =	wrdreg s20  }
0x11: {  	s22 =	sadd.s32 $0x2AC00, s4;
	[dreg:$0xe] =	wrdreg s21  }
0x12: {  	s23 =	sadd.s32 $0x2B400, s4;
	[dreg:$0xf] =	wrdreg s22  }
0x13: {  	s24 =	sadd.s32 $0x2BC00, s4;
	[dreg:$0x10] =	wrdreg s23  }
0x14: {  	s25 =	sadd.s32 $0x2C400, s4;
	[dreg:$0x11] =	wrdreg s24  }
0x15: {  	s26 =	sadd.s32 $0x2CC00, s4;
	[dreg:$0x12] =	wrdreg s25  }
0x16: {  	s5 =	sadd.s32 $0x2D400, s4;
	[dreg:$0x13] =	wrdreg s26  }
0x17: {  	s6 =	sadd.s32 $0x2DC00, s4;
	[dreg:$0x14] =	wrdreg s5  }
0x18: {  	s7 =	sadd.s32 $0x2E400, s4;
	[dreg:$0x15] =	wrdreg s6  }
0x19: {  	s8 =	sadd.s32 $0x2EC00, s4;
	[dreg:$0x16] =	wrdreg s7  }
0x1a: {  	s9 =	sadd.s32 $0x2F400, s4;
	[dreg:$0x17] =	wrdreg s8  }
0x1b: {  	s10 =	sadd.s32 $0x2FC00, s4;
	[dreg:$0x18] =	wrdreg s9  }
0x1c: {  	s11 =	sadd.s32 $0x30400, s4;
	[dreg:$0x19] =	wrdreg s10  }
0x1d: {  	[dreg:$0x1a] =	wrdreg s11  }
0x1e: {  	s12 =	sadd.s32 $0x30C00, s4;
	s0 =	rddreg [dreg:$0x4]  }
0x1f: {  	s13 =	sadd.s32 $0x31400, s4;
	[dreg:$0x1b] =	wrdreg s12  }
0x20: {  	s14 =	sadd.s32 $0x31C00, s4;
	[dreg:$0x1c] =	wrdreg s13  }
0x21: {  	s15 =	sadd.s32 $0x32400, s4;
	[dreg:$0x1d] =	wrdreg s14  }
0x22: {  	s16 =	sadd.s32 $0x32C00, s4;
	[dreg:$0x1e] =	wrdreg s15  }
0x23: {  	s17 =	sadd.s32 $0x33400, s4;
	[dreg:$0x1f] =	wrdreg s16  }
0x24: {  	s18 =	sadd.s32 $0x33C00, s4;
	[smem:$0x7B2] =	sst s17  }
0x25: {  	s19 =	sadd.s32 $0x34400, s4;
	[smem:$0x7B3] =	sst s18  }
0x26: {  	s20 =	sadd.s32 $0x34C00, s4;
	[smem:$0x7B4] =	sst s19  }
0x27: {  	s21 =	sadd.s32 $0x35400, s4;
	[smem:$0x7B5] =	sst s20  }
0x28: {  	s22 =	sadd.s32 $0x35C00, s4;
	[smem:$0x7B6] =	sst s21  }
0x29: {  	s23 =	sadd.s32 $0x36400, s4;
	[smem:$0x7B7] =	sst s22  }
0x2a: {  	s24 =	sadd.s32 $0x36C00, s4;
	[smem:$0x7B8] =	sst s23  }
0x2b: {  	s25 =	sadd.s32 $0x37400, s4;
	[smem:$0x7B9] =	sst s24  }
0x2c: {  	s26 =	sadd.s32 $0x37C00, s4;
	[smem:$0x7BA] =	sst s25  }
0x2d: {  	s5 =	sadd.s32 $0x38400, s4;
	[smem:$0x7BB] =	sst s26  }
0x2e: {  	s6 =	sadd.s32 $0x38C00, s4;
	[smem:$0x7BC] =	sst s5  }
0x2f: {  	s7 =	sadd.s32 $0x39400, s4;
	[smem:$0x7BD] =	sst s6  }
0x30: {  	s8 =	sadd.s32 $0x39C00, s4;
	[smem:$0x7BE] =	sst s7  }
0x31: {  	s9 =	sadd.s32 $0x3A400, s4;
	[smem:$0x7BF] =	sst s8  }
0x32: {  	s10 =	sadd.s32 $0x3AC00, s4;
	[smem:$0x7C0] =	sst s9  }
0x33: {  	s11 =	sadd.s32 $0x3B400, s4;
	[smem:$0x7C1] =	sst s10  }
0x34: {  	[smem:$0x7C2] =	sst s11;
	s12 =	sadd.s32 $0x3BC00, s4  }
0x35: {  	s13 =	sadd.s32 $0x3C400, s4;
	[smem:$0x7C3] =	sst s12  }
0x36: {  	s14 =	sadd.s32 $0x3CC00, s4;
	[smem:$0x7C4] =	sst s13  }
0x37: {  	s15 =	sadd.s32 $0x3D400, s4;
	[smem:$0x7C5] =	sst s14  }
0x38: {  	s16 =	sadd.s32 $0x3DC00, s4;
	[smem:$0x7C6] =	sst s15  }
0x39: {  	s17 =	sadd.s32 $0x3E400, s4;
	[smem:$0x7C7] =	sst s16  }
0x3a: {  	s18 =	sadd.s32 $0x3EC00, s4;
	[smem:$0x7C8] =	sst s17  }
0x3b: {  	s19 =	sadd.s32 $0x3F400, s4;
	[smem:$0x7C9] =	sst s18  }
0x3c: {  	s20 =	sadd.s32 $0x3FC00, s4;
	[smem:$0x7CA] =	sst s19  }
0x3d: {  	s21 =	sadd.s32 $0x40400, s4;
	[smem:$0x7CB] =	sst s20  }
0x3e: {  	s22 =	sadd.s32 $0x40C00, s4;
	[smem:$0x7CC] =	sst s21  }
0x3f: {  	s23 =	sadd.s32 $0x41400, s4;
	[smem:$0x7CD] =	sst s22  }
0x40: {  	s24 =	sadd.s32 $0x41C00, s4;
	[smem:$0x7CE] =	sst s23  }
0x41: {  	s25 =	sadd.s32 $0x42400, s4;
	[smem:$0x7CF] =	sst s24  }
0x42: {  	s26 =	sadd.s32 $0x42C00, s4;
	[smem:$0x7D0] =	sst s25  }
0x43: {  	s5 =	sadd.s32 $0x43400, s4;
	[smem:$0x7D1] =	sst s26  }
0x44: {  	s6 =	sadd.s32 $0x43C00, s4;
	[smem:$0x7D2] =	sst s5  }
0x45: {  	s7 =	sadd.s32 $0x44400, s4;
	[smem:$0x7D3] =	sst s6  }
0x46: {  	s8 =	sadd.s32 $0x44C00, s4;
	[smem:$0x7D4] =	sst s7  }
0x47: {  	s9 =	sadd.s32 $0x45400, s4;
	[smem:$0x7D5] =	sst s8  }
0x48: {  	s10 =	simm.s32 $0x100;
	[smem:$0x7D6] =	sst s9  }
0x49: {  	s11 =	simm.s32 $0x180;
	[smem:$0x7D7] =	sst s10  }
0x4a: {  	s4 =	simm.s32 $0x980;
	[smem:$0x7D8] =	sst s11  }
0x4b: {  	s12 =	simm.s32 $0x200;
	[smem:$0x7E8] =	sst s4  }
0x4c: {  	s13 =	simm.s32 $0x280;
	[smem:$0x7D9] =	sst s12  }
0x4d: {  	s14 =	simm.s32 $0x300;
	[smem:$0x7DA] =	sst s13  }
0x4e: {  	s15 =	simm.s32 $0x380;
	[smem:$0x7DB] =	sst s14  }
0x4f: {  	s16 =	simm.s32 $0x400;
	[smem:$0x7DC] =	sst s15  }
0x50: {  	s17 =	simm.s32 $0x480;
	[smem:$0x7DD] =	sst s16  }
0x51: {  	s18 =	simm.s32 $0x500;
	[smem:$0x7DE] =	sst s17  }
0x52: {  	s19 =	simm.s32 $0x580;
	[smem:$0x7DF] =	sst s18  }
0x53: {  	s20 =	simm.s32 $0x600;
	[smem:$0x7E0] =	sst s19  }
0x54: {  	s21 =	simm.s32 $0x680;
	[smem:$0x7E1] =	sst s20  }
0x55: {  	s22 =	simm.s32 $0x700;
	[smem:$0x7E2] =	sst s21  }
0x56: {  	s23 =	simm.s32 $0x780;
	[smem:$0x7E3] =	sst s22  }
0x57: {  	s24 =	simm.s32 $0x800;
	[smem:$0x7E4] =	sst s23  }
0x58: {  	s25 =	simm.s32 $0x880;
	[smem:$0x7E5] =	sst s24  }
0x59: {  	s26 =	simm.s32 $0x900;
	[smem:$0x7E6] =	sst s25  }
0x5a: {  	s5 =	simm.s32 $0xA00;
	[smem:$0x7E7] =	sst s26  }
0x5b: {  	s6 =	simm.s32 $0xA80;
	[smem:$0x7E9] =	sst s5  }
0x5c: {  	s7 =	simm.s32 $0xB00;
	[smem:$0x7EA] =	sst s6  }
0x5d: {  	s8 =	simm.s32 $0xB80;
	[smem:$0x7EB] =	sst s7  }
0x5e: {  	s9 =	simm.s32 $0xC00;
	[smem:$0x7EC] =	sst s8  }
0x5f: {  	s10 =	simm.s32 $0xC80;
	[smem:$0x7ED] =	sst s9  }
0x60: {  	s31 =	simm.s32 $0x1480;
	s11 =	simm.s32 $0xD00;
	[smem:$0x7EE] =	sst s10  }
0x61: {  	s30 =	simm.s32 $0x1500;
	[smem:$0x7EF] =	sst s11;
	s12 =	simm.s32 $0xD80  }
0x62: {  	s29 =	simm.s32 $0x1580;
	s13 =	simm.s32 $0xE00;
	[smem:$0x7F0] =	sst s12  }
0x63: {  	s28 =	simm.s32 $0x1600;
	s14 =	simm.s32 $0xE80;
	[smem:$0x7F1] =	sst s13  }
0x64: {  	p0 =	por $0x0, $0x0;
	s15 =	simm.s32 $0xF00;
	[smem:$0x7F2] =	sst s14  }
0x65: {  	s1 =	ssub.s32 $0x2, s1;
	s16 =	simm.s32 $0xF80;
	[smem:$0x7F3] =	sst s15  }
0x66: {  	s4 =	simm.s32 $0x2;
	s17 =	simm.s32 $0x1000;
	[smem:$0x7F4] =	sst s16  }
0x67: {  	s18 =	simm.s32 $0x1080;
	s19 =	simm.s32 $0x1100;
	[smem:$0x7F5] =	sst s17  }
0x68: {  	s20 =	simm.s32 $0x1180;
	s21 =	sshrl.u32 s1, $0x1;
	[smem:$0x7F6] =	sst s18  }
0x69: {  	s22 =	simm.s32 $0x1200;
	s23 =	simm.s32 $0x1280;
	[smem:$0x7F7] =	sst s19  }
0x6a: {  	s24 =	simm.s32 $0x1300;
	s25 =	simm.s32 $0x1380;
	[smem:$0x7F8] =	sst s20  }
0x6b: {  	s6 =	simm.s32 $0x80;
	s26 =	simm.s32 $0x1400;
	[smem:$0x7F9] =	sst s22  }
0x6c: {  	s5 =	simm.s32 $0x2000;
	s7 =	simm.s32 $0x1;
	[smem:$0x7FA] =	sst s23  }
0x6d: {  	s11 =	simm.s32 $0x1E00;
	s10 =	simm.s32 $0x1E80;
	[smem:$0x7FB] =	sst s24  }
0x6e: {  	s9 =	simm.s32 $0x1F00;
	s1 =	ssub.s32 s1, s21;
	[smem:$0x7FC] =	sst s25  }
0x6f: {  	s8 =	simm.s32 $0x1F80;
	[smem:$0x7FD] =	sst s26;
	s1 =	smax.u32 s1, $0x1  }
0x70: {  	s26 =	simm.s32 $0x1680;
	s25 =	simm.s32 $0x1700;
	p1 =	sne.s32 s1, $0x1  }
.Ltmp0:
0x71: {  	s24 =	simm.s32 $0x1780;
	s23 =	simm.s32 $0x1800;
	(pc) =	sbr.rel @!p1 .LBB2_3-.Ltmp0, $4  }
0x72: {  	s22 =	simm.s32 $0x1880;
	s21 =	simm.s32 $0x1900;
	s20 =	simm.s32 $0x1980  }
0x73: {  	s19 =	simm.s32 $0x1A00;
	s18 =	simm.s32 $0x1A80;
	s17 =	simm.s32 $0x1B00  }
0x74: {  	s16 =	simm.s32 $0x1B80;
	s15 =	simm.s32 $0x1C00;
	s14 =	simm.s32 $0x1C80  }
0x75: {  	s13 =	simm.s32 $0x1D00;
	s12 =	simm.s32 $0x1D80;
	s1 =	sadd.s32 $0xFFFFFFFF, s1  }
0x76: {  	[tilespmem:s3], [sflag:$0x2] =	stream.linear.gather [hbm4b:s0+s3], $0x2000, $0x38;
	[tilespmem:$0x6000] =	vst v63  }
0x77: {  	_ =	swait.ge [sflag:s4], $0x2000  }
0x78: {  	[sflag:s4] =	ssyncset.done $0x0  }
0x79: {  	[sflag:s4] =	ssyncadd.s32 $0xFFFFE000  }
0x7a: {  	[tilespmem:s5], [sflag:$0x1] =	stream.indirect.gather [hbm4b:s2+s6], $0x80, s3, s6, $0xb8;
	[tilespmem:$0x6000] =	vst v63  }
0x7b: {  	_ =	swait.ge [sflag:s7], $0x4000  }
0x7c: {  	[sflag:s7] =	ssyncset.done $0x0  }
0x7d: {  	s0 =	rddreg [dreg:$0x5];
	[sflag:s7] =	ssyncadd.s32 $0xFFFFC000  }
0x7e: {  	[hbm4b:s0+s3] =	stream.linear.scatter [tilespmem:s5], [sflag:$0x2], $0x4000, $0x38;
	[tilespmem:$0x6000] =	vst v63  }
0x7f: {  	_ =	swait.ge [sflag:s4], $0x4000  }
0x80: {  	[sflag:s4] =	ssyncset.done $0x0  }
0x81: {  	[sflag:s4] =	ssyncadd.s32 $0xFFFFC000  }
0x82: {  	[tilespmem:s5], [sflag:$0x1] =	stream.indirect.gather [hbm4b:s2+s6], $0x80, s6, s6, $0xb8;
	[tilespmem:$0x6000] =	vst v63  }
0x83: {  	_ =	swait.ge [sflag:s7], $0x4000  }
0x84: {  	[sflag:s7] =	ssyncset.done $0x0  }
0x85: {  	s0 =	rddreg [dreg:$0x6];
	[sflag:s7] =	ssyncadd.s32 $0xFFFFC000  }
0x86: {  	[hbm4b:s0+s3] =	stream.linear.scatter [tilespmem:s5], [sflag:$0x2], $0x4000, $0x38;
	[tilespmem:$0x6000] =	vst v63  }
0x87: {  	_ =	swait.ge [sflag:s4], $0x4000  }
0x88: {  	s0 =	sld [smem:$0x7D7]  }
0x89: {  	[sflag:s4] =	ssyncset.done $0x0  }
0x8a: {  	[sflag:s4] =	ssyncadd.s32 $0xFFFFC000  }
0x8b: {  	[tilespmem:s5], [sflag:$0x1] =	stream.indirect.gather [hbm4b:s2+s6], $0x80, s0, s6, $0xb8;
	[tilespmem:$0x6000] =	vst v63  }
0x8c: {  	_ =	swait.ge [sflag:s7], $0x4000  }
0x8d: {  	[sflag:s7] =	ssyncset.done $0x0  }
0x8e: {  	s0 =	rddreg [dreg:$0x7];
	[sflag:s7] =	ssyncadd.s32 $0xFFFFC000  }
0x8f: {  	[hbm4b:s0+s3] =	stream.linear.scatter [tilespmem:s5], [sflag:$0x2], $0x4000, $0x38;
	[tilespmem:$0x6000] =	vst v63  }
0x90: {  	_ =	swait.ge [sflag:s4], $0x4000  }
0x91: {  	s0 =	sld [smem:$0x7D8]  }
0x92: {  	[sflag:s4] =	ssyncset.done $0x0  }
0x93: {  	[sflag:s4] =	ssyncadd.s32 $0xFFFFC000  }
0x94: {  	[tilespmem:s5], [sflag:$0x1] =	stream.indirect.gather [hbm4b:s2+s6], $0x80, s0, s6, $0xb8;
	[tilespmem:$0x6000] =	vst v63  }
0x95: {  	_ =	swait.ge [sflag:s7], $0x4000  }
0x96: {  	[sflag:s7] =	ssyncset.done $0x0  }
0x97: {  	s0 =	rddreg [dreg:$0x8];
	[sflag:s7] =	ssyncadd.s32 $0xFFFFC000  }
0x98: {  	[hbm4b:s0+s3] =	stream.linear.scatter [tilespmem:s5], [sflag:$0x2], $0x4000, $0x38;
	[tilespmem:$0x6000] =	vst v63  }
0x99: {  	_ =	swait.ge [sflag:s4], $0x4000  }
0x9a: {  	s0 =	sld [smem:$0x7D9]  }
0x9b: {  	[sflag:s4] =	ssyncset.done $0x0  }
0x9c: {  	[sflag:s4] =	ssyncadd.s32 $0xFFFFC000  }
0x9d: {  	[tilespmem:s5], [sflag:$0x1] =	stream.indirect.gather [hbm4b:s2+s6], $0x80, s0, s6, $0xb8;
	[tilespmem:$0x6000] =	vst v63  }
0x9e: {  	_ =	swait.ge [sflag:s7], $0x4000  }
0x9f: {  	[sflag:s7] =	ssyncset.done $0x0  }
0xa0: {  	s0 =	rddreg [dreg:$0x9];
	[sflag:s7] =	ssyncadd.s32 $0xFFFFC000  }
0xa1: {  	[hbm4b:s0+s3] =	stream.linear.scatter [tilespmem:s5], [sflag:$0x2], $0x4000, $0x38;
	[tilespmem:$0x6000] =	vst v63  }
0xa2: {  	_ =	swait.ge [sflag:s4], $0x4000  }
0xa3: {  	s0 =	sld [smem:$0x7DA]  }
0xa4: {  	[sflag:s4] =	ssyncset.done $0x0  }
0xa5: {  	[sflag:s4] =	ssyncadd.s32 $0xFFFFC000  }
0xa6: {  	[tilespmem:s5], [sflag:$0x1] =	stream.indirect.gather [hbm4b:s2+s6], $0x80, s0, s6, $0xb8;
	[tilespmem:$0x6000] =	vst v63  }
0xa7: {  	_ =	swait.ge [sflag:s7], $0x4000  }
0xa8: {  	[sflag:s7] =	ssyncset.done $0x0  }
0xa9: {  	s0 =	rddreg [dreg:$0xa];
	[sflag:s7] =	ssyncadd.s32 $0xFFFFC000  }
0xaa: {  	[hbm4b:s0+s3] =	stream.linear.scatter [tilespmem:s5], [sflag:$0x2], $0x4000, $0x38;
	[tilespmem:$0x6000] =	vst v63  }
0xab: {  	_ =	swait.ge [sflag:s4], $0x4000  }
0xac: {  	s0 =	sld [smem:$0x7DB]  }
0xad: {  	[sflag:s4] =	ssyncset.done $0x0  }
0xae: {  	[sflag:s4] =	ssyncadd.s32 $0xFFFFC000  }
0xaf: {  	[tilespmem:s5], [sflag:$0x1] =	stream.indirect.gather [hbm4b:s2+s6], $0x80, s0, s6, $0xb8;
	[tilespmem:$0x6000] =	vst v63  }
0xb0: {  	_ =	swait.ge [sflag:s7], $0x4000  }
0xb1: {  	[sflag:s7] =	ssyncset.done $0x0  }
0xb2: {  	s0 =	rddreg [dreg:$0xb];
	[sflag:s7] =	ssyncadd.s32 $0xFFFFC000  }
0xb3: {  	[hbm4b:s0+s3] =	stream.linear.scatter [tilespmem:s5], [sflag:$0x2], $0x4000, $0x38;
	[tilespmem:$0x6000] =	vst v63  }
0xb4: {  	_ =	swait.ge [sflag:s4], $0x4000  }
0xb5: {  	s0 =	sld [smem:$0x7DC]  }
0xb6: {  	[sflag:s4] =	ssyncset.done $0x0  }
0xb7: {  	[sflag:s4] =	ssyncadd.s32 $0xFFFFC000  }
0xb8: {  	[tilespmem:s5], [sflag:$0x1] =	stream.indirect.gather [hbm4b:s2+s6], $0x80, s0, s6, $0xb8;
	[tilespmem:$0x6000] =	vst v63  }
0xb9: {  	_ =	swait.ge [sflag:s7], $0x4000  }
0xba: {  	[sflag:s7] =	ssyncset.done $0x0  }
0xbb: {  	s0 =	rddreg [dreg:$0xc];
	[sflag:s7] =	ssyncadd.s32 $0xFFFFC000  }
0xbc: {  	[hbm4b:s0+s3] =	stream.linear.scatter [tilespmem:s5], [sflag:$0x2], $0x4000, $0x38;
	[tilespmem:$0x6000] =	vst v63  }
0xbd: {  	_ =	swait.ge [sflag:s4], $0x4000  }
0xbe: {  	s0 =	sld [smem:$0x7DD]  }
0xbf: {  	[sflag:s4] =	ssyncset.done $0x0  }
0xc0: {  	[sflag:s4] =	ssyncadd.s32 $0xFFFFC000  }
0xc1: {  	[tilespmem:s5], [sflag:$0x1] =	stream.indirect.gather [hbm4b:s2+s6], $0x80, s0, s6, $0xb8;
	[tilespmem:$0x6000] =	vst v63  }
0xc2: {  	_ =	swait.ge [sflag:s7], $0x4000  }
0xc3: {  	[sflag:s7] =	ssyncset.done $0x0  }
0xc4: {  	s0 =	rddreg [dreg:$0xd];
	[sflag:s7] =	ssyncadd.s32 $0xFFFFC000  }
0xc5: {  	[hbm4b:s0+s3] =	stream.linear.scatter [tilespmem:s5], [sflag:$0x2], $0x4000, $0x38;
	[tilespmem:$0x6000] =	vst v63  }
0xc6: {  	_ =	swait.ge [sflag:s4], $0x4000  }
0xc7: {  	s0 =	sld [smem:$0x7DE]  }
0xc8: {  	[sflag:s4] =	ssyncset.done $0x0  }
0xc9: {  	[sflag:s4] =	ssyncadd.s32 $0xFFFFC000  }
0xca: {  	[tilespmem:s5], [sflag:$0x1] =	stream.indirect.gather [hbm4b:s2+s6], $0x80, s0, s6, $0xb8;
	[tilespmem:$0x6000] =	vst v63  }
0xcb: {  	_ =	swait.ge [sflag:s7], $0x4000  }
0xcc: {  	[sflag:s7] =	ssyncset.done $0x0  }
0xcd: {  	s0 =	rddreg [dreg:$0xe];
	[sflag:s7] =	ssyncadd.s32 $0xFFFFC000  }
0xce: {  	[hbm4b:s0+s3] =	stream.linear.scatter [tilespmem:s5], [sflag:$0x2], $0x4000, $0x38;
	[tilespmem:$0x6000] =	vst v63  }
0xcf: {  	_ =	swait.ge [sflag:s4], $0x4000  }
0xd0: {  	s0 =	sld [smem:$0x7DF]  }
0xd1: {  	[sflag:s4] =	ssyncset.done $0x0  }
0xd2: {  	[sflag:s4] =	ssyncadd.s32 $0xFFFFC000  }
0xd3: {  	[tilespmem:s5], [sflag:$0x1] =	stream.indirect.gather [hbm4b:s2+s6], $0x80, s0, s6, $0xb8;
	[tilespmem:$0x6000] =	vst v63  }
0xd4: {  	_ =	swait.ge [sflag:s7], $0x4000  }
0xd5: {  	[sflag:s7] =	ssyncset.done $0x0  }
0xd6: {  	s0 =	rddreg [dreg:$0xf];
	[sflag:s7] =	ssyncadd.s32 $0xFFFFC000  }
0xd7: {  	[hbm4b:s0+s3] =	stream.linear.scatter [tilespmem:s5], [sflag:$0x2], $0x4000, $0x38;
	[tilespmem:$0x6000] =	vst v63  }
0xd8: {  	_ =	swait.ge [sflag:s4], $0x4000  }
0xd9: {  	s0 =	sld [smem:$0x7E0]  }
0xda: {  	[sflag:s4] =	ssyncset.done $0x0  }
0xdb: {  	[sflag:s4] =	ssyncadd.s32 $0xFFFFC000  }
0xdc: {  	[tilespmem:s5], [sflag:$0x1] =	stream.indirect.gather [hbm4b:s2+s6], $0x80, s0, s6, $0xb8;
	[tilespmem:$0x6000] =	vst v63  }
0xdd: {  	_ =	swait.ge [sflag:s7], $0x4000  }
0xde: {  	[sflag:s7] =	ssyncset.done $0x0  }
0xdf: {  	s0 =	rddreg [dreg:$0x10];
	[sflag:s7] =	ssyncadd.s32 $0xFFFFC000  }
0xe0: {  	[hbm4b:s0+s3] =	stream.linear.scatter [tilespmem:s5], [sflag:$0x2], $0x4000, $0x38;
	[tilespmem:$0x6000] =	vst v63  }
0xe1: {  	_ =	swait.ge [sflag:s4], $0x4000  }
0xe2: {  	s0 =	sld [smem:$0x7E1]  }
0xe3: {  	[sflag:s4] =	ssyncset.done $0x0  }
0xe4: {  	[sflag:s4] =	ssyncadd.s32 $0xFFFFC000  }
0xe5: {  	[tilespmem:s5], [sflag:$0x1] =	stream.indirect.gather [hbm4b:s2+s6], $0x80, s0, s6, $0xb8;
	[tilespmem:$0x6000] =	vst v63  }
0xe6: {  	_ =	swait.ge [sflag:s7], $0x4000  }
0xe7: {  	[sflag:s7] =	ssyncset.done $0x0  }
0xe8: {  	s0 =	rddreg [dreg:$0x11];
	[sflag:s7] =	ssyncadd.s32 $0xFFFFC000  }
0xe9: {  	[hbm4b:s0+s3] =	stream.linear.scatter [tilespmem:s5], [sflag:$0x2], $0x4000, $0x38;
	[tilespmem:$0x6000] =	vst v63  }
0xea: {  	_ =	swait.ge [sflag:s4], $0x4000  }
0xeb: {  	s0 =	sld [smem:$0x7E2]  }
0xec: {  	[sflag:s4] =	ssyncset.done $0x0  }
0xed: {  	[sflag:s4] =	ssyncadd.s32 $0xFFFFC000  }
0xee: {  	[tilespmem:s5], [sflag:$0x1] =	stream.indirect.gather [hbm4b:s2+s6], $0x80, s0, s6, $0xb8;
	[tilespmem:$0x6000] =	vst v63  }
0xef: {  	_ =	swait.ge [sflag:s7], $0x4000  }
0xf0: {  	[sflag:s7] =	ssyncset.done $0x0  }
0xf1: {  	s0 =	rddreg [dreg:$0x12];
	[sflag:s7] =	ssyncadd.s32 $0xFFFFC000  }
0xf2: {  	[hbm4b:s0+s3] =	stream.linear.scatter [tilespmem:s5], [sflag:$0x2], $0x4000, $0x38;
	[tilespmem:$0x6000] =	vst v63  }
0xf3: {  	_ =	swait.ge [sflag:s4], $0x4000  }
0xf4: {  	s0 =	sld [smem:$0x7E3]  }
0xf5: {  	[sflag:s4] =	ssyncset.done $0x0  }
0xf6: {  	[sflag:s4] =	ssyncadd.s32 $0xFFFFC000  }
0xf7: {  	[tilespmem:s5], [sflag:$0x1] =	stream.indirect.gather [hbm4b:s2+s6], $0x80, s0, s6, $0xb8;
	[tilespmem:$0x6000] =	vst v63  }
0xf8: {  	_ =	swait.ge [sflag:s7], $0x4000  }
0xf9: {  	[sflag:s7] =	ssyncset.done $0x0  }
0xfa: {  	s0 =	rddreg [dreg:$0x13];
	[sflag:s7] =	ssyncadd.s32 $0xFFFFC000  }
0xfb: {  	[hbm4b:s0+s3] =	stream.linear.scatter [tilespmem:s5], [sflag:$0x2], $0x4000, $0x38;
	[tilespmem:$0x6000] =	vst v63  }
0xfc: {  	_ =	swait.ge [sflag:s4], $0x4000  }
0xfd: {  	s0 =	sld [smem:$0x7E4]  }
0xfe: {  	[sflag:s4] =	ssyncset.done $0x0  }
0xff: {  	[sflag:s4] =	ssyncadd.s32 $0xFFFFC000  }
0x100: {  	[tilespmem:s5], [sflag:$0x1] =	stream.indirect.gather [hbm4b:s2+s6], $0x80, s0, s6, $0xb8;
	[tilespmem:$0x6000] =	vst v63  }
0x101: {  	_ =	swait.ge [sflag:s7], $0x4000  }
0x102: {  	[sflag:s7] =	ssyncset.done $0x0  }
0x103: {  	s0 =	rddreg [dreg:$0x14];
	[sflag:s7] =	ssyncadd.s32 $0xFFFFC000  }
0x104: {  	[hbm4b:s0+s3] =	stream.linear.scatter [tilespmem:s5], [sflag:$0x2], $0x4000, $0x38;
	[tilespmem:$0x6000] =	vst v63  }
0x105: {  	_ =	swait.ge [sflag:s4], $0x4000  }
0x106: {  	s0 =	sld [smem:$0x7E5]  }
0x107: {  	[sflag:s4] =	ssyncset.done $0x0  }
0x108: {  	[sflag:s4] =	ssyncadd.s32 $0xFFFFC000  }
0x109: {  	[tilespmem:s5], [sflag:$0x1] =	stream.indirect.gather [hbm4b:s2+s6], $0x80, s0, s6, $0xb8;
	[tilespmem:$0x6000] =	vst v63  }
0x10a: {  	_ =	swait.ge [sflag:s7], $0x4000  }
0x10b: {  	[sflag:s7] =	ssyncset.done $0x0  }
0x10c: {  	s0 =	rddreg [dreg:$0x15];
	[sflag:s7] =	ssyncadd.s32 $0xFFFFC000  }
0x10d: {  	[hbm4b:s0+s3] =	stream.linear.scatter [tilespmem:s5], [sflag:$0x2], $0x4000, $0x38;
	[tilespmem:$0x6000] =	vst v63  }
0x10e: {  	_ =	swait.ge [sflag:s4], $0x4000  }
0x10f: {  	s0 =	sld [smem:$0x7E6]  }
0x110: {  	[sflag:s4] =	ssyncset.done $0x0  }
0x111: {  	[sflag:s4] =	ssyncadd.s32 $0xFFFFC000  }
0x112: {  	[tilespmem:s5], [sflag:$0x1] =	stream.indirect.gather [hbm4b:s2+s6], $0x80, s0, s6, $0xb8;
	[tilespmem:$0x6000] =	vst v63  }
0x113: {  	_ =	swait.ge [sflag:s7], $0x4000  }
0x114: {  	[sflag:s7] =	ssyncset.done $0x0  }
0x115: {  	s0 =	rddreg [dreg:$0x16];
	[sflag:s7] =	ssyncadd.s32 $0xFFFFC000  }
0x116: {  	[hbm4b:s0+s3] =	stream.linear.scatter [tilespmem:s5], [sflag:$0x2], $0x4000, $0x38;
	[tilespmem:$0x6000] =	vst v63  }
0x117: {  	_ =	swait.ge [sflag:s4], $0x4000  }
0x118: {  	s0 =	sld [smem:$0x7E7]  }
0x119: {  	[sflag:s4] =	ssyncset.done $0x0  }
0x11a: {  	[sflag:s4] =	ssyncadd.s32 $0xFFFFC000  }
0x11b: {  	[tilespmem:s5], [sflag:$0x1] =	stream.indirect.gather [hbm4b:s2+s6], $0x80, s0, s6, $0xb8;
	[tilespmem:$0x6000] =	vst v63  }
0x11c: {  	_ =	swait.ge [sflag:s7], $0x4000  }
0x11d: {  	[sflag:s7] =	ssyncset.done $0x0  }
0x11e: {  	s0 =	rddreg [dreg:$0x17];
	[sflag:s7] =	ssyncadd.s32 $0xFFFFC000  }
0x11f: {  	[hbm4b:s0+s3] =	stream.linear.scatter [tilespmem:s5], [sflag:$0x2], $0x4000, $0x38;
	[tilespmem:$0x6000] =	vst v63  }
0x120: {  	_ =	swait.ge [sflag:s4], $0x4000  }
0x121: {  	s0 =	sld [smem:$0x7E8]  }
0x122: {  	[sflag:s4] =	ssyncset.done $0x0  }
0x123: {  	[sflag:s4] =	ssyncadd.s32 $0xFFFFC000  }
0x124: {  	[tilespmem:s5], [sflag:$0x1] =	stream.indirect.gather [hbm4b:s2+s6], $0x80, s0, s6, $0xb8;
	[tilespmem:$0x6000] =	vst v63  }
0x125: {  	_ =	swait.ge [sflag:s7], $0x4000  }
0x126: {  	[sflag:s7] =	ssyncset.done $0x0  }
0x127: {  	s0 =	rddreg [dreg:$0x18];
	[sflag:s7] =	ssyncadd.s32 $0xFFFFC000  }
0x128: {  	[hbm4b:s0+s3] =	stream.linear.scatter [tilespmem:s5], [sflag:$0x2], $0x4000, $0x38;
	[tilespmem:$0x6000] =	vst v63  }
0x129: {  	_ =	swait.ge [sflag:s4], $0x4000  }
0x12a: {  	s0 =	sld [smem:$0x7E9]  }
0x12b: {  	[sflag:s4] =	ssyncset.done $0x0  }
0x12c: {  	[sflag:s4] =	ssyncadd.s32 $0xFFFFC000  }
0x12d: {  	[tilespmem:s5], [sflag:$0x1] =	stream.indirect.gather [hbm4b:s2+s6], $0x80, s0, s6, $0xb8;
	[tilespmem:$0x6000] =	vst v63  }
0x12e: {  	_ =	swait.ge [sflag:s7], $0x4000  }
0x12f: {  	[sflag:s7] =	ssyncset.done $0x0  }
0x130: {  	s0 =	rddreg [dreg:$0x19];
	[sflag:s7] =	ssyncadd.s32 $0xFFFFC000  }
0x131: {  	[hbm4b:s0+s3] =	stream.linear.scatter [tilespmem:s5], [sflag:$0x2], $0x4000, $0x38;
	[tilespmem:$0x6000] =	vst v63  }
0x132: {  	_ =	swait.ge [sflag:s4], $0x4000  }
0x133: {  	s0 =	sld [smem:$0x7EA]  }
0x134: {  	[sflag:s4] =	ssyncset.done $0x0  }
0x135: {  	[sflag:s4] =	ssyncadd.s32 $0xFFFFC000  }
0x136: {  	[tilespmem:s5], [sflag:$0x1] =	stream.indirect.gather [hbm4b:s2+s6], $0x80, s0, s6, $0xb8;
	[tilespmem:$0x6000] =	vst v63  }
0x137: {  	_ =	swait.ge [sflag:s7], $0x4000  }
0x138: {  	[sflag:s7] =	ssyncset.done $0x0  }
0x139: {  	s0 =	rddreg [dreg:$0x1a];
	[sflag:s7] =	ssyncadd.s32 $0xFFFFC000  }
0x13a: {  	[hbm4b:s0+s3] =	stream.linear.scatter [tilespmem:s5], [sflag:$0x2], $0x4000, $0x38;
	[tilespmem:$0x6000] =	vst v63  }
0x13b: {  	_ =	swait.ge [sflag:s4], $0x4000  }
0x13c: {  	s0 =	sld [smem:$0x7EB]  }
0x13d: {  	[sflag:s4] =	ssyncset.done $0x0  }
0x13e: {  	[sflag:s4] =	ssyncadd.s32 $0xFFFFC000  }
0x13f: {  	[tilespmem:s5], [sflag:$0x1] =	stream.indirect.gather [hbm4b:s2+s6], $0x80, s0, s6, $0xb8;
	[tilespmem:$0x6000] =	vst v63  }
0x140: {  	_ =	swait.ge [sflag:s7], $0x4000  }
0x141: {  	[sflag:s7] =	ssyncset.done $0x0  }
0x142: {  	s0 =	rddreg [dreg:$0x1b];
	[sflag:s7] =	ssyncadd.s32 $0xFFFFC000  }
0x143: {  	[hbm4b:s0+s3] =	stream.linear.scatter [tilespmem:s5], [sflag:$0x2], $0x4000, $0x38;
	[tilespmem:$0x6000] =	vst v63  }
0x144: {  	_ =	swait.ge [sflag:s4], $0x4000  }
0x145: {  	s0 =	sld [smem:$0x7EC]  }
0x146: {  	[sflag:s4] =	ssyncset.done $0x0  }
0x147: {  	[sflag:s4] =	ssyncadd.s32 $0xFFFFC000  }
0x148: {  	[tilespmem:s5], [sflag:$0x1] =	stream.indirect.gather [hbm4b:s2+s6], $0x80, s0, s6, $0xb8;
	[tilespmem:$0x6000] =	vst v63  }
0x149: {  	_ =	swait.ge [sflag:s7], $0x4000  }
0x14a: {  	[sflag:s7] =	ssyncset.done $0x0  }
0x14b: {  	s0 =	rddreg [dreg:$0x1c];
	[sflag:s7] =	ssyncadd.s32 $0xFFFFC000  }
0x14c: {  	[hbm4b:s0+s3] =	stream.linear.scatter [tilespmem:s5], [sflag:$0x2], $0x4000, $0x38;
	[tilespmem:$0x6000] =	vst v63  }
0x14d: {  	_ =	swait.ge [sflag:s4], $0x4000  }
0x14e: {  	s0 =	sld [smem:$0x7ED]  }
0x14f: {  	[sflag:s4] =	ssyncset.done $0x0  }
0x150: {  	[sflag:s4] =	ssyncadd.s32 $0xFFFFC000  }
0x151: {  	[tilespmem:s5], [sflag:$0x1] =	stream.indirect.gather [hbm4b:s2+s6], $0x80, s0, s6, $0xb8;
	[tilespmem:$0x6000] =	vst v63  }
0x152: {  	_ =	swait.ge [sflag:s7], $0x4000  }
0x153: {  	[sflag:s7] =	ssyncset.done $0x0  }
0x154: {  	s0 =	rddreg [dreg:$0x1d];
	[sflag:s7] =	ssyncadd.s32 $0xFFFFC000  }
0x155: {  	[hbm4b:s0+s3] =	stream.linear.scatter [tilespmem:s5], [sflag:$0x2], $0x4000, $0x38;
	[tilespmem:$0x6000] =	vst v63  }
0x156: {  	_ =	swait.ge [sflag:s4], $0x4000  }
0x157: {  	s0 =	sld [smem:$0x7EE]  }
0x158: {  	[sflag:s4] =	ssyncset.done $0x0  }
0x159: {  	[sflag:s4] =	ssyncadd.s32 $0xFFFFC000  }
0x15a: {  	[tilespmem:s5], [sflag:$0x1] =	stream.indirect.gather [hbm4b:s2+s6], $0x80, s0, s6, $0xb8;
	[tilespmem:$0x6000] =	vst v63  }
0x15b: {  	_ =	swait.ge [sflag:s7], $0x4000  }
0x15c: {  	[sflag:s7] =	ssyncset.done $0x0  }
0x15d: {  	s0 =	rddreg [dreg:$0x1e];
	[sflag:s7] =	ssyncadd.s32 $0xFFFFC000  }
0x15e: {  	[hbm4b:s0+s3] =	stream.linear.scatter [tilespmem:s5], [sflag:$0x2], $0x4000, $0x38;
	[tilespmem:$0x6000] =	vst v63  }
0x15f: {  	_ =	swait.ge [sflag:s4], $0x4000  }
0x160: {  	s0 =	sld [smem:$0x7EF]  }
0x161: {  	[sflag:s4] =	ssyncset.done $0x0  }
0x162: {  	[sflag:s4] =	ssyncadd.s32 $0xFFFFC000  }
0x163: {  	[tilespmem:s5], [sflag:$0x1] =	stream.indirect.gather [hbm4b:s2+s6], $0x80, s0, s6, $0xb8;
	[tilespmem:$0x6000] =	vst v63  }
0x164: {  	_ =	swait.ge [sflag:s7], $0x4000  }
0x165: {  	[sflag:s7] =	ssyncset.done $0x0  }
0x166: {  	s0 =	rddreg [dreg:$0x1f];
	[sflag:s7] =	ssyncadd.s32 $0xFFFFC000  }
0x167: {  	[hbm4b:s0+s3] =	stream.linear.scatter [tilespmem:s5], [sflag:$0x2], $0x4000, $0x38;
	[tilespmem:$0x6000] =	vst v63  }
0x168: {  	_ =	swait.ge [sflag:s4], $0x4000  }
0x169: {  	s0 =	sld [smem:$0x7F0]  }
0x16a: {  	[sflag:s4] =	ssyncset.done $0x0  }
0x16b: {  	[sflag:s4] =	ssyncadd.s32 $0xFFFFC000  }
0x16c: {  	[tilespmem:s5], [sflag:$0x1] =	stream.indirect.gather [hbm4b:s2+s6], $0x80, s0, s6, $0xb8;
	[tilespmem:$0x6000] =	vst v63  }
0x16d: {  	_ =	swait.ge [sflag:s7], $0x4000  }
0x16e: {  	s0 =	sld [smem:$0x7B2]  }
0x16f: {  	[sflag:s7] =	ssyncset.done $0x0  }
0x170: {  	[sflag:s7] =	ssyncadd.s32 $0xFFFFC000  }
0x171: {  	[hbm4b:s0+s3] =	stream.linear.scatter [tilespmem:s5], [sflag:$0x2], $0x4000, $0x38;
	[tilespmem:$0x6000] =	vst v63  }
0x172: {  	_ =	swait.ge [sflag:s4], $0x4000  }
0x173: {  	s0 =	sld [smem:$0x7F1]  }
0x174: {  	[sflag:s4] =	ssyncset.done $0x0  }
0x175: {  	[sflag:s4] =	ssyncadd.s32 $0xFFFFC000  }
0x176: {  	[tilespmem:s5], [sflag:$0x1] =	stream.indirect.gather [hbm4b:s2+s6], $0x80, s0, s6, $0xb8;
	[tilespmem:$0x6000] =	vst v63  }
0x177: {  	_ =	swait.ge [sflag:s7], $0x4000  }
0x178: {  	s0 =	sld [smem:$0x7B3]  }
0x179: {  	[sflag:s7] =	ssyncset.done $0x0  }
0x17a: {  	[sflag:s7] =	ssyncadd.s32 $0xFFFFC000  }
0x17b: {  	[hbm4b:s0+s3] =	stream.linear.scatter [tilespmem:s5], [sflag:$0x2], $0x4000, $0x38;
	[tilespmem:$0x6000] =	vst v63  }
0x17c: {  	_ =	swait.ge [sflag:s4], $0x4000  }
0x17d: {  	s0 =	sld [smem:$0x7F2]  }
0x17e: {  	[sflag:s4] =	ssyncset.done $0x0  }
0x17f: {  	[sflag:s4] =	ssyncadd.s32 $0xFFFFC000  }
0x180: {  	[tilespmem:s5], [sflag:$0x1] =	stream.indirect.gather [hbm4b:s2+s6], $0x80, s0, s6, $0xb8;
	[tilespmem:$0x6000] =	vst v63  }
0x181: {  	_ =	swait.ge [sflag:s7], $0x4000  }
0x182: {  	s0 =	sld [smem:$0x7B4]  }
0x183: {  	[sflag:s7] =	ssyncset.done $0x0  }
0x184: {  	[sflag:s7] =	ssyncadd.s32 $0xFFFFC000  }
0x185: {  	[hbm4b:s0+s3] =	stream.linear.scatter [tilespmem:s5], [sflag:$0x2], $0x4000, $0x38;
	[tilespmem:$0x6000] =	vst v63  }
0x186: {  	_ =	swait.ge [sflag:s4], $0x4000  }
0x187: {  	s0 =	sld [smem:$0x7F3]  }
0x188: {  	[sflag:s4] =	ssyncset.done $0x0  }
0x189: {  	[sflag:s4] =	ssyncadd.s32 $0xFFFFC000  }
0x18a: {  	[tilespmem:s5], [sflag:$0x1] =	stream.indirect.gather [hbm4b:s2+s6], $0x80, s0, s6, $0xb8;
	[tilespmem:$0x6000] =	vst v63  }
0x18b: {  	_ =	swait.ge [sflag:s7], $0x4000  }
0x18c: {  	s0 =	sld [smem:$0x7B5]  }
0x18d: {  	[sflag:s7] =	ssyncset.done $0x0  }
0x18e: {  	[sflag:s7] =	ssyncadd.s32 $0xFFFFC000  }
0x18f: {  	[hbm4b:s0+s3] =	stream.linear.scatter [tilespmem:s5], [sflag:$0x2], $0x4000, $0x38;
	[tilespmem:$0x6000] =	vst v63  }
0x190: {  	_ =	swait.ge [sflag:s4], $0x4000  }
0x191: {  	s0 =	sld [smem:$0x7F4]  }
0x192: {  	[sflag:s4] =	ssyncset.done $0x0  }
0x193: {  	[sflag:s4] =	ssyncadd.s32 $0xFFFFC000  }
0x194: {  	[tilespmem:s5], [sflag:$0x1] =	stream.indirect.gather [hbm4b:s2+s6], $0x80, s0, s6, $0xb8;
	[tilespmem:$0x6000] =	vst v63  }
0x195: {  	_ =	swait.ge [sflag:s7], $0x4000  }
0x196: {  	s0 =	sld [smem:$0x7B6]  }
0x197: {  	[sflag:s7] =	ssyncset.done $0x0  }
0x198: {  	[sflag:s7] =	ssyncadd.s32 $0xFFFFC000  }
0x199: {  	[hbm4b:s0+s3] =	stream.linear.scatter [tilespmem:s5], [sflag:$0x2], $0x4000, $0x38;
	[tilespmem:$0x6000] =	vst v63  }
0x19a: {  	_ =	swait.ge [sflag:s4], $0x4000  }
0x19b: {  	s0 =	sld [smem:$0x7F5]  }
0x19c: {  	[sflag:s4] =	ssyncset.done $0x0  }
0x19d: {  	[sflag:s4] =	ssyncadd.s32 $0xFFFFC000  }
0x19e: {  	[tilespmem:s5], [sflag:$0x1] =	stream.indirect.gather [hbm4b:s2+s6], $0x80, s0, s6, $0xb8;
	[tilespmem:$0x6000] =	vst v63  }
0x19f: {  	_ =	swait.ge [sflag:s7], $0x4000  }
0x1a0: {  	s0 =	sld [smem:$0x7B7]  }
0x1a1: {  	[sflag:s7] =	ssyncset.done $0x0  }
0x1a2: {  	[sflag:s7] =	ssyncadd.s32 $0xFFFFC000  }
0x1a3: {  	[hbm4b:s0+s3] =	stream.linear.scatter [tilespmem:s5], [sflag:$0x2], $0x4000, $0x38;
	[tilespmem:$0x6000] =	vst v63  }
0x1a4: {  	_ =	swait.ge [sflag:s4], $0x4000  }
0x1a5: {  	s0 =	sld [smem:$0x7F6]  }
0x1a6: {  	[sflag:s4] =	ssyncset.done $0x0  }
0x1a7: {  	[sflag:s4] =	ssyncadd.s32 $0xFFFFC000  }
0x1a8: {  	[tilespmem:s5], [sflag:$0x1] =	stream.indirect.gather [hbm4b:s2+s6], $0x80, s0, s6, $0xb8;
	[tilespmem:$0x6000] =	vst v63  }
0x1a9: {  	_ =	swait.ge [sflag:s7], $0x4000  }
0x1aa: {  	s0 =	sld [smem:$0x7B8]  }
0x1ab: {  	[sflag:s7] =	ssyncset.done $0x0  }
0x1ac: {  	[sflag:s7] =	ssyncadd.s32 $0xFFFFC000  }
0x1ad: {  	[hbm4b:s0+s3] =	stream.linear.scatter [tilespmem:s5], [sflag:$0x2], $0x4000, $0x38;
	[tilespmem:$0x6000] =	vst v63  }
0x1ae: {  	_ =	swait.ge [sflag:s4], $0x4000  }
0x1af: {  	s0 =	sld [smem:$0x7F7]  }
0x1b0: {  	[sflag:s4] =	ssyncset.done $0x0  }
0x1b1: {  	[sflag:s4] =	ssyncadd.s32 $0xFFFFC000  }
0x1b2: {  	[tilespmem:s5], [sflag:$0x1] =	stream.indirect.gather [hbm4b:s2+s6], $0x80, s0, s6, $0xb8;
	[tilespmem:$0x6000] =	vst v63  }
0x1b3: {  	_ =	swait.ge [sflag:s7], $0x4000  }
0x1b4: {  	s0 =	sld [smem:$0x7B9]  }
0x1b5: {  	[sflag:s7] =	ssyncset.done $0x0  }
0x1b6: {  	[sflag:s7] =	ssyncadd.s32 $0xFFFFC000  }
0x1b7: {  	[hbm4b:s0+s3] =	stream.linear.scatter [tilespmem:s5], [sflag:$0x2], $0x4000, $0x38;
	[tilespmem:$0x6000] =	vst v63  }
0x1b8: {  	_ =	swait.ge [sflag:s4], $0x4000  }
0x1b9: {  	s0 =	sld [smem:$0x7F8]  }
0x1ba: {  	[sflag:s4] =	ssyncset.done $0x0  }
0x1bb: {  	[sflag:s4] =	ssyncadd.s32 $0xFFFFC000  }
0x1bc: {  	[tilespmem:s5], [sflag:$0x1] =	stream.indirect.gather [hbm4b:s2+s6], $0x80, s0, s6, $0xb8;
	[tilespmem:$0x6000] =	vst v63  }
0x1bd: {  	_ =	swait.ge [sflag:s7], $0x4000  }
0x1be: {  	s0 =	sld [smem:$0x7BA]  }
0x1bf: {  	[sflag:s7] =	ssyncset.done $0x0  }
0x1c0: {  	[sflag:s7] =	ssyncadd.s32 $0xFFFFC000  }
0x1c1: {  	[hbm4b:s0+s3] =	stream.linear.scatter [tilespmem:s5], [sflag:$0x2], $0x4000, $0x38;
	[tilespmem:$0x6000] =	vst v63  }
0x1c2: {  	_ =	swait.ge [sflag:s4], $0x4000  }
0x1c3: {  	s0 =	sld [smem:$0x7F9]  }
0x1c4: {  	[sflag:s4] =	ssyncset.done $0x0  }
0x1c5: {  	[sflag:s4] =	ssyncadd.s32 $0xFFFFC000  }
0x1c6: {  	[tilespmem:s5], [sflag:$0x1] =	stream.indirect.gather [hbm4b:s2+s6], $0x80, s0, s6, $0xb8;
	[tilespmem:$0x6000] =	vst v63  }
0x1c7: {  	_ =	swait.ge [sflag:s7], $0x4000  }
0x1c8: {  	s0 =	sld [smem:$0x7BB]  }
0x1c9: {  	[sflag:s7] =	ssyncset.done $0x0  }
0x1ca: {  	[sflag:s7] =	ssyncadd.s32 $0xFFFFC000  }
0x1cb: {  	[hbm4b:s0+s3] =	stream.linear.scatter [tilespmem:s5], [sflag:$0x2], $0x4000, $0x38;
	[tilespmem:$0x6000] =	vst v63  }
0x1cc: {  	_ =	swait.ge [sflag:s4], $0x4000  }
0x1cd: {  	s0 =	sld [smem:$0x7FA]  }
0x1ce: {  	[sflag:s4] =	ssyncset.done $0x0  }
0x1cf: {  	[sflag:s4] =	ssyncadd.s32 $0xFFFFC000  }
0x1d0: {  	[tilespmem:s5], [sflag:$0x1] =	stream.indirect.gather [hbm4b:s2+s6], $0x80, s0, s6, $0xb8;
	[tilespmem:$0x6000] =	vst v63  }
0x1d1: {  	_ =	swait.ge [sflag:s7], $0x4000  }
0x1d2: {  	s0 =	sld [smem:$0x7BC]  }
0x1d3: {  	[sflag:s7] =	ssyncset.done $0x0  }
0x1d4: {  	[sflag:s7] =	ssyncadd.s32 $0xFFFFC000  }
0x1d5: {  	[hbm4b:s0+s3] =	stream.linear.scatter [tilespmem:s5], [sflag:$0x2], $0x4000, $0x38;
	[tilespmem:$0x6000] =	vst v63  }
0x1d6: {  	_ =	swait.ge [sflag:s4], $0x4000  }
0x1d7: {  	s0 =	sld [smem:$0x7FB]  }
0x1d8: {  	[sflag:s4] =	ssyncset.done $0x0  }
0x1d9: {  	[sflag:s4] =	ssyncadd.s32 $0xFFFFC000  }
0x1da: {  	[tilespmem:s5], [sflag:$0x1] =	stream.indirect.gather [hbm4b:s2+s6], $0x80, s0, s6, $0xb8;
	[tilespmem:$0x6000] =	vst v63  }
0x1db: {  	_ =	swait.ge [sflag:s7], $0x4000  }
0x1dc: {  	s0 =	sld [smem:$0x7BD]  }
0x1dd: {  	[sflag:s7] =	ssyncset.done $0x0  }
0x1de: {  	[sflag:s7] =	ssyncadd.s32 $0xFFFFC000  }
0x1df: {  	[hbm4b:s0+s3] =	stream.linear.scatter [tilespmem:s5], [sflag:$0x2], $0x4000, $0x38;
	[tilespmem:$0x6000] =	vst v63  }
0x1e0: {  	_ =	swait.ge [sflag:s4], $0x4000  }
0x1e1: {  	s0 =	sld [smem:$0x7FC]  }
0x1e2: {  	[sflag:s4] =	ssyncset.done $0x0  }
0x1e3: {  	[sflag:s4] =	ssyncadd.s32 $0xFFFFC000  }
0x1e4: {  	[tilespmem:s5], [sflag:$0x1] =	stream.indirect.gather [hbm4b:s2+s6], $0x80, s0, s6, $0xb8;
	[tilespmem:$0x6000] =	vst v63  }
0x1e5: {  	_ =	swait.ge [sflag:s7], $0x4000  }
0x1e6: {  	s0 =	sld [smem:$0x7BE]  }
0x1e7: {  	[sflag:s7] =	ssyncset.done $0x0  }
0x1e8: {  	[sflag:s7] =	ssyncadd.s32 $0xFFFFC000  }
0x1e9: {  	[hbm4b:s0+s3] =	stream.linear.scatter [tilespmem:s5], [sflag:$0x2], $0x4000, $0x38;
	[tilespmem:$0x6000] =	vst v63  }
0x1ea: {  	_ =	swait.ge [sflag:s4], $0x4000  }
0x1eb: {  	s0 =	sld [smem:$0x7FD]  }
0x1ec: {  	[sflag:s4] =	ssyncset.done $0x0  }
0x1ed: {  	[sflag:s4] =	ssyncadd.s32 $0xFFFFC000  }
0x1ee: {  	[tilespmem:s5], [sflag:$0x1] =	stream.indirect.gather [hbm4b:s2+s6], $0x80, s0, s6, $0xb8;
	[tilespmem:$0x6000] =	vst v63  }
0x1ef: {  	_ =	swait.ge [sflag:s7], $0x4000  }
0x1f0: {  	s0 =	sld [smem:$0x7BF]  }
0x1f1: {  	[sflag:s7] =	ssyncset.done $0x0  }
0x1f2: {  	[sflag:s7] =	ssyncadd.s32 $0xFFFFC000  }
0x1f3: {  	[hbm4b:s0+s3] =	stream.linear.scatter [tilespmem:s5], [sflag:$0x2], $0x4000, $0x38;
	[tilespmem:$0x6000] =	vst v63  }
0x1f4: {  	_ =	swait.ge [sflag:s4], $0x4000  }
0x1f5: {  	[sflag:s4] =	ssyncset.done $0x0  }
0x1f6: {  	[sflag:s4] =	ssyncadd.s32 $0xFFFFC000  }
0x1f7: {  	[tilespmem:s5], [sflag:$0x1] =	stream.indirect.gather [hbm4b:s2+s6], $0x80, s31, s6, $0xb8;
	[tilespmem:$0x6000] =	vst v63  }
0x1f8: {  	_ =	swait.ge [sflag:s7], $0x4000  }
0x1f9: {  	s0 =	sld [smem:$0x7C0]  }
0x1fa: {  	[sflag:s7] =	ssyncset.done $0x0  }
0x1fb: {  	[sflag:s7] =	ssyncadd.s32 $0xFFFFC000  }
0x1fc: {  	[hbm4b:s0+s3] =	stream.linear.scatter [tilespmem:s5], [sflag:$0x2], $0x4000, $0x38;
	[tilespmem:$0x6000] =	vst v63  }
0x1fd: {  	_ =	swait.ge [sflag:s4], $0x4000  }
0x1fe: {  	[sflag:s4] =	ssyncset.done $0x0  }
0x1ff: {  	[sflag:s4] =	ssyncadd.s32 $0xFFFFC000  }
0x200: {  	[tilespmem:s5], [sflag:$0x1] =	stream.indirect.gather [hbm4b:s2+s6], $0x80, s30, s6, $0xb8;
	[tilespmem:$0x6000] =	vst v63  }
0x201: {  	_ =	swait.ge [sflag:s7], $0x4000  }
0x202: {  	s0 =	sld [smem:$0x7C1]  }
0x203: {  	[sflag:s7] =	ssyncset.done $0x0  }
0x204: {  	[sflag:s7] =	ssyncadd.s32 $0xFFFFC000  }
0x205: {  	[hbm4b:s0+s3] =	stream.linear.scatter [tilespmem:s5], [sflag:$0x2], $0x4000, $0x38;
	[tilespmem:$0x6000] =	vst v63  }
0x206: {  	_ =	swait.ge [sflag:s4], $0x4000  }
0x207: {  	[sflag:s4] =	ssyncset.done $0x0  }
0x208: {  	[sflag:s4] =	ssyncadd.s32 $0xFFFFC000  }
0x209: {  	[tilespmem:s5], [sflag:$0x1] =	stream.indirect.gather [hbm4b:s2+s6], $0x80, s29, s6, $0xb8;
	[tilespmem:$0x6000] =	vst v63  }
0x20a: {  	_ =	swait.ge [sflag:s7], $0x4000  }
0x20b: {  	s0 =	sld [smem:$0x7C2]  }
0x20c: {  	[sflag:s7] =	ssyncset.done $0x0  }
0x20d: {  	[sflag:s7] =	ssyncadd.s32 $0xFFFFC000  }
0x20e: {  	[hbm4b:s0+s3] =	stream.linear.scatter [tilespmem:s5], [sflag:$0x2], $0x4000, $0x38;
	[tilespmem:$0x6000] =	vst v63  }
0x20f: {  	_ =	swait.ge [sflag:s4], $0x4000  }
0x210: {  	[sflag:s4] =	ssyncset.done $0x0  }
0x211: {  	[sflag:s4] =	ssyncadd.s32 $0xFFFFC000  }
0x212: {  	[tilespmem:s5], [sflag:$0x1] =	stream.indirect.gather [hbm4b:s2+s6], $0x80, s28, s6, $0xb8;
	[tilespmem:$0x6000] =	vst v63  }
0x213: {  	_ =	swait.ge [sflag:s7], $0x4000  }
0x214: {  	s0 =	sld [smem:$0x7C3]  }
0x215: {  	[sflag:s7] =	ssyncset.done $0x0  }
0x216: {  	[sflag:s7] =	ssyncadd.s32 $0xFFFFC000  }
0x217: {  	[hbm4b:s0+s3] =	stream.linear.scatter [tilespmem:s5], [sflag:$0x2], $0x4000, $0x38;
	[tilespmem:$0x6000] =	vst v63  }
0x218: {  	_ =	swait.ge [sflag:s4], $0x4000  }
0x219: {  	[sflag:s4] =	ssyncset.done $0x0  }
0x21a: {  	[sflag:s4] =	ssyncadd.s32 $0xFFFFC000  }
0x21b: {  	[tilespmem:s5], [sflag:$0x1] =	stream.indirect.gather [hbm4b:s2+s6], $0x80, s26, s6, $0xb8;
	[tilespmem:$0x6000] =	vst v63  }
0x21c: {  	_ =	swait.ge [sflag:s7], $0x4000  }
0x21d: {  	s0 =	sld [smem:$0x7C4]  }
0x21e: {  	[sflag:s7] =	ssyncset.done $0x0  }
0x21f: {  	[sflag:s7] =	ssyncadd.s32 $0xFFFFC000  }
0x220: {  	[hbm4b:s0+s3] =	stream.linear.scatter [tilespmem:s5], [sflag:$0x2], $0x4000, $0x38;
	[tilespmem:$0x6000] =	vst v63  }
0x221: {  	_ =	swait.ge [sflag:s4], $0x4000  }
0x222: {  	[sflag:s4] =	ssyncset.done $0x0  }
0x223: {  	[sflag:s4] =	ssyncadd.s32 $0xFFFFC000  }
0x224: {  	[tilespmem:s5], [sflag:$0x1] =	stream.indirect.gather [hbm4b:s2+s6], $0x80, s25, s6, $0xb8;
	[tilespmem:$0x6000] =	vst v63  }
0x225: {  	_ =	swait.ge [sflag:s7], $0x4000  }
0x226: {  	s0 =	sld [smem:$0x7C5]  }
0x227: {  	[sflag:s7] =	ssyncset.done $0x0  }
0x228: {  	[sflag:s7] =	ssyncadd.s32 $0xFFFFC000  }
0x229: {  	[hbm4b:s0+s3] =	stream.linear.scatter [tilespmem:s5], [sflag:$0x2], $0x4000, $0x38;
	[tilespmem:$0x6000] =	vst v63  }
0x22a: {  	_ =	swait.ge [sflag:s4], $0x4000  }
0x22b: {  	[sflag:s4] =	ssyncset.done $0x0  }
0x22c: {  	[sflag:s4] =	ssyncadd.s32 $0xFFFFC000  }
0x22d: {  	[tilespmem:s5], [sflag:$0x1] =	stream.indirect.gather [hbm4b:s2+s6], $0x80, s24, s6, $0xb8;
	[tilespmem:$0x6000] =	vst v63  }
0x22e: {  	_ =	swait.ge [sflag:s7], $0x4000  }
0x22f: {  	s0 =	sld [smem:$0x7C6]  }
0x230: {  	[sflag:s7] =	ssyncset.done $0x0  }
0x231: {  	[sflag:s7] =	ssyncadd.s32 $0xFFFFC000  }
0x232: {  	[hbm4b:s0+s3] =	stream.linear.scatter [tilespmem:s5], [sflag:$0x2], $0x4000, $0x38;
	[tilespmem:$0x6000] =	vst v63  }
0x233: {  	_ =	swait.ge [sflag:s4], $0x4000  }
0x234: {  	[sflag:s4] =	ssyncset.done $0x0  }
0x235: {  	[sflag:s4] =	ssyncadd.s32 $0xFFFFC000  }
0x236: {  	[tilespmem:s5], [sflag:$0x1] =	stream.indirect.gather [hbm4b:s2+s6], $0x80, s23, s6, $0xb8;
	[tilespmem:$0x6000] =	vst v63  }
0x237: {  	_ =	swait.ge [sflag:s7], $0x4000  }
0x238: {  	s0 =	sld [smem:$0x7C7]  }
0x239: {  	[sflag:s7] =	ssyncset.done $0x0  }
0x23a: {  	[sflag:s7] =	ssyncadd.s32 $0xFFFFC000  }
0x23b: {  	[hbm4b:s0+s3] =	stream.linear.scatter [tilespmem:s5], [sflag:$0x2], $0x4000, $0x38;
	[tilespmem:$0x6000] =	vst v63  }
0x23c: {  	_ =	swait.ge [sflag:s4], $0x4000  }
0x23d: {  	[sflag:s4] =	ssyncset.done $0x0  }
0x23e: {  	[sflag:s4] =	ssyncadd.s32 $0xFFFFC000  }
0x23f: {  	[tilespmem:s5], [sflag:$0x1] =	stream.indirect.gather [hbm4b:s2+s6], $0x80, s22, s6, $0xb8;
	[tilespmem:$0x6000] =	vst v63  }
0x240: {  	_ =	swait.ge [sflag:s7], $0x4000  }
0x241: {  	s0 =	sld [smem:$0x7C8]  }
0x242: {  	[sflag:s7] =	ssyncset.done $0x0  }
0x243: {  	[sflag:s7] =	ssyncadd.s32 $0xFFFFC000  }
0x244: {  	[hbm4b:s0+s3] =	stream.linear.scatter [tilespmem:s5], [sflag:$0x2], $0x4000, $0x38;
	[tilespmem:$0x6000] =	vst v63  }
0x245: {  	_ =	swait.ge [sflag:s4], $0x4000  }
0x246: {  	[sflag:s4] =	ssyncset.done $0x0  }
0x247: {  	[sflag:s4] =	ssyncadd.s32 $0xFFFFC000  }
0x248: {  	[tilespmem:s5], [sflag:$0x1] =	stream.indirect.gather [hbm4b:s2+s6], $0x80, s21, s6, $0xb8;
	[tilespmem:$0x6000] =	vst v63  }
0x249: {  	_ =	swait.ge [sflag:s7], $0x4000  }
0x24a: {  	s0 =	sld [smem:$0x7C9]  }
0x24b: {  	[sflag:s7] =	ssyncset.done $0x0  }
0x24c: {  	[sflag:s7] =	ssyncadd.s32 $0xFFFFC000  }
0x24d: {  	[hbm4b:s0+s3] =	stream.linear.scatter [tilespmem:s5], [sflag:$0x2], $0x4000, $0x38;
	[tilespmem:$0x6000] =	vst v63  }
0x24e: {  	_ =	swait.ge [sflag:s4], $0x4000  }
0x24f: {  	[sflag:s4] =	ssyncset.done $0x0  }
0x250: {  	[sflag:s4] =	ssyncadd.s32 $0xFFFFC000  }
0x251: {  	[tilespmem:s5], [sflag:$0x1] =	stream.indirect.gather [hbm4b:s2+s6], $0x80, s20, s6, $0xb8;
	[tilespmem:$0x6000] =	vst v63  }
0x252: {  	_ =	swait.ge [sflag:s7], $0x4000  }
0x253: {  	s0 =	sld [smem:$0x7CA]  }
0x254: {  	[sflag:s7] =	ssyncset.done $0x0  }
0x255: {  	[sflag:s7] =	ssyncadd.s32 $0xFFFFC000  }
0x256: {  	[hbm4b:s0+s3] =	stream.linear.scatter [tilespmem:s5], [sflag:$0x2], $0x4000, $0x38;
	[tilespmem:$0x6000] =	vst v63  }
0x257: {  	_ =	swait.ge [sflag:s4], $0x4000  }
0x258: {  	[sflag:s4] =	ssyncset.done $0x0  }
0x259: {  	[sflag:s4] =	ssyncadd.s32 $0xFFFFC000  }
0x25a: {  	[tilespmem:s5], [sflag:$0x1] =	stream.indirect.gather [hbm4b:s2+s6], $0x80, s19, s6, $0xb8;
	[tilespmem:$0x6000] =	vst v63  }
0x25b: {  	_ =	swait.ge [sflag:s7], $0x4000  }
0x25c: {  	s0 =	sld [smem:$0x7CB]  }
0x25d: {  	[sflag:s7] =	ssyncset.done $0x0  }
0x25e: {  	[sflag:s7] =	ssyncadd.s32 $0xFFFFC000  }
0x25f: {  	[hbm4b:s0+s3] =	stream.linear.scatter [tilespmem:s5], [sflag:$0x2], $0x4000, $0x38;
	[tilespmem:$0x6000] =	vst v63  }
0x260: {  	_ =	swait.ge [sflag:s4], $0x4000  }
0x261: {  	[sflag:s4] =	ssyncset.done $0x0  }
0x262: {  	[sflag:s4] =	ssyncadd.s32 $0xFFFFC000  }
0x263: {  	[tilespmem:s5], [sflag:$0x1] =	stream.indirect.gather [hbm4b:s2+s6], $0x80, s18, s6, $0xb8;
	[tilespmem:$0x6000] =	vst v63  }
0x264: {  	_ =	swait.ge [sflag:s7], $0x4000  }
0x265: {  	s0 =	sld [smem:$0x7CC]  }
0x266: {  	[sflag:s7] =	ssyncset.done $0x0  }
0x267: {  	[sflag:s7] =	ssyncadd.s32 $0xFFFFC000  }
0x268: {  	[hbm4b:s0+s3] =	stream.linear.scatter [tilespmem:s5], [sflag:$0x2], $0x4000, $0x38;
	[tilespmem:$0x6000] =	vst v63  }
0x269: {  	_ =	swait.ge [sflag:s4], $0x4000  }
0x26a: {  	[sflag:s4] =	ssyncset.done $0x0  }
0x26b: {  	[sflag:s4] =	ssyncadd.s32 $0xFFFFC000  }
0x26c: {  	[tilespmem:s5], [sflag:$0x1] =	stream.indirect.gather [hbm4b:s2+s6], $0x80, s17, s6, $0xb8;
	[tilespmem:$0x6000] =	vst v63  }
0x26d: {  	_ =	swait.ge [sflag:s7], $0x4000  }
0x26e: {  	s0 =	sld [smem:$0x7CD]  }
0x26f: {  	[sflag:s7] =	ssyncset.done $0x0  }
0x270: {  	[sflag:s7] =	ssyncadd.s32 $0xFFFFC000  }
0x271: {  	[hbm4b:s0+s3] =	stream.linear.scatter [tilespmem:s5], [sflag:$0x2], $0x4000, $0x38;
	[tilespmem:$0x6000] =	vst v63  }
0x272: {  	_ =	swait.ge [sflag:s4], $0x4000  }
0x273: {  	[sflag:s4] =	ssyncset.done $0x0  }
0x274: {  	[sflag:s4] =	ssyncadd.s32 $0xFFFFC000  }
0x275: {  	[tilespmem:s5], [sflag:$0x1] =	stream.indirect.gather [hbm4b:s2+s6], $0x80, s16, s6, $0xb8;
	[tilespmem:$0x6000] =	vst v63  }
0x276: {  	_ =	swait.ge [sflag:s7], $0x4000  }
0x277: {  	s0 =	sld [smem:$0x7CE]  }
0x278: {  	[sflag:s7] =	ssyncset.done $0x0  }
0x279: {  	[sflag:s7] =	ssyncadd.s32 $0xFFFFC000  }
0x27a: {  	[hbm4b:s0+s3] =	stream.linear.scatter [tilespmem:s5], [sflag:$0x2], $0x4000, $0x38;
	[tilespmem:$0x6000] =	vst v63  }
0x27b: {  	_ =	swait.ge [sflag:s4], $0x4000  }
0x27c: {  	[sflag:s4] =	ssyncset.done $0x0  }
0x27d: {  	[sflag:s4] =	ssyncadd.s32 $0xFFFFC000  }
0x27e: {  	[tilespmem:s5], [sflag:$0x1] =	stream.indirect.gather [hbm4b:s2+s6], $0x80, s15, s6, $0xb8;
	[tilespmem:$0x6000] =	vst v63  }
0x27f: {  	_ =	swait.ge [sflag:s7], $0x4000  }
0x280: {  	s0 =	sld [smem:$0x7CF]  }
0x281: {  	[sflag:s7] =	ssyncset.done $0x0  }
0x282: {  	[sflag:s7] =	ssyncadd.s32 $0xFFFFC000  }
0x283: {  	[hbm4b:s0+s3] =	stream.linear.scatter [tilespmem:s5], [sflag:$0x2], $0x4000, $0x38;
	[tilespmem:$0x6000] =	vst v63  }
0x284: {  	_ =	swait.ge [sflag:s4], $0x4000  }
0x285: {  	[sflag:s4] =	ssyncset.done $0x0  }
0x286: {  	[sflag:s4] =	ssyncadd.s32 $0xFFFFC000  }
0x287: {  	[tilespmem:s5], [sflag:$0x1] =	stream.indirect.gather [hbm4b:s2+s6], $0x80, s14, s6, $0xb8;
	[tilespmem:$0x6000] =	vst v63  }
0x288: {  	_ =	swait.ge [sflag:s7], $0x4000  }
0x289: {  	s0 =	sld [smem:$0x7D0]  }
0x28a: {  	[sflag:s7] =	ssyncset.done $0x0  }
0x28b: {  	[sflag:s7] =	ssyncadd.s32 $0xFFFFC000  }
0x28c: {  	[hbm4b:s0+s3] =	stream.linear.scatter [tilespmem:s5], [sflag:$0x2], $0x4000, $0x38;
	[tilespmem:$0x6000] =	vst v63  }
0x28d: {  	_ =	swait.ge [sflag:s4], $0x4000  }
0x28e: {  	[sflag:s4] =	ssyncset.done $0x0  }
0x28f: {  	[sflag:s4] =	ssyncadd.s32 $0xFFFFC000  }
0x290: {  	[tilespmem:s5], [sflag:$0x1] =	stream.indirect.gather [hbm4b:s2+s6], $0x80, s13, s6, $0xb8;
	[tilespmem:$0x6000] =	vst v63  }
0x291: {  	_ =	swait.ge [sflag:s7], $0x4000  }
0x292: {  	s0 =	sld [smem:$0x7D1]  }
0x293: {  	[sflag:s7] =	ssyncset.done $0x0  }
0x294: {  	[sflag:s7] =	ssyncadd.s32 $0xFFFFC000  }
0x295: {  	[hbm4b:s0+s3] =	stream.linear.scatter [tilespmem:s5], [sflag:$0x2], $0x4000, $0x38;
	[tilespmem:$0x6000] =	vst v63  }
0x296: {  	_ =	swait.ge [sflag:s4], $0x4000  }
0x297: {  	[sflag:s4] =	ssyncset.done $0x0  }
0x298: {  	[sflag:s4] =	ssyncadd.s32 $0xFFFFC000  }
0x299: {  	[tilespmem:s5], [sflag:$0x1] =	stream.indirect.gather [hbm4b:s2+s6], $0x80, s12, s6, $0xb8;
	[tilespmem:$0x6000] =	vst v63  }
0x29a: {  	_ =	swait.ge [sflag:s7], $0x4000  }
0x29b: {  	s0 =	sld [smem:$0x7D2]  }
0x29c: {  	[sflag:s7] =	ssyncset.done $0x0  }
0x29d: {  	[sflag:s7] =	ssyncadd.s32 $0xFFFFC000  }
0x29e: {  	[hbm4b:s0+s3] =	stream.linear.scatter [tilespmem:s5], [sflag:$0x2], $0x4000, $0x38;
	[tilespmem:$0x6000] =	vst v63  }
0x29f: {  	_ =	swait.ge [sflag:s4], $0x4000  }
0x2a0: {  	[sflag:s4] =	ssyncset.done $0x0  }
0x2a1: {  	[sflag:s4] =	ssyncadd.s32 $0xFFFFC000  }
0x2a2: {  	[tilespmem:s5], [sflag:$0x1] =	stream.indirect.gather [hbm4b:s2+s6], $0x80, s11, s6, $0xb8;
	[tilespmem:$0x6000] =	vst v63  }
0x2a3: {  	_ =	swait.ge [sflag:s7], $0x4000  }
0x2a4: {  	s0 =	sld [smem:$0x7D3]  }
0x2a5: {  	[sflag:s7] =	ssyncset.done $0x0  }
0x2a6: {  	[sflag:s7] =	ssyncadd.s32 $0xFFFFC000  }
0x2a7: {  	[hbm4b:s0+s3] =	stream.linear.scatter [tilespmem:s5], [sflag:$0x2], $0x4000, $0x38;
	[tilespmem:$0x6000] =	vst v63  }
0x2a8: {  	_ =	swait.ge [sflag:s4], $0x4000  }
0x2a9: {  	[sflag:s4] =	ssyncset.done $0x0  }
0x2aa: {  	[sflag:s4] =	ssyncadd.s32 $0xFFFFC000  }
0x2ab: {  	[tilespmem:s5], [sflag:$0x1] =	stream.indirect.gather [hbm4b:s2+s6], $0x80, s10, s6, $0xb8;
	[tilespmem:$0x6000] =	vst v63  }
0x2ac: {  	_ =	swait.ge [sflag:s7], $0x4000  }
0x2ad: {  	s0 =	sld [smem:$0x7D4]  }
0x2ae: {  	[sflag:s7] =	ssyncset.done $0x0  }
0x2af: {  	[sflag:s7] =	ssyncadd.s32 $0xFFFFC000  }
0x2b0: {  	[hbm4b:s0+s3] =	stream.linear.scatter [tilespmem:s5], [sflag:$0x2], $0x4000, $0x38;
	[tilespmem:$0x6000] =	vst v63  }
0x2b1: {  	_ =	swait.ge [sflag:s4], $0x4000  }
0x2b2: {  	[sflag:s4] =	ssyncset.done $0x0  }
0x2b3: {  	[sflag:s4] =	ssyncadd.s32 $0xFFFFC000  }
0x2b4: {  	[tilespmem:s5], [sflag:$0x1] =	stream.indirect.gather [hbm4b:s2+s6], $0x80, s9, s6, $0xb8;
	[tilespmem:$0x6000] =	vst v63  }
0x2b5: {  	_ =	swait.ge [sflag:s7], $0x4000  }
0x2b6: {  	s0 =	sld [smem:$0x7D5]  }
0x2b7: {  	[sflag:s7] =	ssyncset.done $0x0  }
0x2b8: {  	[sflag:s7] =	ssyncadd.s32 $0xFFFFC000  }
0x2b9: {  	[hbm4b:s0+s3] =	stream.linear.scatter [tilespmem:s5], [sflag:$0x2], $0x4000, $0x38;
	[tilespmem:$0x6000] =	vst v63  }
0x2ba: {  	_ =	swait.ge [sflag:s4], $0x4000  }
0x2bb: {  	[sflag:s4] =	ssyncset.done $0x0  }
0x2bc: {  	[sflag:s4] =	ssyncadd.s32 $0xFFFFC000  }
0x2bd: {  	[tilespmem:s5], [sflag:$0x1] =	stream.indirect.gather [hbm4b:s2+s6], $0x80, s8, s6, $0xb8;
	[tilespmem:$0x6000] =	vst v63  }
0x2be: {  	_ =	swait.ge [sflag:s7], $0x4000  }
0x2bf: {  	p1 =	sne.s32 s1, $0x1;
	s0 =	sld [smem:$0x7D6]  }
.Ltmp1:
0x2c0: {  	[sflag:s7] =	ssyncset.done $0x0;
	(pc) =	sbr.rel @!p1 .LBB2_3-.Ltmp1, $4  }
0x2c1: {  	[sflag:s7] =	ssyncadd.s32 $0xFFFFC000  }
0x2c2: {  	[hbm4b:s0+s3] =	stream.linear.scatter [tilespmem:s5], [sflag:$0x2], $0x4000, $0x38;
	[tilespmem:$0x6000] =	vst v63  }
0x2c3: {  	s1 =	sadd.s32 $0xFFFFFFFF, s1;
	_ =	swait.ge [sflag:s4], $0x4000  }
0x2c4: {  	p0 =	por $0x1, $0x1;
	s0 =	rddreg [dreg:$0x4];
	[sflag:s4] =	ssyncset.done $0x0  }
.LBB2_2:
0x2c5: {  	[sflag:s4] =	ssyncadd.s32 $0xFFFFC000  }
0x2c6: {  	[tilespmem:s3], [sflag:$0x2] =	stream.linear.gather [hbm4b:s0+s3], $0x2000, $0x38;
	[tilespmem:$0x6000] =	vst v63  }
0x2c7: {  	_ =	swait.ge [sflag:s4], $0x2000  }
0x2c8: {  	[sflag:s4] =	ssyncset.done $0x0  }
0x2c9: {  	[sflag:s4] =	ssyncadd.s32 $0xFFFFE000  }
0x2ca: {  	[tilespmem:s5], [sflag:$0x1] =	stream.indirect.gather [hbm4b:s2+s6], $0x80, s3, s6, $0xb8;
	[tilespmem:$0x6000] =	vst v63  }
0x2cb: {  	_ =	swait.ge [sflag:s7], $0x4000  }
0x2cc: {  	[sflag:s7] =	ssyncset.done $0x0  }
0x2cd: {  	s0 =	rddreg [dreg:$0x5];
	[sflag:s7] =	ssyncadd.s32 $0xFFFFC000  }
0x2ce: {  	[hbm4b:s0+s3] =	stream.linear.scatter [tilespmem:s5], [sflag:$0x2], $0x4000, $0x38;
	[tilespmem:$0x6000] =	vst v63  }
0x2cf: {  	_ =	swait.ge [sflag:s4], $0x4000  }
0x2d0: {  	[sflag:s4] =	ssyncset.done $0x0  }
0x2d1: {  	[sflag:s4] =	ssyncadd.s32 $0xFFFFC000  }
0x2d2: {  	[tilespmem:s5], [sflag:$0x1] =	stream.indirect.gather [hbm4b:s2+s6], $0x80, s6, s6, $0xb8;
	[tilespmem:$0x6000] =	vst v63  }
0x2d3: {  	_ =	swait.ge [sflag:s7], $0x4000  }
0x2d4: {  	[sflag:s7] =	ssyncset.done $0x0  }
0x2d5: {  	s0 =	rddreg [dreg:$0x6];
	[sflag:s7] =	ssyncadd.s32 $0xFFFFC000  }
0x2d6: {  	[hbm4b:s0+s3] =	stream.linear.scatter [tilespmem:s5], [sflag:$0x2], $0x4000, $0x38;
	[tilespmem:$0x6000] =	vst v63  }
0x2d7: {  	_ =	swait.ge [sflag:s4], $0x4000  }
0x2d8: {  	s0 =	sld [smem:$0x7D7]  }
0x2d9: {  	[sflag:s4] =	ssyncset.done $0x0  }
0x2da: {  	[sflag:s4] =	ssyncadd.s32 $0xFFFFC000  }
0x2db: {  	[tilespmem:s5], [sflag:$0x1] =	stream.indirect.gather [hbm4b:s2+s6], $0x80, s0, s6, $0xb8;
	[tilespmem:$0x6000] =	vst v63  }
0x2dc: {  	_ =	swait.ge [sflag:s7], $0x4000  }
0x2dd: {  	[sflag:s7] =	ssyncset.done $0x0  }
0x2de: {  	s0 =	rddreg [dreg:$0x7];
	[sflag:s7] =	ssyncadd.s32 $0xFFFFC000  }
0x2df: {  	[hbm4b:s0+s3] =	stream.linear.scatter [tilespmem:s5], [sflag:$0x2], $0x4000, $0x38;
	[tilespmem:$0x6000] =	vst v63  }
0x2e0: {  	_ =	swait.ge [sflag:s4], $0x4000  }
0x2e1: {  	s0 =	sld [smem:$0x7D8]  }
0x2e2: {  	[sflag:s4] =	ssyncset.done $0x0  }
0x2e3: {  	[sflag:s4] =	ssyncadd.s32 $0xFFFFC000  }
0x2e4: {  	[tilespmem:s5], [sflag:$0x1] =	stream.indirect.gather [hbm4b:s2+s6], $0x80, s0, s6, $0xb8;
	[tilespmem:$0x6000] =	vst v63  }
0x2e5: {  	_ =	swait.ge [sflag:s7], $0x4000  }
0x2e6: {  	[sflag:s7] =	ssyncset.done $0x0  }
0x2e7: {  	s0 =	rddreg [dreg:$0x8];
	[sflag:s7] =	ssyncadd.s32 $0xFFFFC000  }
0x2e8: {  	[hbm4b:s0+s3] =	stream.linear.scatter [tilespmem:s5], [sflag:$0x2], $0x4000, $0x38;
	[tilespmem:$0x6000] =	vst v63  }
0x2e9: {  	_ =	swait.ge [sflag:s4], $0x4000  }
0x2ea: {  	s0 =	sld [smem:$0x7D9]  }
0x2eb: {  	[sflag:s4] =	ssyncset.done $0x0  }
0x2ec: {  	[sflag:s4] =	ssyncadd.s32 $0xFFFFC000  }
0x2ed: {  	[tilespmem:s5], [sflag:$0x1] =	stream.indirect.gather [hbm4b:s2+s6], $0x80, s0, s6, $0xb8;
	[tilespmem:$0x6000] =	vst v63  }
0x2ee: {  	_ =	swait.ge [sflag:s7], $0x4000  }
0x2ef: {  	[sflag:s7] =	ssyncset.done $0x0  }
0x2f0: {  	s0 =	rddreg [dreg:$0x9];
	[sflag:s7] =	ssyncadd.s32 $0xFFFFC000  }
0x2f1: {  	[hbm4b:s0+s3] =	stream.linear.scatter [tilespmem:s5], [sflag:$0x2], $0x4000, $0x38;
	[tilespmem:$0x6000] =	vst v63  }
0x2f2: {  	_ =	swait.ge [sflag:s4], $0x4000  }
0x2f3: {  	s0 =	sld [smem:$0x7DA]  }
0x2f4: {  	[sflag:s4] =	ssyncset.done $0x0  }
0x2f5: {  	[sflag:s4] =	ssyncadd.s32 $0xFFFFC000  }
0x2f6: {  	[tilespmem:s5], [sflag:$0x1] =	stream.indirect.gather [hbm4b:s2+s6], $0x80, s0, s6, $0xb8;
	[tilespmem:$0x6000] =	vst v63  }
0x2f7: {  	_ =	swait.ge [sflag:s7], $0x4000  }
0x2f8: {  	[sflag:s7] =	ssyncset.done $0x0  }
0x2f9: {  	s0 =	rddreg [dreg:$0xa];
	[sflag:s7] =	ssyncadd.s32 $0xFFFFC000  }
0x2fa: {  	[hbm4b:s0+s3] =	stream.linear.scatter [tilespmem:s5], [sflag:$0x2], $0x4000, $0x38;
	[tilespmem:$0x6000] =	vst v63  }
0x2fb: {  	_ =	swait.ge [sflag:s4], $0x4000  }
0x2fc: {  	s0 =	sld [smem:$0x7DB]  }
0x2fd: {  	[sflag:s4] =	ssyncset.done $0x0  }
0x2fe: {  	[sflag:s4] =	ssyncadd.s32 $0xFFFFC000  }
0x2ff: {  	[tilespmem:s5], [sflag:$0x1] =	stream.indirect.gather [hbm4b:s2+s6], $0x80, s0, s6, $0xb8;
	[tilespmem:$0x6000] =	vst v63  }
0x300: {  	_ =	swait.ge [sflag:s7], $0x4000  }
0x301: {  	[sflag:s7] =	ssyncset.done $0x0  }
0x302: {  	s0 =	rddreg [dreg:$0xb];
	[sflag:s7] =	ssyncadd.s32 $0xFFFFC000  }
0x303: {  	[hbm4b:s0+s3] =	stream.linear.scatter [tilespmem:s5], [sflag:$0x2], $0x4000, $0x38;
	[tilespmem:$0x6000] =	vst v63  }
0x304: {  	_ =	swait.ge [sflag:s4], $0x4000  }
0x305: {  	s0 =	sld [smem:$0x7DC]  }
0x306: {  	[sflag:s4] =	ssyncset.done $0x0  }
0x307: {  	[sflag:s4] =	ssyncadd.s32 $0xFFFFC000  }
0x308: {  	[tilespmem:s5], [sflag:$0x1] =	stream.indirect.gather [hbm4b:s2+s6], $0x80, s0, s6, $0xb8;
	[tilespmem:$0x6000] =	vst v63  }
0x309: {  	_ =	swait.ge [sflag:s7], $0x4000  }
0x30a: {  	[sflag:s7] =	ssyncset.done $0x0  }
0x30b: {  	s0 =	rddreg [dreg:$0xc];
	[sflag:s7] =	ssyncadd.s32 $0xFFFFC000  }
0x30c: {  	[hbm4b:s0+s3] =	stream.linear.scatter [tilespmem:s5], [sflag:$0x2], $0x4000, $0x38;
	[tilespmem:$0x6000] =	vst v63  }
0x30d: {  	_ =	swait.ge [sflag:s4], $0x4000  }
0x30e: {  	s0 =	sld [smem:$0x7DD]  }
0x30f: {  	[sflag:s4] =	ssyncset.done $0x0  }
0x310: {  	[sflag:s4] =	ssyncadd.s32 $0xFFFFC000  }
0x311: {  	[tilespmem:s5], [sflag:$0x1] =	stream.indirect.gather [hbm4b:s2+s6], $0x80, s0, s6, $0xb8;
	[tilespmem:$0x6000] =	vst v63  }
0x312: {  	_ =	swait.ge [sflag:s7], $0x4000  }
0x313: {  	[sflag:s7] =	ssyncset.done $0x0  }
0x314: {  	s0 =	rddreg [dreg:$0xd];
	[sflag:s7] =	ssyncadd.s32 $0xFFFFC000  }
0x315: {  	[hbm4b:s0+s3] =	stream.linear.scatter [tilespmem:s5], [sflag:$0x2], $0x4000, $0x38;
	[tilespmem:$0x6000] =	vst v63  }
0x316: {  	_ =	swait.ge [sflag:s4], $0x4000  }
0x317: {  	s0 =	sld [smem:$0x7DE]  }
0x318: {  	[sflag:s4] =	ssyncset.done $0x0  }
0x319: {  	[sflag:s4] =	ssyncadd.s32 $0xFFFFC000  }
0x31a: {  	[tilespmem:s5], [sflag:$0x1] =	stream.indirect.gather [hbm4b:s2+s6], $0x80, s0, s6, $0xb8;
	[tilespmem:$0x6000] =	vst v63  }
0x31b: {  	_ =	swait.ge [sflag:s7], $0x4000  }
0x31c: {  	[sflag:s7] =	ssyncset.done $0x0  }
0x31d: {  	s0 =	rddreg [dreg:$0xe];
	[sflag:s7] =	ssyncadd.s32 $0xFFFFC000  }
0x31e: {  	[hbm4b:s0+s3] =	stream.linear.scatter [tilespmem:s5], [sflag:$0x2], $0x4000, $0x38;
	[tilespmem:$0x6000] =	vst v63  }
0x31f: {  	_ =	swait.ge [sflag:s4], $0x4000  }
0x320: {  	s0 =	sld [smem:$0x7DF]  }
0x321: {  	[sflag:s4] =	ssyncset.done $0x0  }
0x322: {  	[sflag:s4] =	ssyncadd.s32 $0xFFFFC000  }
0x323: {  	[tilespmem:s5], [sflag:$0x1] =	stream.indirect.gather [hbm4b:s2+s6], $0x80, s0, s6, $0xb8;
	[tilespmem:$0x6000] =	vst v63  }
0x324: {  	_ =	swait.ge [sflag:s7], $0x4000  }
0x325: {  	[sflag:s7] =	ssyncset.done $0x0  }
0x326: {  	s0 =	rddreg [dreg:$0xf];
	[sflag:s7] =	ssyncadd.s32 $0xFFFFC000  }
0x327: {  	[hbm4b:s0+s3] =	stream.linear.scatter [tilespmem:s5], [sflag:$0x2], $0x4000, $0x38;
	[tilespmem:$0x6000] =	vst v63  }
0x328: {  	_ =	swait.ge [sflag:s4], $0x4000  }
0x329: {  	s0 =	sld [smem:$0x7E0]  }
0x32a: {  	[sflag:s4] =	ssyncset.done $0x0  }
0x32b: {  	[sflag:s4] =	ssyncadd.s32 $0xFFFFC000  }
0x32c: {  	[tilespmem:s5], [sflag:$0x1] =	stream.indirect.gather [hbm4b:s2+s6], $0x80, s0, s6, $0xb8;
	[tilespmem:$0x6000] =	vst v63  }
0x32d: {  	_ =	swait.ge [sflag:s7], $0x4000  }
0x32e: {  	[sflag:s7] =	ssyncset.done $0x0  }
0x32f: {  	s0 =	rddreg [dreg:$0x10];
	[sflag:s7] =	ssyncadd.s32 $0xFFFFC000  }
0x330: {  	[hbm4b:s0+s3] =	stream.linear.scatter [tilespmem:s5], [sflag:$0x2], $0x4000, $0x38;
	[tilespmem:$0x6000] =	vst v63  }
0x331: {  	_ =	swait.ge [sflag:s4], $0x4000  }
0x332: {  	s0 =	sld [smem:$0x7E1]  }
0x333: {  	[sflag:s4] =	ssyncset.done $0x0  }
0x334: {  	[sflag:s4] =	ssyncadd.s32 $0xFFFFC000  }
0x335: {  	[tilespmem:s5], [sflag:$0x1] =	stream.indirect.gather [hbm4b:s2+s6], $0x80, s0, s6, $0xb8;
	[tilespmem:$0x6000] =	vst v63  }
0x336: {  	_ =	swait.ge [sflag:s7], $0x4000  }
0x337: {  	[sflag:s7] =	ssyncset.done $0x0  }
0x338: {  	s0 =	rddreg [dreg:$0x11];
	[sflag:s7] =	ssyncadd.s32 $0xFFFFC000  }
0x339: {  	[hbm4b:s0+s3] =	stream.linear.scatter [tilespmem:s5], [sflag:$0x2], $0x4000, $0x38;
	[tilespmem:$0x6000] =	vst v63  }
0x33a: {  	_ =	swait.ge [sflag:s4], $0x4000  }
0x33b: {  	s0 =	sld [smem:$0x7E2]  }
0x33c: {  	[sflag:s4] =	ssyncset.done $0x0  }
0x33d: {  	[sflag:s4] =	ssyncadd.s32 $0xFFFFC000  }
0x33e: {  	[tilespmem:s5], [sflag:$0x1] =	stream.indirect.gather [hbm4b:s2+s6], $0x80, s0, s6, $0xb8;
	[tilespmem:$0x6000] =	vst v63  }
0x33f: {  	_ =	swait.ge [sflag:s7], $0x4000  }
0x340: {  	[sflag:s7] =	ssyncset.done $0x0  }
0x341: {  	s0 =	rddreg [dreg:$0x12];
	[sflag:s7] =	ssyncadd.s32 $0xFFFFC000  }
0x342: {  	[hbm4b:s0+s3] =	stream.linear.scatter [tilespmem:s5], [sflag:$0x2], $0x4000, $0x38;
	[tilespmem:$0x6000] =	vst v63  }
0x343: {  	_ =	swait.ge [sflag:s4], $0x4000  }
0x344: {  	s0 =	sld [smem:$0x7E3]  }
0x345: {  	[sflag:s4] =	ssyncset.done $0x0  }
0x346: {  	[sflag:s4] =	ssyncadd.s32 $0xFFFFC000  }
0x347: {  	[tilespmem:s5], [sflag:$0x1] =	stream.indirect.gather [hbm4b:s2+s6], $0x80, s0, s6, $0xb8;
	[tilespmem:$0x6000] =	vst v63  }
0x348: {  	_ =	swait.ge [sflag:s7], $0x4000  }
0x349: {  	[sflag:s7] =	ssyncset.done $0x0  }
0x34a: {  	s0 =	rddreg [dreg:$0x13];
	[sflag:s7] =	ssyncadd.s32 $0xFFFFC000  }
0x34b: {  	[hbm4b:s0+s3] =	stream.linear.scatter [tilespmem:s5], [sflag:$0x2], $0x4000, $0x38;
	[tilespmem:$0x6000] =	vst v63  }
0x34c: {  	_ =	swait.ge [sflag:s4], $0x4000  }
0x34d: {  	s0 =	sld [smem:$0x7E4]  }
0x34e: {  	[sflag:s4] =	ssyncset.done $0x0  }
0x34f: {  	[sflag:s4] =	ssyncadd.s32 $0xFFFFC000  }
0x350: {  	[tilespmem:s5], [sflag:$0x1] =	stream.indirect.gather [hbm4b:s2+s6], $0x80, s0, s6, $0xb8;
	[tilespmem:$0x6000] =	vst v63  }
0x351: {  	_ =	swait.ge [sflag:s7], $0x4000  }
0x352: {  	[sflag:s7] =	ssyncset.done $0x0  }
0x353: {  	s0 =	rddreg [dreg:$0x14];
	[sflag:s7] =	ssyncadd.s32 $0xFFFFC000  }
0x354: {  	[hbm4b:s0+s3] =	stream.linear.scatter [tilespmem:s5], [sflag:$0x2], $0x4000, $0x38;
	[tilespmem:$0x6000] =	vst v63  }
0x355: {  	_ =	swait.ge [sflag:s4], $0x4000  }
0x356: {  	s0 =	sld [smem:$0x7E5]  }
0x357: {  	[sflag:s4] =	ssyncset.done $0x0  }
0x358: {  	[sflag:s4] =	ssyncadd.s32 $0xFFFFC000  }
0x359: {  	[tilespmem:s5], [sflag:$0x1] =	stream.indirect.gather [hbm4b:s2+s6], $0x80, s0, s6, $0xb8;
	[tilespmem:$0x6000] =	vst v63  }
0x35a: {  	_ =	swait.ge [sflag:s7], $0x4000  }
0x35b: {  	[sflag:s7] =	ssyncset.done $0x0  }
0x35c: {  	s0 =	rddreg [dreg:$0x15];
	[sflag:s7] =	ssyncadd.s32 $0xFFFFC000  }
0x35d: {  	[hbm4b:s0+s3] =	stream.linear.scatter [tilespmem:s5], [sflag:$0x2], $0x4000, $0x38;
	[tilespmem:$0x6000] =	vst v63  }
0x35e: {  	_ =	swait.ge [sflag:s4], $0x4000  }
0x35f: {  	s0 =	sld [smem:$0x7E6]  }
0x360: {  	[sflag:s4] =	ssyncset.done $0x0  }
0x361: {  	[sflag:s4] =	ssyncadd.s32 $0xFFFFC000  }
0x362: {  	[tilespmem:s5], [sflag:$0x1] =	stream.indirect.gather [hbm4b:s2+s6], $0x80, s0, s6, $0xb8;
	[tilespmem:$0x6000] =	vst v63  }
0x363: {  	_ =	swait.ge [sflag:s7], $0x4000  }
0x364: {  	[sflag:s7] =	ssyncset.done $0x0  }
0x365: {  	s0 =	rddreg [dreg:$0x16];
	[sflag:s7] =	ssyncadd.s32 $0xFFFFC000  }
0x366: {  	[hbm4b:s0+s3] =	stream.linear.scatter [tilespmem:s5], [sflag:$0x2], $0x4000, $0x38;
	[tilespmem:$0x6000] =	vst v63  }
0x367: {  	_ =	swait.ge [sflag:s4], $0x4000  }
0x368: {  	s0 =	sld [smem:$0x7E7]  }
0x369: {  	[sflag:s4] =	ssyncset.done $0x0  }
0x36a: {  	[sflag:s4] =	ssyncadd.s32 $0xFFFFC000  }
0x36b: {  	[tilespmem:s5], [sflag:$0x1] =	stream.indirect.gather [hbm4b:s2+s6], $0x80, s0, s6, $0xb8;
	[tilespmem:$0x6000] =	vst v63  }
0x36c: {  	_ =	swait.ge [sflag:s7], $0x4000  }
0x36d: {  	[sflag:s7] =	ssyncset.done $0x0  }
0x36e: {  	s0 =	rddreg [dreg:$0x17];
	[sflag:s7] =	ssyncadd.s32 $0xFFFFC000  }
0x36f: {  	[hbm4b:s0+s3] =	stream.linear.scatter [tilespmem:s5], [sflag:$0x2], $0x4000, $0x38;
	[tilespmem:$0x6000] =	vst v63  }
0x370: {  	_ =	swait.ge [sflag:s4], $0x4000  }
0x371: {  	s0 =	sld [smem:$0x7E8]  }
0x372: {  	[sflag:s4] =	ssyncset.done $0x0  }
0x373: {  	[sflag:s4] =	ssyncadd.s32 $0xFFFFC000  }
0x374: {  	[tilespmem:s5], [sflag:$0x1] =	stream.indirect.gather [hbm4b:s2+s6], $0x80, s0, s6, $0xb8;
	[tilespmem:$0x6000] =	vst v63  }
0x375: {  	_ =	swait.ge [sflag:s7], $0x4000  }
0x376: {  	[sflag:s7] =	ssyncset.done $0x0  }
0x377: {  	s0 =	rddreg [dreg:$0x18];
	[sflag:s7] =	ssyncadd.s32 $0xFFFFC000  }
0x378: {  	[hbm4b:s0+s3] =	stream.linear.scatter [tilespmem:s5], [sflag:$0x2], $0x4000, $0x38;
	[tilespmem:$0x6000] =	vst v63  }
0x379: {  	_ =	swait.ge [sflag:s4], $0x4000  }
0x37a: {  	s0 =	sld [smem:$0x7E9]  }
0x37b: {  	[sflag:s4] =	ssyncset.done $0x0  }
0x37c: {  	[sflag:s4] =	ssyncadd.s32 $0xFFFFC000  }
0x37d: {  	[tilespmem:s5], [sflag:$0x1] =	stream.indirect.gather [hbm4b:s2+s6], $0x80, s0, s6, $0xb8;
	[tilespmem:$0x6000] =	vst v63  }
0x37e: {  	_ =	swait.ge [sflag:s7], $0x4000  }
0x37f: {  	[sflag:s7] =	ssyncset.done $0x0  }
0x380: {  	s0 =	rddreg [dreg:$0x19];
	[sflag:s7] =	ssyncadd.s32 $0xFFFFC000  }
0x381: {  	[hbm4b:s0+s3] =	stream.linear.scatter [tilespmem:s5], [sflag:$0x2], $0x4000, $0x38;
	[tilespmem:$0x6000] =	vst v63  }
0x382: {  	_ =	swait.ge [sflag:s4], $0x4000  }
0x383: {  	s0 =	sld [smem:$0x7EA]  }
0x384: {  	[sflag:s4] =	ssyncset.done $0x0  }
0x385: {  	[sflag:s4] =	ssyncadd.s32 $0xFFFFC000  }
0x386: {  	[tilespmem:s5], [sflag:$0x1] =	stream.indirect.gather [hbm4b:s2+s6], $0x80, s0, s6, $0xb8;
	[tilespmem:$0x6000] =	vst v63  }
0x387: {  	_ =	swait.ge [sflag:s7], $0x4000  }
0x388: {  	[sflag:s7] =	ssyncset.done $0x0  }
0x389: {  	s0 =	rddreg [dreg:$0x1a];
	[sflag:s7] =	ssyncadd.s32 $0xFFFFC000  }
0x38a: {  	[hbm4b:s0+s3] =	stream.linear.scatter [tilespmem:s5], [sflag:$0x2], $0x4000, $0x38;
	[tilespmem:$0x6000] =	vst v63  }
0x38b: {  	_ =	swait.ge [sflag:s4], $0x4000  }
0x38c: {  	s0 =	sld [smem:$0x7EB]  }
0x38d: {  	[sflag:s4] =	ssyncset.done $0x0  }
0x38e: {  	[sflag:s4] =	ssyncadd.s32 $0xFFFFC000  }
0x38f: {  	[tilespmem:s5], [sflag:$0x1] =	stream.indirect.gather [hbm4b:s2+s6], $0x80, s0, s6, $0xb8;
	[tilespmem:$0x6000] =	vst v63  }
0x390: {  	_ =	swait.ge [sflag:s7], $0x4000  }
0x391: {  	[sflag:s7] =	ssyncset.done $0x0  }
0x392: {  	s0 =	rddreg [dreg:$0x1b];
	[sflag:s7] =	ssyncadd.s32 $0xFFFFC000  }
0x393: {  	[hbm4b:s0+s3] =	stream.linear.scatter [tilespmem:s5], [sflag:$0x2], $0x4000, $0x38;
	[tilespmem:$0x6000] =	vst v63  }
0x394: {  	_ =	swait.ge [sflag:s4], $0x4000  }
0x395: {  	s0 =	sld [smem:$0x7EC]  }
0x396: {  	[sflag:s4] =	ssyncset.done $0x0  }
0x397: {  	[sflag:s4] =	ssyncadd.s32 $0xFFFFC000  }
0x398: {  	[tilespmem:s5], [sflag:$0x1] =	stream.indirect.gather [hbm4b:s2+s6], $0x80, s0, s6, $0xb8;
	[tilespmem:$0x6000] =	vst v63  }
0x399: {  	_ =	swait.ge [sflag:s7], $0x4000  }
0x39a: {  	[sflag:s7] =	ssyncset.done $0x0  }
0x39b: {  	s0 =	rddreg [dreg:$0x1c];
	[sflag:s7] =	ssyncadd.s32 $0xFFFFC000  }
0x39c: {  	[hbm4b:s0+s3] =	stream.linear.scatter [tilespmem:s5], [sflag:$0x2], $0x4000, $0x38;
	[tilespmem:$0x6000] =	vst v63  }
0x39d: {  	_ =	swait.ge [sflag:s4], $0x4000  }
0x39e: {  	s0 =	sld [smem:$0x7ED]  }
0x39f: {  	[sflag:s4] =	ssyncset.done $0x0  }
0x3a0: {  	[sflag:s4] =	ssyncadd.s32 $0xFFFFC000  }
0x3a1: {  	[tilespmem:s5], [sflag:$0x1] =	stream.indirect.gather [hbm4b:s2+s6], $0x80, s0, s6, $0xb8;
	[tilespmem:$0x6000] =	vst v63  }
0x3a2: {  	_ =	swait.ge [sflag:s7], $0x4000  }
0x3a3: {  	[sflag:s7] =	ssyncset.done $0x0  }
0x3a4: {  	s0 =	rddreg [dreg:$0x1d];
	[sflag:s7] =	ssyncadd.s32 $0xFFFFC000  }
0x3a5: {  	[hbm4b:s0+s3] =	stream.linear.scatter [tilespmem:s5], [sflag:$0x2], $0x4000, $0x38;
	[tilespmem:$0x6000] =	vst v63  }
0x3a6: {  	_ =	swait.ge [sflag:s4], $0x4000  }
0x3a7: {  	s0 =	sld [smem:$0x7EE]  }
0x3a8: {  	[sflag:s4] =	ssyncset.done $0x0  }
0x3a9: {  	[sflag:s4] =	ssyncadd.s32 $0xFFFFC000  }
0x3aa: {  	[tilespmem:s5], [sflag:$0x1] =	stream.indirect.gather [hbm4b:s2+s6], $0x80, s0, s6, $0xb8;
	[tilespmem:$0x6000] =	vst v63  }
0x3ab: {  	_ =	swait.ge [sflag:s7], $0x4000  }
0x3ac: {  	[sflag:s7] =	ssyncset.done $0x0  }
0x3ad: {  	s0 =	rddreg [dreg:$0x1e];
	[sflag:s7] =	ssyncadd.s32 $0xFFFFC000  }
0x3ae: {  	[hbm4b:s0+s3] =	stream.linear.scatter [tilespmem:s5], [sflag:$0x2], $0x4000, $0x38;
	[tilespmem:$0x6000] =	vst v63  }
0x3af: {  	_ =	swait.ge [sflag:s4], $0x4000  }
0x3b0: {  	s0 =	sld [smem:$0x7EF]  }
0x3b1: {  	[sflag:s4] =	ssyncset.done $0x0  }
0x3b2: {  	[sflag:s4] =	ssyncadd.s32 $0xFFFFC000  }
0x3b3: {  	[tilespmem:s5], [sflag:$0x1] =	stream.indirect.gather [hbm4b:s2+s6], $0x80, s0, s6, $0xb8;
	[tilespmem:$0x6000] =	vst v63  }
0x3b4: {  	_ =	swait.ge [sflag:s7], $0x4000  }
0x3b5: {  	[sflag:s7] =	ssyncset.done $0x0  }
0x3b6: {  	s0 =	rddreg [dreg:$0x1f];
	[sflag:s7] =	ssyncadd.s32 $0xFFFFC000  }
0x3b7: {  	[hbm4b:s0+s3] =	stream.linear.scatter [tilespmem:s5], [sflag:$0x2], $0x4000, $0x38;
	[tilespmem:$0x6000] =	vst v63  }
0x3b8: {  	_ =	swait.ge [sflag:s4], $0x4000  }
0x3b9: {  	s0 =	sld [smem:$0x7F0]  }
0x3ba: {  	[sflag:s4] =	ssyncset.done $0x0  }
0x3bb: {  	[sflag:s4] =	ssyncadd.s32 $0xFFFFC000  }
0x3bc: {  	[tilespmem:s5], [sflag:$0x1] =	stream.indirect.gather [hbm4b:s2+s6], $0x80, s0, s6, $0xb8;
	[tilespmem:$0x6000] =	vst v63  }
0x3bd: {  	_ =	swait.ge [sflag:s7], $0x4000  }
0x3be: {  	s0 =	sld [smem:$0x7B2]  }
0x3bf: {  	[sflag:s7] =	ssyncset.done $0x0  }
0x3c0: {  	[sflag:s7] =	ssyncadd.s32 $0xFFFFC000  }
0x3c1: {  	[hbm4b:s0+s3] =	stream.linear.scatter [tilespmem:s5], [sflag:$0x2], $0x4000, $0x38;
	[tilespmem:$0x6000] =	vst v63  }
0x3c2: {  	_ =	swait.ge [sflag:s4], $0x4000  }
0x3c3: {  	s0 =	sld [smem:$0x7F1]  }
0x3c4: {  	[sflag:s4] =	ssyncset.done $0x0  }
0x3c5: {  	[sflag:s4] =	ssyncadd.s32 $0xFFFFC000  }
0x3c6: {  	[tilespmem:s5], [sflag:$0x1] =	stream.indirect.gather [hbm4b:s2+s6], $0x80, s0, s6, $0xb8;
	[tilespmem:$0x6000] =	vst v63  }
0x3c7: {  	_ =	swait.ge [sflag:s7], $0x4000  }
0x3c8: {  	s0 =	sld [smem:$0x7B3]  }
0x3c9: {  	[sflag:s7] =	ssyncset.done $0x0  }
0x3ca: {  	[sflag:s7] =	ssyncadd.s32 $0xFFFFC000  }
0x3cb: {  	[hbm4b:s0+s3] =	stream.linear.scatter [tilespmem:s5], [sflag:$0x2], $0x4000, $0x38;
	[tilespmem:$0x6000] =	vst v63  }
0x3cc: {  	_ =	swait.ge [sflag:s4], $0x4000  }
0x3cd: {  	s0 =	sld [smem:$0x7F2]  }
0x3ce: {  	[sflag:s4] =	ssyncset.done $0x0  }
0x3cf: {  	[sflag:s4] =	ssyncadd.s32 $0xFFFFC000  }
0x3d0: {  	[tilespmem:s5], [sflag:$0x1] =	stream.indirect.gather [hbm4b:s2+s6], $0x80, s0, s6, $0xb8;
	[tilespmem:$0x6000] =	vst v63  }
0x3d1: {  	_ =	swait.ge [sflag:s7], $0x4000  }
0x3d2: {  	s0 =	sld [smem:$0x7B4]  }
0x3d3: {  	[sflag:s7] =	ssyncset.done $0x0  }
0x3d4: {  	[sflag:s7] =	ssyncadd.s32 $0xFFFFC000  }
0x3d5: {  	[hbm4b:s0+s3] =	stream.linear.scatter [tilespmem:s5], [sflag:$0x2], $0x4000, $0x38;
	[tilespmem:$0x6000] =	vst v63  }
0x3d6: {  	_ =	swait.ge [sflag:s4], $0x4000  }
0x3d7: {  	s0 =	sld [smem:$0x7F3]  }
0x3d8: {  	[sflag:s4] =	ssyncset.done $0x0  }
0x3d9: {  	[sflag:s4] =	ssyncadd.s32 $0xFFFFC000  }
0x3da: {  	[tilespmem:s5], [sflag:$0x1] =	stream.indirect.gather [hbm4b:s2+s6], $0x80, s0, s6, $0xb8;
	[tilespmem:$0x6000] =	vst v63  }
0x3db: {  	_ =	swait.ge [sflag:s7], $0x4000  }
0x3dc: {  	s0 =	sld [smem:$0x7B5]  }
0x3dd: {  	[sflag:s7] =	ssyncset.done $0x0  }
0x3de: {  	[sflag:s7] =	ssyncadd.s32 $0xFFFFC000  }
0x3df: {  	[hbm4b:s0+s3] =	stream.linear.scatter [tilespmem:s5], [sflag:$0x2], $0x4000, $0x38;
	[tilespmem:$0x6000] =	vst v63  }
0x3e0: {  	_ =	swait.ge [sflag:s4], $0x4000  }
0x3e1: {  	s0 =	sld [smem:$0x7F4]  }
0x3e2: {  	[sflag:s4] =	ssyncset.done $0x0  }
0x3e3: {  	[sflag:s4] =	ssyncadd.s32 $0xFFFFC000  }
0x3e4: {  	[tilespmem:s5], [sflag:$0x1] =	stream.indirect.gather [hbm4b:s2+s6], $0x80, s0, s6, $0xb8;
	[tilespmem:$0x6000] =	vst v63  }
0x3e5: {  	_ =	swait.ge [sflag:s7], $0x4000  }
0x3e6: {  	s0 =	sld [smem:$0x7B6]  }
0x3e7: {  	[sflag:s7] =	ssyncset.done $0x0  }
0x3e8: {  	[sflag:s7] =	ssyncadd.s32 $0xFFFFC000  }
0x3e9: {  	[hbm4b:s0+s3] =	stream.linear.scatter [tilespmem:s5], [sflag:$0x2], $0x4000, $0x38;
	[tilespmem:$0x6000] =	vst v63  }
0x3ea: {  	_ =	swait.ge [sflag:s4], $0x4000  }
0x3eb: {  	s0 =	sld [smem:$0x7F5]  }
0x3ec: {  	[sflag:s4] =	ssyncset.done $0x0  }
0x3ed: {  	[sflag:s4] =	ssyncadd.s32 $0xFFFFC000  }
0x3ee: {  	[tilespmem:s5], [sflag:$0x1] =	stream.indirect.gather [hbm4b:s2+s6], $0x80, s0, s6, $0xb8;
	[tilespmem:$0x6000] =	vst v63  }
0x3ef: {  	_ =	swait.ge [sflag:s7], $0x4000  }
0x3f0: {  	s0 =	sld [smem:$0x7B7]  }
0x3f1: {  	[sflag:s7] =	ssyncset.done $0x0  }
0x3f2: {  	[sflag:s7] =	ssyncadd.s32 $0xFFFFC000  }
0x3f3: {  	[hbm4b:s0+s3] =	stream.linear.scatter [tilespmem:s5], [sflag:$0x2], $0x4000, $0x38;
	[tilespmem:$0x6000] =	vst v63  }
0x3f4: {  	_ =	swait.ge [sflag:s4], $0x4000  }
0x3f5: {  	s0 =	sld [smem:$0x7F6]  }
0x3f6: {  	[sflag:s4] =	ssyncset.done $0x0  }
0x3f7: {  	[sflag:s4] =	ssyncadd.s32 $0xFFFFC000  }
0x3f8: {  	[tilespmem:s5], [sflag:$0x1] =	stream.indirect.gather [hbm4b:s2+s6], $0x80, s0, s6, $0xb8;
	[tilespmem:$0x6000] =	vst v63  }
0x3f9: {  	_ =	swait.ge [sflag:s7], $0x4000  }
0x3fa: {  	s0 =	sld [smem:$0x7B8]  }
0x3fb: {  	[sflag:s7] =	ssyncset.done $0x0  }
0x3fc: {  	[sflag:s7] =	ssyncadd.s32 $0xFFFFC000  }
0x3fd: {  	[hbm4b:s0+s3] =	stream.linear.scatter [tilespmem:s5], [sflag:$0x2], $0x4000, $0x38;
	[tilespmem:$0x6000] =	vst v63  }
0x3fe: {  	_ =	swait.ge [sflag:s4], $0x4000  }
0x3ff: {  	s0 =	sld [smem:$0x7F7]  }
0x400: {  	[sflag:s4] =	ssyncset.done $0x0  }
0x401: {  	[sflag:s4] =	ssyncadd.s32 $0xFFFFC000  }
0x402: {  	[tilespmem:s5], [sflag:$0x1] =	stream.indirect.gather [hbm4b:s2+s6], $0x80, s0, s6, $0xb8;
	[tilespmem:$0x6000] =	vst v63  }
0x403: {  	_ =	swait.ge [sflag:s7], $0x4000  }
0x404: {  	s0 =	sld [smem:$0x7B9]  }
0x405: {  	[sflag:s7] =	ssyncset.done $0x0  }
0x406: {  	[sflag:s7] =	ssyncadd.s32 $0xFFFFC000  }
0x407: {  	[hbm4b:s0+s3] =	stream.linear.scatter [tilespmem:s5], [sflag:$0x2], $0x4000, $0x38;
	[tilespmem:$0x6000] =	vst v63  }
0x408: {  	_ =	swait.ge [sflag:s4], $0x4000  }
0x409: {  	s0 =	sld [smem:$0x7F8]  }
0x40a: {  	[sflag:s4] =	ssyncset.done $0x0  }
0x40b: {  	[sflag:s4] =	ssyncadd.s32 $0xFFFFC000  }
0x40c: {  	[tilespmem:s5], [sflag:$0x1] =	stream.indirect.gather [hbm4b:s2+s6], $0x80, s0, s6, $0xb8;
	[tilespmem:$0x6000] =	vst v63  }
0x40d: {  	_ =	swait.ge [sflag:s7], $0x4000  }
0x40e: {  	s0 =	sld [smem:$0x7BA]  }
0x40f: {  	[sflag:s7] =	ssyncset.done $0x0  }
0x410: {  	[sflag:s7] =	ssyncadd.s32 $0xFFFFC000  }
0x411: {  	[hbm4b:s0+s3] =	stream.linear.scatter [tilespmem:s5], [sflag:$0x2], $0x4000, $0x38;
	[tilespmem:$0x6000] =	vst v63  }
0x412: {  	_ =	swait.ge [sflag:s4], $0x4000  }
0x413: {  	s0 =	sld [smem:$0x7F9]  }
0x414: {  	[sflag:s4] =	ssyncset.done $0x0  }
0x415: {  	[sflag:s4] =	ssyncadd.s32 $0xFFFFC000  }
0x416: {  	[tilespmem:s5], [sflag:$0x1] =	stream.indirect.gather [hbm4b:s2+s6], $0x80, s0, s6, $0xb8;
	[tilespmem:$0x6000] =	vst v63  }
0x417: {  	_ =	swait.ge [sflag:s7], $0x4000  }
0x418: {  	s0 =	sld [smem:$0x7BB]  }
0x419: {  	[sflag:s7] =	ssyncset.done $0x0  }
0x41a: {  	[sflag:s7] =	ssyncadd.s32 $0xFFFFC000  }
0x41b: {  	[hbm4b:s0+s3] =	stream.linear.scatter [tilespmem:s5], [sflag:$0x2], $0x4000, $0x38;
	[tilespmem:$0x6000] =	vst v63  }
0x41c: {  	_ =	swait.ge [sflag:s4], $0x4000  }
0x41d: {  	s0 =	sld [smem:$0x7FA]  }
0x41e: {  	[sflag:s4] =	ssyncset.done $0x0  }
0x41f: {  	[sflag:s4] =	ssyncadd.s32 $0xFFFFC000  }
0x420: {  	[tilespmem:s5], [sflag:$0x1] =	stream.indirect.gather [hbm4b:s2+s6], $0x80, s0, s6, $0xb8;
	[tilespmem:$0x6000] =	vst v63  }
0x421: {  	_ =	swait.ge [sflag:s7], $0x4000  }
0x422: {  	s0 =	sld [smem:$0x7BC]  }
0x423: {  	[sflag:s7] =	ssyncset.done $0x0  }
0x424: {  	[sflag:s7] =	ssyncadd.s32 $0xFFFFC000  }
0x425: {  	[hbm4b:s0+s3] =	stream.linear.scatter [tilespmem:s5], [sflag:$0x2], $0x4000, $0x38;
	[tilespmem:$0x6000] =	vst v63  }
0x426: {  	_ =	swait.ge [sflag:s4], $0x4000  }
0x427: {  	s0 =	sld [smem:$0x7FB]  }
0x428: {  	[sflag:s4] =	ssyncset.done $0x0  }
0x429: {  	[sflag:s4] =	ssyncadd.s32 $0xFFFFC000  }
0x42a: {  	[tilespmem:s5], [sflag:$0x1] =	stream.indirect.gather [hbm4b:s2+s6], $0x80, s0, s6, $0xb8;
	[tilespmem:$0x6000] =	vst v63  }
0x42b: {  	_ =	swait.ge [sflag:s7], $0x4000  }
0x42c: {  	s0 =	sld [smem:$0x7BD]  }
0x42d: {  	[sflag:s7] =	ssyncset.done $0x0  }
0x42e: {  	[sflag:s7] =	ssyncadd.s32 $0xFFFFC000  }
0x42f: {  	[hbm4b:s0+s3] =	stream.linear.scatter [tilespmem:s5], [sflag:$0x2], $0x4000, $0x38;
	[tilespmem:$0x6000] =	vst v63  }
0x430: {  	_ =	swait.ge [sflag:s4], $0x4000  }
0x431: {  	s0 =	sld [smem:$0x7FC]  }
0x432: {  	[sflag:s4] =	ssyncset.done $0x0  }
0x433: {  	[sflag:s4] =	ssyncadd.s32 $0xFFFFC000  }
0x434: {  	[tilespmem:s5], [sflag:$0x1] =	stream.indirect.gather [hbm4b:s2+s6], $0x80, s0, s6, $0xb8;
	[tilespmem:$0x6000] =	vst v63  }
0x435: {  	_ =	swait.ge [sflag:s7], $0x4000  }
0x436: {  	s0 =	sld [smem:$0x7BE]  }
0x437: {  	[sflag:s7] =	ssyncset.done $0x0  }
0x438: {  	[sflag:s7] =	ssyncadd.s32 $0xFFFFC000  }
0x439: {  	[hbm4b:s0+s3] =	stream.linear.scatter [tilespmem:s5], [sflag:$0x2], $0x4000, $0x38;
	[tilespmem:$0x6000] =	vst v63  }
0x43a: {  	_ =	swait.ge [sflag:s4], $0x4000  }
0x43b: {  	s0 =	sld [smem:$0x7FD]  }
0x43c: {  	[sflag:s4] =	ssyncset.done $0x0  }
0x43d: {  	[sflag:s4] =	ssyncadd.s32 $0xFFFFC000  }
0x43e: {  	[tilespmem:s5], [sflag:$0x1] =	stream.indirect.gather [hbm4b:s2+s6], $0x80, s0, s6, $0xb8;
	[tilespmem:$0x6000] =	vst v63  }
0x43f: {  	_ =	swait.ge [sflag:s7], $0x4000  }
0x440: {  	s0 =	sld [smem:$0x7BF]  }
0x441: {  	[sflag:s7] =	ssyncset.done $0x0  }
0x442: {  	[sflag:s7] =	ssyncadd.s32 $0xFFFFC000  }
0x443: {  	[hbm4b:s0+s3] =	stream.linear.scatter [tilespmem:s5], [sflag:$0x2], $0x4000, $0x38;
	[tilespmem:$0x6000] =	vst v63  }
0x444: {  	_ =	swait.ge [sflag:s4], $0x4000  }
0x445: {  	[sflag:s4] =	ssyncset.done $0x0  }
0x446: {  	[sflag:s4] =	ssyncadd.s32 $0xFFFFC000  }
0x447: {  	[tilespmem:s5], [sflag:$0x1] =	stream.indirect.gather [hbm4b:s2+s6], $0x80, s31, s6, $0xb8;
	[tilespmem:$0x6000] =	vst v63  }
0x448: {  	_ =	swait.ge [sflag:s7], $0x4000  }
0x449: {  	s0 =	sld [smem:$0x7C0]  }
0x44a: {  	[sflag:s7] =	ssyncset.done $0x0  }
0x44b: {  	[sflag:s7] =	ssyncadd.s32 $0xFFFFC000  }
0x44c: {  	[hbm4b:s0+s3] =	stream.linear.scatter [tilespmem:s5], [sflag:$0x2], $0x4000, $0x38;
	[tilespmem:$0x6000] =	vst v63  }
0x44d: {  	_ =	swait.ge [sflag:s4], $0x4000  }
0x44e: {  	[sflag:s4] =	ssyncset.done $0x0  }
0x44f: {  	[sflag:s4] =	ssyncadd.s32 $0xFFFFC000  }
0x450: {  	[tilespmem:s5], [sflag:$0x1] =	stream.indirect.gather [hbm4b:s2+s6], $0x80, s30, s6, $0xb8;
	[tilespmem:$0x6000] =	vst v63  }
0x451: {  	_ =	swait.ge [sflag:s7], $0x4000  }
0x452: {  	s0 =	sld [smem:$0x7C1]  }
0x453: {  	[sflag:s7] =	ssyncset.done $0x0  }
0x454: {  	[sflag:s7] =	ssyncadd.s32 $0xFFFFC000  }
0x455: {  	[hbm4b:s0+s3] =	stream.linear.scatter [tilespmem:s5], [sflag:$0x2], $0x4000, $0x38;
	[tilespmem:$0x6000] =	vst v63  }
0x456: {  	_ =	swait.ge [sflag:s4], $0x4000  }
0x457: {  	[sflag:s4] =	ssyncset.done $0x0  }
0x458: {  	[sflag:s4] =	ssyncadd.s32 $0xFFFFC000  }
0x459: {  	[tilespmem:s5], [sflag:$0x1] =	stream.indirect.gather [hbm4b:s2+s6], $0x80, s29, s6, $0xb8;
	[tilespmem:$0x6000] =	vst v63  }
0x45a: {  	_ =	swait.ge [sflag:s7], $0x4000  }
0x45b: {  	s0 =	sld [smem:$0x7C2]  }
0x45c: {  	[sflag:s7] =	ssyncset.done $0x0  }
0x45d: {  	[sflag:s7] =	ssyncadd.s32 $0xFFFFC000  }
0x45e: {  	[hbm4b:s0+s3] =	stream.linear.scatter [tilespmem:s5], [sflag:$0x2], $0x4000, $0x38;
	[tilespmem:$0x6000] =	vst v63  }
0x45f: {  	_ =	swait.ge [sflag:s4], $0x4000  }
0x460: {  	[sflag:s4] =	ssyncset.done $0x0  }
0x461: {  	[sflag:s4] =	ssyncadd.s32 $0xFFFFC000  }
0x462: {  	[tilespmem:s5], [sflag:$0x1] =	stream.indirect.gather [hbm4b:s2+s6], $0x80, s28, s6, $0xb8;
	[tilespmem:$0x6000] =	vst v63  }
0x463: {  	_ =	swait.ge [sflag:s7], $0x4000  }
0x464: {  	s0 =	sld [smem:$0x7C3]  }
0x465: {  	[sflag:s7] =	ssyncset.done $0x0  }
0x466: {  	[sflag:s7] =	ssyncadd.s32 $0xFFFFC000  }
0x467: {  	[hbm4b:s0+s3] =	stream.linear.scatter [tilespmem:s5], [sflag:$0x2], $0x4000, $0x38;
	[tilespmem:$0x6000] =	vst v63  }
0x468: {  	_ =	swait.ge [sflag:s4], $0x4000  }
0x469: {  	[sflag:s4] =	ssyncset.done $0x0  }
0x46a: {  	[sflag:s4] =	ssyncadd.s32 $0xFFFFC000  }
0x46b: {  	[tilespmem:s5], [sflag:$0x1] =	stream.indirect.gather [hbm4b:s2+s6], $0x80, s26, s6, $0xb8;
	[tilespmem:$0x6000] =	vst v63  }
0x46c: {  	_ =	swait.ge [sflag:s7], $0x4000  }
0x46d: {  	s0 =	sld [smem:$0x7C4]  }
0x46e: {  	[sflag:s7] =	ssyncset.done $0x0  }
0x46f: {  	[sflag:s7] =	ssyncadd.s32 $0xFFFFC000  }
0x470: {  	[hbm4b:s0+s3] =	stream.linear.scatter [tilespmem:s5], [sflag:$0x2], $0x4000, $0x38;
	[tilespmem:$0x6000] =	vst v63  }
0x471: {  	_ =	swait.ge [sflag:s4], $0x4000  }
0x472: {  	[sflag:s4] =	ssyncset.done $0x0  }
0x473: {  	[sflag:s4] =	ssyncadd.s32 $0xFFFFC000  }
0x474: {  	[tilespmem:s5], [sflag:$0x1] =	stream.indirect.gather [hbm4b:s2+s6], $0x80, s25, s6, $0xb8;
	[tilespmem:$0x6000] =	vst v63  }
0x475: {  	_ =	swait.ge [sflag:s7], $0x4000  }
0x476: {  	s0 =	sld [smem:$0x7C5]  }
0x477: {  	[sflag:s7] =	ssyncset.done $0x0  }
0x478: {  	[sflag:s7] =	ssyncadd.s32 $0xFFFFC000  }
0x479: {  	[hbm4b:s0+s3] =	stream.linear.scatter [tilespmem:s5], [sflag:$0x2], $0x4000, $0x38;
	[tilespmem:$0x6000] =	vst v63  }
0x47a: {  	_ =	swait.ge [sflag:s4], $0x4000  }
0x47b: {  	[sflag:s4] =	ssyncset.done $0x0  }
0x47c: {  	[sflag:s4] =	ssyncadd.s32 $0xFFFFC000  }
0x47d: {  	[tilespmem:s5], [sflag:$0x1] =	stream.indirect.gather [hbm4b:s2+s6], $0x80, s24, s6, $0xb8;
	[tilespmem:$0x6000] =	vst v63  }
0x47e: {  	_ =	swait.ge [sflag:s7], $0x4000  }
0x47f: {  	s0 =	sld [smem:$0x7C6]  }
0x480: {  	[sflag:s7] =	ssyncset.done $0x0  }
0x481: {  	[sflag:s7] =	ssyncadd.s32 $0xFFFFC000  }
0x482: {  	[hbm4b:s0+s3] =	stream.linear.scatter [tilespmem:s5], [sflag:$0x2], $0x4000, $0x38;
	[tilespmem:$0x6000] =	vst v63  }
0x483: {  	_ =	swait.ge [sflag:s4], $0x4000  }
0x484: {  	[sflag:s4] =	ssyncset.done $0x0  }
0x485: {  	[sflag:s4] =	ssyncadd.s32 $0xFFFFC000  }
0x486: {  	[tilespmem:s5], [sflag:$0x1] =	stream.indirect.gather [hbm4b:s2+s6], $0x80, s23, s6, $0xb8;
	[tilespmem:$0x6000] =	vst v63  }
0x487: {  	_ =	swait.ge [sflag:s7], $0x4000  }
0x488: {  	s0 =	sld [smem:$0x7C7]  }
0x489: {  	[sflag:s7] =	ssyncset.done $0x0  }
0x48a: {  	[sflag:s7] =	ssyncadd.s32 $0xFFFFC000  }
0x48b: {  	[hbm4b:s0+s3] =	stream.linear.scatter [tilespmem:s5], [sflag:$0x2], $0x4000, $0x38;
	[tilespmem:$0x6000] =	vst v63  }
0x48c: {  	_ =	swait.ge [sflag:s4], $0x4000  }
0x48d: {  	[sflag:s4] =	ssyncset.done $0x0  }
0x48e: {  	[sflag:s4] =	ssyncadd.s32 $0xFFFFC000  }
0x48f: {  	[tilespmem:s5], [sflag:$0x1] =	stream.indirect.gather [hbm4b:s2+s6], $0x80, s22, s6, $0xb8;
	[tilespmem:$0x6000] =	vst v63  }
0x490: {  	_ =	swait.ge [sflag:s7], $0x4000  }
0x491: {  	s0 =	sld [smem:$0x7C8]  }
0x492: {  	[sflag:s7] =	ssyncset.done $0x0  }
0x493: {  	[sflag:s7] =	ssyncadd.s32 $0xFFFFC000  }
0x494: {  	[hbm4b:s0+s3] =	stream.linear.scatter [tilespmem:s5], [sflag:$0x2], $0x4000, $0x38;
	[tilespmem:$0x6000] =	vst v63  }
0x495: {  	_ =	swait.ge [sflag:s4], $0x4000  }
0x496: {  	[sflag:s4] =	ssyncset.done $0x0  }
0x497: {  	[sflag:s4] =	ssyncadd.s32 $0xFFFFC000  }
0x498: {  	[tilespmem:s5], [sflag:$0x1] =	stream.indirect.gather [hbm4b:s2+s6], $0x80, s21, s6, $0xb8;
	[tilespmem:$0x6000] =	vst v63  }
0x499: {  	_ =	swait.ge [sflag:s7], $0x4000  }
0x49a: {  	s0 =	sld [smem:$0x7C9]  }
0x49b: {  	[sflag:s7] =	ssyncset.done $0x0  }
0x49c: {  	[sflag:s7] =	ssyncadd.s32 $0xFFFFC000  }
0x49d: {  	[hbm4b:s0+s3] =	stream.linear.scatter [tilespmem:s5], [sflag:$0x2], $0x4000, $0x38;
	[tilespmem:$0x6000] =	vst v63  }
0x49e: {  	_ =	swait.ge [sflag:s4], $0x4000  }
0x49f: {  	[sflag:s4] =	ssyncset.done $0x0  }
0x4a0: {  	[sflag:s4] =	ssyncadd.s32 $0xFFFFC000  }
0x4a1: {  	[tilespmem:s5], [sflag:$0x1] =	stream.indirect.gather [hbm4b:s2+s6], $0x80, s20, s6, $0xb8;
	[tilespmem:$0x6000] =	vst v63  }
0x4a2: {  	_ =	swait.ge [sflag:s7], $0x4000  }
0x4a3: {  	s0 =	sld [smem:$0x7CA]  }
0x4a4: {  	[sflag:s7] =	ssyncset.done $0x0  }
0x4a5: {  	[sflag:s7] =	ssyncadd.s32 $0xFFFFC000  }
0x4a6: {  	[hbm4b:s0+s3] =	stream.linear.scatter [tilespmem:s5], [sflag:$0x2], $0x4000, $0x38;
	[tilespmem:$0x6000] =	vst v63  }
0x4a7: {  	_ =	swait.ge [sflag:s4], $0x4000  }
0x4a8: {  	[sflag:s4] =	ssyncset.done $0x0  }
0x4a9: {  	[sflag:s4] =	ssyncadd.s32 $0xFFFFC000  }
0x4aa: {  	[tilespmem:s5], [sflag:$0x1] =	stream.indirect.gather [hbm4b:s2+s6], $0x80, s19, s6, $0xb8;
	[tilespmem:$0x6000] =	vst v63  }
0x4ab: {  	_ =	swait.ge [sflag:s7], $0x4000  }
0x4ac: {  	s0 =	sld [smem:$0x7CB]  }
0x4ad: {  	[sflag:s7] =	ssyncset.done $0x0  }
0x4ae: {  	[sflag:s7] =	ssyncadd.s32 $0xFFFFC000  }
0x4af: {  	[hbm4b:s0+s3] =	stream.linear.scatter [tilespmem:s5], [sflag:$0x2], $0x4000, $0x38;
	[tilespmem:$0x6000] =	vst v63  }
0x4b0: {  	_ =	swait.ge [sflag:s4], $0x4000  }
0x4b1: {  	[sflag:s4] =	ssyncset.done $0x0  }
0x4b2: {  	[sflag:s4] =	ssyncadd.s32 $0xFFFFC000  }
0x4b3: {  	[tilespmem:s5], [sflag:$0x1] =	stream.indirect.gather [hbm4b:s2+s6], $0x80, s18, s6, $0xb8;
	[tilespmem:$0x6000] =	vst v63  }
0x4b4: {  	_ =	swait.ge [sflag:s7], $0x4000  }
0x4b5: {  	s0 =	sld [smem:$0x7CC]  }
0x4b6: {  	[sflag:s7] =	ssyncset.done $0x0  }
0x4b7: {  	[sflag:s7] =	ssyncadd.s32 $0xFFFFC000  }
0x4b8: {  	[hbm4b:s0+s3] =	stream.linear.scatter [tilespmem:s5], [sflag:$0x2], $0x4000, $0x38;
	[tilespmem:$0x6000] =	vst v63  }
0x4b9: {  	_ =	swait.ge [sflag:s4], $0x4000  }
0x4ba: {  	[sflag:s4] =	ssyncset.done $0x0  }
0x4bb: {  	[sflag:s4] =	ssyncadd.s32 $0xFFFFC000  }
0x4bc: {  	[tilespmem:s5], [sflag:$0x1] =	stream.indirect.gather [hbm4b:s2+s6], $0x80, s17, s6, $0xb8;
	[tilespmem:$0x6000] =	vst v63  }
0x4bd: {  	_ =	swait.ge [sflag:s7], $0x4000  }
0x4be: {  	s0 =	sld [smem:$0x7CD]  }
0x4bf: {  	[sflag:s7] =	ssyncset.done $0x0  }
0x4c0: {  	[sflag:s7] =	ssyncadd.s32 $0xFFFFC000  }
0x4c1: {  	[hbm4b:s0+s3] =	stream.linear.scatter [tilespmem:s5], [sflag:$0x2], $0x4000, $0x38;
	[tilespmem:$0x6000] =	vst v63  }
0x4c2: {  	_ =	swait.ge [sflag:s4], $0x4000  }
0x4c3: {  	[sflag:s4] =	ssyncset.done $0x0  }
0x4c4: {  	[sflag:s4] =	ssyncadd.s32 $0xFFFFC000  }
0x4c5: {  	[tilespmem:s5], [sflag:$0x1] =	stream.indirect.gather [hbm4b:s2+s6], $0x80, s16, s6, $0xb8;
	[tilespmem:$0x6000] =	vst v63  }
0x4c6: {  	_ =	swait.ge [sflag:s7], $0x4000  }
0x4c7: {  	s0 =	sld [smem:$0x7CE]  }
0x4c8: {  	[sflag:s7] =	ssyncset.done $0x0  }
0x4c9: {  	[sflag:s7] =	ssyncadd.s32 $0xFFFFC000  }
0x4ca: {  	[hbm4b:s0+s3] =	stream.linear.scatter [tilespmem:s5], [sflag:$0x2], $0x4000, $0x38;
	[tilespmem:$0x6000] =	vst v63  }
0x4cb: {  	_ =	swait.ge [sflag:s4], $0x4000  }
0x4cc: {  	[sflag:s4] =	ssyncset.done $0x0  }
0x4cd: {  	[sflag:s4] =	ssyncadd.s32 $0xFFFFC000  }
0x4ce: {  	[tilespmem:s5], [sflag:$0x1] =	stream.indirect.gather [hbm4b:s2+s6], $0x80, s15, s6, $0xb8;
	[tilespmem:$0x6000] =	vst v63  }
0x4cf: {  	_ =	swait.ge [sflag:s7], $0x4000  }
0x4d0: {  	s0 =	sld [smem:$0x7CF]  }
0x4d1: {  	[sflag:s7] =	ssyncset.done $0x0  }
0x4d2: {  	[sflag:s7] =	ssyncadd.s32 $0xFFFFC000  }
0x4d3: {  	[hbm4b:s0+s3] =	stream.linear.scatter [tilespmem:s5], [sflag:$0x2], $0x4000, $0x38;
	[tilespmem:$0x6000] =	vst v63  }
0x4d4: {  	_ =	swait.ge [sflag:s4], $0x4000  }
0x4d5: {  	[sflag:s4] =	ssyncset.done $0x0  }
0x4d6: {  	[sflag:s4] =	ssyncadd.s32 $0xFFFFC000  }
0x4d7: {  	[tilespmem:s5], [sflag:$0x1] =	stream.indirect.gather [hbm4b:s2+s6], $0x80, s14, s6, $0xb8;
	[tilespmem:$0x6000] =	vst v63  }
0x4d8: {  	_ =	swait.ge [sflag:s7], $0x4000  }
0x4d9: {  	s0 =	sld [smem:$0x7D0]  }
0x4da: {  	[sflag:s7] =	ssyncset.done $0x0  }
0x4db: {  	[sflag:s7] =	ssyncadd.s32 $0xFFFFC000  }
0x4dc: {  	[hbm4b:s0+s3] =	stream.linear.scatter [tilespmem:s5], [sflag:$0x2], $0x4000, $0x38;
	[tilespmem:$0x6000] =	vst v63  }
0x4dd: {  	_ =	swait.ge [sflag:s4], $0x4000  }
0x4de: {  	[sflag:s4] =	ssyncset.done $0x0  }
0x4df: {  	[sflag:s4] =	ssyncadd.s32 $0xFFFFC000  }
0x4e0: {  	[tilespmem:s5], [sflag:$0x1] =	stream.indirect.gather [hbm4b:s2+s6], $0x80, s13, s6, $0xb8;
	[tilespmem:$0x6000] =	vst v63  }
0x4e1: {  	_ =	swait.ge [sflag:s7], $0x4000  }
0x4e2: {  	s0 =	sld [smem:$0x7D1]  }
0x4e3: {  	[sflag:s7] =	ssyncset.done $0x0  }
0x4e4: {  	[sflag:s7] =	ssyncadd.s32 $0xFFFFC000  }
0x4e5: {  	[hbm4b:s0+s3] =	stream.linear.scatter [tilespmem:s5], [sflag:$0x2], $0x4000, $0x38;
	[tilespmem:$0x6000] =	vst v63  }
0x4e6: {  	_ =	swait.ge [sflag:s4], $0x4000  }
0x4e7: {  	[sflag:s4] =	ssyncset.done $0x0  }
0x4e8: {  	[sflag:s4] =	ssyncadd.s32 $0xFFFFC000  }
0x4e9: {  	[tilespmem:s5], [sflag:$0x1] =	stream.indirect.gather [hbm4b:s2+s6], $0x80, s12, s6, $0xb8;
	[tilespmem:$0x6000] =	vst v63  }
0x4ea: {  	_ =	swait.ge [sflag:s7], $0x4000  }
0x4eb: {  	s0 =	sld [smem:$0x7D2]  }
0x4ec: {  	[sflag:s7] =	ssyncset.done $0x0  }
0x4ed: {  	[sflag:s7] =	ssyncadd.s32 $0xFFFFC000  }
0x4ee: {  	[hbm4b:s0+s3] =	stream.linear.scatter [tilespmem:s5], [sflag:$0x2], $0x4000, $0x38;
	[tilespmem:$0x6000] =	vst v63  }
0x4ef: {  	_ =	swait.ge [sflag:s4], $0x4000  }
0x4f0: {  	[sflag:s4] =	ssyncset.done $0x0  }
0x4f1: {  	[sflag:s4] =	ssyncadd.s32 $0xFFFFC000  }
0x4f2: {  	[tilespmem:s5], [sflag:$0x1] =	stream.indirect.gather [hbm4b:s2+s6], $0x80, s11, s6, $0xb8;
	[tilespmem:$0x6000] =	vst v63  }
0x4f3: {  	_ =	swait.ge [sflag:s7], $0x4000  }
0x4f4: {  	s0 =	sld [smem:$0x7D3]  }
0x4f5: {  	[sflag:s7] =	ssyncset.done $0x0  }
0x4f6: {  	[sflag:s7] =	ssyncadd.s32 $0xFFFFC000  }
0x4f7: {  	[hbm4b:s0+s3] =	stream.linear.scatter [tilespmem:s5], [sflag:$0x2], $0x4000, $0x38;
	[tilespmem:$0x6000] =	vst v63  }
0x4f8: {  	_ =	swait.ge [sflag:s4], $0x4000  }
0x4f9: {  	[sflag:s4] =	ssyncset.done $0x0  }
0x4fa: {  	[sflag:s4] =	ssyncadd.s32 $0xFFFFC000  }
0x4fb: {  	[tilespmem:s5], [sflag:$0x1] =	stream.indirect.gather [hbm4b:s2+s6], $0x80, s10, s6, $0xb8;
	[tilespmem:$0x6000] =	vst v63  }
0x4fc: {  	_ =	swait.ge [sflag:s7], $0x4000  }
0x4fd: {  	s0 =	sld [smem:$0x7D4]  }
0x4fe: {  	[sflag:s7] =	ssyncset.done $0x0  }
0x4ff: {  	[sflag:s7] =	ssyncadd.s32 $0xFFFFC000  }
0x500: {  	[hbm4b:s0+s3] =	stream.linear.scatter [tilespmem:s5], [sflag:$0x2], $0x4000, $0x38;
	[tilespmem:$0x6000] =	vst v63  }
0x501: {  	_ =	swait.ge [sflag:s4], $0x4000  }
0x502: {  	[sflag:s4] =	ssyncset.done $0x0  }
0x503: {  	[sflag:s4] =	ssyncadd.s32 $0xFFFFC000  }
0x504: {  	[tilespmem:s5], [sflag:$0x1] =	stream.indirect.gather [hbm4b:s2+s6], $0x80, s9, s6, $0xb8;
	[tilespmem:$0x6000] =	vst v63  }
0x505: {  	_ =	swait.ge [sflag:s7], $0x4000  }
0x506: {  	s0 =	sld [smem:$0x7D5]  }
0x507: {  	[sflag:s7] =	ssyncset.done $0x0  }
0x508: {  	[sflag:s7] =	ssyncadd.s32 $0xFFFFC000  }
0x509: {  	[hbm4b:s0+s3] =	stream.linear.scatter [tilespmem:s5], [sflag:$0x2], $0x4000, $0x38;
	[tilespmem:$0x6000] =	vst v63  }
0x50a: {  	_ =	swait.ge [sflag:s4], $0x4000  }
0x50b: {  	[sflag:s4] =	ssyncset.done $0x0  }
0x50c: {  	[sflag:s4] =	ssyncadd.s32 $0xFFFFC000  }
0x50d: {  	[tilespmem:s5], [sflag:$0x1] =	stream.indirect.gather [hbm4b:s2+s6], $0x80, s8, s6, $0xb8;
	[tilespmem:$0x6000] =	vst v63  }
0x50e: {  	_ =	swait.ge [sflag:s7], $0x4000  }
0x50f: {  	p1 =	sne.s32 s1, $0x1;
	s0 =	sld [smem:$0x7D6]  }
.Ltmp2:
0x510: {  	[sflag:s7] =	ssyncset.done $0x0;
	(pc) =	sbr.rel @p1 .LBB2_2-.Ltmp2, $4  }
0x511: {  	[sflag:s7] =	ssyncadd.s32 $0xFFFFC000  }
0x512: {  	[hbm4b:s0+s3] =	stream.linear.scatter [tilespmem:s5], [sflag:$0x2], $0x4000, $0x38;
	[tilespmem:$0x6000] =	vst v63  }
0x513: {  	_ =	swait.ge [sflag:s4], $0x4000  }
0x514: {  	s1 =	sadd.s32 $0xFFFFFFFF, s1;
	s0 =	rddreg [dreg:$0x4];
	[sflag:s4] =	ssyncset.done $0x0  }
.LBB2_3:
0x515: {  	[sflag:s4] =	ssyncadd.s32 @p0 $0xFFFFC000  }
0x516: {  	[tilespmem:s3], [sflag:$0x2] =	stream.linear.gather [hbm4b:s0+s3], $0x2000, $0x38;
	[tilespmem:$0x6000] =	vst v63  }
0x517: {  	_ =	swait.ge [sflag:s4], $0x2000  }
0x518: {  	[sflag:s4] =	ssyncset.done $0x0  }
0x519: {  	[sflag:s4] =	ssyncadd.s32 $0xFFFFE000  }
0x51a: {  	[tilespmem:s5], [sflag:$0x1] =	stream.indirect.gather [hbm4b:s2+s6], $0x80, s3, s6, $0xb8;
	[tilespmem:$0x6000] =	vst v63  }
0x51b: {  	_ =	swait.ge [sflag:s7], $0x4000  }
0x51c: {  	[sflag:s7] =	ssyncset.done $0x0  }
0x51d: {  	s1 =	rddreg [dreg:$0x5];
	[sflag:s7] =	ssyncadd.s32 $0xFFFFC000  }
0x51e: {  	[hbm4b:s1+s3] =	stream.linear.scatter [tilespmem:s5], [sflag:$0x2], $0x4000, $0x38;
	[tilespmem:$0x6000] =	vst v63  }
0x51f: {  	_ =	swait.ge [sflag:s4], $0x4000  }
0x520: {  	[sflag:s4] =	ssyncset.done $0x0  }
0x521: {  	[sflag:s4] =	ssyncadd.s32 $0xFFFFC000  }
0x522: {  	[tilespmem:s5], [sflag:$0x1] =	stream.indirect.gather [hbm4b:s2+s6], $0x80, s6, s6, $0xb8;
	[tilespmem:$0x6000] =	vst v63  }
0x523: {  	_ =	swait.ge [sflag:s7], $0x4000  }
0x524: {  	[sflag:s7] =	ssyncset.done $0x0  }
0x525: {  	s1 =	rddreg [dreg:$0x6];
	[sflag:s7] =	ssyncadd.s32 $0xFFFFC000  }
0x526: {  	[hbm4b:s1+s3] =	stream.linear.scatter [tilespmem:s5], [sflag:$0x2], $0x4000, $0x38;
	[tilespmem:$0x6000] =	vst v63  }
0x527: {  	_ =	swait.ge [sflag:s4], $0x4000  }
0x528: {  	s1 =	sld [smem:$0x7D7]  }
0x529: {  	[sflag:s4] =	ssyncset.done $0x0  }
0x52a: {  	[sflag:s4] =	ssyncadd.s32 $0xFFFFC000  }
0x52b: {  	[tilespmem:s5], [sflag:$0x1] =	stream.indirect.gather [hbm4b:s2+s6], $0x80, s1, s6, $0xb8;
	[tilespmem:$0x6000] =	vst v63  }
0x52c: {  	_ =	swait.ge [sflag:s7], $0x4000  }
0x52d: {  	[sflag:s7] =	ssyncset.done $0x0  }
0x52e: {  	s1 =	rddreg [dreg:$0x7];
	[sflag:s7] =	ssyncadd.s32 $0xFFFFC000  }
0x52f: {  	[hbm4b:s1+s3] =	stream.linear.scatter [tilespmem:s5], [sflag:$0x2], $0x4000, $0x38;
	[tilespmem:$0x6000] =	vst v63  }
0x530: {  	_ =	swait.ge [sflag:s4], $0x4000  }
0x531: {  	s1 =	sld [smem:$0x7D8]  }
0x532: {  	[sflag:s4] =	ssyncset.done $0x0  }
0x533: {  	[sflag:s4] =	ssyncadd.s32 $0xFFFFC000  }
0x534: {  	[tilespmem:s5], [sflag:$0x1] =	stream.indirect.gather [hbm4b:s2+s6], $0x80, s1, s6, $0xb8;
	[tilespmem:$0x6000] =	vst v63  }
0x535: {  	_ =	swait.ge [sflag:s7], $0x4000  }
0x536: {  	[sflag:s7] =	ssyncset.done $0x0  }
0x537: {  	s1 =	rddreg [dreg:$0x8];
	[sflag:s7] =	ssyncadd.s32 $0xFFFFC000  }
0x538: {  	[hbm4b:s1+s3] =	stream.linear.scatter [tilespmem:s5], [sflag:$0x2], $0x4000, $0x38;
	[tilespmem:$0x6000] =	vst v63  }
0x539: {  	_ =	swait.ge [sflag:s4], $0x4000  }
0x53a: {  	s1 =	sld [smem:$0x7D9]  }
0x53b: {  	[sflag:s4] =	ssyncset.done $0x0  }
0x53c: {  	[sflag:s4] =	ssyncadd.s32 $0xFFFFC000  }
0x53d: {  	[tilespmem:s5], [sflag:$0x1] =	stream.indirect.gather [hbm4b:s2+s6], $0x80, s1, s6, $0xb8;
	[tilespmem:$0x6000] =	vst v63  }
0x53e: {  	_ =	swait.ge [sflag:s7], $0x4000  }
0x53f: {  	[sflag:s7] =	ssyncset.done $0x0  }
0x540: {  	s1 =	rddreg [dreg:$0x9];
	[sflag:s7] =	ssyncadd.s32 $0xFFFFC000  }
0x541: {  	[hbm4b:s1+s3] =	stream.linear.scatter [tilespmem:s5], [sflag:$0x2], $0x4000, $0x38;
	[tilespmem:$0x6000] =	vst v63  }
0x542: {  	_ =	swait.ge [sflag:s4], $0x4000  }
0x543: {  	s1 =	sld [smem:$0x7DA]  }
0x544: {  	[sflag:s4] =	ssyncset.done $0x0  }
0x545: {  	[sflag:s4] =	ssyncadd.s32 $0xFFFFC000  }
0x546: {  	[tilespmem:s5], [sflag:$0x1] =	stream.indirect.gather [hbm4b:s2+s6], $0x80, s1, s6, $0xb8;
	[tilespmem:$0x6000] =	vst v63  }
0x547: {  	_ =	swait.ge [sflag:s7], $0x4000  }
0x548: {  	[sflag:s7] =	ssyncset.done $0x0  }
0x549: {  	s1 =	rddreg [dreg:$0xa];
	[sflag:s7] =	ssyncadd.s32 $0xFFFFC000  }
0x54a: {  	[hbm4b:s1+s3] =	stream.linear.scatter [tilespmem:s5], [sflag:$0x2], $0x4000, $0x38;
	[tilespmem:$0x6000] =	vst v63  }
0x54b: {  	_ =	swait.ge [sflag:s4], $0x4000  }
0x54c: {  	s1 =	sld [smem:$0x7DB]  }
0x54d: {  	[sflag:s4] =	ssyncset.done $0x0  }
0x54e: {  	[sflag:s4] =	ssyncadd.s32 $0xFFFFC000  }
0x54f: {  	[tilespmem:s5], [sflag:$0x1] =	stream.indirect.gather [hbm4b:s2+s6], $0x80, s1, s6, $0xb8;
	[tilespmem:$0x6000] =	vst v63  }
0x550: {  	_ =	swait.ge [sflag:s7], $0x4000  }
0x551: {  	[sflag:s7] =	ssyncset.done $0x0  }
0x552: {  	s1 =	rddreg [dreg:$0xb];
	[sflag:s7] =	ssyncadd.s32 $0xFFFFC000  }
0x553: {  	[hbm4b:s1+s3] =	stream.linear.scatter [tilespmem:s5], [sflag:$0x2], $0x4000, $0x38;
	[tilespmem:$0x6000] =	vst v63  }
0x554: {  	_ =	swait.ge [sflag:s4], $0x4000  }
0x555: {  	s1 =	sld [smem:$0x7DC]  }
0x556: {  	[sflag:s4] =	ssyncset.done $0x0  }
0x557: {  	[sflag:s4] =	ssyncadd.s32 $0xFFFFC000  }
0x558: {  	[tilespmem:s5], [sflag:$0x1] =	stream.indirect.gather [hbm4b:s2+s6], $0x80, s1, s6, $0xb8;
	[tilespmem:$0x6000] =	vst v63  }
0x559: {  	_ =	swait.ge [sflag:s7], $0x4000  }
0x55a: {  	[sflag:s7] =	ssyncset.done $0x0  }
0x55b: {  	s1 =	rddreg [dreg:$0xc];
	[sflag:s7] =	ssyncadd.s32 $0xFFFFC000  }
0x55c: {  	[hbm4b:s1+s3] =	stream.linear.scatter [tilespmem:s5], [sflag:$0x2], $0x4000, $0x38;
	[tilespmem:$0x6000] =	vst v63  }
0x55d: {  	_ =	swait.ge [sflag:s4], $0x4000  }
0x55e: {  	s1 =	sld [smem:$0x7DD]  }
0x55f: {  	[sflag:s4] =	ssyncset.done $0x0  }
0x560: {  	[sflag:s4] =	ssyncadd.s32 $0xFFFFC000  }
0x561: {  	[tilespmem:s5], [sflag:$0x1] =	stream.indirect.gather [hbm4b:s2+s6], $0x80, s1, s6, $0xb8;
	[tilespmem:$0x6000] =	vst v63  }
0x562: {  	_ =	swait.ge [sflag:s7], $0x4000  }
0x563: {  	[sflag:s7] =	ssyncset.done $0x0  }
0x564: {  	s1 =	rddreg [dreg:$0xd];
	[sflag:s7] =	ssyncadd.s32 $0xFFFFC000  }
0x565: {  	[hbm4b:s1+s3] =	stream.linear.scatter [tilespmem:s5], [sflag:$0x2], $0x4000, $0x38;
	[tilespmem:$0x6000] =	vst v63  }
0x566: {  	_ =	swait.ge [sflag:s4], $0x4000  }
0x567: {  	s1 =	sld [smem:$0x7DE]  }
0x568: {  	[sflag:s4] =	ssyncset.done $0x0  }
0x569: {  	[sflag:s4] =	ssyncadd.s32 $0xFFFFC000  }
0x56a: {  	[tilespmem:s5], [sflag:$0x1] =	stream.indirect.gather [hbm4b:s2+s6], $0x80, s1, s6, $0xb8;
	[tilespmem:$0x6000] =	vst v63  }
0x56b: {  	_ =	swait.ge [sflag:s7], $0x4000  }
0x56c: {  	[sflag:s7] =	ssyncset.done $0x0  }
0x56d: {  	s1 =	rddreg [dreg:$0xe];
	[sflag:s7] =	ssyncadd.s32 $0xFFFFC000  }
0x56e: {  	[hbm4b:s1+s3] =	stream.linear.scatter [tilespmem:s5], [sflag:$0x2], $0x4000, $0x38;
	[tilespmem:$0x6000] =	vst v63  }
0x56f: {  	_ =	swait.ge [sflag:s4], $0x4000  }
0x570: {  	s1 =	sld [smem:$0x7DF]  }
0x571: {  	[sflag:s4] =	ssyncset.done $0x0  }
0x572: {  	[sflag:s4] =	ssyncadd.s32 $0xFFFFC000  }
0x573: {  	[tilespmem:s5], [sflag:$0x1] =	stream.indirect.gather [hbm4b:s2+s6], $0x80, s1, s6, $0xb8;
	[tilespmem:$0x6000] =	vst v63  }
0x574: {  	_ =	swait.ge [sflag:s7], $0x4000  }
0x575: {  	[sflag:s7] =	ssyncset.done $0x0  }
0x576: {  	s1 =	rddreg [dreg:$0xf];
	[sflag:s7] =	ssyncadd.s32 $0xFFFFC000  }
0x577: {  	[hbm4b:s1+s3] =	stream.linear.scatter [tilespmem:s5], [sflag:$0x2], $0x4000, $0x38;
	[tilespmem:$0x6000] =	vst v63  }
0x578: {  	_ =	swait.ge [sflag:s4], $0x4000  }
0x579: {  	s1 =	sld [smem:$0x7E0]  }
0x57a: {  	[sflag:s4] =	ssyncset.done $0x0  }
0x57b: {  	[sflag:s4] =	ssyncadd.s32 $0xFFFFC000  }
0x57c: {  	[tilespmem:s5], [sflag:$0x1] =	stream.indirect.gather [hbm4b:s2+s6], $0x80, s1, s6, $0xb8;
	[tilespmem:$0x6000] =	vst v63  }
0x57d: {  	_ =	swait.ge [sflag:s7], $0x4000  }
0x57e: {  	[sflag:s7] =	ssyncset.done $0x0  }
0x57f: {  	s1 =	rddreg [dreg:$0x10];
	[sflag:s7] =	ssyncadd.s32 $0xFFFFC000  }
0x580: {  	[hbm4b:s1+s3] =	stream.linear.scatter [tilespmem:s5], [sflag:$0x2], $0x4000, $0x38;
	[tilespmem:$0x6000] =	vst v63  }
0x581: {  	_ =	swait.ge [sflag:s4], $0x4000  }
0x582: {  	s1 =	sld [smem:$0x7E1]  }
0x583: {  	[sflag:s4] =	ssyncset.done $0x0  }
0x584: {  	[sflag:s4] =	ssyncadd.s32 $0xFFFFC000  }
0x585: {  	[tilespmem:s5], [sflag:$0x1] =	stream.indirect.gather [hbm4b:s2+s6], $0x80, s1, s6, $0xb8;
	[tilespmem:$0x6000] =	vst v63  }
0x586: {  	_ =	swait.ge [sflag:s7], $0x4000  }
0x587: {  	[sflag:s7] =	ssyncset.done $0x0  }
0x588: {  	s1 =	rddreg [dreg:$0x11];
	[sflag:s7] =	ssyncadd.s32 $0xFFFFC000  }
0x589: {  	[hbm4b:s1+s3] =	stream.linear.scatter [tilespmem:s5], [sflag:$0x2], $0x4000, $0x38;
	[tilespmem:$0x6000] =	vst v63  }
0x58a: {  	_ =	swait.ge [sflag:s4], $0x4000  }
0x58b: {  	s1 =	sld [smem:$0x7E2]  }
0x58c: {  	[sflag:s4] =	ssyncset.done $0x0  }
0x58d: {  	[sflag:s4] =	ssyncadd.s32 $0xFFFFC000  }
0x58e: {  	[tilespmem:s5], [sflag:$0x1] =	stream.indirect.gather [hbm4b:s2+s6], $0x80, s1, s6, $0xb8;
	[tilespmem:$0x6000] =	vst v63  }
0x58f: {  	_ =	swait.ge [sflag:s7], $0x4000  }
0x590: {  	[sflag:s7] =	ssyncset.done $0x0  }
0x591: {  	s1 =	rddreg [dreg:$0x12];
	[sflag:s7] =	ssyncadd.s32 $0xFFFFC000  }
0x592: {  	[hbm4b:s1+s3] =	stream.linear.scatter [tilespmem:s5], [sflag:$0x2], $0x4000, $0x38;
	[tilespmem:$0x6000] =	vst v63  }
0x593: {  	_ =	swait.ge [sflag:s4], $0x4000  }
0x594: {  	s1 =	sld [smem:$0x7E3]  }
0x595: {  	[sflag:s4] =	ssyncset.done $0x0  }
0x596: {  	[sflag:s4] =	ssyncadd.s32 $0xFFFFC000  }
0x597: {  	[tilespmem:s5], [sflag:$0x1] =	stream.indirect.gather [hbm4b:s2+s6], $0x80, s1, s6, $0xb8;
	[tilespmem:$0x6000] =	vst v63  }
0x598: {  	_ =	swait.ge [sflag:s7], $0x4000  }
0x599: {  	[sflag:s7] =	ssyncset.done $0x0  }
0x59a: {  	s1 =	rddreg [dreg:$0x13];
	[sflag:s7] =	ssyncadd.s32 $0xFFFFC000  }
0x59b: {  	[hbm4b:s1+s3] =	stream.linear.scatter [tilespmem:s5], [sflag:$0x2], $0x4000, $0x38;
	[tilespmem:$0x6000] =	vst v63  }
0x59c: {  	_ =	swait.ge [sflag:s4], $0x4000  }
0x59d: {  	s1 =	sld [smem:$0x7E4]  }
0x59e: {  	[sflag:s4] =	ssyncset.done $0x0  }
0x59f: {  	[sflag:s4] =	ssyncadd.s32 $0xFFFFC000  }
0x5a0: {  	[tilespmem:s5], [sflag:$0x1] =	stream.indirect.gather [hbm4b:s2+s6], $0x80, s1, s6, $0xb8;
	[tilespmem:$0x6000] =	vst v63  }
0x5a1: {  	_ =	swait.ge [sflag:s7], $0x4000  }
0x5a2: {  	[sflag:s7] =	ssyncset.done $0x0  }
0x5a3: {  	s1 =	rddreg [dreg:$0x14];
	[sflag:s7] =	ssyncadd.s32 $0xFFFFC000  }
0x5a4: {  	[hbm4b:s1+s3] =	stream.linear.scatter [tilespmem:s5], [sflag:$0x2], $0x4000, $0x38;
	[tilespmem:$0x6000] =	vst v63  }
0x5a5: {  	_ =	swait.ge [sflag:s4], $0x4000  }
0x5a6: {  	s1 =	sld [smem:$0x7E5]  }
0x5a7: {  	[sflag:s4] =	ssyncset.done $0x0  }
0x5a8: {  	[sflag:s4] =	ssyncadd.s32 $0xFFFFC000  }
0x5a9: {  	[tilespmem:s5], [sflag:$0x1] =	stream.indirect.gather [hbm4b:s2+s6], $0x80, s1, s6, $0xb8;
	[tilespmem:$0x6000] =	vst v63  }
0x5aa: {  	_ =	swait.ge [sflag:s7], $0x4000  }
0x5ab: {  	[sflag:s7] =	ssyncset.done $0x0  }
0x5ac: {  	s1 =	rddreg [dreg:$0x15];
	[sflag:s7] =	ssyncadd.s32 $0xFFFFC000  }
0x5ad: {  	[hbm4b:s1+s3] =	stream.linear.scatter [tilespmem:s5], [sflag:$0x2], $0x4000, $0x38;
	[tilespmem:$0x6000] =	vst v63  }
0x5ae: {  	_ =	swait.ge [sflag:s4], $0x4000  }
0x5af: {  	s1 =	sld [smem:$0x7E6]  }
0x5b0: {  	[sflag:s4] =	ssyncset.done $0x0  }
0x5b1: {  	[sflag:s4] =	ssyncadd.s32 $0xFFFFC000  }
0x5b2: {  	[tilespmem:s5], [sflag:$0x1] =	stream.indirect.gather [hbm4b:s2+s6], $0x80, s1, s6, $0xb8;
	[tilespmem:$0x6000] =	vst v63  }
0x5b3: {  	_ =	swait.ge [sflag:s7], $0x4000  }
0x5b4: {  	[sflag:s7] =	ssyncset.done $0x0  }
0x5b5: {  	s1 =	rddreg [dreg:$0x16];
	[sflag:s7] =	ssyncadd.s32 $0xFFFFC000  }
0x5b6: {  	[hbm4b:s1+s3] =	stream.linear.scatter [tilespmem:s5], [sflag:$0x2], $0x4000, $0x38;
	[tilespmem:$0x6000] =	vst v63  }
0x5b7: {  	_ =	swait.ge [sflag:s4], $0x4000  }
0x5b8: {  	s1 =	sld [smem:$0x7E7]  }
0x5b9: {  	[sflag:s4] =	ssyncset.done $0x0  }
0x5ba: {  	[sflag:s4] =	ssyncadd.s32 $0xFFFFC000  }
0x5bb: {  	[tilespmem:s5], [sflag:$0x1] =	stream.indirect.gather [hbm4b:s2+s6], $0x80, s1, s6, $0xb8;
	[tilespmem:$0x6000] =	vst v63  }
0x5bc: {  	_ =	swait.ge [sflag:s7], $0x4000  }
0x5bd: {  	[sflag:s7] =	ssyncset.done $0x0  }
0x5be: {  	s1 =	rddreg [dreg:$0x17];
	[sflag:s7] =	ssyncadd.s32 $0xFFFFC000  }
0x5bf: {  	[hbm4b:s1+s3] =	stream.linear.scatter [tilespmem:s5], [sflag:$0x2], $0x4000, $0x38;
	[tilespmem:$0x6000] =	vst v63  }
0x5c0: {  	_ =	swait.ge [sflag:s4], $0x4000  }
0x5c1: {  	s1 =	sld [smem:$0x7E8]  }
0x5c2: {  	[sflag:s4] =	ssyncset.done $0x0  }
0x5c3: {  	[sflag:s4] =	ssyncadd.s32 $0xFFFFC000  }
0x5c4: {  	[tilespmem:s5], [sflag:$0x1] =	stream.indirect.gather [hbm4b:s2+s6], $0x80, s1, s6, $0xb8;
	[tilespmem:$0x6000] =	vst v63  }
0x5c5: {  	_ =	swait.ge [sflag:s7], $0x4000  }
0x5c6: {  	[sflag:s7] =	ssyncset.done $0x0  }
0x5c7: {  	s1 =	rddreg [dreg:$0x18];
	[sflag:s7] =	ssyncadd.s32 $0xFFFFC000  }
0x5c8: {  	[hbm4b:s1+s3] =	stream.linear.scatter [tilespmem:s5], [sflag:$0x2], $0x4000, $0x38;
	[tilespmem:$0x6000] =	vst v63  }
0x5c9: {  	_ =	swait.ge [sflag:s4], $0x4000  }
0x5ca: {  	s1 =	sld [smem:$0x7E9]  }
0x5cb: {  	[sflag:s4] =	ssyncset.done $0x0  }
0x5cc: {  	[sflag:s4] =	ssyncadd.s32 $0xFFFFC000  }
0x5cd: {  	[tilespmem:s5], [sflag:$0x1] =	stream.indirect.gather [hbm4b:s2+s6], $0x80, s1, s6, $0xb8;
	[tilespmem:$0x6000] =	vst v63  }
0x5ce: {  	_ =	swait.ge [sflag:s7], $0x4000  }
0x5cf: {  	[sflag:s7] =	ssyncset.done $0x0  }
0x5d0: {  	s1 =	rddreg [dreg:$0x19];
	[sflag:s7] =	ssyncadd.s32 $0xFFFFC000  }
0x5d1: {  	[hbm4b:s1+s3] =	stream.linear.scatter [tilespmem:s5], [sflag:$0x2], $0x4000, $0x38;
	[tilespmem:$0x6000] =	vst v63  }
0x5d2: {  	_ =	swait.ge [sflag:s4], $0x4000  }
0x5d3: {  	s1 =	sld [smem:$0x7EA]  }
0x5d4: {  	[sflag:s4] =	ssyncset.done $0x0  }
0x5d5: {  	[sflag:s4] =	ssyncadd.s32 $0xFFFFC000  }
0x5d6: {  	[tilespmem:s5], [sflag:$0x1] =	stream.indirect.gather [hbm4b:s2+s6], $0x80, s1, s6, $0xb8;
	[tilespmem:$0x6000] =	vst v63  }
0x5d7: {  	_ =	swait.ge [sflag:s7], $0x4000  }
0x5d8: {  	[sflag:s7] =	ssyncset.done $0x0  }
0x5d9: {  	s1 =	rddreg [dreg:$0x1a];
	[sflag:s7] =	ssyncadd.s32 $0xFFFFC000  }
0x5da: {  	[hbm4b:s1+s3] =	stream.linear.scatter [tilespmem:s5], [sflag:$0x2], $0x4000, $0x38;
	[tilespmem:$0x6000] =	vst v63  }
0x5db: {  	_ =	swait.ge [sflag:s4], $0x4000  }
0x5dc: {  	s1 =	sld [smem:$0x7EB]  }
0x5dd: {  	[sflag:s4] =	ssyncset.done $0x0  }
0x5de: {  	[sflag:s4] =	ssyncadd.s32 $0xFFFFC000  }
0x5df: {  	[tilespmem:s5], [sflag:$0x1] =	stream.indirect.gather [hbm4b:s2+s6], $0x80, s1, s6, $0xb8;
	[tilespmem:$0x6000] =	vst v63  }
0x5e0: {  	_ =	swait.ge [sflag:s7], $0x4000  }
0x5e1: {  	[sflag:s7] =	ssyncset.done $0x0  }
0x5e2: {  	s1 =	rddreg [dreg:$0x1b];
	[sflag:s7] =	ssyncadd.s32 $0xFFFFC000  }
0x5e3: {  	[hbm4b:s1+s3] =	stream.linear.scatter [tilespmem:s5], [sflag:$0x2], $0x4000, $0x38;
	[tilespmem:$0x6000] =	vst v63  }
0x5e4: {  	_ =	swait.ge [sflag:s4], $0x4000  }
0x5e5: {  	s1 =	sld [smem:$0x7EC]  }
0x5e6: {  	[sflag:s4] =	ssyncset.done $0x0  }
0x5e7: {  	[sflag:s4] =	ssyncadd.s32 $0xFFFFC000  }
0x5e8: {  	[tilespmem:s5], [sflag:$0x1] =	stream.indirect.gather [hbm4b:s2+s6], $0x80, s1, s6, $0xb8;
	[tilespmem:$0x6000] =	vst v63  }
0x5e9: {  	_ =	swait.ge [sflag:s7], $0x4000  }
0x5ea: {  	[sflag:s7] =	ssyncset.done $0x0  }
0x5eb: {  	s1 =	rddreg [dreg:$0x1c];
	[sflag:s7] =	ssyncadd.s32 $0xFFFFC000  }
0x5ec: {  	[hbm4b:s1+s3] =	stream.linear.scatter [tilespmem:s5], [sflag:$0x2], $0x4000, $0x38;
	[tilespmem:$0x6000] =	vst v63  }
0x5ed: {  	_ =	swait.ge [sflag:s4], $0x4000  }
0x5ee: {  	s1 =	sld [smem:$0x7ED]  }
0x5ef: {  	[sflag:s4] =	ssyncset.done $0x0  }
0x5f0: {  	[sflag:s4] =	ssyncadd.s32 $0xFFFFC000  }
0x5f1: {  	[tilespmem:s5], [sflag:$0x1] =	stream.indirect.gather [hbm4b:s2+s6], $0x80, s1, s6, $0xb8;
	[tilespmem:$0x6000] =	vst v63  }
0x5f2: {  	_ =	swait.ge [sflag:s7], $0x4000  }
0x5f3: {  	[sflag:s7] =	ssyncset.done $0x0  }
0x5f4: {  	s1 =	rddreg [dreg:$0x1d];
	[sflag:s7] =	ssyncadd.s32 $0xFFFFC000  }
0x5f5: {  	[hbm4b:s1+s3] =	stream.linear.scatter [tilespmem:s5], [sflag:$0x2], $0x4000, $0x38;
	[tilespmem:$0x6000] =	vst v63  }
0x5f6: {  	_ =	swait.ge [sflag:s4], $0x4000  }
0x5f7: {  	s1 =	sld [smem:$0x7EE]  }
0x5f8: {  	[sflag:s4] =	ssyncset.done $0x0  }
0x5f9: {  	[sflag:s4] =	ssyncadd.s32 $0xFFFFC000  }
0x5fa: {  	[tilespmem:s5], [sflag:$0x1] =	stream.indirect.gather [hbm4b:s2+s6], $0x80, s1, s6, $0xb8;
	[tilespmem:$0x6000] =	vst v63  }
0x5fb: {  	_ =	swait.ge [sflag:s7], $0x4000  }
0x5fc: {  	[sflag:s7] =	ssyncset.done $0x0  }
0x5fd: {  	s1 =	rddreg [dreg:$0x1e];
	[sflag:s7] =	ssyncadd.s32 $0xFFFFC000  }
0x5fe: {  	[hbm4b:s1+s3] =	stream.linear.scatter [tilespmem:s5], [sflag:$0x2], $0x4000, $0x38;
	[tilespmem:$0x6000] =	vst v63  }
0x5ff: {  	_ =	swait.ge [sflag:s4], $0x4000  }
0x600: {  	s1 =	sld [smem:$0x7EF]  }
0x601: {  	[sflag:s4] =	ssyncset.done $0x0  }
0x602: {  	[sflag:s4] =	ssyncadd.s32 $0xFFFFC000  }
0x603: {  	[tilespmem:s5], [sflag:$0x1] =	stream.indirect.gather [hbm4b:s2+s6], $0x80, s1, s6, $0xb8;
	[tilespmem:$0x6000] =	vst v63  }
0x604: {  	_ =	swait.ge [sflag:s7], $0x4000  }
0x605: {  	[sflag:s7] =	ssyncset.done $0x0  }
0x606: {  	s1 =	rddreg [dreg:$0x1f];
	[sflag:s7] =	ssyncadd.s32 $0xFFFFC000  }
0x607: {  	[hbm4b:s1+s3] =	stream.linear.scatter [tilespmem:s5], [sflag:$0x2], $0x4000, $0x38;
	[tilespmem:$0x6000] =	vst v63  }
0x608: {  	_ =	swait.ge [sflag:s4], $0x4000  }
0x609: {  	s1 =	sld [smem:$0x7F0]  }
0x60a: {  	[sflag:s4] =	ssyncset.done $0x0  }
0x60b: {  	[sflag:s4] =	ssyncadd.s32 $0xFFFFC000  }
0x60c: {  	[tilespmem:s5], [sflag:$0x1] =	stream.indirect.gather [hbm4b:s2+s6], $0x80, s1, s6, $0xb8;
	[tilespmem:$0x6000] =	vst v63  }
0x60d: {  	_ =	swait.ge [sflag:s7], $0x4000  }
0x60e: {  	s1 =	sld [smem:$0x7B2]  }
0x60f: {  	[sflag:s7] =	ssyncset.done $0x0  }
0x610: {  	[sflag:s7] =	ssyncadd.s32 $0xFFFFC000  }
0x611: {  	[hbm4b:s1+s3] =	stream.linear.scatter [tilespmem:s5], [sflag:$0x2], $0x4000, $0x38;
	[tilespmem:$0x6000] =	vst v63  }
0x612: {  	_ =	swait.ge [sflag:s4], $0x4000  }
0x613: {  	s1 =	sld [smem:$0x7F1]  }
0x614: {  	[sflag:s4] =	ssyncset.done $0x0  }
0x615: {  	[sflag:s4] =	ssyncadd.s32 $0xFFFFC000  }
0x616: {  	[tilespmem:s5], [sflag:$0x1] =	stream.indirect.gather [hbm4b:s2+s6], $0x80, s1, s6, $0xb8;
	[tilespmem:$0x6000] =	vst v63  }
0x617: {  	_ =	swait.ge [sflag:s7], $0x4000  }
0x618: {  	s1 =	sld [smem:$0x7B3]  }
0x619: {  	[sflag:s7] =	ssyncset.done $0x0  }
0x61a: {  	[sflag:s7] =	ssyncadd.s32 $0xFFFFC000  }
0x61b: {  	[hbm4b:s1+s3] =	stream.linear.scatter [tilespmem:s5], [sflag:$0x2], $0x4000, $0x38;
	[tilespmem:$0x6000] =	vst v63  }
0x61c: {  	_ =	swait.ge [sflag:s4], $0x4000  }
0x61d: {  	s1 =	sld [smem:$0x7F2]  }
0x61e: {  	[sflag:s4] =	ssyncset.done $0x0  }
0x61f: {  	[sflag:s4] =	ssyncadd.s32 $0xFFFFC000  }
0x620: {  	[tilespmem:s5], [sflag:$0x1] =	stream.indirect.gather [hbm4b:s2+s6], $0x80, s1, s6, $0xb8;
	[tilespmem:$0x6000] =	vst v63  }
0x621: {  	_ =	swait.ge [sflag:s7], $0x4000  }
0x622: {  	s1 =	sld [smem:$0x7B4]  }
0x623: {  	[sflag:s7] =	ssyncset.done $0x0  }
0x624: {  	[sflag:s7] =	ssyncadd.s32 $0xFFFFC000  }
0x625: {  	[hbm4b:s1+s3] =	stream.linear.scatter [tilespmem:s5], [sflag:$0x2], $0x4000, $0x38;
	[tilespmem:$0x6000] =	vst v63  }
0x626: {  	_ =	swait.ge [sflag:s4], $0x4000  }
0x627: {  	s1 =	sld [smem:$0x7F3]  }
0x628: {  	[sflag:s4] =	ssyncset.done $0x0  }
0x629: {  	[sflag:s4] =	ssyncadd.s32 $0xFFFFC000  }
0x62a: {  	[tilespmem:s5], [sflag:$0x1] =	stream.indirect.gather [hbm4b:s2+s6], $0x80, s1, s6, $0xb8;
	[tilespmem:$0x6000] =	vst v63  }
0x62b: {  	_ =	swait.ge [sflag:s7], $0x4000  }
0x62c: {  	s1 =	sld [smem:$0x7B5]  }
0x62d: {  	[sflag:s7] =	ssyncset.done $0x0  }
0x62e: {  	[sflag:s7] =	ssyncadd.s32 $0xFFFFC000  }
0x62f: {  	[hbm4b:s1+s3] =	stream.linear.scatter [tilespmem:s5], [sflag:$0x2], $0x4000, $0x38;
	[tilespmem:$0x6000] =	vst v63  }
0x630: {  	_ =	swait.ge [sflag:s4], $0x4000  }
0x631: {  	s1 =	sld [smem:$0x7F4]  }
0x632: {  	[sflag:s4] =	ssyncset.done $0x0  }
0x633: {  	[sflag:s4] =	ssyncadd.s32 $0xFFFFC000  }
0x634: {  	[tilespmem:s5], [sflag:$0x1] =	stream.indirect.gather [hbm4b:s2+s6], $0x80, s1, s6, $0xb8;
	[tilespmem:$0x6000] =	vst v63  }
0x635: {  	_ =	swait.ge [sflag:s7], $0x4000  }
0x636: {  	s1 =	sld [smem:$0x7B6]  }
0x637: {  	[sflag:s7] =	ssyncset.done $0x0  }
0x638: {  	[sflag:s7] =	ssyncadd.s32 $0xFFFFC000  }
0x639: {  	[hbm4b:s1+s3] =	stream.linear.scatter [tilespmem:s5], [sflag:$0x2], $0x4000, $0x38;
	[tilespmem:$0x6000] =	vst v63  }
0x63a: {  	_ =	swait.ge [sflag:s4], $0x4000  }
0x63b: {  	s1 =	sld [smem:$0x7F5]  }
0x63c: {  	[sflag:s4] =	ssyncset.done $0x0  }
0x63d: {  	[sflag:s4] =	ssyncadd.s32 $0xFFFFC000  }
0x63e: {  	[tilespmem:s5], [sflag:$0x1] =	stream.indirect.gather [hbm4b:s2+s6], $0x80, s1, s6, $0xb8;
	[tilespmem:$0x6000] =	vst v63  }
0x63f: {  	_ =	swait.ge [sflag:s7], $0x4000  }
0x640: {  	s1 =	sld [smem:$0x7B7]  }
0x641: {  	[sflag:s7] =	ssyncset.done $0x0  }
0x642: {  	[sflag:s7] =	ssyncadd.s32 $0xFFFFC000  }
0x643: {  	[hbm4b:s1+s3] =	stream.linear.scatter [tilespmem:s5], [sflag:$0x2], $0x4000, $0x38;
	[tilespmem:$0x6000] =	vst v63  }
0x644: {  	_ =	swait.ge [sflag:s4], $0x4000  }
0x645: {  	s1 =	sld [smem:$0x7F6]  }
0x646: {  	[sflag:s4] =	ssyncset.done $0x0  }
0x647: {  	[sflag:s4] =	ssyncadd.s32 $0xFFFFC000  }
0x648: {  	[tilespmem:s5], [sflag:$0x1] =	stream.indirect.gather [hbm4b:s2+s6], $0x80, s1, s6, $0xb8;
	[tilespmem:$0x6000] =	vst v63  }
0x649: {  	_ =	swait.ge [sflag:s7], $0x4000  }
0x64a: {  	s1 =	sld [smem:$0x7B8]  }
0x64b: {  	[sflag:s7] =	ssyncset.done $0x0  }
0x64c: {  	[sflag:s7] =	ssyncadd.s32 $0xFFFFC000  }
0x64d: {  	[hbm4b:s1+s3] =	stream.linear.scatter [tilespmem:s5], [sflag:$0x2], $0x4000, $0x38;
	[tilespmem:$0x6000] =	vst v63  }
0x64e: {  	_ =	swait.ge [sflag:s4], $0x4000  }
0x64f: {  	s1 =	sld [smem:$0x7F7]  }
0x650: {  	[sflag:s4] =	ssyncset.done $0x0  }
0x651: {  	[sflag:s4] =	ssyncadd.s32 $0xFFFFC000  }
0x652: {  	[tilespmem:s5], [sflag:$0x1] =	stream.indirect.gather [hbm4b:s2+s6], $0x80, s1, s6, $0xb8;
	[tilespmem:$0x6000] =	vst v63  }
0x653: {  	_ =	swait.ge [sflag:s7], $0x4000  }
0x654: {  	s1 =	sld [smem:$0x7B9]  }
0x655: {  	[sflag:s7] =	ssyncset.done $0x0  }
0x656: {  	[sflag:s7] =	ssyncadd.s32 $0xFFFFC000  }
0x657: {  	[hbm4b:s1+s3] =	stream.linear.scatter [tilespmem:s5], [sflag:$0x2], $0x4000, $0x38;
	[tilespmem:$0x6000] =	vst v63  }
0x658: {  	_ =	swait.ge [sflag:s4], $0x4000  }
0x659: {  	s1 =	sld [smem:$0x7F8]  }
0x65a: {  	[sflag:s4] =	ssyncset.done $0x0  }
0x65b: {  	[sflag:s4] =	ssyncadd.s32 $0xFFFFC000  }
0x65c: {  	[tilespmem:s5], [sflag:$0x1] =	stream.indirect.gather [hbm4b:s2+s6], $0x80, s1, s6, $0xb8;
	[tilespmem:$0x6000] =	vst v63  }
0x65d: {  	_ =	swait.ge [sflag:s7], $0x4000  }
0x65e: {  	s1 =	sld [smem:$0x7BA]  }
0x65f: {  	[sflag:s7] =	ssyncset.done $0x0  }
0x660: {  	[sflag:s7] =	ssyncadd.s32 $0xFFFFC000  }
0x661: {  	[hbm4b:s1+s3] =	stream.linear.scatter [tilespmem:s5], [sflag:$0x2], $0x4000, $0x38;
	[tilespmem:$0x6000] =	vst v63  }
0x662: {  	_ =	swait.ge [sflag:s4], $0x4000  }
0x663: {  	s1 =	sld [smem:$0x7F9]  }
0x664: {  	[sflag:s4] =	ssyncset.done $0x0  }
0x665: {  	[sflag:s4] =	ssyncadd.s32 $0xFFFFC000  }
0x666: {  	[tilespmem:s5], [sflag:$0x1] =	stream.indirect.gather [hbm4b:s2+s6], $0x80, s1, s6, $0xb8;
	[tilespmem:$0x6000] =	vst v63  }
0x667: {  	_ =	swait.ge [sflag:s7], $0x4000  }
0x668: {  	s1 =	sld [smem:$0x7BB]  }
0x669: {  	[sflag:s7] =	ssyncset.done $0x0  }
0x66a: {  	[sflag:s7] =	ssyncadd.s32 $0xFFFFC000  }
0x66b: {  	[hbm4b:s1+s3] =	stream.linear.scatter [tilespmem:s5], [sflag:$0x2], $0x4000, $0x38;
	[tilespmem:$0x6000] =	vst v63  }
0x66c: {  	_ =	swait.ge [sflag:s4], $0x4000  }
0x66d: {  	s1 =	sld [smem:$0x7FA]  }
0x66e: {  	[sflag:s4] =	ssyncset.done $0x0  }
0x66f: {  	[sflag:s4] =	ssyncadd.s32 $0xFFFFC000  }
0x670: {  	[tilespmem:s5], [sflag:$0x1] =	stream.indirect.gather [hbm4b:s2+s6], $0x80, s1, s6, $0xb8;
	[tilespmem:$0x6000] =	vst v63  }
0x671: {  	_ =	swait.ge [sflag:s7], $0x4000  }
0x672: {  	s1 =	sld [smem:$0x7BC]  }
0x673: {  	[sflag:s7] =	ssyncset.done $0x0  }
0x674: {  	[sflag:s7] =	ssyncadd.s32 $0xFFFFC000  }
0x675: {  	[hbm4b:s1+s3] =	stream.linear.scatter [tilespmem:s5], [sflag:$0x2], $0x4000, $0x38;
	[tilespmem:$0x6000] =	vst v63  }
0x676: {  	_ =	swait.ge [sflag:s4], $0x4000  }
0x677: {  	s1 =	sld [smem:$0x7FB]  }
0x678: {  	[sflag:s4] =	ssyncset.done $0x0  }
0x679: {  	[sflag:s4] =	ssyncadd.s32 $0xFFFFC000  }
0x67a: {  	[tilespmem:s5], [sflag:$0x1] =	stream.indirect.gather [hbm4b:s2+s6], $0x80, s1, s6, $0xb8;
	[tilespmem:$0x6000] =	vst v63  }
0x67b: {  	_ =	swait.ge [sflag:s7], $0x4000  }
0x67c: {  	s1 =	sld [smem:$0x7BD]  }
0x67d: {  	[sflag:s7] =	ssyncset.done $0x0  }
0x67e: {  	[sflag:s7] =	ssyncadd.s32 $0xFFFFC000  }
0x67f: {  	[hbm4b:s1+s3] =	stream.linear.scatter [tilespmem:s5], [sflag:$0x2], $0x4000, $0x38;
	[tilespmem:$0x6000] =	vst v63  }
0x680: {  	_ =	swait.ge [sflag:s4], $0x4000  }
0x681: {  	s1 =	sld [smem:$0x7FC]  }
0x682: {  	[sflag:s4] =	ssyncset.done $0x0  }
0x683: {  	[sflag:s4] =	ssyncadd.s32 $0xFFFFC000  }
0x684: {  	[tilespmem:s5], [sflag:$0x1] =	stream.indirect.gather [hbm4b:s2+s6], $0x80, s1, s6, $0xb8;
	[tilespmem:$0x6000] =	vst v63  }
0x685: {  	_ =	swait.ge [sflag:s7], $0x4000  }
0x686: {  	s1 =	sld [smem:$0x7BE]  }
0x687: {  	[sflag:s7] =	ssyncset.done $0x0  }
0x688: {  	[sflag:s7] =	ssyncadd.s32 $0xFFFFC000  }
0x689: {  	[hbm4b:s1+s3] =	stream.linear.scatter [tilespmem:s5], [sflag:$0x2], $0x4000, $0x38;
	[tilespmem:$0x6000] =	vst v63  }
0x68a: {  	_ =	swait.ge [sflag:s4], $0x4000  }
0x68b: {  	s1 =	sld [smem:$0x7FD]  }
0x68c: {  	[sflag:s4] =	ssyncset.done $0x0  }
0x68d: {  	[sflag:s4] =	ssyncadd.s32 $0xFFFFC000  }
0x68e: {  	[tilespmem:s5], [sflag:$0x1] =	stream.indirect.gather [hbm4b:s2+s6], $0x80, s1, s6, $0xb8;
	[tilespmem:$0x6000] =	vst v63  }
0x68f: {  	_ =	swait.ge [sflag:s7], $0x4000  }
0x690: {  	s1 =	sld [smem:$0x7BF]  }
0x691: {  	[sflag:s7] =	ssyncset.done $0x0  }
0x692: {  	[sflag:s7] =	ssyncadd.s32 $0xFFFFC000  }
0x693: {  	[hbm4b:s1+s3] =	stream.linear.scatter [tilespmem:s5], [sflag:$0x2], $0x4000, $0x38;
	[tilespmem:$0x6000] =	vst v63  }
0x694: {  	_ =	swait.ge [sflag:s4], $0x4000  }
0x695: {  	[sflag:s4] =	ssyncset.done $0x0  }
0x696: {  	[sflag:s4] =	ssyncadd.s32 $0xFFFFC000  }
0x697: {  	[tilespmem:s5], [sflag:$0x1] =	stream.indirect.gather [hbm4b:s2+s6], $0x80, s31, s6, $0xb8;
	[tilespmem:$0x6000] =	vst v63  }
0x698: {  	_ =	swait.ge [sflag:s7], $0x4000  }
0x699: {  	s31 =	sld [smem:$0x7C0]  }
0x69a: {  	[sflag:s7] =	ssyncset.done $0x0  }
0x69b: {  	[sflag:s7] =	ssyncadd.s32 $0xFFFFC000  }
0x69c: {  	[hbm4b:s31+s3] =	stream.linear.scatter [tilespmem:s5], [sflag:$0x2], $0x4000, $0x38;
	[tilespmem:$0x6000] =	vst v63  }
0x69d: {  	_ =	swait.ge [sflag:s4], $0x4000  }
0x69e: {  	[sflag:s4] =	ssyncset.done $0x0  }
0x69f: {  	[sflag:s4] =	ssyncadd.s32 $0xFFFFC000  }
0x6a0: {  	[tilespmem:s5], [sflag:$0x1] =	stream.indirect.gather [hbm4b:s2+s6], $0x80, s30, s6, $0xb8;
	[tilespmem:$0x6000] =	vst v63  }
0x6a1: {  	_ =	swait.ge [sflag:s7], $0x4000  }
0x6a2: {  	s1 =	sld [smem:$0x7C1]  }
0x6a3: {  	[sflag:s7] =	ssyncset.done $0x0  }
0x6a4: {  	[sflag:s7] =	ssyncadd.s32 $0xFFFFC000  }
0x6a5: {  	[hbm4b:s1+s3] =	stream.linear.scatter [tilespmem:s5], [sflag:$0x2], $0x4000, $0x38;
	[tilespmem:$0x6000] =	vst v63  }
0x6a6: {  	_ =	swait.ge [sflag:s4], $0x4000  }
0x6a7: {  	[sflag:s4] =	ssyncset.done $0x0  }
0x6a8: {  	[sflag:s4] =	ssyncadd.s32 $0xFFFFC000  }
0x6a9: {  	[tilespmem:s5], [sflag:$0x1] =	stream.indirect.gather [hbm4b:s2+s6], $0x80, s29, s6, $0xb8;
	[tilespmem:$0x6000] =	vst v63  }
0x6aa: {  	_ =	swait.ge [sflag:s7], $0x4000  }
0x6ab: {  	s30 =	sld [smem:$0x7C2]  }
0x6ac: {  	[sflag:s7] =	ssyncset.done $0x0  }
0x6ad: {  	[sflag:s7] =	ssyncadd.s32 $0xFFFFC000  }
0x6ae: {  	[hbm4b:s30+s3] =	stream.linear.scatter [tilespmem:s5], [sflag:$0x2], $0x4000, $0x38;
	[tilespmem:$0x6000] =	vst v63  }
0x6af: {  	_ =	swait.ge [sflag:s4], $0x4000  }
0x6b0: {  	[sflag:s4] =	ssyncset.done $0x0  }
0x6b1: {  	[sflag:s4] =	ssyncadd.s32 $0xFFFFC000  }
0x6b2: {  	[tilespmem:s5], [sflag:$0x1] =	stream.indirect.gather [hbm4b:s2+s6], $0x80, s28, s6, $0xb8;
	[tilespmem:$0x6000] =	vst v63  }
0x6b3: {  	_ =	swait.ge [sflag:s7], $0x4000  }
0x6b4: {  	s31 =	sld [smem:$0x7C3]  }
0x6b5: {  	[sflag:s7] =	ssyncset.done $0x0  }
0x6b6: {  	[sflag:s7] =	ssyncadd.s32 $0xFFFFC000  }
0x6b7: {  	[hbm4b:s31+s3] =	stream.linear.scatter [tilespmem:s5], [sflag:$0x2], $0x4000, $0x38;
	[tilespmem:$0x6000] =	vst v63  }
0x6b8: {  	_ =	swait.ge [sflag:s4], $0x4000  }
0x6b9: {  	[sflag:s4] =	ssyncset.done $0x0  }
0x6ba: {  	[sflag:s4] =	ssyncadd.s32 $0xFFFFC000  }
0x6bb: {  	[tilespmem:s5], [sflag:$0x1] =	stream.indirect.gather [hbm4b:s2+s6], $0x80, s26, s6, $0xb8;
	[tilespmem:$0x6000] =	vst v63  }
0x6bc: {  	_ =	swait.ge [sflag:s7], $0x4000  }
0x6bd: {  	s1 =	sld [smem:$0x7C4]  }
0x6be: {  	[sflag:s7] =	ssyncset.done $0x0  }
0x6bf: {  	[sflag:s7] =	ssyncadd.s32 $0xFFFFC000  }
0x6c0: {  	[hbm4b:s1+s3] =	stream.linear.scatter [tilespmem:s5], [sflag:$0x2], $0x4000, $0x38;
	[tilespmem:$0x6000] =	vst v63  }
0x6c1: {  	_ =	swait.ge [sflag:s4], $0x4000  }
0x6c2: {  	[sflag:s4] =	ssyncset.done $0x0  }
0x6c3: {  	[sflag:s4] =	ssyncadd.s32 $0xFFFFC000  }
0x6c4: {  	[tilespmem:s5], [sflag:$0x1] =	stream.indirect.gather [hbm4b:s2+s6], $0x80, s25, s6, $0xb8;
	[tilespmem:$0x6000] =	vst v63  }
0x6c5: {  	_ =	swait.ge [sflag:s7], $0x4000  }
0x6c6: {  	s25 =	sld [smem:$0x7C5]  }
0x6c7: {  	[sflag:s7] =	ssyncset.done $0x0  }
0x6c8: {  	[sflag:s7] =	ssyncadd.s32 $0xFFFFC000  }
0x6c9: {  	[hbm4b:s25+s3] =	stream.linear.scatter [tilespmem:s5], [sflag:$0x2], $0x4000, $0x38;
	[tilespmem:$0x6000] =	vst v63  }
0x6ca: {  	_ =	swait.ge [sflag:s4], $0x4000  }
0x6cb: {  	[sflag:s4] =	ssyncset.done $0x0  }
0x6cc: {  	[sflag:s4] =	ssyncadd.s32 $0xFFFFC000  }
0x6cd: {  	[tilespmem:s5], [sflag:$0x1] =	stream.indirect.gather [hbm4b:s2+s6], $0x80, s24, s6, $0xb8;
	[tilespmem:$0x6000] =	vst v63  }
0x6ce: {  	_ =	swait.ge [sflag:s7], $0x4000  }
0x6cf: {  	s26 =	sld [smem:$0x7C6]  }
0x6d0: {  	[sflag:s7] =	ssyncset.done $0x0  }
0x6d1: {  	[sflag:s7] =	ssyncadd.s32 $0xFFFFC000  }
0x6d2: {  	[hbm4b:s26+s3] =	stream.linear.scatter [tilespmem:s5], [sflag:$0x2], $0x4000, $0x38;
	[tilespmem:$0x6000] =	vst v63  }
0x6d3: {  	_ =	swait.ge [sflag:s4], $0x4000  }
0x6d4: {  	[sflag:s4] =	ssyncset.done $0x0  }
0x6d5: {  	[sflag:s4] =	ssyncadd.s32 $0xFFFFC000  }
0x6d6: {  	[tilespmem:s5], [sflag:$0x1] =	stream.indirect.gather [hbm4b:s2+s6], $0x80, s23, s6, $0xb8;
	[tilespmem:$0x6000] =	vst v63  }
0x6d7: {  	_ =	swait.ge [sflag:s7], $0x4000  }
0x6d8: {  	s28 =	sld [smem:$0x7C7]  }
0x6d9: {  	[sflag:s7] =	ssyncset.done $0x0  }
0x6da: {  	[sflag:s7] =	ssyncadd.s32 $0xFFFFC000  }
0x6db: {  	[hbm4b:s28+s3] =	stream.linear.scatter [tilespmem:s5], [sflag:$0x2], $0x4000, $0x38;
	[tilespmem:$0x6000] =	vst v63  }
0x6dc: {  	_ =	swait.ge [sflag:s4], $0x4000  }
0x6dd: {  	[sflag:s4] =	ssyncset.done $0x0  }
0x6de: {  	[sflag:s4] =	ssyncadd.s32 $0xFFFFC000  }
0x6df: {  	[tilespmem:s5], [sflag:$0x1] =	stream.indirect.gather [hbm4b:s2+s6], $0x80, s22, s6, $0xb8;
	[tilespmem:$0x6000] =	vst v63  }
0x6e0: {  	_ =	swait.ge [sflag:s7], $0x4000  }
0x6e1: {  	s29 =	sld [smem:$0x7C8]  }
0x6e2: {  	[sflag:s7] =	ssyncset.done $0x0  }
0x6e3: {  	[sflag:s7] =	ssyncadd.s32 $0xFFFFC000  }
0x6e4: {  	[hbm4b:s29+s3] =	stream.linear.scatter [tilespmem:s5], [sflag:$0x2], $0x4000, $0x38;
	[tilespmem:$0x6000] =	vst v63  }
0x6e5: {  	_ =	swait.ge [sflag:s4], $0x4000  }
0x6e6: {  	[sflag:s4] =	ssyncset.done $0x0  }
0x6e7: {  	[sflag:s4] =	ssyncadd.s32 $0xFFFFC000  }
0x6e8: {  	[tilespmem:s5], [sflag:$0x1] =	stream.indirect.gather [hbm4b:s2+s6], $0x80, s21, s6, $0xb8;
	[tilespmem:$0x6000] =	vst v63  }
0x6e9: {  	_ =	swait.ge [sflag:s7], $0x4000  }
0x6ea: {  	s30 =	sld [smem:$0x7C9]  }
0x6eb: {  	[sflag:s7] =	ssyncset.done $0x0  }
0x6ec: {  	[sflag:s7] =	ssyncadd.s32 $0xFFFFC000  }
0x6ed: {  	[hbm4b:s30+s3] =	stream.linear.scatter [tilespmem:s5], [sflag:$0x2], $0x4000, $0x38;
	[tilespmem:$0x6000] =	vst v63  }
0x6ee: {  	_ =	swait.ge [sflag:s4], $0x4000  }
0x6ef: {  	[sflag:s4] =	ssyncset.done $0x0  }
0x6f0: {  	[sflag:s4] =	ssyncadd.s32 $0xFFFFC000  }
0x6f1: {  	[tilespmem:s5], [sflag:$0x1] =	stream.indirect.gather [hbm4b:s2+s6], $0x80, s20, s6, $0xb8;
	[tilespmem:$0x6000] =	vst v63  }
0x6f2: {  	_ =	swait.ge [sflag:s7], $0x4000  }
0x6f3: {  	s31 =	sld [smem:$0x7CA]  }
0x6f4: {  	[sflag:s7] =	ssyncset.done $0x0  }
0x6f5: {  	[sflag:s7] =	ssyncadd.s32 $0xFFFFC000  }
0x6f6: {  	[hbm4b:s31+s3] =	stream.linear.scatter [tilespmem:s5], [sflag:$0x2], $0x4000, $0x38;
	[tilespmem:$0x6000] =	vst v63  }
0x6f7: {  	_ =	swait.ge [sflag:s4], $0x4000  }
0x6f8: {  	[sflag:s4] =	ssyncset.done $0x0  }
0x6f9: {  	[sflag:s4] =	ssyncadd.s32 $0xFFFFC000  }
0x6fa: {  	[tilespmem:s5], [sflag:$0x1] =	stream.indirect.gather [hbm4b:s2+s6], $0x80, s19, s6, $0xb8;
	[tilespmem:$0x6000] =	vst v63  }
0x6fb: {  	_ =	swait.ge [sflag:s7], $0x4000  }
0x6fc: {  	s1 =	sld [smem:$0x7CB]  }
0x6fd: {  	[sflag:s7] =	ssyncset.done $0x0  }
0x6fe: {  	[sflag:s7] =	ssyncadd.s32 $0xFFFFC000  }
0x6ff: {  	[hbm4b:s1+s3] =	stream.linear.scatter [tilespmem:s5], [sflag:$0x2], $0x4000, $0x38;
	[tilespmem:$0x6000] =	vst v63  }
0x700: {  	_ =	swait.ge [sflag:s4], $0x4000  }
0x701: {  	[sflag:s4] =	ssyncset.done $0x0  }
0x702: {  	[sflag:s4] =	ssyncadd.s32 $0xFFFFC000  }
0x703: {  	[tilespmem:s5], [sflag:$0x1] =	stream.indirect.gather [hbm4b:s2+s6], $0x80, s18, s6, $0xb8;
	[tilespmem:$0x6000] =	vst v63  }
0x704: {  	_ =	swait.ge [sflag:s7], $0x4000  }
0x705: {  	s19 =	sld [smem:$0x7CC]  }
0x706: {  	[sflag:s7] =	ssyncset.done $0x0  }
0x707: {  	[sflag:s7] =	ssyncadd.s32 $0xFFFFC000  }
0x708: {  	[hbm4b:s19+s3] =	stream.linear.scatter [tilespmem:s5], [sflag:$0x2], $0x4000, $0x38;
	[tilespmem:$0x6000] =	vst v63  }
0x709: {  	_ =	swait.ge [sflag:s4], $0x4000  }
0x70a: {  	[sflag:s4] =	ssyncset.done $0x0  }
0x70b: {  	[sflag:s4] =	ssyncadd.s32 $0xFFFFC000  }
0x70c: {  	[tilespmem:s5], [sflag:$0x1] =	stream.indirect.gather [hbm4b:s2+s6], $0x80, s17, s6, $0xb8;
	[tilespmem:$0x6000] =	vst v63  }
0x70d: {  	_ =	swait.ge [sflag:s7], $0x4000  }
0x70e: {  	s20 =	sld [smem:$0x7CD]  }
0x70f: {  	[sflag:s7] =	ssyncset.done $0x0  }
0x710: {  	[sflag:s7] =	ssyncadd.s32 $0xFFFFC000  }
0x711: {  	[hbm4b:s20+s3] =	stream.linear.scatter [tilespmem:s5], [sflag:$0x2], $0x4000, $0x38;
	[tilespmem:$0x6000] =	vst v63  }
0x712: {  	_ =	swait.ge [sflag:s4], $0x4000  }
0x713: {  	[sflag:s4] =	ssyncset.done $0x0  }
0x714: {  	[sflag:s4] =	ssyncadd.s32 $0xFFFFC000  }
0x715: {  	[tilespmem:s5], [sflag:$0x1] =	stream.indirect.gather [hbm4b:s2+s6], $0x80, s16, s6, $0xb8;
	[tilespmem:$0x6000] =	vst v63  }
0x716: {  	_ =	swait.ge [sflag:s7], $0x4000  }
0x717: {  	s21 =	sld [smem:$0x7CE]  }
0x718: {  	[sflag:s7] =	ssyncset.done $0x0  }
0x719: {  	[sflag:s7] =	ssyncadd.s32 $0xFFFFC000  }
0x71a: {  	[hbm4b:s21+s3] =	stream.linear.scatter [tilespmem:s5], [sflag:$0x2], $0x4000, $0x38;
	[tilespmem:$0x6000] =	vst v63  }
0x71b: {  	_ =	swait.ge [sflag:s4], $0x4000  }
0x71c: {  	[sflag:s4] =	ssyncset.done $0x0  }
0x71d: {  	[sflag:s4] =	ssyncadd.s32 $0xFFFFC000  }
0x71e: {  	[tilespmem:s5], [sflag:$0x1] =	stream.indirect.gather [hbm4b:s2+s6], $0x80, s15, s6, $0xb8;
	[tilespmem:$0x6000] =	vst v63  }
0x71f: {  	_ =	swait.ge [sflag:s7], $0x4000  }
0x720: {  	s22 =	sld [smem:$0x7CF]  }
0x721: {  	[sflag:s7] =	ssyncset.done $0x0  }
0x722: {  	[sflag:s7] =	ssyncadd.s32 $0xFFFFC000  }
0x723: {  	[hbm4b:s22+s3] =	stream.linear.scatter [tilespmem:s5], [sflag:$0x2], $0x4000, $0x38;
	[tilespmem:$0x6000] =	vst v63  }
0x724: {  	_ =	swait.ge [sflag:s4], $0x4000  }
0x725: {  	[sflag:s4] =	ssyncset.done $0x0  }
0x726: {  	[sflag:s4] =	ssyncadd.s32 $0xFFFFC000  }
0x727: {  	[tilespmem:s5], [sflag:$0x1] =	stream.indirect.gather [hbm4b:s2+s6], $0x80, s14, s6, $0xb8;
	[tilespmem:$0x6000] =	vst v63  }
0x728: {  	_ =	swait.ge [sflag:s7], $0x4000  }
0x729: {  	s23 =	sld [smem:$0x7D0]  }
0x72a: {  	[sflag:s7] =	ssyncset.done $0x0  }
0x72b: {  	[sflag:s7] =	ssyncadd.s32 $0xFFFFC000  }
0x72c: {  	[hbm4b:s23+s3] =	stream.linear.scatter [tilespmem:s5], [sflag:$0x2], $0x4000, $0x38;
	[tilespmem:$0x6000] =	vst v63  }
0x72d: {  	_ =	swait.ge [sflag:s4], $0x4000  }
0x72e: {  	[sflag:s4] =	ssyncset.done $0x0  }
0x72f: {  	[sflag:s4] =	ssyncadd.s32 $0xFFFFC000  }
0x730: {  	[tilespmem:s5], [sflag:$0x1] =	stream.indirect.gather [hbm4b:s2+s6], $0x80, s13, s6, $0xb8;
	[tilespmem:$0x6000] =	vst v63  }
0x731: {  	_ =	swait.ge [sflag:s7], $0x4000  }
0x732: {  	s24 =	sld [smem:$0x7D1]  }
0x733: {  	[sflag:s7] =	ssyncset.done $0x0  }
0x734: {  	[sflag:s7] =	ssyncadd.s32 $0xFFFFC000  }
0x735: {  	[hbm4b:s24+s3] =	stream.linear.scatter [tilespmem:s5], [sflag:$0x2], $0x4000, $0x38;
	[tilespmem:$0x6000] =	vst v63  }
0x736: {  	_ =	swait.ge [sflag:s4], $0x4000  }
0x737: {  	[sflag:s4] =	ssyncset.done $0x0  }
0x738: {  	[sflag:s4] =	ssyncadd.s32 $0xFFFFC000  }
0x739: {  	[tilespmem:s5], [sflag:$0x1] =	stream.indirect.gather [hbm4b:s2+s6], $0x80, s12, s6, $0xb8;
	[tilespmem:$0x6000] =	vst v63  }
0x73a: {  	_ =	swait.ge [sflag:s7], $0x4000  }
0x73b: {  	s25 =	sld [smem:$0x7D2]  }
0x73c: {  	[sflag:s7] =	ssyncset.done $0x0  }
0x73d: {  	[sflag:s7] =	ssyncadd.s32 $0xFFFFC000  }
0x73e: {  	[hbm4b:s25+s3] =	stream.linear.scatter [tilespmem:s5], [sflag:$0x2], $0x4000, $0x38;
	[tilespmem:$0x6000] =	vst v63  }
0x73f: {  	_ =	swait.ge [sflag:s4], $0x4000  }
0x740: {  	[sflag:s4] =	ssyncset.done $0x0  }
0x741: {  	[sflag:s4] =	ssyncadd.s32 $0xFFFFC000  }
0x742: {  	[tilespmem:s5], [sflag:$0x1] =	stream.indirect.gather [hbm4b:s2+s6], $0x80, s11, s6, $0xb8;
	[tilespmem:$0x6000] =	vst v63  }
0x743: {  	_ =	swait.ge [sflag:s7], $0x4000  }
0x744: {  	s26 =	sld [smem:$0x7D3]  }
0x745: {  	[sflag:s7] =	ssyncset.done $0x0  }
0x746: {  	[sflag:s7] =	ssyncadd.s32 $0xFFFFC000  }
0x747: {  	[hbm4b:s26+s3] =	stream.linear.scatter [tilespmem:s5], [sflag:$0x2], $0x4000, $0x38;
	[tilespmem:$0x6000] =	vst v63  }
0x748: {  	_ =	swait.ge [sflag:s4], $0x4000  }
0x749: {  	[sflag:s4] =	ssyncset.done $0x0  }
0x74a: {  	[sflag:s4] =	ssyncadd.s32 $0xFFFFC000  }
0x74b: {  	[tilespmem:s5], [sflag:$0x1] =	stream.indirect.gather [hbm4b:s2+s6], $0x80, s10, s6, $0xb8;
	[tilespmem:$0x6000] =	vst v63  }
0x74c: {  	_ =	swait.ge [sflag:s7], $0x4000  }
0x74d: {  	s28 =	sld [smem:$0x7D4]  }
0x74e: {  	[sflag:s7] =	ssyncset.done $0x0  }
0x74f: {  	[sflag:s7] =	ssyncadd.s32 $0xFFFFC000  }
0x750: {  	[hbm4b:s28+s3] =	stream.linear.scatter [tilespmem:s5], [sflag:$0x2], $0x4000, $0x38;
	[tilespmem:$0x6000] =	vst v63  }
0x751: {  	_ =	swait.ge [sflag:s4], $0x4000  }
0x752: {  	[sflag:s4] =	ssyncset.done $0x0  }
0x753: {  	[sflag:s4] =	ssyncadd.s32 $0xFFFFC000  }
0x754: {  	[tilespmem:s5], [sflag:$0x1] =	stream.indirect.gather [hbm4b:s2+s6], $0x80, s9, s6, $0xb8;
	[tilespmem:$0x6000] =	vst v63  }
0x755: {  	_ =	swait.ge [sflag:s7], $0x4000  }
0x756: {  	s29 =	sld [smem:$0x7D5]  }
0x757: {  	[sflag:s7] =	ssyncset.done $0x0  }
0x758: {  	[sflag:s7] =	ssyncadd.s32 $0xFFFFC000  }
0x759: {  	[hbm4b:s29+s3] =	stream.linear.scatter [tilespmem:s5], [sflag:$0x2], $0x4000, $0x38;
	[tilespmem:$0x6000] =	vst v63  }
0x75a: {  	_ =	swait.ge [sflag:s4], $0x4000  }
0x75b: {  	[sflag:s4] =	ssyncset.done $0x0  }
0x75c: {  	[sflag:s4] =	ssyncadd.s32 $0xFFFFC000  }
0x75d: {  	[tilespmem:s5], [sflag:$0x1] =	stream.indirect.gather [hbm4b:s2+s6], $0x80, s8, s6, $0xb8;
	[tilespmem:$0x6000] =	vst v63  }
0x75e: {  	_ =	swait.ge [sflag:s7], $0x4000  }
0x75f: {  	s30 =	sld [smem:$0x7D6]  }
0x760: {  	[sflag:s7] =	ssyncset.done $0x0  }
0x761: {  	[sflag:s7] =	ssyncadd.s32 $0xFFFFC000  }
0x762: {  	[hbm4b:s30+s3] =	stream.linear.scatter [tilespmem:s5], [sflag:$0x2], $0x4000, $0x38;
	[tilespmem:$0x6000] =	vst v63  }
0x763: {  	_ =	swait.ge [sflag:s4], $0x4000  }
0x764: {  	[sflag:s4] =	ssyncset.done $0x0  }
0x765: {  	[sflag:s4] =	ssyncadd.s32 $0xFFFFC000  }
0x766: {  	_ =	sfence.sel $0x180000  }
0x767: {  	[bflag:$0x0] =	sbarrier.arrive $0xFFFF  }
0x768: {  	_ =	strace $0x90000047  }
0x769: {  	s31 =	stileid.u32;
	[bflag:$0x2] =	sbarrier.arrive $0xFFFF  }
0x76a: {  	p0 =	sne.s32 s31, $0x0;
	s0 =	rddreg [dreg:$0x3]  }
0x76b: {  	s0 =	sadd.s32 @!p0 $0x100000, s0  }
0x76c: {  	[sflag:s0] =	ssyncadd.tile.s32 @!p0 $0x1;
	_ =	shalt  }
.Lfunc_end2:
_tile_overlayer_lowered:
.L_overlay_start_2:
0x76d: {  	(tag) =	ssettag $0x2  }
0x76e: {  	s0 =	rddreg [dreg:$0x0];
	s2 =	stileid.u32  }
0x76f: {  	s1 =	rddreg [dreg:$0x1];
	p0 =	sne.s32 s2, $0x0  }
0x770: {  	s3 =	rddreg [dreg:$0x2];
	[bflag:$0x3] =	sbarrier.arrive $0xFFFF;
	s2 =	simm.s32 @!p0 $0x1C02  }
0x771: {  	[timem:s3], [sflag:s2] =	dma.local @!p0 [hbm:s0], s1  }
0x772: {  	s0 =	simm.s32 @!p0 $0x2  }
0x773: {  	_ =	swait.ge @!p0 [sflag:s0], s1  }
0x774: {  	s1 =	ssub.s32 @!p0 $0x0, s1;
	[sflag:s0] =	ssyncset.done @!p0 $0x0  }
0x775: {  	[sflag:s0] =	ssyncadd.s32 @!p0 s1  }
0x776: {  	[bflag:$0x3] =	sbarrier.arrive $0xFFFF  }
0x777: {  	_ =	shalt  }

</sc_bundles>
